<compile_context>
chip_gen: v7x
topology: tpu7x:2x2x1
jax: 0.10.2.dev20260603
libtpu: 0.0.44.dev20260713+nightly
codegen_flags: <defaults>
</compile_context>

<pallas_src>
import functools

import jax
import jax.numpy as jnp
from jax import lax
from jax.experimental import pallas as pl
from jax.experimental.pallas import tpu as pltpu
from jax.experimental.pallas import tpu_sc as plsc

B, N, C = 16, 128, 64
V = 100001
G = 12544
S = 8
GC = S * C
TCOL = 1792
TSTEPS = G // TCOL
NUM_CORES = 2
NUM_SUBCORES = 16
NW = NUM_CORES * NUM_SUBCORES
ROWS_PER_W = (B * N) // NW
CB = 64


def _tc_group_body(*refs):
    in_refs, out_ref = refs[:S], refs[S]
    out_ref[...] = jnp.concatenate([r[...].T for r in in_refs], axis=1)


def _tc_group(emb_t):
    return pl.pallas_call(
        _tc_group_body,
        grid=(TSTEPS,),
        in_specs=[
            pl.BlockSpec((C, TCOL), functools.partial(lambda s, t: (0, t + s * TSTEPS), s))
            for s in range(S)
        ],
        out_specs=pl.BlockSpec((TCOL, GC), lambda t: (t, 0)),
        out_shape=jax.ShapeDtypeStruct((G, GC), jnp.float32),
    )(*([emb_t] * S))


def _sc_gather(table_g, idx_flat):
    mesh = plsc.VectorSubcoreMesh(core_axis_name="c", subcore_axis_name="s")

    @functools.partial(
        pl.kernel,
        mesh=mesh,
        out_type=jax.ShapeDtypeStruct((B, N, GC), jnp.float32),
        scratch_types=[
            pltpu.VMEM((ROWS_PER_W,), jnp.int32),
            pltpu.VMEM((1, ROWS_PER_W, GC), jnp.float32),
            pltpu.SemaphoreType.DMA,
            pltpu.SemaphoreType.DMA,
        ],
    )
    def gather_kernel(table_hbm, idx_hbm, out_hbm, idx_v, rows_v, sem_i, sem_r):
        wid = lax.axis_index("s") * NUM_CORES + lax.axis_index("c")
        base = wid * ROWS_PER_W
        pltpu.async_copy(idx_hbm.at[pl.ds(base, ROWS_PER_W)], idx_v, sem_i).wait()
        copies = []
        for k in range(ROWS_PER_W // 16):
            chunk = lax.rem(idx_v[pl.ds(k * 16, 16)], G)
            for l in range(16):
                r = k * 16 + l
                c = pltpu.make_async_copy(
                    table_hbm.at[pl.ds(chunk[l], 1)],
                    rows_v.at[0, pl.ds(r, 1)],
                    sem_r,
                )
                c.start()
                copies.append(c)
        for c in copies:
            c.wait()
        b0 = base // N
        r0 = base - b0 * N
        pltpu.sync_copy(rows_v, out_hbm.at[pl.ds(b0, 1), pl.ds(r0, ROWS_PER_W)])

    return gather_kernel(table_g, idx_flat)


def _tc_diag_body(nh_ref, idxn_ref, out_ref):
    h8 = nh_ref[0]
    idx_n = idxn_ref[0]
    s_n = idx_n // G
    h = h8[:, :C]
    for s in range(1, S):
        h = jnp.where(s_n == s, h8[:, s * C:(s + 1) * C], h)
    hm = jnp.where(idx_n != 0, h, 0.0)
    ht = hm.T
    i = lax.broadcasted_iota(jnp.int32, (CB, N, N), 1)
    j = lax.broadcasted_iota(jnp.int32, (CB, N, N), 2)
    out_ref[0] = jnp.where(i == j, ht[:, None, :], 0.0)


def _tc_diag(node_h8, idx_n):
    return pl.pallas_call(
        _tc_diag_body,
        grid=(B, C // CB),
        in_specs=[
            pl.BlockSpec((1, N, GC), lambda b, cb: (b, 0, 0)),
            pl.BlockSpec((1, N, 1), lambda b, cb: (b, 0, 0)),
        ],
        out_specs=pl.BlockSpec((1, CB, N, N), lambda b, cb: (b, cb, 0, 0)),
        out_shape=jax.ShapeDtypeStruct((B, C, N, N), jnp.float32),
    )(node_h8, idx_n)


def kernel(batch_node_attr, emb):
    idx = batch_node_attr[:, :, 0].astype(jnp.int32)
    table_g = _tc_group(emb.T)
    node_h8 = _sc_gather(table_g, idx.reshape(-1))
    return _tc_diag(node_h8, idx.reshape(B, N, 1))

# --- scband reference (transcript-rebuilt; emitter-appended) ---
"""Pipeline reference for scband-node-encoder-66236985639845 (READ-ONLY COPY).

The authoritative reference and input builder live on the scoring server;
editing this copy changes nothing except your own understanding.
"""

import jax, jax.numpy as jnp
import numpy as np

NUM_TYPES = 100000
OUT_CHANNELS = 64
PADDING_IDX = 0


def setup_inputs(seed: int = 0) -> dict:
    key = jax.random.key(seed)
    k1, k2 = jax.random.split(key)
    batch_node_attr = jax.random.randint(k1, (16, 128, 4), 0, 100000, dtype=jnp.int64) if jax.config.jax_enable_x64 else jax.random.randint(k1, (16, 128, 4), 0, 100000, dtype=jnp.int32)
    # embedding table: (num_types + 1, out_channels), matches nn.Embedding init (N(0,1))
    emb = jax.random.normal(k2, (NUM_TYPES + 1, OUT_CHANNELS), dtype=jnp.float32)
    return {"batch_node_attr": batch_node_attr, "emb": emb}


def reference(batch_node_attr, emb):
    B, N, _ = batch_node_attr.shape
    # padding_idx semantics: row 0 of the table is zeros (and receives no grad)
    emb_eff = emb.at[PADDING_IDX].set(0.0)
    idx = batch_node_attr[:, :, 0].reshape(-1)
    node_h = jnp.take(emb_eff, idx, axis=0)            # [B*N, C] gather
    batch_node_h = node_h.reshape(B, N, -1)            # [B, N, C]
    batch_node_h = jnp.transpose(batch_node_h, (0, 2, 1))  # [B, C, N]
    # torch.diag_embed: out[b, c, i, j] = h[b, c, i] if i == j else 0
    eye = jnp.eye(N, dtype=batch_node_h.dtype)
    batch_full_node_h = batch_node_h[..., :, None] * eye  # [B, C, N, N]
    return batch_full_node_h

if __name__ == "__main__":
    import jax
    _d = setup_inputs()
    print(jax.jit(kernel)(*tuple(_d.values())))

</pallas_src>

<mosaic_0001>
#map = affine_map<(d0, d1) -> (0, 0)>
#map1 = affine_map<(d0, d1) -> (0)>
#map2 = affine_map<(d0, d1) -> (0, 0, 0)>
module attributes {stable_mosaic.version = 14 : i64} {
  func.func @gather_kernel(%arg0: i32, %arg1: i32, %arg2: memref<12544x512xf32, #tpu.memory_space<hbm>>, %arg3: memref<2048xi32, #tpu.memory_space<hbm>>, %arg4: memref<16x128x512xf32, #tpu.memory_space<hbm>>, %arg5: memref<64xi32, #tpu.memory_space<vmem>>, %arg6: memref<1x64x512xf32, #tpu.memory_space<vmem>>, %arg7: memref<!tpu.dma_semaphore, #tpu.memory_space<semaphore_mem>>, %arg8: memref<!tpu.dma_semaphore, #tpu.memory_space<semaphore_mem>>) attributes {dimension_semantics = [#tpu.dimension_semantics<core_parallel>, #tpu.dimension_semantics<subcore_parallel>], iteration_bounds = array<i64: 2, 16>, scalar_prefetch = 0 : i64, scratch_operands = 4 : i64, tpu.core_type = #tpu.core_type<sc_vector_subcore>, window_params = [{transform_indices = #map}, {transform_indices = #map1}, {transform_indices = #map2}]} {
    %mul3A = arith.constant 2 : i32
    %mul3A_0 = arith.muli %arg1, %mul3A : i32
    %add3A = arith.addi %mul3A_0, %arg0 : i32
    %mul3A_1 = arith.constant 64 : i32
    %mul3A_2 = arith.muli %add3A, %mul3A_1 : i32
    %dma_start3A = tpu.memref_slice %arg3[%mul3A_2] : memref<2048xi32, #tpu.memory_space<hbm>> -> memref<64xi32, #tpu.memory_space<hbm>>
    %dma_start3A_3 = tpu.memref_slice %arg3[%mul3A_2] : memref<2048xi32, #tpu.memory_space<hbm>> -> memref<64xi32, #tpu.memory_space<hbm>>
    tpu.enqueue_dma source(%dma_start3A_3 : memref<64xi32, #tpu.memory_space<hbm>>) target(%arg5 : memref<64xi32, #tpu.memory_space<vmem>>) target_semaphore(%arg7 : memref<!tpu.dma_semaphore, #tpu.memory_space<semaphore_mem>>)
    %dma_wait3A = tpu.memref_slice %arg3[%mul3A_2] : memref<2048xi32, #tpu.memory_space<hbm>> -> memref<64xi32, #tpu.memory_space<hbm>>
    %dma_wait3A_4 = tpu.memref_slice %arg3[%mul3A_2] : memref<2048xi32, #tpu.memory_space<hbm>> -> memref<64xi32, #tpu.memory_space<hbm>>
    tpu.wait_dma2 semaphore(%arg7 : memref<!tpu.dma_semaphore, #tpu.memory_space<semaphore_mem>>) src(%dma_wait3A_4 : memref<64xi32, #tpu.memory_space<hbm>>) dst(%arg5 : memref<64xi32, #tpu.memory_space<vmem>>)
    %get3A = arith.constant 0 : index
    %get3A_5 = tpu.vector_load %arg5[%get3A] {strides = array<i32>} : memref<64xi32, #tpu.memory_space<vmem>>, vector<16xi32>,
    %get3A_6 = vector.shape_cast %get3A_5 : vector<16xi32> to vector<16xi32>
    %rem3A = arith.constant 12544 : i32
    %rem3A_7 = vector.broadcast %rem3A : i32 to vector<16xi32>
    %rem3A_8 = arith.remsi %get3A_6, %rem3A_7 : vector<16xi32>
    %slice3A = vector.extract_strided_slice %rem3A_8 {offsets = [0], sizes = [1], strides = [1]} : vector<16xi32> to vector<1xi32>
    %squeeze3A = vector.extract %slice3A[0] : i32 from vector<1xi32>
    %dma_start3A_9 = arith.constant 0 : i32
    %dma_start3A_10 = arith.constant 0 : i32
    %dma_start3A_11 = arith.constant 0 : i32
    %dma_start3A_12 = tpu.memref_slice %arg6[%dma_start3A_9, %dma_start3A_10, %dma_start3A_11] : memref<1x64x512xf32, #tpu.memory_space<vmem>> -> memref<1x1x512xf32, #tpu.memory_space<vmem>>
    %dma_start3A_13 = tpu.memref_squeeze %dma_start3A_12 : memref<1x1x512xf32, #tpu.memory_space<vmem>> -> memref<1x512xf32, #tpu.memory_space<vmem>>
    %dma_start3A_14 = arith.constant 0 : i32
    %dma_start3A_15 = tpu.memref_slice %arg2[%squeeze3A, %dma_start3A_14] : memref<12544x512xf32, #tpu.memory_space<hbm>> -> memref<1x512xf32, #tpu.memory_space<hbm>>
    %dma_start3A_16 = arith.constant 0 : i32
    %dma_start3A_17 = arith.constant 0 : i32
    %dma_start3A_18 = tpu.memref_slice %arg6[%dma_start3A_9, %dma_start3A_16, %dma_start3A_17] : memref<1x64x512xf32, #tpu.memory_space<vmem>> -> memref<1x1x512xf32, #tpu.memory_space<vmem>>
    %dma_start3A_19 = tpu.memref_squeeze %dma_start3A_18 : memref<1x1x512xf32, #tpu.memory_space<vmem>> -> memref<1x512xf32, #tpu.memory_space<vmem>>
    %dma_start3A_20 = arith.constant 0 : i32
    %dma_start3A_21 = tpu.memref_slice %arg2[%squeeze3A, %dma_start3A_20] : memref<12544x512xf32, #tpu.memory_space<hbm>> -> memref<1x512xf32, #tpu.memory_space<hbm>>
    tpu.enqueue_dma source(%dma_start3A_21 : memref<1x512xf32, #tpu.memory_space<hbm>>) target(%dma_start3A_19 : memref<1x512xf32, #tpu.memory_space<vmem>>) target_semaphore(%arg8 : memref<!tpu.dma_semaphore, #tpu.memory_space<semaphore_mem>>)
    %slice3A_22 = vector.extract_strided_slice %rem3A_8 {offsets = [1], sizes = [1], strides = [1]} : vector<16xi32> to vector<1xi32>
    %squeeze3A_23 = vector.extract %slice3A_22[0] : i32 from vector<1xi32>
    %dma_start3A_24 = arith.constant 0 : i32
    %dma_start3A_25 = arith.constant 1 : i32
    %dma_start3A_26 = arith.constant 0 : i32
    %dma_start3A_27 = tpu.memref_slice %arg6[%dma_start3A_24, %dma_start3A_25, %dma_start3A_26] : memref<1x64x512xf32, #tpu.memory_space<vmem>> -> memref<1x1x512xf32, #tpu.memory_space<vmem>>
    %dma_start3A_28 = tpu.memref_squeeze %dma_start3A_27 : memref<1x1x512xf32, #tpu.memory_space<vmem>> -> memref<1x512xf32, #tpu.memory_space<vmem>>
    %dma_start3A_29 = arith.constant 0 : i32
    %dma_start3A_30 = tpu.memref_slice %arg2[%squeeze3A_23, %dma_start3A_29] : memref<12544x512xf32, #tpu.memory_space<hbm>> -> memref<1x512xf32, #tpu.memory_space<hbm>>
    %dma_start3A_31 = arith.constant 1 : i32
    %dma_start3A_32 = arith.constant 0 : i32
    %dma_start3A_33 = tpu.memref_slice %arg6[%dma_start3A_24, %dma_start3A_31, %dma_start3A_32] : memref<1x64x512xf32, #tpu.memory_space<vmem>> -> memref<1x1x512xf32, #tpu.memory_space<vmem>>
    %dma_start3A_34 = tpu.memref_squeeze %dma_start3A_33 : memref<1x1x512xf32, #tpu.memory_space<vmem>> -> memref<1x512xf32, #tpu.memory_space<vmem>>
    %dma_start3A_35 = arith.constant 0 : i32
    %dma_start3A_36 = tpu.memref_slice %arg2[%squeeze3A_23, %dma_start3A_35] : memref<12544x512xf32, #tpu.memory_space<hbm>> -> memref<1x512xf32, #tpu.memory_space<hbm>>
    tpu.enqueue_dma source(%dma_start3A_36 : memref<1x512xf32, #tpu.memory_space<hbm>>) target(%dma_start3A_34 : memref<1x512xf32, #tpu.memory_space<vmem>>) target_semaphore(%arg8 : memref<!tpu.dma_semaphore, #tpu.memory_space<semaphore_mem>>)
    %slice3A_37 = vector.extract_strided_slice %rem3A_8 {offsets = [2], sizes = [1], strides = [1]} : vector<16xi32> to vector<1xi32>
    %squeeze3A_38 = vector.extract %slice3A_37[0] : i32 from vector<1xi32>
    %dma_start3A_39 = arith.constant 0 : i32
    %dma_start3A_40 = arith.constant 2 : i32
    %dma_start3A_41 = arith.constant 0 : i32
    %dma_start3A_42 = tpu.memref_slice %arg6[%dma_start3A_39, %dma_start3A_40, %dma_start3A_41] : memref<1x64x512xf32, #tpu.memory_space<vmem>> -> memref<1x1x512xf32, #tpu.memory_space<vmem>>
    %dma_start3A_43 = tpu.memref_squeeze %dma_start3A_42 : memref<1x1x512xf32, #tpu.memory_space<vmem>> -> memref<1x512xf32, #tpu.memory_space<vmem>>
    %dma_start3A_44 = arith.constant 0 : i32
    %dma_start3A_45 = tpu.memref_slice %arg2[%squeeze3A_38, %dma_start3A_44] : memref<12544x512xf32, #tpu.memory_space<hbm>> -> memref<1x512xf32, #tpu.memory_space<hbm>>
    %dma_start3A_46 = arith.constant 2 : i32
    %dma_start3A_47 = arith.constant 0 : i32
    %dma_start3A_48 = tpu.memref_slice %arg6[%dma_start3A_39, %dma_start3A_46, %dma_start3A_47] : memref<1x64x512xf32, #tpu.memory_space<vmem>> -> memref<1x1x512xf32, #tpu.memory_space<vmem>>
    %dma_start3A_49 = tpu.memref_squeeze %dma_start3A_48 : memref<1x1x512xf32, #tpu.memory_space<vmem>> -> memref<1x512xf32, #tpu.memory_space<vmem>>
    %dma_start3A_50 = arith.constant 0 : i32
    %dma_start3A_51 = tpu.memref_slice %arg2[%squeeze3A_38, %dma_start3A_50] : memref<12544x512xf32, #tpu.memory_space<hbm>> -> memref<1x512xf32, #tpu.memory_space<hbm>>
    tpu.enqueue_dma source(%dma_start3A_51 : memref<1x512xf32, #tpu.memory_space<hbm>>) target(%dma_start3A_49 : memref<1x512xf32, #tpu.memory_space<vmem>>) target_semaphore(%arg8 : memref<!tpu.dma_semaphore, #tpu.memory_space<semaphore_mem>>)
    %slice3A_52 = vector.extract_strided_slice %rem3A_8 {offsets = [3], sizes = [1], strides = [1]} : vector<16xi32> to vector<1xi32>
    %squeeze3A_53 = vector.extract %slice3A_52[0] : i32 from vector<1xi32>
    %dma_start3A_54 = arith.constant 0 : i32
    %dma_start3A_55 = arith.constant 3 : i32
    %dma_start3A_56 = arith.constant 0 : i32
    %dma_start3A_57 = tpu.memref_slice %arg6[%dma_start3A_54, %dma_start3A_55, %dma_start3A_56] : memref<1x64x512xf32, #tpu.memory_space<vmem>> -> memref<1x1x512xf32, #tpu.memory_space<vmem>>
    %dma_start3A_58 = tpu.memref_squeeze %dma_start3A_57 : memref<1x1x512xf32, #tpu.memory_space<vmem>> -> memref<1x512xf32, #tpu.memory_space<vmem>>
    %dma_start3A_59 = arith.constant 0 : i32
    %dma_start3A_60 = tpu.memref_slice %arg2[%squeeze3A_53, %dma_start3A_59] : memref<12544x512xf32, #tpu.memory_space<hbm>> -> memref<1x512xf32, #tpu.memory_space<hbm>>
    %dma_start3A_61 = arith.constant 3 : i32
    %dma_start3A_62 = arith.constant 0 : i32
    %dma_start3A_63 = tpu.memref_slice %arg6[%dma_start3A_54, %dma_start3A_61, %dma_start3A_62] : memref<1x64x512xf32, #tpu.memory_space<vmem>> -> memref<1x1x512xf32, #tpu.memory_space<vmem>>
    %dma_start3A_64 = tpu.memref_squeeze %dma_start3A_63 : memref<1x1x512xf32, #tpu.memory_space<vmem>> -> memref<1x512xf32, #tpu.memory_space<vmem>>
    %dma_start3A_65 = arith.constant 0 : i32
    %dma_start3A_66 = tpu.memref_slice %arg2[%squeeze3A_53, %dma_start3A_65] : memref<12544x512xf32, #tpu.memory_space<hbm>> -> memref<1x512xf32, #tpu.memory_space<hbm>>
    tpu.enqueue_dma source(%dma_start3A_66 : memref<1x512xf32, #tpu.memory_space<hbm>>) target(%dma_start3A_64 : memref<1x512xf32, #tpu.memory_space<vmem>>) target_semaphore(%arg8 : memref<!tpu.dma_semaphore, #tpu.memory_space<semaphore_mem>>)
    %slice3A_67 = vector.extract_strided_slice %rem3A_8 {offsets = [4], sizes = [1], strides = [1]} : vector<16xi32> to vector<1xi32>
    %squeeze3A_68 = vector.extract %slice3A_67[0] : i32 from vector<1xi32>
    %dma_start3A_69 = arith.constant 0 : i32
    %dma_start3A_70 = arith.constant 4 : i32
    %dma_start3A_71 = arith.constant 0 : i32
    %dma_start3A_72 = tpu.memref_slice %arg6[%dma_start3A_69, %dma_start3A_70, %dma_start3A_71] : memref<1x64x512xf32, #tpu.memory_space<vmem>> -> memref<1x1x512xf32, #tpu.memory_space<vmem>>
    %dma_start3A_73 = tpu.memref_squeeze %dma_start3A_72 : memref<1x1x512xf32, #tpu.memory_space<vmem>> -> memref<1x512xf32, #tpu.memory_space<vmem>>
    %dma_start3A_74 = arith.constant 0 : i32
    %dma_start3A_75 = tpu.memref_slice %arg2[%squeeze3A_68, %dma_start3A_74] : memref<12544x512xf32, #tpu.memory_space<hbm>> -> memref<1x512xf32, #tpu.memory_space<hbm>>
    %dma_start3A_76 = arith.constant 4 : i32
    %dma_start3A_77 = arith.constant 0 : i32
    %dma_start3A_78 = tpu.memref_slice %arg6[%dma_start3A_69, %dma_start3A_76, %dma_start3A_77] : memref<1x64x512xf32, #tpu.memory_space<vmem>> -> memref<1x1x512xf32, #tpu.memory_space<vmem>>
    %dma_start3A_79 = tpu.memref_squeeze %dma_start3A_78 : memref<1x1x512xf32, #tpu.memory_space<vmem>> -> memref<1x512xf32, #tpu.memory_space<vmem>>
    %dma_start3A_80 = arith.constant 0 : i32
    %dma_start3A_81 = tpu.memref_slice %arg2[%squeeze3A_68, %dma_start3A_80] : memref<12544x512xf32, #tpu.memory_space<hbm>> -> memref<1x512xf32, #tpu.memory_space<hbm>>
    tpu.enqueue_dma source(%dma_start3A_81 : memref<1x512xf32, #tpu.memory_space<hbm>>) target(%dma_start3A_79 : memref<1x512xf32, #tpu.memory_space<vmem>>) target_semaphore(%arg8 : memref<!tpu.dma_semaphore, #tpu.memory_space<semaphore_mem>>)
    %slice3A_82 = vector.extract_strided_slice %rem3A_8 {offsets = [5], sizes = [1], strides = [1]} : vector<16xi32> to vector<1xi32>
    %squeeze3A_83 = vector.extract %slice3A_82[0] : i32 from vector<1xi32>
    %dma_start3A_84 = arith.constant 0 : i32
    %dma_start3A_85 = arith.constant 5 : i32
    %dma_start3A_86 = arith.constant 0 : i32
    %dma_start3A_87 = tpu.memref_slice %arg6[%dma_start3A_84, %dma_start3A_85, %dma_start3A_86] : memref<1x64x512xf32, #tpu.memory_space<vmem>> -> memref<1x1x512xf32, #tpu.memory_space<vmem>>
    %dma_start3A_88 = tpu.memref_squeeze %dma_start3A_87 : memref<1x1x512xf32, #tpu.memory_space<vmem>> -> memref<1x512xf32, #tpu.memory_space<vmem>>
    %dma_start3A_89 = arith.constant 0 : i32
    %dma_start3A_90 = tpu.memref_slice %arg2[%squeeze3A_83, %dma_start3A_89] : memref<12544x512xf32, #tpu.memory_space<hbm>> -> memref<1x512xf32, #tpu.memory_space<hbm>>
    %dma_start3A_91 = arith.constant 5 : i32
    %dma_start3A_92 = arith.constant 0 : i32
    %dma_start3A_93 = tpu.memref_slice %arg6[%dma_start3A_84, %dma_start3A_91, %dma_start3A_92] : memref<1x64x512xf32, #tpu.memory_space<vmem>> -> memref<1x1x512xf32, #tpu.memory_space<vmem>>
    %dma_start3A_94 = tpu.memref_squeeze %dma_start3A_93 : memref<1x1x512xf32, #tpu.memory_space<vmem>> -> memref<1x512xf32, #tpu.memory_space<vmem>>
    %dma_start3A_95 = arith.constant 0 : i32
    %dma_start3A_96 = tpu.memref_slice %arg2[%squeeze3A_83, %dma_start3A_95] : memref<12544x512xf32, #tpu.memory_space<hbm>> -> memref<1x512xf32, #tpu.memory_space<hbm>>
    tpu.enqueue_dma source(%dma_start3A_96 : memref<1x512xf32, #tpu.memory_space<hbm>>) target(%dma_start3A_94 : memref<1x512xf32, #tpu.memory_space<vmem>>) target_semaphore(%arg8 : memref<!tpu.dma_semaphore, #tpu.memory_space<semaphore_mem>>)
    %slice3A_97 = vector.extract_strided_slice %rem3A_8 {offsets = [6], sizes = [1], strides = [1]} : vector<16xi32> to vector<1xi32>
    %squeeze3A_98 = vector.extract %slice3A_97[0] : i32 from vector<1xi32>
    %dma_start3A_99 = arith.constant 0 : i32
    %dma_start3A_100 = arith.constant 6 : i32
    %dma_start3A_101 = arith.constant 0 : i32
    %dma_start3A_102 = tpu.memref_slice %arg6[%dma_start3A_99, %dma_start3A_100, %dma_start3A_101] : memref<1x64x512xf32, #tpu.memory_space<vmem>> -> memref<1x1x512xf32, #tpu.memory_space<vmem>>
    %dma_start3A_103 = tpu.memref_squeeze %dma_start3A_102 : memref<1x1x512xf32, #tpu.memory_space<vmem>> -> memref<1x512xf32, #tpu.memory_space<vmem>>
    %dma_start3A_104 = arith.constant 0 : i32
    %dma_start3A_105 = tpu.memref_slice %arg2[%squeeze3A_98, %dma_start3A_104] : memref<12544x512xf32, #tpu.memory_space<hbm>> -> memref<1x512xf32, #tpu.memory_space<hbm>>
    %dma_start3A_106 = arith.constant 6 : i32
    %dma_start3A_107 = arith.constant 0 : i32
    %dma_start3A_108 = tpu.memref_slice %arg6[%dma_start3A_99, %dma_start3A_106, %dma_start3A_107] : memref<1x64x512xf32, #tpu.memory_space<vmem>> -> memref<1x1x512xf32, #tpu.memory_space<vmem>>
    %dma_start3A_109 = tpu.memref_squeeze %dma_start3A_108 : memref<1x1x512xf32, #tpu.memory_space<vmem>> -> memref<1x512xf32, #tpu.memory_space<vmem>>
    %dma_start3A_110 = arith.constant 0 : i32
    %dma_start3A_111 = tpu.memref_slice %arg2[%squeeze3A_98, %dma_start3A_110] : memref<12544x512xf32, #tpu.memory_space<hbm>> -> memref<1x512xf32, #tpu.memory_space<hbm>>
    tpu.enqueue_dma source(%dma_start3A_111 : memref<1x512xf32, #tpu.memory_space<hbm>>) target(%dma_start3A_109 : memref<1x512xf32, #tpu.memory_space<vmem>>) target_semaphore(%arg8 : memref<!tpu.dma_semaphore, #tpu.memory_space<semaphore_mem>>)
    %slice3A_112 = vector.extract_strided_slice %rem3A_8 {offsets = [7], sizes = [1], strides = [1]} : vector<16xi32> to vector<1xi32>
    %squeeze3A_113 = vector.extract %slice3A_112[0] : i32 from vector<1xi32>
    %dma_start3A_114 = arith.constant 0 : i32
    %dma_start3A_115 = arith.constant 7 : i32
    %dma_start3A_116 = arith.constant 0 : i32
    %dma_start3A_117 = tpu.memref_slice %arg6[%dma_start3A_114, %dma_start3A_115, %dma_start3A_116] : memref<1x64x512xf32, #tpu.memory_space<vmem>> -> memref<1x1x512xf32, #tpu.memory_space<vmem>>
    %dma_start3A_118 = tpu.memref_squeeze %dma_start3A_117 : memref<1x1x512xf32, #tpu.memory_space<vmem>> -> memref<1x512xf32, #tpu.memory_space<vmem>>
    %dma_start3A_119 = arith.constant 0 : i32
    %dma_start3A_120 = tpu.memref_slice %arg2[%squeeze3A_113, %dma_start3A_119] : memref<12544x512xf32, #tpu.memory_space<hbm>> -> memref<1x512xf32, #tpu.memory_space<hbm>>
    %dma_start3A_121 = arith.constant 7 : i32
    %dma_start3A_122 = arith.constant 0 : i32
    %dma_start3A_123 = tpu.memref_slice %arg6[%dma_start3A_114, %dma_start3A_121, %dma_start3A_122] : memref<1x64x512xf32, #tpu.memory_space<vmem>> -> memref<1x1x512xf32, #tpu.memory_space<vmem>>
    %dma_start3A_124 = tpu.memref_squeeze %dma_start3A_123 : memref<1x1x512xf32, #tpu.memory_space<vmem>> -> memref<1x512xf32, #tpu.memory_space<vmem>>
    %dma_start3A_125 = arith.constant 0 : i32
    %dma_start3A_126 = tpu.memref_slice %arg2[%squeeze3A_113, %dma_start3A_125] : memref<12544x512xf32, #tpu.memory_space<hbm>> -> memref<1x512xf32, #tpu.memory_space<hbm>>
    tpu.enqueue_dma source(%dma_start3A_126 : memref<1x512xf32, #tpu.memory_space<hbm>>) target(%dma_start3A_124 : memref<1x512xf32, #tpu.memory_space<vmem>>) target_semaphore(%arg8 : memref<!tpu.dma_semaphore, #tpu.memory_space<semaphore_mem>>)
    %slice3A_127 = vector.extract_strided_slice %rem3A_8 {offsets = [8], sizes = [1], strides = [1]} : vector<16xi32> to vector<1xi32>
    %squeeze3A_128 = vector.extract %slice3A_127[0] : i32 from vector<1xi32>
    %dma_start3A_129 = arith.constant 0 : i32
    %dma_start3A_130 = arith.constant 8 : i32
    %dma_start3A_131 = arith.constant 0 : i32
    %dma_start3A_132 = tpu.memref_slice %arg6[%dma_start3A_129, %dma_start3A_130, %dma_start3A_131] : memref<1x64x512xf32, #tpu.memory_space<vmem>> -> memref<1x1x512xf32, #tpu.memory_space<vmem>>
    %dma_start3A_133 = tpu.memref_squeeze %dma_start3A_132 : memref<1x1x512xf32, #tpu.memory_space<vmem>> -> memref<1x512xf32, #tpu.memory_space<vmem>>
    %dma_start3A_134 = arith.constant 0 : i32
    %dma_start3A_135 = tpu.memref_slice %arg2[%squeeze3A_128, %dma_start3A_134] : memref<12544x512xf32, #tpu.memory_space<hbm>> -> memref<1x512xf32, #tpu.memory_space<hbm>>
    %dma_start3A_136 = arith.constant 8 : i32
    %dma_start3A_137 = arith.constant 0 : i32
    %dma_start3A_138 = tpu.memref_slice %arg6[%dma_start3A_129, %dma_start3A_136, %dma_start3A_137] : memref<1x64x512xf32, #tpu.memory_space<vmem>> -> memref<1x1x512xf32, #tpu.memory_space<vmem>>
    %dma_start3A_139 = tpu.memref_squeeze %dma_start3A_138 : memref<1x1x512xf32, #tpu.memory_space<vmem>> -> memref<1x512xf32, #tpu.memory_space<vmem>>
    %dma_start3A_140 = arith.constant 0 : i32
    %dma_start3A_141 = tpu.memref_slice %arg2[%squeeze3A_128, %dma_start3A_140] : memref<12544x512xf32, #tpu.memory_space<hbm>> -> memref<1x512xf32, #tpu.memory_space<hbm>>
    tpu.enqueue_dma source(%dma_start3A_141 : memref<1x512xf32, #tpu.memory_space<hbm>>) target(%dma_start3A_139 : memref<1x512xf32, #tpu.memory_space<vmem>>) target_semaphore(%arg8 : memref<!tpu.dma_semaphore, #tpu.memory_space<semaphore_mem>>)
    %slice3A_142 = vector.extract_strided_slice %rem3A_8 {offsets = [9], sizes = [1], strides = [1]} : vector<16xi32> to vector<1xi32>
    %squeeze3A_143 = vector.extract %slice3A_142[0] : i32 from vector<1xi32>
    %dma_start3A_144 = arith.constant 0 : i32
    %dma_start3A_145 = arith.constant 9 : i32
    %dma_start3A_146 = arith.constant 0 : i32
    %dma_start3A_147 = tpu.memref_slice %arg6[%dma_start3A_144, %dma_start3A_145, %dma_start3A_146] : memref<1x64x512xf32, #tpu.memory_space<vmem>> -> memref<1x1x512xf32, #tpu.memory_space<vmem>>
    %dma_start3A_148 = tpu.memref_squeeze %dma_start3A_147 : memref<1x1x512xf32, #tpu.memory_space<vmem>> -> memref<1x512xf32, #tpu.memory_space<vmem>>
    %dma_start3A_149 = arith.constant 0 : i32
    %dma_start3A_150 = tpu.memref_slice %arg2[%squeeze3A_143, %dma_start3A_149] : memref<12544x512xf32, #tpu.memory_space<hbm>> -> memref<1x512xf32, #tpu.memory_space<hbm>>
    %dma_start3A_151 = arith.constant 9 : i32
    %dma_start3A_152 = arith.constant 0 : i32
    %dma_start3A_153 = tpu.memref_slice %arg6[%dma_start3A_144, %dma_start3A_151, %dma_start3A_152] : memref<1x64x512xf32, #tpu.memory_space<vmem>> -> memref<1x1x512xf32, #tpu.memory_space<vmem>>
    %dma_start3A_154 = tpu.memref_squeeze %dma_start3A_153 : memref<1x1x512xf32, #tpu.memory_space<vmem>> -> memref<1x512xf32, #tpu.memory_space<vmem>>
    %dma_start3A_155 = arith.constant 0 : i32
    %dma_start3A_156 = tpu.memref_slice %arg2[%squeeze3A_143, %dma_start3A_155] : memref<12544x512xf32, #tpu.memory_space<hbm>> -> memref<1x512xf32, #tpu.memory_space<hbm>>
    tpu.enqueue_dma source(%dma_start3A_156 : memref<1x512xf32, #tpu.memory_space<hbm>>) target(%dma_start3A_154 : memref<1x512xf32, #tpu.memory_space<vmem>>) target_semaphore(%arg8 : memref<!tpu.dma_semaphore, #tpu.memory_space<semaphore_mem>>)
    %slice3A_157 = vector.extract_strided_slice %rem3A_8 {offsets = [10], sizes = [1], strides = [1]} : vector<16xi32> to vector<1xi32>
    %squeeze3A_158 = vector.extract %slice3A_157[0] : i32 from vector<1xi32>
    %dma_start3A_159 = arith.constant 0 : i32
    %dma_start3A_160 = arith.constant 10 : i32
    %dma_start3A_161 = arith.constant 0 : i32
    %dma_start3A_162 = tpu.memref_slice %arg6[%dma_start3A_159, %dma_start3A_160, %dma_start3A_161] : memref<1x64x512xf32, #tpu.memory_space<vmem>> -> memref<1x1x512xf32, #tpu.memory_space<vmem>>
    %dma_start3A_163 = tpu.memref_squeeze %dma_start3A_162 : memref<1x1x512xf32, #tpu.memory_space<vmem>> -> memref<1x512xf32, #tpu.memory_space<vmem>>
    %dma_start3A_164 = arith.constant 0 : i32
    %dma_start3A_165 = tpu.memref_slice %arg2[%squeeze3A_158, %dma_start3A_164] : memref<12544x512xf32, #tpu.memory_space<hbm>> -> memref<1x512xf32, #tpu.memory_space<hbm>>
    %dma_start3A_166 = arith.constant 10 : i32
    %dma_start3A_167 = arith.constant 0 : i32
    %dma_start3A_168 = tpu.memref_slice %arg6[%dma_start3A_159, %dma_start3A_166, %dma_start3A_167] : memref<1x64x512xf32, #tpu.memory_space<vmem>> -> memref<1x1x512xf32, #tpu.memory_space<vmem>>
    %dma_start3A_169 = tpu.memref_squeeze %dma_start3A_168 : memref<1x1x512xf32, #tpu.memory_space<vmem>> -> memref<1x512xf32, #tpu.memory_space<vmem>>
    %dma_start3A_170 = arith.constant 0 : i32
    %dma_start3A_171 = tpu.memref_slice %arg2[%squeeze3A_158, %dma_start3A_170] : memref<12544x512xf32, #tpu.memory_space<hbm>> -> memref<1x512xf32, #tpu.memory_space<hbm>>
    tpu.enqueue_dma source(%dma_start3A_171 : memref<1x512xf32, #tpu.memory_space<hbm>>) target(%dma_start3A_169 : memref<1x512xf32, #tpu.memory_space<vmem>>) target_semaphore(%arg8 : memref<!tpu.dma_semaphore, #tpu.memory_space<semaphore_mem>>)
    %slice3A_172 = vector.extract_strided_slice %rem3A_8 {offsets = [11], sizes = [1], strides = [1]} : vector<16xi32> to vector<1xi32>
    %squeeze3A_173 = vector.extract %slice3A_172[0] : i32 from vector<1xi32>
    %dma_start3A_174 = arith.constant 0 : i32
    %dma_start3A_175 = arith.constant 11 : i32
    %dma_start3A_176 = arith.constant 0 : i32
    %dma_start3A_177 = tpu.memref_slice %arg6[%dma_start3A_174, %dma_start3A_175, %dma_start3A_176] : memref<1x64x512xf32, #tpu.memory_space<vmem>> -> memref<1x1x512xf32, #tpu.memory_space<vmem>>
    %dma_start3A_178 = tpu.memref_squeeze %dma_start3A_177 : memref<1x1x512xf32, #tpu.memory_space<vmem>> -> memref<1x512xf32, #tpu.memory_space<vmem>>
    %dma_start3A_179 = arith.constant 0 : i32
    %dma_start3A_180 = tpu.memref_slice %arg2[%squeeze3A_173, %dma_start3A_179] : memref<12544x512xf32, #tpu.memory_space<hbm>> -> memref<1x512xf32, #tpu.memory_space<hbm>>
    %dma_start3A_181 = arith.constant 11 : i32
    %dma_start3A_182 = arith.constant 0 : i32
    %dma_start3A_183 = tpu.memref_slice %arg6[%dma_start3A_174, %dma_start3A_181, %dma_start3A_182] : memref<1x64x512xf32, #tpu.memory_space<vmem>> -> memref<1x1x512xf32, #tpu.memory_space<vmem>>
    %dma_start3A_184 = tpu.memref_squeeze %dma_start3A_183 : memref<1x1x512xf32, #tpu.memory_space<vmem>> -> memref<1x512xf32, #tpu.memory_space<vmem>>
    %dma_start3A_185 = arith.constant 0 : i32
    %dma_start3A_186 = tpu.memref_slice %arg2[%squeeze3A_173, %dma_start3A_185] : memref<12544x512xf32, #tpu.memory_space<hbm>> -> memref<1x512xf32, #tpu.memory_space<hbm>>
    tpu.enqueue_dma source(%dma_start3A_186 : memref<1x512xf32, #tpu.memory_space<hbm>>) target(%dma_start3A_184 : memref<1x512xf32, #tpu.memory_space<vmem>>) target_semaphore(%arg8 : memref<!tpu.dma_semaphore, #tpu.memory_space<semaphore_mem>>)
    %slice3A_187 = vector.extract_strided_slice %rem3A_8 {offsets = [12], sizes = [1], strides = [1]} : vector<16xi32> to vector<1xi32>
    %squeeze3A_188 = vector.extract %slice3A_187[0] : i32 from vector<1xi32>
    %dma_start3A_189 = arith.constant 0 : i32
    %dma_start3A_190 = arith.constant 12 : i32
    %dma_start3A_191 = arith.constant 0 : i32
    %dma_start3A_192 = tpu.memref_slice %arg6[%dma_start3A_189, %dma_start3A_190, %dma_start3A_191] : memref<1x64x512xf32, #tpu.memory_space<vmem>> -> memref<1x1x512xf32, #tpu.memory_space<vmem>>
    %dma_start3A_193 = tpu.memref_squeeze %dma_start3A_192 : memref<1x1x512xf32, #tpu.memory_space<vmem>> -> memref<1x512xf32, #tpu.memory_space<vmem>>
    %dma_start3A_194 = arith.constant 0 : i32
    %dma_start3A_195 = tpu.memref_slice %arg2[%squeeze3A_188, %dma_start3A_194] : memref<12544x512xf32, #tpu.memory_space<hbm>> -> memref<1x512xf32, #tpu.memory_space<hbm>>
    %dma_start3A_196 = arith.constant 12 : i32
    %dma_start3A_197 = arith.constant 0 : i32
    %dma_start3A_198 = tpu.memref_slice %arg6[%dma_start3A_189, %dma_start3A_196, %dma_start3A_197] : memref<1x64x512xf32, #tpu.memory_space<vmem>> -> memref<1x1x512xf32, #tpu.memory_space<vmem>>
    %dma_start3A_199 = tpu.memref_squeeze %dma_start3A_198 : memref<1x1x512xf32, #tpu.memory_space<vmem>> -> memref<1x512xf32, #tpu.memory_space<vmem>>
    %dma_start3A_200 = arith.constant 0 : i32
    %dma_start3A_201 = tpu.memref_slice %arg2[%squeeze3A_188, %dma_start3A_200] : memref<12544x512xf32, #tpu.memory_space<hbm>> -> memref<1x512xf32, #tpu.memory_space<hbm>>
    tpu.enqueue_dma source(%dma_start3A_201 : memref<1x512xf32, #tpu.memory_space<hbm>>) target(%dma_start3A_199 : memref<1x512xf32, #tpu.memory_space<vmem>>) target_semaphore(%arg8 : memref<!tpu.dma_semaphore, #tpu.memory_space<semaphore_mem>>)
    %slice3A_202 = vector.extract_strided_slice %rem3A_8 {offsets = [13], sizes = [1], strides = [1]} : vector<16xi32> to vector<1xi32>
    %squeeze3A_203 = vector.extract %slice3A_202[0] : i32 from vector<1xi32>
    %dma_start3A_204 = arith.constant 0 : i32
    %dma_start3A_205 = arith.constant 13 : i32
    %dma_start3A_206 = arith.constant 0 : i32
    %dma_start3A_207 = tpu.memref_slice %arg6[%dma_start3A_204, %dma_start3A_205, %dma_start3A_206] : memref<1x64x512xf32, #tpu.memory_space<vmem>> -> memref<1x1x512xf32, #tpu.memory_space<vmem>>
    %dma_start3A_208 = tpu.memref_squeeze %dma_start3A_207 : memref<1x1x512xf32, #tpu.memory_space<vmem>> -> memref<1x512xf32, #tpu.memory_space<vmem>>
    %dma_start3A_209 = arith.constant 0 : i32
    %dma_start3A_210 = tpu.memref_slice %arg2[%squeeze3A_203, %dma_start3A_209] : memref<12544x512xf32, #tpu.memory_space<hbm>> -> memref<1x512xf32, #tpu.memory_space<hbm>>
    %dma_start3A_211 = arith.constant 13 : i32
    %dma_start3A_212 = arith.constant 0 : i32
    %dma_start3A_213 = tpu.memref_slice %arg6[%dma_start3A_204, %dma_start3A_211, %dma_start3A_212] : memref<1x64x512xf32, #tpu.memory_space<vmem>> -> memref<1x1x512xf32, #tpu.memory_space<vmem>>
    %dma_start3A_214 = tpu.memref_squeeze %dma_start3A_213 : memref<1x1x512xf32, #tpu.memory_space<vmem>> -> memref<1x512xf32, #tpu.memory_space<vmem>>
    %dma_start3A_215 = arith.constant 0 : i32
    %dma_start3A_216 = tpu.memref_slice %arg2[%squeeze3A_203, %dma_start3A_215] : memref<12544x512xf32, #tpu.memory_space<hbm>> -> memref<1x512xf32, #tpu.memory_space<hbm>>
    tpu.enqueue_dma source(%dma_start3A_216 : memref<1x512xf32, #tpu.memory_space<hbm>>) target(%dma_start3A_214 : memref<1x512xf32, #tpu.memory_space<vmem>>) target_semaphore(%arg8 : memref<!tpu.dma_semaphore, #tpu.memory_space<semaphore_mem>>)
    %slice3A_217 = vector.extract_strided_slice %rem3A_8 {offsets = [14], sizes = [1], strides = [1]} : vector<16xi32> to vector<1xi32>
    %squeeze3A_218 = vector.extract %slice3A_217[0] : i32 from vector<1xi32>
    %dma_start3A_219 = arith.constant 0 : i32
    %dma_start3A_220 = arith.constant 14 : i32
    %dma_start3A_221 = arith.constant 0 : i32
    %dma_start3A_222 = tpu.memref_slice %arg6[%dma_start3A_219, %dma_start3A_220, %dma_start3A_221] : memref<1x64x512xf32, #tpu.memory_space<vmem>> -> memref<1x1x512xf32, #tpu.memory_space<vmem>>
    %dma_start3A_223 = tpu.memref_squeeze %dma_start3A_222 : memref<1x1x512xf32, #tpu.memory_space<vmem>> -> memref<1x512xf32, #tpu.memory_space<vmem>>
    %dma_start3A_224 = arith.constant 0 : i32
    %dma_start3A_225 = tpu.memref_slice %arg2[%squeeze3A_218, %dma_start3A_224] : memref<12544x512xf32, #tpu.memory_space<hbm>> -> memref<1x512xf32, #tpu.memory_space<hbm>>
    %dma_start3A_226 = arith.constant 14 : i32
    %dma_start3A_227 = arith.constant 0 : i32
    %dma_start3A_228 = tpu.memref_slice %arg6[%dma_start3A_219, %dma_start3A_226, %dma_start3A_227] : memref<1x64x512xf32, #tpu.memory_space<vmem>> -> memref<1x1x512xf32, #tpu.memory_space<vmem>>
    %dma_start3A_229 = tpu.memref_squeeze %dma_start3A_228 : memref<1x1x512xf32, #tpu.memory_space<vmem>> -> memref<1x512xf32, #tpu.memory_space<vmem>>
    %dma_start3A_230 = arith.constant 0 : i32
    %dma_start3A_231 = tpu.memref_slice %arg2[%squeeze3A_218, %dma_start3A_230] : memref<12544x512xf32, #tpu.memory_space<hbm>> -> memref<1x512xf32, #tpu.memory_space<hbm>>
    tpu.enqueue_dma source(%dma_start3A_231 : memref<1x512xf32, #tpu.memory_space<hbm>>) target(%dma_start3A_229 : memref<1x512xf32, #tpu.memory_space<vmem>>) target_semaphore(%arg8 : memref<!tpu.dma_semaphore, #tpu.memory_space<semaphore_mem>>)
    %slice3A_232 = vector.extract_strided_slice %rem3A_8 {offsets = [15], sizes = [1], strides = [1]} : vector<16xi32> to vector<1xi32>
    %squeeze3A_233 = vector.extract %slice3A_232[0] : i32 from vector<1xi32>
    %dma_start3A_234 = arith.constant 0 : i32
    %dma_start3A_235 = arith.constant 15 : i32
    %dma_start3A_236 = arith.constant 0 : i32
    %dma_start3A_237 = tpu.memref_slice %arg6[%dma_start3A_234, %dma_start3A_235, %dma_start3A_236] : memref<1x64x512xf32, #tpu.memory_space<vmem>> -> memref<1x1x512xf32, #tpu.memory_space<vmem>>
    %dma_start3A_238 = tpu.memref_squeeze %dma_start3A_237 : memref<1x1x512xf32, #tpu.memory_space<vmem>> -> memref<1x512xf32, #tpu.memory_space<vmem>>
    %dma_start3A_239 = arith.constant 0 : i32
    %dma_start3A_240 = tpu.memref_slice %arg2[%squeeze3A_233, %dma_start3A_239] : memref<12544x512xf32, #tpu.memory_space<hbm>> -> memref<1x512xf32, #tpu.memory_space<hbm>>
    %dma_start3A_241 = arith.constant 15 : i32
    %dma_start3A_242 = arith.constant 0 : i32
    %dma_start3A_243 = tpu.memref_slice %arg6[%dma_start3A_234, %dma_start3A_241, %dma_start3A_242] : memref<1x64x512xf32, #tpu.memory_space<vmem>> -> memref<1x1x512xf32, #tpu.memory_space<vmem>>
    %dma_start3A_244 = tpu.memref_squeeze %dma_start3A_243 : memref<1x1x512xf32, #tpu.memory_space<vmem>> -> memref<1x512xf32, #tpu.memory_space<vmem>>
    %dma_start3A_245 = arith.constant 0 : i32
    %dma_start3A_246 = tpu.memref_slice %arg2[%squeeze3A_233, %dma_start3A_245] : memref<12544x512xf32, #tpu.memory_space<hbm>> -> memref<1x512xf32, #tpu.memory_space<hbm>>
    tpu.enqueue_dma source(%dma_start3A_246 : memref<1x512xf32, #tpu.memory_space<hbm>>) target(%dma_start3A_244 : memref<1x512xf32, #tpu.memory_space<vmem>>) target_semaphore(%arg8 : memref<!tpu.dma_semaphore, #tpu.memory_space<semaphore_mem>>)
    %get3A_247 = arith.constant 16 : index
    %get3A_248 = tpu.vector_load %arg5[%get3A_247] {strides = array<i32>} : memref<64xi32, #tpu.memory_space<vmem>>, vector<16xi32>,
    %get3A_249 = vector.shape_cast %get3A_248 : vector<16xi32> to vector<16xi32>
    %rem3A_250 = arith.constant 12544 : i32
    %rem3A_251 = vector.broadcast %rem3A_250 : i32 to vector<16xi32>
    %rem3A_252 = arith.remsi %get3A_249, %rem3A_251 : vector<16xi32>
    %slice3A_253 = vector.extract_strided_slice %rem3A_252 {offsets = [0], sizes = [1], strides = [1]} : vector<16xi32> to vector<1xi32>
    %squeeze3A_254 = vector.extract %slice3A_253[0] : i32 from vector<1xi32>
    %dma_start3A_255 = arith.constant 0 : i32
    %dma_start3A_256 = arith.constant 16 : i32
    %dma_start3A_257 = arith.constant 0 : i32
    %dma_start3A_258 = tpu.memref_slice %arg6[%dma_start3A_255, %dma_start3A_256, %dma_start3A_257] : memref<1x64x512xf32, #tpu.memory_space<vmem>> -> memref<1x1x512xf32, #tpu.memory_space<vmem>>
    %dma_start3A_259 = tpu.memref_squeeze %dma_start3A_258 : memref<1x1x512xf32, #tpu.memory_space<vmem>> -> memref<1x512xf32, #tpu.memory_space<vmem>>
    %dma_start3A_260 = arith.constant 0 : i32
    %dma_start3A_261 = tpu.memref_slice %arg2[%squeeze3A_254, %dma_start3A_260] : memref<12544x512xf32, #tpu.memory_space<hbm>> -> memref<1x512xf32, #tpu.memory_space<hbm>>
    %dma_start3A_262 = arith.constant 16 : i32
    %dma_start3A_263 = arith.constant 0 : i32
    %dma_start3A_264 = tpu.memref_slice %arg6[%dma_start3A_255, %dma_start3A_262, %dma_start3A_263] : memref<1x64x512xf32, #tpu.memory_space<vmem>> -> memref<1x1x512xf32, #tpu.memory_space<vmem>>
    %dma_start3A_265 = tpu.memref_squeeze %dma_start3A_264 : memref<1x1x512xf32, #tpu.memory_space<vmem>> -> memref<1x512xf32, #tpu.memory_space<vmem>>
    %dma_start3A_266 = arith.constant 0 : i32
    %dma_start3A_267 = tpu.memref_slice %arg2[%squeeze3A_254, %dma_start3A_266] : memref<12544x512xf32, #tpu.memory_space<hbm>> -> memref<1x512xf32, #tpu.memory_space<hbm>>
    tpu.enqueue_dma source(%dma_start3A_267 : memref<1x512xf32, #tpu.memory_space<hbm>>) target(%dma_start3A_265 : memref<1x512xf32, #tpu.memory_space<vmem>>) target_semaphore(%arg8 : memref<!tpu.dma_semaphore, #tpu.memory_space<semaphore_mem>>)
    %slice3A_268 = vector.extract_strided_slice %rem3A_252 {offsets = [1], sizes = [1], strides = [1]} : vector<16xi32> to vector<1xi32>
    %squeeze3A_269 = vector.extract %slice3A_268[0] : i32 from vector<1xi32>
    %dma_start3A_270 = arith.constant 0 : i32
    %dma_start3A_271 = arith.constant 17 : i32
    %dma_start3A_272 = arith.constant 0 : i32
    %dma_start3A_273 = tpu.memref_slice %arg6[%dma_start3A_270, %dma_start3A_271, %dma_start3A_272] : memref<1x64x512xf32, #tpu.memory_space<vmem>> -> memref<1x1x512xf32, #tpu.memory_space<vmem>>
    %dma_start3A_274 = tpu.memref_squeeze %dma_start3A_273 : memref<1x1x512xf32, #tpu.memory_space<vmem>> -> memref<1x512xf32, #tpu.memory_space<vmem>>
    %dma_start3A_275 = arith.constant 0 : i32
    %dma_start3A_276 = tpu.memref_slice %arg2[%squeeze3A_269, %dma_start3A_275] : memref<12544x512xf32, #tpu.memory_space<hbm>> -> memref<1x512xf32, #tpu.memory_space<hbm>>
    %dma_start3A_277 = arith.constant 17 : i32
    %dma_start3A_278 = arith.constant 0 : i32
    %dma_start3A_279 = tpu.memref_slice %arg6[%dma_start3A_270, %dma_start3A_277, %dma_start3A_278] : memref<1x64x512xf32, #tpu.memory_space<vmem>> -> memref<1x1x512xf32, #tpu.memory_space<vmem>>
    %dma_start3A_280 = tpu.memref_squeeze %dma_start3A_279 : memref<1x1x512xf32, #tpu.memory_space<vmem>> -> memref<1x512xf32, #tpu.memory_space<vmem>>
    %dma_start3A_281 = arith.constant 0 : i32
    %dma_start3A_282 = tpu.memref_slice %arg2[%squeeze3A_269, %dma_start3A_281] : memref<12544x512xf32, #tpu.memory_space<hbm>> -> memref<1x512xf32, #tpu.memory_space<hbm>>
    tpu.enqueue_dma source(%dma_start3A_282 : memref<1x512xf32, #tpu.memory_space<hbm>>) target(%dma_start3A_280 : memref<1x512xf32, #tpu.memory_space<vmem>>) target_semaphore(%arg8 : memref<!tpu.dma_semaphore, #tpu.memory_space<semaphore_mem>>)
    %slice3A_283 = vector.extract_strided_slice %rem3A_252 {offsets = [2], sizes = [1], strides = [1]} : vector<16xi32> to vector<1xi32>
    %squeeze3A_284 = vector.extract %slice3A_283[0] : i32 from vector<1xi32>
    %dma_start3A_285 = arith.constant 0 : i32
    %dma_start3A_286 = arith.constant 18 : i32
    %dma_start3A_287 = arith.constant 0 : i32
    %dma_start3A_288 = tpu.memref_slice %arg6[%dma_start3A_285, %dma_start3A_286, %dma_start3A_287] : memref<1x64x512xf32, #tpu.memory_space<vmem>> -> memref<1x1x512xf32, #tpu.memory_space<vmem>>
    %dma_start3A_289 = tpu.memref_squeeze %dma_start3A_288 : memref<1x1x512xf32, #tpu.memory_space<vmem>> -> memref<1x512xf32, #tpu.memory_space<vmem>>
    %dma_start3A_290 = arith.constant 0 : i32
    %dma_start3A_291 = tpu.memref_slice %arg2[%squeeze3A_284, %dma_start3A_290] : memref<12544x512xf32, #tpu.memory_space<hbm>> -> memref<1x512xf32, #tpu.memory_space<hbm>>
    %dma_start3A_292 = arith.constant 18 : i32
    %dma_start3A_293 = arith.constant 0 : i32
    %dma_start3A_294 = tpu.memref_slice %arg6[%dma_start3A_285, %dma_start3A_292, %dma_start3A_293] : memref<1x64x512xf32, #tpu.memory_space<vmem>> -> memref<1x1x512xf32, #tpu.memory_space<vmem>>
    %dma_start3A_295 = tpu.memref_squeeze %dma_start3A_294 : memref<1x1x512xf32, #tpu.memory_space<vmem>> -> memref<1x512xf32, #tpu.memory_space<vmem>>
    %dma_start3A_296 = arith.constant 0 : i32
    %dma_start3A_297 = tpu.memref_slice %arg2[%squeeze3A_284, %dma_start3A_296] : memref<12544x512xf32, #tpu.memory_space<hbm>> -> memref<1x512xf32, #tpu.memory_space<hbm>>
    tpu.enqueue_dma source(%dma_start3A_297 : memref<1x512xf32, #tpu.memory_space<hbm>>) target(%dma_start3A_295 : memref<1x512xf32, #tpu.memory_space<vmem>>) target_semaphore(%arg8 : memref<!tpu.dma_semaphore, #tpu.memory_space<semaphore_mem>>)
    %slice3A_298 = vector.extract_strided_slice %rem3A_252 {offsets = [3], sizes = [1], strides = [1]} : vector<16xi32> to vector<1xi32>
    %squeeze3A_299 = vector.extract %slice3A_298[0] : i32 from vector<1xi32>
    %dma_start3A_300 = arith.constant 0 : i32
    %dma_start3A_301 = arith.constant 19 : i32
    %dma_start3A_302 = arith.constant 0 : i32
    %dma_start3A_303 = tpu.memref_slice %arg6[%dma_start3A_300, %dma_start3A_301, %dma_start3A_302] : memref<1x64x512xf32, #tpu.memory_space<vmem>> -> memref<1x1x512xf32, #tpu.memory_space<vmem>>
    %dma_start3A_304 = tpu.memref_squeeze %dma_start3A_303 : memref<1x1x512xf32, #tpu.memory_space<vmem>> -> memref<1x512xf32, #tpu.memory_space<vmem>>
    %dma_start3A_305 = arith.constant 0 : i32
    %dma_start3A_306 = tpu.memref_slice %arg2[%squeeze3A_299, %dma_start3A_305] : memref<12544x512xf32, #tpu.memory_space<hbm>> -> memref<1x512xf32, #tpu.memory_space<hbm>>
    %dma_start3A_307 = arith.constant 19 : i32
    %dma_start3A_308 = arith.constant 0 : i32
    %dma_start3A_309 = tpu.memref_slice %arg6[%dma_start3A_300, %dma_start3A_307, %dma_start3A_308] : memref<1x64x512xf32, #tpu.memory_space<vmem>> -> memref<1x1x512xf32, #tpu.memory_space<vmem>>
    %dma_start3A_310 = tpu.memref_squeeze %dma_start3A_309 : memref<1x1x512xf32, #tpu.memory_space<vmem>> -> memref<1x512xf32, #tpu.memory_space<vmem>>
    %dma_start3A_311 = arith.constant 0 : i32
    %dma_start3A_312 = tpu.memref_slice %arg2[%squeeze3A_299, %dma_start3A_311] : memref<12544x512xf32, #tpu.memory_space<hbm>> -> memref<1x512xf32, #tpu.memory_space<hbm>>
    tpu.enqueue_dma source(%dma_start3A_312 : memref<1x512xf32, #tpu.memory_space<hbm>>) target(%dma_start3A_310 : memref<1x512xf32, #tpu.memory_space<vmem>>) target_semaphore(%arg8 : memref<!tpu.dma_semaphore, #tpu.memory_space<semaphore_mem>>)
    %slice3A_313 = vector.extract_strided_slice %rem3A_252 {offsets = [4], sizes = [1], strides = [1]} : vector<16xi32> to vector<1xi32>
    %squeeze3A_314 = vector.extract %slice3A_313[0] : i32 from vector<1xi32>
    %dma_start3A_315 = arith.constant 0 : i32
    %dma_start3A_316 = arith.constant 20 : i32
    %dma_start3A_317 = arith.constant 0 : i32
    %dma_start3A_318 = tpu.memref_slice %arg6[%dma_start3A_315, %dma_start3A_316, %dma_start3A_317] : memref<1x64x512xf32, #tpu.memory_space<vmem>> -> memref<1x1x512xf32, #tpu.memory_space<vmem>>
    %dma_start3A_319 = tpu.memref_squeeze %dma_start3A_318 : memref<1x1x512xf32, #tpu.memory_space<vmem>> -> memref<1x512xf32, #tpu.memory_space<vmem>>
    %dma_start3A_320 = arith.constant 0 : i32
    %dma_start3A_321 = tpu.memref_slice %arg2[%squeeze3A_314, %dma_start3A_320] : memref<12544x512xf32, #tpu.memory_space<hbm>> -> memref<1x512xf32, #tpu.memory_space<hbm>>
    %dma_start3A_322 = arith.constant 20 : i32
    %dma_start3A_323 = arith.constant 0 : i32
    %dma_start3A_324 = tpu.memref_slice %arg6[%dma_start3A_315, %dma_start3A_322, %dma_start3A_323] : memref<1x64x512xf32, #tpu.memory_space<vmem>> -> memref<1x1x512xf32, #tpu.memory_space<vmem>>
    %dma_start3A_325 = tpu.memref_squeeze %dma_start3A_324 : memref<1x1x512xf32, #tpu.memory_space<vmem>> -> memref<1x512xf32, #tpu.memory_space<vmem>>
    %dma_start3A_326 = arith.constant 0 : i32
    %dma_start3A_327 = tpu.memref_slice %arg2[%squeeze3A_314, %dma_start3A_326] : memref<12544x512xf32, #tpu.memory_space<hbm>> -> memref<1x512xf32, #tpu.memory_space<hbm>>
    tpu.enqueue_dma source(%dma_start3A_327 : memref<1x512xf32, #tpu.memory_space<hbm>>) target(%dma_start3A_325 : memref<1x512xf32, #tpu.memory_space<vmem>>) target_semaphore(%arg8 : memref<!tpu.dma_semaphore, #tpu.memory_space<semaphore_mem>>)
    %slice3A_328 = vector.extract_strided_slice %rem3A_252 {offsets = [5], sizes = [1], strides = [1]} : vector<16xi32> to vector<1xi32>
    %squeeze3A_329 = vector.extract %slice3A_328[0] : i32 from vector<1xi32>
    %dma_start3A_330 = arith.constant 0 : i32
    %dma_start3A_331 = arith.constant 21 : i32
    %dma_start3A_332 = arith.constant 0 : i32
    %dma_start3A_333 = tpu.memref_slice %arg6[%dma_start3A_330, %dma_start3A_331, %dma_start3A_332] : memref<1x64x512xf32, #tpu.memory_space<vmem>> -> memref<1x1x512xf32, #tpu.memory_space<vmem>>
    %dma_start3A_334 = tpu.memref_squeeze %dma_start3A_333 : memref<1x1x512xf32, #tpu.memory_space<vmem>> -> memref<1x512xf32, #tpu.memory_space<vmem>>
    %dma_start3A_335 = arith.constant 0 : i32
    %dma_start3A_336 = tpu.memref_slice %arg2[%squeeze3A_329, %dma_start3A_335] : memref<12544x512xf32, #tpu.memory_space<hbm>> -> memref<1x512xf32, #tpu.memory_space<hbm>>
    %dma_start3A_337 = arith.constant 21 : i32
    %dma_start3A_338 = arith.constant 0 : i32
    %dma_start3A_339 = tpu.memref_slice %arg6[%dma_start3A_330, %dma_start3A_337, %dma_start3A_338] : memref<1x64x512xf32, #tpu.memory_space<vmem>> -> memref<1x1x512xf32, #tpu.memory_space<vmem>>
    %dma_start3A_340 = tpu.memref_squeeze %dma_start3A_339 : memref<1x1x512xf32, #tpu.memory_space<vmem>> -> memref<1x512xf32, #tpu.memory_space<vmem>>
    %dma_start3A_341 = arith.constant 0 : i32
    %dma_start3A_342 = tpu.memref_slice %arg2[%squeeze3A_329, %dma_start3A_341] : memref<12544x512xf32, #tpu.memory_space<hbm>> -> memref<1x512xf32, #tpu.memory_space<hbm>>
    tpu.enqueue_dma source(%dma_start3A_342 : memref<1x512xf32, #tpu.memory_space<hbm>>) target(%dma_start3A_340 : memref<1x512xf32, #tpu.memory_space<vmem>>) target_semaphore(%arg8 : memref<!tpu.dma_semaphore, #tpu.memory_space<semaphore_mem>>)
    %slice3A_343 = vector.extract_strided_slice %rem3A_252 {offsets = [6], sizes = [1], strides = [1]} : vector<16xi32> to vector<1xi32>
    %squeeze3A_344 = vector.extract %slice3A_343[0] : i32 from vector<1xi32>
    %dma_start3A_345 = arith.constant 0 : i32
    %dma_start3A_346 = arith.constant 22 : i32
    %dma_start3A_347 = arith.constant 0 : i32
    %dma_start3A_348 = tpu.memref_slice %arg6[%dma_start3A_345, %dma_start3A_346, %dma_start3A_347] : memref<1x64x512xf32, #tpu.memory_space<vmem>> -> memref<1x1x512xf32, #tpu.memory_space<vmem>>
    %dma_start3A_349 = tpu.memref_squeeze %dma_start3A_348 : memref<1x1x512xf32, #tpu.memory_space<vmem>> -> memref<1x512xf32, #tpu.memory_space<vmem>>
    %dma_start3A_350 = arith.constant 0 : i32
    %dma_start3A_351 = tpu.memref_slice %arg2[%squeeze3A_344, %dma_start3A_350] : memref<12544x512xf32, #tpu.memory_space<hbm>> -> memref<1x512xf32, #tpu.memory_space<hbm>>
    %dma_start3A_352 = arith.constant 22 : i32
    %dma_start3A_353 = arith.constant 0 : i32
    %dma_start3A_354 = tpu.memref_slice %arg6[%dma_start3A_345, %dma_start3A_352, %dma_start3A_353] : memref<1x64x512xf32, #tpu.memory_space<vmem>> -> memref<1x1x512xf32, #tpu.memory_space<vmem>>
    %dma_start3A_355 = tpu.memref_squeeze %dma_start3A_354 : memref<1x1x512xf32, #tpu.memory_space<vmem>> -> memref<1x512xf32, #tpu.memory_space<vmem>>
    %dma_start3A_356 = arith.constant 0 : i32
    %dma_start3A_357 = tpu.memref_slice %arg2[%squeeze3A_344, %dma_start3A_356] : memref<12544x512xf32, #tpu.memory_space<hbm>> -> memref<1x512xf32, #tpu.memory_space<hbm>>
    tpu.enqueue_dma source(%dma_start3A_357 : memref<1x512xf32, #tpu.memory_space<hbm>>) target(%dma_start3A_355 : memref<1x512xf32, #tpu.memory_space<vmem>>) target_semaphore(%arg8 : memref<!tpu.dma_semaphore, #tpu.memory_space<semaphore_mem>>)
    %slice3A_358 = vector.extract_strided_slice %rem3A_252 {offsets = [7], sizes = [1], strides = [1]} : vector<16xi32> to vector<1xi32>
    %squeeze3A_359 = vector.extract %slice3A_358[0] : i32 from vector<1xi32>
    %dma_start3A_360 = arith.constant 0 : i32
    %dma_start3A_361 = arith.constant 23 : i32
    %dma_start3A_362 = arith.constant 0 : i32
    %dma_start3A_363 = tpu.memref_slice %arg6[%dma_start3A_360, %dma_start3A_361, %dma_start3A_362] : memref<1x64x512xf32, #tpu.memory_space<vmem>> -> memref<1x1x512xf32, #tpu.memory_space<vmem>>
    %dma_start3A_364 = tpu.memref_squeeze %dma_start3A_363 : memref<1x1x512xf32, #tpu.memory_space<vmem>> -> memref<1x512xf32, #tpu.memory_space<vmem>>
    %dma_start3A_365 = arith.constant 0 : i32
    %dma_start3A_366 = tpu.memref_slice %arg2[%squeeze3A_359, %dma_start3A_365] : memref<12544x512xf32, #tpu.memory_space<hbm>> -> memref<1x512xf32, #tpu.memory_space<hbm>>
    %dma_start3A_367 = arith.constant 23 : i32
    %dma_start3A_368 = arith.constant 0 : i32
    %dma_start3A_369 = tpu.memref_slice %arg6[%dma_start3A_360, %dma_start3A_367, %dma_start3A_368] : memref<1x64x512xf32, #tpu.memory_space<vmem>> -> memref<1x1x512xf32, #tpu.memory_space<vmem>>
    %dma_start3A_370 = tpu.memref_squeeze %dma_start3A_369 : memref<1x1x512xf32, #tpu.memory_space<vmem>> -> memref<1x512xf32, #tpu.memory_space<vmem>>
    %dma_start3A_371 = arith.constant 0 : i32
    %dma_start3A_372 = tpu.memref_slice %arg2[%squeeze3A_359, %dma_start3A_371] : memref<12544x512xf32, #tpu.memory_space<hbm>> -> memref<1x512xf32, #tpu.memory_space<hbm>>
    tpu.enqueue_dma source(%dma_start3A_372 : memref<1x512xf32, #tpu.memory_space<hbm>>) target(%dma_start3A_370 : memref<1x512xf32, #tpu.memory_space<vmem>>) target_semaphore(%arg8 : memref<!tpu.dma_semaphore, #tpu.memory_space<semaphore_mem>>)
    %slice3A_373 = vector.extract_strided_slice %rem3A_252 {offsets = [8], sizes = [1], strides = [1]} : vector<16xi32> to vector<1xi32>
    %squeeze3A_374 = vector.extract %slice3A_373[0] : i32 from vector<1xi32>
    %dma_start3A_375 = arith.constant 0 : i32
    %dma_start3A_376 = arith.constant 24 : i32
    %dma_start3A_377 = arith.constant 0 : i32
    %dma_start3A_378 = tpu.memref_slice %arg6[%dma_start3A_375, %dma_start3A_376, %dma_start3A_377] : memref<1x64x512xf32, #tpu.memory_space<vmem>> -> memref<1x1x512xf32, #tpu.memory_space<vmem>>
    %dma_start3A_379 = tpu.memref_squeeze %dma_start3A_378 : memref<1x1x512xf32, #tpu.memory_space<vmem>> -> memref<1x512xf32, #tpu.memory_space<vmem>>
    %dma_start3A_380 = arith.constant 0 : i32
    %dma_start3A_381 = tpu.memref_slice %arg2[%squeeze3A_374, %dma_start3A_380] : memref<12544x512xf32, #tpu.memory_space<hbm>> -> memref<1x512xf32, #tpu.memory_space<hbm>>
    %dma_start3A_382 = arith.constant 24 : i32
    %dma_start3A_383 = arith.constant 0 : i32
    %dma_start3A_384 = tpu.memref_slice %arg6[%dma_start3A_375, %dma_start3A_382, %dma_start3A_383] : memref<1x64x512xf32, #tpu.memory_space<vmem>> -> memref<1x1x512xf32, #tpu.memory_space<vmem>>
    %dma_start3A_385 = tpu.memref_squeeze %dma_start3A_384 : memref<1x1x512xf32, #tpu.memory_space<vmem>> -> memref<1x512xf32, #tpu.memory_space<vmem>>
    %dma_start3A_386 = arith.constant 0 : i32
    %dma_start3A_387 = tpu.memref_slice %arg2[%squeeze3A_374, %dma_start3A_386] : memref<12544x512xf32, #tpu.memory_space<hbm>> -> memref<1x512xf32, #tpu.memory_space<hbm>>
    tpu.enqueue_dma source(%dma_start3A_387 : memref<1x512xf32, #tpu.memory_space<hbm>>) target(%dma_start3A_385 : memref<1x512xf32, #tpu.memory_space<vmem>>) target_semaphore(%arg8 : memref<!tpu.dma_semaphore, #tpu.memory_space<semaphore_mem>>)
    %slice3A_388 = vector.extract_strided_slice %rem3A_252 {offsets = [9], sizes = [1], strides = [1]} : vector<16xi32> to vector<1xi32>
    %squeeze3A_389 = vector.extract %slice3A_388[0] : i32 from vector<1xi32>
    %dma_start3A_390 = arith.constant 0 : i32
    %dma_start3A_391 = arith.constant 25 : i32
    %dma_start3A_392 = arith.constant 0 : i32
    %dma_start3A_393 = tpu.memref_slice %arg6[%dma_start3A_390, %dma_start3A_391, %dma_start3A_392] : memref<1x64x512xf32, #tpu.memory_space<vmem>> -> memref<1x1x512xf32, #tpu.memory_space<vmem>>
    %dma_start3A_394 = tpu.memref_squeeze %dma_start3A_393 : memref<1x1x512xf32, #tpu.memory_space<vmem>> -> memref<1x512xf32, #tpu.memory_space<vmem>>
    %dma_start3A_395 = arith.constant 0 : i32
    %dma_start3A_396 = tpu.memref_slice %arg2[%squeeze3A_389, %dma_start3A_395] : memref<12544x512xf32, #tpu.memory_space<hbm>> -> memref<1x512xf32, #tpu.memory_space<hbm>>
    %dma_start3A_397 = arith.constant 25 : i32
    %dma_start3A_398 = arith.constant 0 : i32
    %dma_start3A_399 = tpu.memref_slice %arg6[%dma_start3A_390, %dma_start3A_397, %dma_start3A_398] : memref<1x64x512xf32, #tpu.memory_space<vmem>> -> memref<1x1x512xf32, #tpu.memory_space<vmem>>
    %dma_start3A_400 = tpu.memref_squeeze %dma_start3A_399 : memref<1x1x512xf32, #tpu.memory_space<vmem>> -> memref<1x512xf32, #tpu.memory_space<vmem>>
    %dma_start3A_401 = arith.constant 0 : i32
    %dma_start3A_402 = tpu.memref_slice %arg2[%squeeze3A_389, %dma_start3A_401] : memref<12544x512xf32, #tpu.memory_space<hbm>> -> memref<1x512xf32, #tpu.memory_space<hbm>>
    tpu.enqueue_dma source(%dma_start3A_402 : memref<1x512xf32, #tpu.memory_space<hbm>>) target(%dma_start3A_400 : memref<1x512xf32, #tpu.memory_space<vmem>>) target_semaphore(%arg8 : memref<!tpu.dma_semaphore, #tpu.memory_space<semaphore_mem>>)
    %slice3A_403 = vector.extract_strided_slice %rem3A_252 {offsets = [10], sizes = [1], strides = [1]} : vector<16xi32> to vector<1xi32>
    %squeeze3A_404 = vector.extract %slice3A_403[0] : i32 from vector<1xi32>
    %dma_start3A_405 = arith.constant 0 : i32
    %dma_start3A_406 = arith.constant 26 : i32
    %dma_start3A_407 = arith.constant 0 : i32
    %dma_start3A_408 = tpu.memref_slice %arg6[%dma_start3A_405, %dma_start3A_406, %dma_start3A_407] : memref<1x64x512xf32, #tpu.memory_space<vmem>> -> memref<1x1x512xf32, #tpu.memory_space<vmem>>
    %dma_start3A_409 = tpu.memref_squeeze %dma_start3A_408 : memref<1x1x512xf32, #tpu.memory_space<vmem>> -> memref<1x512xf32, #tpu.memory_space<vmem>>
    %dma_start3A_410 = arith.constant 0 : i32
    %dma_start3A_411 = tpu.memref_slice %arg2[%squeeze3A_404, %dma_start3A_410] : memref<12544x512xf32, #tpu.memory_space<hbm>> -> memref<1x512xf32, #tpu.memory_space<hbm>>
    %dma_start3A_412 = arith.constant 26 : i32
    %dma_start3A_413 = arith.constant 0 : i32
    %dma_start3A_414 = tpu.memref_slice %arg6[%dma_start3A_405, %dma_start3A_412, %dma_start3A_413] : memref<1x64x512xf32, #tpu.memory_space<vmem>> -> memref<1x1x512xf32, #tpu.memory_space<vmem>>
    %dma_start3A_415 = tpu.memref_squeeze %dma_start3A_414 : memref<1x1x512xf32, #tpu.memory_space<vmem>> -> memref<1x512xf32, #tpu.memory_space<vmem>>
    %dma_start3A_416 = arith.constant 0 : i32
    %dma_start3A_417 = tpu.memref_slice %arg2[%squeeze3A_404, %dma_start3A_416] : memref<12544x512xf32, #tpu.memory_space<hbm>> -> memref<1x512xf32, #tpu.memory_space<hbm>>
    tpu.enqueue_dma source(%dma_start3A_417 : memref<1x512xf32, #tpu.memory_space<hbm>>) target(%dma_start3A_415 : memref<1x512xf32, #tpu.memory_space<vmem>>) target_semaphore(%arg8 : memref<!tpu.dma_semaphore, #tpu.memory_space<semaphore_mem>>)
    %slice3A_418 = vector.extract_strided_slice %rem3A_252 {offsets = [11], sizes = [1], strides = [1]} : vector<16xi32> to vector<1xi32>
    %squeeze3A_419 = vector.extract %slice3A_418[0] : i32 from vector<1xi32>
    %dma_start3A_420 = arith.constant 0 : i32
    %dma_start3A_421 = arith.constant 27 : i32
    %dma_start3A_422 = arith.constant 0 : i32
    %dma_start3A_423 = tpu.memref_slice %arg6[%dma_start3A_420, %dma_start3A_421, %dma_start3A_422] : memref<1x64x512xf32, #tpu.memory_space<vmem>> -> memref<1x1x512xf32, #tpu.memory_space<vmem>>
    %dma_start3A_424 = tpu.memref_squeeze %dma_start3A_423 : memref<1x1x512xf32, #tpu.memory_space<vmem>> -> memref<1x512xf32, #tpu.memory_space<vmem>>
    %dma_start3A_425 = arith.constant 0 : i32
    %dma_start3A_426 = tpu.memref_slice %arg2[%squeeze3A_419, %dma_start3A_425] : memref<12544x512xf32, #tpu.memory_space<hbm>> -> memref<1x512xf32, #tpu.memory_space<hbm>>
    %dma_start3A_427 = arith.constant 27 : i32
    %dma_start3A_428 = arith.constant 0 : i32
    %dma_start3A_429 = tpu.memref_slice %arg6[%dma_start3A_420, %dma_start3A_427, %dma_start3A_428] : memref<1x64x512xf32, #tpu.memory_space<vmem>> -> memref<1x1x512xf32, #tpu.memory_space<vmem>>
    %dma_start3A_430 = tpu.memref_squeeze %dma_start3A_429 : memref<1x1x512xf32, #tpu.memory_space<vmem>> -> memref<1x512xf32, #tpu.memory_space<vmem>>
    %dma_start3A_431 = arith.constant 0 : i32
    %dma_start3A_432 = tpu.memref_slice %arg2[%squeeze3A_419, %dma_start3A_431] : memref<12544x512xf32, #tpu.memory_space<hbm>> -> memref<1x512xf32, #tpu.memory_space<hbm>>
    tpu.enqueue_dma source(%dma_start3A_432 : memref<1x512xf32, #tpu.memory_space<hbm>>) target(%dma_start3A_430 : memref<1x512xf32, #tpu.memory_space<vmem>>) target_semaphore(%arg8 : memref<!tpu.dma_semaphore, #tpu.memory_space<semaphore_mem>>)
    %slice3A_433 = vector.extract_strided_slice %rem3A_252 {offsets = [12], sizes = [1], strides = [1]} : vector<16xi32> to vector<1xi32>
    %squeeze3A_434 = vector.extract %slice3A_433[0] : i32 from vector<1xi32>
    %dma_start3A_435 = arith.constant 0 : i32
    %dma_start3A_436 = arith.constant 28 : i32
    %dma_start3A_437 = arith.constant 0 : i32
    %dma_start3A_438 = tpu.memref_slice %arg6[%dma_start3A_435, %dma_start3A_436, %dma_start3A_437] : memref<1x64x512xf32, #tpu.memory_space<vmem>> -> memref<1x1x512xf32, #tpu.memory_space<vmem>>
    %dma_start3A_439 = tpu.memref_squeeze %dma_start3A_438 : memref<1x1x512xf32, #tpu.memory_space<vmem>> -> memref<1x512xf32, #tpu.memory_space<vmem>>
    %dma_start3A_440 = arith.constant 0 : i32
    %dma_start3A_441 = tpu.memref_slice %arg2[%squeeze3A_434, %dma_start3A_440] : memref<12544x512xf32, #tpu.memory_space<hbm>> -> memref<1x512xf32, #tpu.memory_space<hbm>>
    %dma_start3A_442 = arith.constant 28 : i32
    %dma_start3A_443 = arith.constant 0 : i32
    %dma_start3A_444 = tpu.memref_slice %arg6[%dma_start3A_435, %dma_start3A_442, %dma_start3A_443] : memref<1x64x512xf32, #tpu.memory_space<vmem>> -> memref<1x1x512xf32, #tpu.memory_space<vmem>>
    %dma_start3A_445 = tpu.memref_squeeze %dma_start3A_444 : memref<1x1x512xf32, #tpu.memory_space<vmem>> -> memref<1x512xf32, #tpu.memory_space<vmem>>
    %dma_start3A_446 = arith.constant 0 : i32
    %dma_start3A_447 = tpu.memref_slice %arg2[%squeeze3A_434, %dma_start3A_446] : memref<12544x512xf32, #tpu.memory_space<hbm>> -> memref<1x512xf32, #tpu.memory_space<hbm>>
    tpu.enqueue_dma source(%dma_start3A_447 : memref<1x512xf32, #tpu.memory_space<hbm>>) target(%dma_start3A_445 : memref<1x512xf32, #tpu.memory_space<vmem>>) target_semaphore(%arg8 : memref<!tpu.dma_semaphore, #tpu.memory_space<semaphore_mem>>)
    %slice3A_448 = vector.extract_strided_slice %rem3A_252 {offsets = [13], sizes = [1], strides = [1]} : vector<16xi32> to vector<1xi32>
    %squeeze3A_449 = vector.extract %slice3A_448[0] : i32 from vector<1xi32>
    %dma_start3A_450 = arith.constant 0 : i32
    %dma_start3A_451 = arith.constant 29 : i32
    %dma_start3A_452 = arith.constant 0 : i32
    %dma_start3A_453 = tpu.memref_slice %arg6[%dma_start3A_450, %dma_start3A_451, %dma_start3A_452] : memref<1x64x512xf32, #tpu.memory_space<vmem>> -> memref<1x1x512xf32, #tpu.memory_space<vmem>>
    %dma_start3A_454 = tpu.memref_squeeze %dma_start3A_453 : memref<1x1x512xf32, #tpu.memory_space<vmem>> -> memref<1x512xf32, #tpu.memory_space<vmem>>
    %dma_start3A_455 = arith.constant 0 : i32
    %dma_start3A_456 = tpu.memref_slice %arg2[%squeeze3A_449, %dma_start3A_455] : memref<12544x512xf32, #tpu.memory_space<hbm>> -> memref<1x512xf32, #tpu.memory_space<hbm>>
    %dma_start3A_457 = arith.constant 29 : i32
    %dma_start3A_458 = arith.constant 0 : i32
    %dma_start3A_459 = tpu.memref_slice %arg6[%dma_start3A_450, %dma_start3A_457, %dma_start3A_458] : memref<1x64x512xf32, #tpu.memory_space<vmem>> -> memref<1x1x512xf32, #tpu.memory_space<vmem>>
    %dma_start3A_460 = tpu.memref_squeeze %dma_start3A_459 : memref<1x1x512xf32, #tpu.memory_space<vmem>> -> memref<1x512xf32, #tpu.memory_space<vmem>>
    %dma_start3A_461 = arith.constant 0 : i32
    %dma_start3A_462 = tpu.memref_slice %arg2[%squeeze3A_449, %dma_start3A_461] : memref<12544x512xf32, #tpu.memory_space<hbm>> -> memref<1x512xf32, #tpu.memory_space<hbm>>
    tpu.enqueue_dma source(%dma_start3A_462 : memref<1x512xf32, #tpu.memory_space<hbm>>) target(%dma_start3A_460 : memref<1x512xf32, #tpu.memory_space<vmem>>) target_semaphore(%arg8 : memref<!tpu.dma_semaphore, #tpu.memory_space<semaphore_mem>>)
    %slice3A_463 = vector.extract_strided_slice %rem3A_252 {offsets = [14], sizes = [1], strides = [1]} : vector<16xi32> to vector<1xi32>
    %squeeze3A_464 = vector.extract %slice3A_463[0] : i32 from vector<1xi32>
    %dma_start3A_465 = arith.constant 0 : i32
    %dma_start3A_466 = arith.constant 30 : i32
    %dma_start3A_467 = arith.constant 0 : i32
    %dma_start3A_468 = tpu.memref_slice %arg6[%dma_start3A_465, %dma_start3A_466, %dma_start3A_467] : memref<1x64x512xf32, #tpu.memory_space<vmem>> -> memref<1x1x512xf32, #tpu.memory_space<vmem>>
    %dma_start3A_469 = tpu.memref_squeeze %dma_start3A_468 : memref<1x1x512xf32, #tpu.memory_space<vmem>> -> memref<1x512xf32, #tpu.memory_space<vmem>>
    %dma_start3A_470 = arith.constant 0 : i32
    %dma_start3A_471 = tpu.memref_slice %arg2[%squeeze3A_464, %dma_start3A_470] : memref<12544x512xf32, #tpu.memory_space<hbm>> -> memref<1x512xf32, #tpu.memory_space<hbm>>
    %dma_start3A_472 = arith.constant 30 : i32
    %dma_start3A_473 = arith.constant 0 : i32
    %dma_start3A_474 = tpu.memref_slice %arg6[%dma_start3A_465, %dma_start3A_472, %dma_start3A_473] : memref<1x64x512xf32, #tpu.memory_space<vmem>> -> memref<1x1x512xf32, #tpu.memory_space<vmem>>
    %dma_start3A_475 = tpu.memref_squeeze %dma_start3A_474 : memref<1x1x512xf32, #tpu.memory_space<vmem>> -> memref<1x512xf32, #tpu.memory_space<vmem>>
    %dma_start3A_476 = arith.constant 0 : i32
    %dma_start3A_477 = tpu.memref_slice %arg2[%squeeze3A_464, %dma_start3A_476] : memref<12544x512xf32, #tpu.memory_space<hbm>> -> memref<1x512xf32, #tpu.memory_space<hbm>>
    tpu.enqueue_dma source(%dma_start3A_477 : memref<1x512xf32, #tpu.memory_space<hbm>>) target(%dma_start3A_475 : memref<1x512xf32, #tpu.memory_space<vmem>>) target_semaphore(%arg8 : memref<!tpu.dma_semaphore, #tpu.memory_space<semaphore_mem>>)
    %slice3A_478 = vector.extract_strided_slice %rem3A_252 {offsets = [15], sizes = [1], strides = [1]} : vector<16xi32> to vector<1xi32>
    %squeeze3A_479 = vector.extract %slice3A_478[0] : i32 from vector<1xi32>
    %dma_start3A_480 = arith.constant 0 : i32
    %dma_start3A_481 = arith.constant 31 : i32
    %dma_start3A_482 = arith.constant 0 : i32
    %dma_start3A_483 = tpu.memref_slice %arg6[%dma_start3A_480, %dma_start3A_481, %dma_start3A_482] : memref<1x64x512xf32, #tpu.memory_space<vmem>> -> memref<1x1x512xf32, #tpu.memory_space<vmem>>
    %dma_start3A_484 = tpu.memref_squeeze %dma_start3A_483 : memref<1x1x512xf32, #tpu.memory_space<vmem>> -> memref<1x512xf32, #tpu.memory_space<vmem>>
    %dma_start3A_485 = arith.constant 0 : i32
    %dma_start3A_486 = tpu.memref_slice %arg2[%squeeze3A_479, %dma_start3A_485] : memref<12544x512xf32, #tpu.memory_space<hbm>> -> memref<1x512xf32, #tpu.memory_space<hbm>>
    %dma_start3A_487 = arith.constant 31 : i32
    %dma_start3A_488 = arith.constant 0 : i32
    %dma_start3A_489 = tpu.memref_slice %arg6[%dma_start3A_480, %dma_start3A_487, %dma_start3A_488] : memref<1x64x512xf32, #tpu.memory_space<vmem>> -> memref<1x1x512xf32, #tpu.memory_space<vmem>>
    %dma_start3A_490 = tpu.memref_squeeze %dma_start3A_489 : memref<1x1x512xf32, #tpu.memory_space<vmem>> -> memref<1x512xf32, #tpu.memory_space<vmem>>
    %dma_start3A_491 = arith.constant 0 : i32
    %dma_start3A_492 = tpu.memref_slice %arg2[%squeeze3A_479, %dma_start3A_491] : memref<12544x512xf32, #tpu.memory_space<hbm>> -> memref<1x512xf32, #tpu.memory_space<hbm>>
    tpu.enqueue_dma source(%dma_start3A_492 : memref<1x512xf32, #tpu.memory_space<hbm>>) target(%dma_start3A_490 : memref<1x512xf32, #tpu.memory_space<vmem>>) target_semaphore(%arg8 : memref<!tpu.dma_semaphore, #tpu.memory_space<semaphore_mem>>)
    %get3A_493 = arith.constant 32 : index
    %get3A_494 = tpu.vector_load %arg5[%get3A_493] {strides = array<i32>} : memref<64xi32, #tpu.memory_space<vmem>>, vector<16xi32>,
    %get3A_495 = vector.shape_cast %get3A_494 : vector<16xi32> to vector<16xi32>
    %rem3A_496 = arith.constant 12544 : i32
    %rem3A_497 = vector.broadcast %rem3A_496 : i32 to vector<16xi32>
    %rem3A_498 = arith.remsi %get3A_495, %rem3A_497 : vector<16xi32>
    %slice3A_499 = vector.extract_strided_slice %rem3A_498 {offsets = [0], sizes = [1], strides = [1]} : vector<16xi32> to vector<1xi32>
    %squeeze3A_500 = vector.extract %slice3A_499[0] : i32 from vector<1xi32>
    %dma_start3A_501 = arith.constant 0 : i32
    %dma_start3A_502 = arith.constant 32 : i32
    %dma_start3A_503 = arith.constant 0 : i32
    %dma_start3A_504 = tpu.memref_slice %arg6[%dma_start3A_501, %dma_start3A_502, %dma_start3A_503] : memref<1x64x512xf32, #tpu.memory_space<vmem>> -> memref<1x1x512xf32, #tpu.memory_space<vmem>>
    %dma_start3A_505 = tpu.memref_squeeze %dma_start3A_504 : memref<1x1x512xf32, #tpu.memory_space<vmem>> -> memref<1x512xf32, #tpu.memory_space<vmem>>
    %dma_start3A_506 = arith.constant 0 : i32
    %dma_start3A_507 = tpu.memref_slice %arg2[%squeeze3A_500, %dma_start3A_506] : memref<12544x512xf32, #tpu.memory_space<hbm>> -> memref<1x512xf32, #tpu.memory_space<hbm>>
    %dma_start3A_508 = arith.constant 32 : i32
    %dma_start3A_509 = arith.constant 0 : i32
    %dma_start3A_510 = tpu.memref_slice %arg6[%dma_start3A_501, %dma_start3A_508, %dma_start3A_509] : memref<1x64x512xf32, #tpu.memory_space<vmem>> -> memref<1x1x512xf32, #tpu.memory_space<vmem>>
    %dma_start3A_511 = tpu.memref_squeeze %dma_start3A_510 : memref<1x1x512xf32, #tpu.memory_space<vmem>> -> memref<1x512xf32, #tpu.memory_space<vmem>>
    %dma_start3A_512 = arith.constant 0 : i32
    %dma_start3A_513 = tpu.memref_slice %arg2[%squeeze3A_500, %dma_start3A_512] : memref<12544x512xf32, #tpu.memory_space<hbm>> -> memref<1x512xf32, #tpu.memory_space<hbm>>
    tpu.enqueue_dma source(%dma_start3A_513 : memref<1x512xf32, #tpu.memory_space<hbm>>) target(%dma_start3A_511 : memref<1x512xf32, #tpu.memory_space<vmem>>) target_semaphore(%arg8 : memref<!tpu.dma_semaphore, #tpu.memory_space<semaphore_mem>>)
    %slice3A_514 = vector.extract_strided_slice %rem3A_498 {offsets = [1], sizes = [1], strides = [1]} : vector<16xi32> to vector<1xi32>
    %squeeze3A_515 = vector.extract %slice3A_514[0] : i32 from vector<1xi32>
    %dma_start3A_516 = arith.constant 0 : i32
    %dma_start3A_517 = arith.constant 33 : i32
    %dma_start3A_518 = arith.constant 0 : i32
    %dma_start3A_519 = tpu.memref_slice %arg6[%dma_start3A_516, %dma_start3A_517, %dma_start3A_518] : memref<1x64x512xf32, #tpu.memory_space<vmem>> -> memref<1x1x512xf32, #tpu.memory_space<vmem>>
    %dma_start3A_520 = tpu.memref_squeeze %dma_start3A_519 : memref<1x1x512xf32, #tpu.memory_space<vmem>> -> memref<1x512xf32, #tpu.memory_space<vmem>>
    %dma_start3A_521 = arith.constant 0 : i32
    %dma_start3A_522 = tpu.memref_slice %arg2[%squeeze3A_515, %dma_start3A_521] : memref<12544x512xf32, #tpu.memory_space<hbm>> -> memref<1x512xf32, #tpu.memory_space<hbm>>
    %dma_start3A_523 = arith.constant 33 : i32
    %dma_start3A_524 = arith.constant 0 : i32
    %dma_start3A_525 = tpu.memref_slice %arg6[%dma_start3A_516, %dma_start3A_523, %dma_start3A_524] : memref<1x64x512xf32, #tpu.memory_space<vmem>> -> memref<1x1x512xf32, #tpu.memory_space<vmem>>
    %dma_start3A_526 = tpu.memref_squeeze %dma_start3A_525 : memref<1x1x512xf32, #tpu.memory_space<vmem>> -> memref<1x512xf32, #tpu.memory_space<vmem>>
    %dma_start3A_527 = arith.constant 0 : i32
    %dma_start3A_528 = tpu.memref_slice %arg2[%squeeze3A_515, %dma_start3A_527] : memref<12544x512xf32, #tpu.memory_space<hbm>> -> memref<1x512xf32, #tpu.memory_space<hbm>>
    tpu.enqueue_dma source(%dma_start3A_528 : memref<1x512xf32, #tpu.memory_space<hbm>>) target(%dma_start3A_526 : memref<1x512xf32, #tpu.memory_space<vmem>>) target_semaphore(%arg8 : memref<!tpu.dma_semaphore, #tpu.memory_space<semaphore_mem>>)
    %slice3A_529 = vector.extract_strided_slice %rem3A_498 {offsets = [2], sizes = [1], strides = [1]} : vector<16xi32> to vector<1xi32>
    %squeeze3A_530 = vector.extract %slice3A_529[0] : i32 from vector<1xi32>
    %dma_start3A_531 = arith.constant 0 : i32
    %dma_start3A_532 = arith.constant 34 : i32
    %dma_start3A_533 = arith.constant 0 : i32
    %dma_start3A_534 = tpu.memref_slice %arg6[%dma_start3A_531, %dma_start3A_532, %dma_start3A_533] : memref<1x64x512xf32, #tpu.memory_space<vmem>> -> memref<1x1x512xf32, #tpu.memory_space<vmem>>
    %dma_start3A_535 = tpu.memref_squeeze %dma_start3A_534 : memref<1x1x512xf32, #tpu.memory_space<vmem>> -> memref<1x512xf32, #tpu.memory_space<vmem>>
    %dma_start3A_536 = arith.constant 0 : i32
    %dma_start3A_537 = tpu.memref_slice %arg2[%squeeze3A_530, %dma_start3A_536] : memref<12544x512xf32, #tpu.memory_space<hbm>> -> memref<1x512xf32, #tpu.memory_space<hbm>>
    %dma_start3A_538 = arith.constant 34 : i32
    %dma_start3A_539 = arith.constant 0 : i32
    %dma_start3A_540 = tpu.memref_slice %arg6[%dma_start3A_531, %dma_start3A_538, %dma_start3A_539] : memref<1x64x512xf32, #tpu.memory_space<vmem>> -> memref<1x1x512xf32, #tpu.memory_space<vmem>>
    %dma_start3A_541 = tpu.memref_squeeze %dma_start3A_540 : memref<1x1x512xf32, #tpu.memory_space<vmem>> -> memref<1x512xf32, #tpu.memory_space<vmem>>
    %dma_start3A_542 = arith.constant 0 : i32
    %dma_start3A_543 = tpu.memref_slice %arg2[%squeeze3A_530, %dma_start3A_542] : memref<12544x512xf32, #tpu.memory_space<hbm>> -> memref<1x512xf32, #tpu.memory_space<hbm>>
    tpu.enqueue_dma source(%dma_start3A_543 : memref<1x512xf32, #tpu.memory_space<hbm>>) target(%dma_start3A_541 : memref<1x512xf32, #tpu.memory_space<vmem>>) target_semaphore(%arg8 : memref<!tpu.dma_semaphore, #tpu.memory_space<semaphore_mem>>)
    %slice3A_544 = vector.extract_strided_slice %rem3A_498 {offsets = [3], sizes = [1], strides = [1]} : vector<16xi32> to vector<1xi32>
    %squeeze3A_545 = vector.extract %slice3A_544[0] : i32 from vector<1xi32>
    %dma_start3A_546 = arith.constant 0 : i32
    %dma_start3A_547 = arith.constant 35 : i32
    %dma_start3A_548 = arith.constant 0 : i32
    %dma_start3A_549 = tpu.memref_slice %arg6[%dma_start3A_546, %dma_start3A_547, %dma_start3A_548] : memref<1x64x512xf32, #tpu.memory_space<vmem>> -> memref<1x1x512xf32, #tpu.memory_space<vmem>>
    %dma_start3A_550 = tpu.memref_squeeze %dma_start3A_549 : memref<1x1x512xf32, #tpu.memory_space<vmem>> -> memref<1x512xf32, #tpu.memory_space<vmem>>
    %dma_start3A_551 = arith.constant 0 : i32
    %dma_start3A_552 = tpu.memref_slice %arg2[%squeeze3A_545, %dma_start3A_551] : memref<12544x512xf32, #tpu.memory_space<hbm>> -> memref<1x512xf32, #tpu.memory_space<hbm>>
    %dma_start3A_553 = arith.constant 35 : i32
    %dma_start3A_554 = arith.constant 0 : i32
    %dma_start3A_555 = tpu.memref_slice %arg6[%dma_start3A_546, %dma_start3A_553, %dma_start3A_554] : memref<1x64x512xf32, #tpu.memory_space<vmem>> -> memref<1x1x512xf32, #tpu.memory_space<vmem>>
    %dma_start3A_556 = tpu.memref_squeeze %dma_start3A_555 : memref<1x1x512xf32, #tpu.memory_space<vmem>> -> memref<1x512xf32, #tpu.memory_space<vmem>>
    %dma_start3A_557 = arith.constant 0 : i32
    %dma_start3A_558 = tpu.memref_slice %arg2[%squeeze3A_545, %dma_start3A_557] : memref<12544x512xf32, #tpu.memory_space<hbm>> -> memref<1x512xf32, #tpu.memory_space<hbm>>
    tpu.enqueue_dma source(%dma_start3A_558 : memref<1x512xf32, #tpu.memory_space<hbm>>) target(%dma_start3A_556 : memref<1x512xf32, #tpu.memory_space<vmem>>) target_semaphore(%arg8 : memref<!tpu.dma_semaphore, #tpu.memory_space<semaphore_mem>>)
    %slice3A_559 = vector.extract_strided_slice %rem3A_498 {offsets = [4], sizes = [1], strides = [1]} : vector<16xi32> to vector<1xi32>
    %squeeze3A_560 = vector.extract %slice3A_559[0] : i32 from vector<1xi32>
    %dma_start3A_561 = arith.constant 0 : i32
    %dma_start3A_562 = arith.constant 36 : i32
    %dma_start3A_563 = arith.constant 0 : i32
    %dma_start3A_564 = tpu.memref_slice %arg6[%dma_start3A_561, %dma_start3A_562, %dma_start3A_563] : memref<1x64x512xf32, #tpu.memory_space<vmem>> -> memref<1x1x512xf32, #tpu.memory_space<vmem>>
    %dma_start3A_565 = tpu.memref_squeeze %dma_start3A_564 : memref<1x1x512xf32, #tpu.memory_space<vmem>> -> memref<1x512xf32, #tpu.memory_space<vmem>>
    %dma_start3A_566 = arith.constant 0 : i32
    %dma_start3A_567 = tpu.memref_slice %arg2[%squeeze3A_560, %dma_start3A_566] : memref<12544x512xf32, #tpu.memory_space<hbm>> -> memref<1x512xf32, #tpu.memory_space<hbm>>
    %dma_start3A_568 = arith.constant 36 : i32
    %dma_start3A_569 = arith.constant 0 : i32
    %dma_start3A_570 = tpu.memref_slice %arg6[%dma_start3A_561, %dma_start3A_568, %dma_start3A_569] : memref<1x64x512xf32, #tpu.memory_space<vmem>> -> memref<1x1x512xf32, #tpu.memory_space<vmem>>
    %dma_start3A_571 = tpu.memref_squeeze %dma_start3A_570 : memref<1x1x512xf32, #tpu.memory_space<vmem>> -> memref<1x512xf32, #tpu.memory_space<vmem>>
    %dma_start3A_572 = arith.constant 0 : i32
    %dma_start3A_573 = tpu.memref_slice %arg2[%squeeze3A_560, %dma_start3A_572] : memref<12544x512xf32, #tpu.memory_space<hbm>> -> memref<1x512xf32, #tpu.memory_space<hbm>>
    tpu.enqueue_dma source(%dma_start3A_573 : memref<1x512xf32, #tpu.memory_space<hbm>>) target(%dma_start3A_571 : memref<1x512xf32, #tpu.memory_space<vmem>>) target_semaphore(%arg8 : memref<!tpu.dma_semaphore, #tpu.memory_space<semaphore_mem>>)
    %slice3A_574 = vector.extract_strided_slice %rem3A_498 {offsets = [5], sizes = [1], strides = [1]} : vector<16xi32> to vector<1xi32>
    %squeeze3A_575 = vector.extract %slice3A_574[0] : i32 from vector<1xi32>
    %dma_start3A_576 = arith.constant 0 : i32
    %dma_start3A_577 = arith.constant 37 : i32
    %dma_start3A_578 = arith.constant 0 : i32
    %dma_start3A_579 = tpu.memref_slice %arg6[%dma_start3A_576, %dma_start3A_577, %dma_start3A_578] : memref<1x64x512xf32, #tpu.memory_space<vmem>> -> memref<1x1x512xf32, #tpu.memory_space<vmem>>
    %dma_start3A_580 = tpu.memref_squeeze %dma_start3A_579 : memref<1x1x512xf32, #tpu.memory_space<vmem>> -> memref<1x512xf32, #tpu.memory_space<vmem>>
    %dma_start3A_581 = arith.constant 0 : i32
    %dma_start3A_582 = tpu.memref_slice %arg2[%squeeze3A_575, %dma_start3A_581] : memref<12544x512xf32, #tpu.memory_space<hbm>> -> memref<1x512xf32, #tpu.memory_space<hbm>>
    %dma_start3A_583 = arith.constant 37 : i32
    %dma_start3A_584 = arith.constant 0 : i32
    %dma_start3A_585 = tpu.memref_slice %arg6[%dma_start3A_576, %dma_start3A_583, %dma_start3A_584] : memref<1x64x512xf32, #tpu.memory_space<vmem>> -> memref<1x1x512xf32, #tpu.memory_space<vmem>>
    %dma_start3A_586 = tpu.memref_squeeze %dma_start3A_585 : memref<1x1x512xf32, #tpu.memory_space<vmem>> -> memref<1x512xf32, #tpu.memory_space<vmem>>
    %dma_start3A_587 = arith.constant 0 : i32
    %dma_start3A_588 = tpu.memref_slice %arg2[%squeeze3A_575, %dma_start3A_587] : memref<12544x512xf32, #tpu.memory_space<hbm>> -> memref<1x512xf32, #tpu.memory_space<hbm>>
    tpu.enqueue_dma source(%dma_start3A_588 : memref<1x512xf32, #tpu.memory_space<hbm>>) target(%dma_start3A_586 : memref<1x512xf32, #tpu.memory_space<vmem>>) target_semaphore(%arg8 : memref<!tpu.dma_semaphore, #tpu.memory_space<semaphore_mem>>)
    %slice3A_589 = vector.extract_strided_slice %rem3A_498 {offsets = [6], sizes = [1], strides = [1]} : vector<16xi32> to vector<1xi32>
    %squeeze3A_590 = vector.extract %slice3A_589[0] : i32 from vector<1xi32>
    %dma_start3A_591 = arith.constant 0 : i32
    %dma_start3A_592 = arith.constant 38 : i32
    %dma_start3A_593 = arith.constant 0 : i32
    %dma_start3A_594 = tpu.memref_slice %arg6[%dma_start3A_591, %dma_start3A_592, %dma_start3A_593] : memref<1x64x512xf32, #tpu.memory_space<vmem>> -> memref<1x1x512xf32, #tpu.memory_space<vmem>>
    %dma_start3A_595 = tpu.memref_squeeze %dma_start3A_594 : memref<1x1x512xf32, #tpu.memory_space<vmem>> -> memref<1x512xf32, #tpu.memory_space<vmem>>
    %dma_start3A_596 = arith.constant 0 : i32
    %dma_start3A_597 = tpu.memref_slice %arg2[%squeeze3A_590, %dma_start3A_596] : memref<12544x512xf32, #tpu.memory_space<hbm>> -> memref<1x512xf32, #tpu.memory_space<hbm>>
    %dma_start3A_598 = arith.constant 38 : i32
    %dma_start3A_599 = arith.constant 0 : i32
    %dma_start3A_600 = tpu.memref_slice %arg6[%dma_start3A_591, %dma_start3A_598, %dma_start3A_599] : memref<1x64x512xf32, #tpu.memory_space<vmem>> -> memref<1x1x512xf32, #tpu.memory_space<vmem>>
    %dma_start3A_601 = tpu.memref_squeeze %dma_start3A_600 : memref<1x1x512xf32, #tpu.memory_space<vmem>> -> memref<1x512xf32, #tpu.memory_space<vmem>>
    %dma_start3A_602 = arith.constant 0 : i32
    %dma_start3A_603 = tpu.memref_slice %arg2[%squeeze3A_590, %dma_start3A_602] : memref<12544x512xf32, #tpu.memory_space<hbm>> -> memref<1x512xf32, #tpu.memory_space<hbm>>
    tpu.enqueue_dma source(%dma_start3A_603 : memref<1x512xf32, #tpu.memory_space<hbm>>) target(%dma_start3A_601 : memref<1x512xf32, #tpu.memory_space<vmem>>) target_semaphore(%arg8 : memref<!tpu.dma_semaphore, #tpu.memory_space<semaphore_mem>>)
    %slice3A_604 = vector.extract_strided_slice %rem3A_498 {offsets = [7], sizes = [1], strides = [1]} : vector<16xi32> to vector<1xi32>
    %squeeze3A_605 = vector.extract %slice3A_604[0] : i32 from vector<1xi32>
    %dma_start3A_606 = arith.constant 0 : i32
    %dma_start3A_607 = arith.constant 39 : i32
    %dma_start3A_608 = arith.constant 0 : i32
    %dma_start3A_609 = tpu.memref_slice %arg6[%dma_start3A_606, %dma_start3A_607, %dma_start3A_608] : memref<1x64x512xf32, #tpu.memory_space<vmem>> -> memref<1x1x512xf32, #tpu.memory_space<vmem>>
    %dma_start3A_610 = tpu.memref_squeeze %dma_start3A_609 : memref<1x1x512xf32, #tpu.memory_space<vmem>> -> memref<1x512xf32, #tpu.memory_space<vmem>>
    %dma_start3A_611 = arith.constant 0 : i32
    %dma_start3A_612 = tpu.memref_slice %arg2[%squeeze3A_605, %dma_start3A_611] : memref<12544x512xf32, #tpu.memory_space<hbm>> -> memref<1x512xf32, #tpu.memory_space<hbm>>
    %dma_start3A_613 = arith.constant 39 : i32
    %dma_start3A_614 = arith.constant 0 : i32
    %dma_start3A_615 = tpu.memref_slice %arg6[%dma_start3A_606, %dma_start3A_613, %dma_start3A_614] : memref<1x64x512xf32, #tpu.memory_space<vmem>> -> memref<1x1x512xf32, #tpu.memory_space<vmem>>
    %dma_start3A_616 = tpu.memref_squeeze %dma_start3A_615 : memref<1x1x512xf32, #tpu.memory_space<vmem>> -> memref<1x512xf32, #tpu.memory_space<vmem>>
    %dma_start3A_617 = arith.constant 0 : i32
    %dma_start3A_618 = tpu.memref_slice %arg2[%squeeze3A_605, %dma_start3A_617] : memref<12544x512xf32, #tpu.memory_space<hbm>> -> memref<1x512xf32, #tpu.memory_space<hbm>>
    tpu.enqueue_dma source(%dma_start3A_618 : memref<1x512xf32, #tpu.memory_space<hbm>>) target(%dma_start3A_616 : memref<1x512xf32, #tpu.memory_space<vmem>>) target_semaphore(%arg8 : memref<!tpu.dma_semaphore, #tpu.memory_space<semaphore_mem>>)
    %slice3A_619 = vector.extract_strided_slice %rem3A_498 {offsets = [8], sizes = [1], strides = [1]} : vector<16xi32> to vector<1xi32>
    %squeeze3A_620 = vector.extract %slice3A_619[0] : i32 from vector<1xi32>
    %dma_start3A_621 = arith.constant 0 : i32
    %dma_start3A_622 = arith.constant 40 : i32
    %dma_start3A_623 = arith.constant 0 : i32
    %dma_start3A_624 = tpu.memref_slice %arg6[%dma_start3A_621, %dma_start3A_622, %dma_start3A_623] : memref<1x64x512xf32, #tpu.memory_space<vmem>> -> memref<1x1x512xf32, #tpu.memory_space<vmem>>
    %dma_start3A_625 = tpu.memref_squeeze %dma_start3A_624 : memref<1x1x512xf32, #tpu.memory_space<vmem>> -> memref<1x512xf32, #tpu.memory_space<vmem>>
    %dma_start3A_626 = arith.constant 0 : i32
    %dma_start3A_627 = tpu.memref_slice %arg2[%squeeze3A_620, %dma_start3A_626] : memref<12544x512xf32, #tpu.memory_space<hbm>> -> memref<1x512xf32, #tpu.memory_space<hbm>>
    %dma_start3A_628 = arith.constant 40 : i32
    %dma_start3A_629 = arith.constant 0 : i32
    %dma_start3A_630 = tpu.memref_slice %arg6[%dma_start3A_621, %dma_start3A_628, %dma_start3A_629] : memref<1x64x512xf32, #tpu.memory_space<vmem>> -> memref<1x1x512xf32, #tpu.memory_space<vmem>>
    %dma_start3A_631 = tpu.memref_squeeze %dma_start3A_630 : memref<1x1x512xf32, #tpu.memory_space<vmem>> -> memref<1x512xf32, #tpu.memory_space<vmem>>
    %dma_start3A_632 = arith.constant 0 : i32
    %dma_start3A_633 = tpu.memref_slice %arg2[%squeeze3A_620, %dma_start3A_632] : memref<12544x512xf32, #tpu.memory_space<hbm>> -> memref<1x512xf32, #tpu.memory_space<hbm>>
    tpu.enqueue_dma source(%dma_start3A_633 : memref<1x512xf32, #tpu.memory_space<hbm>>) target(%dma_start3A_631 : memref<1x512xf32, #tpu.memory_space<vmem>>) target_semaphore(%arg8 : memref<!tpu.dma_semaphore, #tpu.memory_space<semaphore_mem>>)
    %slice3A_634 = vector.extract_strided_slice %rem3A_498 {offsets = [9], sizes = [1], strides = [1]} : vector<16xi32> to vector<1xi32>
    %squeeze3A_635 = vector.extract %slice3A_634[0] : i32 from vector<1xi32>
    %dma_start3A_636 = arith.constant 0 : i32
    %dma_start3A_637 = arith.constant 41 : i32
    %dma_start3A_638 = arith.constant 0 : i32
    %dma_start3A_639 = tpu.memref_slice %arg6[%dma_start3A_636, %dma_start3A_637, %dma_start3A_638] : memref<1x64x512xf32, #tpu.memory_space<vmem>> -> memref<1x1x512xf32, #tpu.memory_space<vmem>>
    %dma_start3A_640 = tpu.memref_squeeze %dma_start3A_639 : memref<1x1x512xf32, #tpu.memory_space<vmem>> -> memref<1x512xf32, #tpu.memory_space<vmem>>
    %dma_start3A_641 = arith.constant 0 : i32
    %dma_start3A_642 = tpu.memref_slice %arg2[%squeeze3A_635, %dma_start3A_641] : memref<12544x512xf32, #tpu.memory_space<hbm>> -> memref<1x512xf32, #tpu.memory_space<hbm>>
    %dma_start3A_643 = arith.constant 41 : i32
    %dma_start3A_644 = arith.constant 0 : i32
    %dma_start3A_645 = tpu.memref_slice %arg6[%dma_start3A_636, %dma_start3A_643, %dma_start3A_644] : memref<1x64x512xf32, #tpu.memory_space<vmem>> -> memref<1x1x512xf32, #tpu.memory_space<vmem>>
    %dma_start3A_646 = tpu.memref_squeeze %dma_start3A_645 : memref<1x1x512xf32, #tpu.memory_space<vmem>> -> memref<1x512xf32, #tpu.memory_space<vmem>>
    %dma_start3A_647 = arith.constant 0 : i32
    %dma_start3A_648 = tpu.memref_slice %arg2[%squeeze3A_635, %dma_start3A_647] : memref<12544x512xf32, #tpu.memory_space<hbm>> -> memref<1x512xf32, #tpu.memory_space<hbm>>
    tpu.enqueue_dma source(%dma_start3A_648 : memref<1x512xf32, #tpu.memory_space<hbm>>) target(%dma_start3A_646 : memref<1x512xf32, #tpu.memory_space<vmem>>) target_semaphore(%arg8 : memref<!tpu.dma_semaphore, #tpu.memory_space<semaphore_mem>>)
    %slice3A_649 = vector.extract_strided_slice %rem3A_498 {offsets = [10], sizes = [1], strides = [1]} : vector<16xi32> to vector<1xi32>
    %squeeze3A_650 = vector.extract %slice3A_649[0] : i32 from vector<1xi32>
    %dma_start3A_651 = arith.constant 0 : i32
    %dma_start3A_652 = arith.constant 42 : i32
    %dma_start3A_653 = arith.constant 0 : i32
    %dma_start3A_654 = tpu.memref_slice %arg6[%dma_start3A_651, %dma_start3A_652, %dma_start3A_653] : memref<1x64x512xf32, #tpu.memory_space<vmem>> -> memref<1x1x512xf32, #tpu.memory_space<vmem>>
    %dma_start3A_655 = tpu.memref_squeeze %dma_start3A_654 : memref<1x1x512xf32, #tpu.memory_space<vmem>> -> memref<1x512xf32, #tpu.memory_space<vmem>>
    %dma_start3A_656 = arith.constant 0 : i32
    %dma_start3A_657 = tpu.memref_slice %arg2[%squeeze3A_650, %dma_start3A_656] : memref<12544x512xf32, #tpu.memory_space<hbm>> -> memref<1x512xf32, #tpu.memory_space<hbm>>
    %dma_start3A_658 = arith.constant 42 : i32
    %dma_start3A_659 = arith.constant 0 : i32
    %dma_start3A_660 = tpu.memref_slice %arg6[%dma_start3A_651, %dma_start3A_658, %dma_start3A_659] : memref<1x64x512xf32, #tpu.memory_space<vmem>> -> memref<1x1x512xf32, #tpu.memory_space<vmem>>
    %dma_start3A_661 = tpu.memref_squeeze %dma_start3A_660 : memref<1x1x512xf32, #tpu.memory_space<vmem>> -> memref<1x512xf32, #tpu.memory_space<vmem>>
    %dma_start3A_662 = arith.constant 0 : i32
    %dma_start3A_663 = tpu.memref_slice %arg2[%squeeze3A_650, %dma_start3A_662] : memref<12544x512xf32, #tpu.memory_space<hbm>> -> memref<1x512xf32, #tpu.memory_space<hbm>>
    tpu.enqueue_dma source(%dma_start3A_663 : memref<1x512xf32, #tpu.memory_space<hbm>>) target(%dma_start3A_661 : memref<1x512xf32, #tpu.memory_space<vmem>>) target_semaphore(%arg8 : memref<!tpu.dma_semaphore, #tpu.memory_space<semaphore_mem>>)
    %slice3A_664 = vector.extract_strided_slice %rem3A_498 {offsets = [11], sizes = [1], strides = [1]} : vector<16xi32> to vector<1xi32>
    %squeeze3A_665 = vector.extract %slice3A_664[0] : i32 from vector<1xi32>
    %dma_start3A_666 = arith.constant 0 : i32
    %dma_start3A_667 = arith.constant 43 : i32
    %dma_start3A_668 = arith.constant 0 : i32
    %dma_start3A_669 = tpu.memref_slice %arg6[%dma_start3A_666, %dma_start3A_667, %dma_start3A_668] : memref<1x64x512xf32, #tpu.memory_space<vmem>> -> memref<1x1x512xf32, #tpu.memory_space<vmem>>
    %dma_start3A_670 = tpu.memref_squeeze %dma_start3A_669 : memref<1x1x512xf32, #tpu.memory_space<vmem>> -> memref<1x512xf32, #tpu.memory_space<vmem>>
    %dma_start3A_671 = arith.constant 0 : i32
    %dma_start3A_672 = tpu.memref_slice %arg2[%squeeze3A_665, %dma_start3A_671] : memref<12544x512xf32, #tpu.memory_space<hbm>> -> memref<1x512xf32, #tpu.memory_space<hbm>>
    %dma_start3A_673 = arith.constant 43 : i32
    %dma_start3A_674 = arith.constant 0 : i32
    %dma_start3A_675 = tpu.memref_slice %arg6[%dma_start3A_666, %dma_start3A_673, %dma_start3A_674] : memref<1x64x512xf32, #tpu.memory_space<vmem>> -> memref<1x1x512xf32, #tpu.memory_space<vmem>>
    %dma_start3A_676 = tpu.memref_squeeze %dma_start3A_675 : memref<1x1x512xf32, #tpu.memory_space<vmem>> -> memref<1x512xf32, #tpu.memory_space<vmem>>
    %dma_start3A_677 = arith.constant 0 : i32
    %dma_start3A_678 = tpu.memref_slice %arg2[%squeeze3A_665, %dma_start3A_677] : memref<12544x512xf32, #tpu.memory_space<hbm>> -> memref<1x512xf32, #tpu.memory_space<hbm>>
    tpu.enqueue_dma source(%dma_start3A_678 : memref<1x512xf32, #tpu.memory_space<hbm>>) target(%dma_start3A_676 : memref<1x512xf32, #tpu.memory_space<vmem>>) target_semaphore(%arg8 : memref<!tpu.dma_semaphore, #tpu.memory_space<semaphore_mem>>)
    %slice3A_679 = vector.extract_strided_slice %rem3A_498 {offsets = [12], sizes = [1], strides = [1]} : vector<16xi32> to vector<1xi32>
    %squeeze3A_680 = vector.extract %slice3A_679[0] : i32 from vector<1xi32>
    %dma_start3A_681 = arith.constant 0 : i32
    %dma_start3A_682 = arith.constant 44 : i32
    %dma_start3A_683 = arith.constant 0 : i32
    %dma_start3A_684 = tpu.memref_slice %arg6[%dma_start3A_681, %dma_start3A_682, %dma_start3A_683] : memref<1x64x512xf32, #tpu.memory_space<vmem>> -> memref<1x1x512xf32, #tpu.memory_space<vmem>>
    %dma_start3A_685 = tpu.memref_squeeze %dma_start3A_684 : memref<1x1x512xf32, #tpu.memory_space<vmem>> -> memref<1x512xf32, #tpu.memory_space<vmem>>
    %dma_start3A_686 = arith.constant 0 : i32
    %dma_start3A_687 = tpu.memref_slice %arg2[%squeeze3A_680, %dma_start3A_686] : memref<12544x512xf32, #tpu.memory_space<hbm>> -> memref<1x512xf32, #tpu.memory_space<hbm>>
    %dma_start3A_688 = arith.constant 44 : i32
    %dma_start3A_689 = arith.constant 0 : i32
    %dma_start3A_690 = tpu.memref_slice %arg6[%dma_start3A_681, %dma_start3A_688, %dma_start3A_689] : memref<1x64x512xf32, #tpu.memory_space<vmem>> -> memref<1x1x512xf32, #tpu.memory_space<vmem>>
    %dma_start3A_691 = tpu.memref_squeeze %dma_start3A_690 : memref<1x1x512xf32, #tpu.memory_space<vmem>> -> memref<1x512xf32, #tpu.memory_space<vmem>>
    %dma_start3A_692 = arith.constant 0 : i32
    %dma_start3A_693 = tpu.memref_slice %arg2[%squeeze3A_680, %dma_start3A_692] : memref<12544x512xf32, #tpu.memory_space<hbm>> -> memref<1x512xf32, #tpu.memory_space<hbm>>
    tpu.enqueue_dma source(%dma_start3A_693 : memref<1x512xf32, #tpu.memory_space<hbm>>) target(%dma_start3A_691 : memref<1x512xf32, #tpu.memory_space<vmem>>) target_semaphore(%arg8 : memref<!tpu.dma_semaphore, #tpu.memory_space<semaphore_mem>>)
    %slice3A_694 = vector.extract_strided_slice %rem3A_498 {offsets = [13], sizes = [1], strides = [1]} : vector<16xi32> to vector<1xi32>
    %squeeze3A_695 = vector.extract %slice3A_694[0] : i32 from vector<1xi32>
    %dma_start3A_696 = arith.constant 0 : i32
    %dma_start3A_697 = arith.constant 45 : i32
    %dma_start3A_698 = arith.constant 0 : i32
    %dma_start3A_699 = tpu.memref_slice %arg6[%dma_start3A_696, %dma_start3A_697, %dma_start3A_698] : memref<1x64x512xf32, #tpu.memory_space<vmem>> -> memref<1x1x512xf32, #tpu.memory_space<vmem>>
    %dma_start3A_700 = tpu.memref_squeeze %dma_start3A_699 : memref<1x1x512xf32, #tpu.memory_space<vmem>> -> memref<1x512xf32, #tpu.memory_space<vmem>>
    %dma_start3A_701 = arith.constant 0 : i32
    %dma_start3A_702 = tpu.memref_slice %arg2[%squeeze3A_695, %dma_start3A_701] : memref<12544x512xf32, #tpu.memory_space<hbm>> -> memref<1x512xf32, #tpu.memory_space<hbm>>
    %dma_start3A_703 = arith.constant 45 : i32
    %dma_start3A_704 = arith.constant 0 : i32
    %dma_start3A_705 = tpu.memref_slice %arg6[%dma_start3A_696, %dma_start3A_703, %dma_start3A_704] : memref<1x64x512xf32, #tpu.memory_space<vmem>> -> memref<1x1x512xf32, #tpu.memory_space<vmem>>
    %dma_start3A_706 = tpu.memref_squeeze %dma_start3A_705 : memref<1x1x512xf32, #tpu.memory_space<vmem>> -> memref<1x512xf32, #tpu.memory_space<vmem>>
    %dma_start3A_707 = arith.constant 0 : i32
    %dma_start3A_708 = tpu.memref_slice %arg2[%squeeze3A_695, %dma_start3A_707] : memref<12544x512xf32, #tpu.memory_space<hbm>> -> memref<1x512xf32, #tpu.memory_space<hbm>>
    tpu.enqueue_dma source(%dma_start3A_708 : memref<1x512xf32, #tpu.memory_space<hbm>>) target(%dma_start3A_706 : memref<1x512xf32, #tpu.memory_space<vmem>>) target_semaphore(%arg8 : memref<!tpu.dma_semaphore, #tpu.memory_space<semaphore_mem>>)
    %slice3A_709 = vector.extract_strided_slice %rem3A_498 {offsets = [14], sizes = [1], strides = [1]} : vector<16xi32> to vector<1xi32>
    %squeeze3A_710 = vector.extract %slice3A_709[0] : i32 from vector<1xi32>
    %dma_start3A_711 = arith.constant 0 : i32
    %dma_start3A_712 = arith.constant 46 : i32
    %dma_start3A_713 = arith.constant 0 : i32
    %dma_start3A_714 = tpu.memref_slice %arg6[%dma_start3A_711, %dma_start3A_712, %dma_start3A_713] : memref<1x64x512xf32, #tpu.memory_space<vmem>> -> memref<1x1x512xf32, #tpu.memory_space<vmem>>
    %dma_start3A_715 = tpu.memref_squeeze %dma_start3A_714 : memref<1x1x512xf32, #tpu.memory_space<vmem>> -> memref<1x512xf32, #tpu.memory_space<vmem>>
    %dma_start3A_716 = arith.constant 0 : i32
    %dma_start3A_717 = tpu.memref_slice %arg2[%squeeze3A_710, %dma_start3A_716] : memref<12544x512xf32, #tpu.memory_space<hbm>> -> memref<1x512xf32, #tpu.memory_space<hbm>>
    %dma_start3A_718 = arith.constant 46 : i32
    %dma_start3A_719 = arith.constant 0 : i32
    %dma_start3A_720 = tpu.memref_slice %arg6[%dma_start3A_711, %dma_start3A_718, %dma_start3A_719] : memref<1x64x512xf32, #tpu.memory_space<vmem>> -> memref<1x1x512xf32, #tpu.memory_space<vmem>>
    %dma_start3A_721 = tpu.memref_squeeze %dma_start3A_720 : memref<1x1x512xf32, #tpu.memory_space<vmem>> -> memref<1x512xf32, #tpu.memory_space<vmem>>
    %dma_start3A_722 = arith.constant 0 : i32
    %dma_start3A_723 = tpu.memref_slice %arg2[%squeeze3A_710, %dma_start3A_722] : memref<12544x512xf32, #tpu.memory_space<hbm>> -> memref<1x512xf32, #tpu.memory_space<hbm>>
    tpu.enqueue_dma source(%dma_start3A_723 : memref<1x512xf32, #tpu.memory_space<hbm>>) target(%dma_start3A_721 : memref<1x512xf32, #tpu.memory_space<vmem>>) target_semaphore(%arg8 : memref<!tpu.dma_semaphore, #tpu.memory_space<semaphore_mem>>)
    %slice3A_724 = vector.extract_strided_slice %rem3A_498 {offsets = [15], sizes = [1], strides = [1]} : vector<16xi32> to vector<1xi32>
    %squeeze3A_725 = vector.extract %slice3A_724[0] : i32 from vector<1xi32>
    %dma_start3A_726 = arith.constant 0 : i32
    %dma_start3A_727 = arith.constant 47 : i32
    %dma_start3A_728 = arith.constant 0 : i32
    %dma_start3A_729 = tpu.memref_slice %arg6[%dma_start3A_726, %dma_start3A_727, %dma_start3A_728] : memref<1x64x512xf32, #tpu.memory_space<vmem>> -> memref<1x1x512xf32, #tpu.memory_space<vmem>>
    %dma_start3A_730 = tpu.memref_squeeze %dma_start3A_729 : memref<1x1x512xf32, #tpu.memory_space<vmem>> -> memref<1x512xf32, #tpu.memory_space<vmem>>
    %dma_start3A_731 = arith.constant 0 : i32
    %dma_start3A_732 = tpu.memref_slice %arg2[%squeeze3A_725, %dma_start3A_731] : memref<12544x512xf32, #tpu.memory_space<hbm>> -> memref<1x512xf32, #tpu.memory_space<hbm>>
    %dma_start3A_733 = arith.constant 47 : i32
    %dma_start3A_734 = arith.constant 0 : i32
    %dma_start3A_735 = tpu.memref_slice %arg6[%dma_start3A_726, %dma_start3A_733, %dma_start3A_734] : memref<1x64x512xf32, #tpu.memory_space<vmem>> -> memref<1x1x512xf32, #tpu.memory_space<vmem>>
    %dma_start3A_736 = tpu.memref_squeeze %dma_start3A_735 : memref<1x1x512xf32, #tpu.memory_space<vmem>> -> memref<1x512xf32, #tpu.memory_space<vmem>>
    %dma_start3A_737 = arith.constant 0 : i32
    %dma_start3A_738 = tpu.memref_slice %arg2[%squeeze3A_725, %dma_start3A_737] : memref<12544x512xf32, #tpu.memory_space<hbm>> -> memref<1x512xf32, #tpu.memory_space<hbm>>
    tpu.enqueue_dma source(%dma_start3A_738 : memref<1x512xf32, #tpu.memory_space<hbm>>) target(%dma_start3A_736 : memref<1x512xf32, #tpu.memory_space<vmem>>) target_semaphore(%arg8 : memref<!tpu.dma_semaphore, #tpu.memory_space<semaphore_mem>>)
    %get3A_739 = arith.constant 48 : index
    %get3A_740 = tpu.vector_load %arg5[%get3A_739] {strides = array<i32>} : memref<64xi32, #tpu.memory_space<vmem>>, vector<16xi32>,
    %get3A_741 = vector.shape_cast %get3A_740 : vector<16xi32> to vector<16xi32>
    %rem3A_742 = arith.constant 12544 : i32
    %rem3A_743 = vector.broadcast %rem3A_742 : i32 to vector<16xi32>
    %rem3A_744 = arith.remsi %get3A_741, %rem3A_743 : vector<16xi32>
    %slice3A_745 = vector.extract_strided_slice %rem3A_744 {offsets = [0], sizes = [1], strides = [1]} : vector<16xi32> to vector<1xi32>
    %squeeze3A_746 = vector.extract %slice3A_745[0] : i32 from vector<1xi32>
    %dma_start3A_747 = arith.constant 0 : i32
    %dma_start3A_748 = arith.constant 48 : i32
    %dma_start3A_749 = arith.constant 0 : i32
    %dma_start3A_750 = tpu.memref_slice %arg6[%dma_start3A_747, %dma_start3A_748, %dma_start3A_749] : memref<1x64x512xf32, #tpu.memory_space<vmem>> -> memref<1x1x512xf32, #tpu.memory_space<vmem>>
    %dma_start3A_751 = tpu.memref_squeeze %dma_start3A_750 : memref<1x1x512xf32, #tpu.memory_space<vmem>> -> memref<1x512xf32, #tpu.memory_space<vmem>>
    %dma_start3A_752 = arith.constant 0 : i32
    %dma_start3A_753 = tpu.memref_slice %arg2[%squeeze3A_746, %dma_start3A_752] : memref<12544x512xf32, #tpu.memory_space<hbm>> -> memref<1x512xf32, #tpu.memory_space<hbm>>
    %dma_start3A_754 = arith.constant 48 : i32
    %dma_start3A_755 = arith.constant 0 : i32
    %dma_start3A_756 = tpu.memref_slice %arg6[%dma_start3A_747, %dma_start3A_754, %dma_start3A_755] : memref<1x64x512xf32, #tpu.memory_space<vmem>> -> memref<1x1x512xf32, #tpu.memory_space<vmem>>
    %dma_start3A_757 = tpu.memref_squeeze %dma_start3A_756 : memref<1x1x512xf32, #tpu.memory_space<vmem>> -> memref<1x512xf32, #tpu.memory_space<vmem>>
    %dma_start3A_758 = arith.constant 0 : i32
    %dma_start3A_759 = tpu.memref_slice %arg2[%squeeze3A_746, %dma_start3A_758] : memref<12544x512xf32, #tpu.memory_space<hbm>> -> memref<1x512xf32, #tpu.memory_space<hbm>>
    tpu.enqueue_dma source(%dma_start3A_759 : memref<1x512xf32, #tpu.memory_space<hbm>>) target(%dma_start3A_757 : memref<1x512xf32, #tpu.memory_space<vmem>>) target_semaphore(%arg8 : memref<!tpu.dma_semaphore, #tpu.memory_space<semaphore_mem>>)
    %slice3A_760 = vector.extract_strided_slice %rem3A_744 {offsets = [1], sizes = [1], strides = [1]} : vector<16xi32> to vector<1xi32>
    %squeeze3A_761 = vector.extract %slice3A_760[0] : i32 from vector<1xi32>
    %dma_start3A_762 = arith.constant 0 : i32
    %dma_start3A_763 = arith.constant 49 : i32
    %dma_start3A_764 = arith.constant 0 : i32
    %dma_start3A_765 = tpu.memref_slice %arg6[%dma_start3A_762, %dma_start3A_763, %dma_start3A_764] : memref<1x64x512xf32, #tpu.memory_space<vmem>> -> memref<1x1x512xf32, #tpu.memory_space<vmem>>
    %dma_start3A_766 = tpu.memref_squeeze %dma_start3A_765 : memref<1x1x512xf32, #tpu.memory_space<vmem>> -> memref<1x512xf32, #tpu.memory_space<vmem>>
    %dma_start3A_767 = arith.constant 0 : i32
    %dma_start3A_768 = tpu.memref_slice %arg2[%squeeze3A_761, %dma_start3A_767] : memref<12544x512xf32, #tpu.memory_space<hbm>> -> memref<1x512xf32, #tpu.memory_space<hbm>>
    %dma_start3A_769 = arith.constant 49 : i32
    %dma_start3A_770 = arith.constant 0 : i32
    %dma_start3A_771 = tpu.memref_slice %arg6[%dma_start3A_762, %dma_start3A_769, %dma_start3A_770] : memref<1x64x512xf32, #tpu.memory_space<vmem>> -> memref<1x1x512xf32, #tpu.memory_space<vmem>>
    %dma_start3A_772 = tpu.memref_squeeze %dma_start3A_771 : memref<1x1x512xf32, #tpu.memory_space<vmem>> -> memref<1x512xf32, #tpu.memory_space<vmem>>
    %dma_start3A_773 = arith.constant 0 : i32
    %dma_start3A_774 = tpu.memref_slice %arg2[%squeeze3A_761, %dma_start3A_773] : memref<12544x512xf32, #tpu.memory_space<hbm>> -> memref<1x512xf32, #tpu.memory_space<hbm>>
    tpu.enqueue_dma source(%dma_start3A_774 : memref<1x512xf32, #tpu.memory_space<hbm>>) target(%dma_start3A_772 : memref<1x512xf32, #tpu.memory_space<vmem>>) target_semaphore(%arg8 : memref<!tpu.dma_semaphore, #tpu.memory_space<semaphore_mem>>)
    %slice3A_775 = vector.extract_strided_slice %rem3A_744 {offsets = [2], sizes = [1], strides = [1]} : vector<16xi32> to vector<1xi32>
    %squeeze3A_776 = vector.extract %slice3A_775[0] : i32 from vector<1xi32>
    %dma_start3A_777 = arith.constant 0 : i32
    %dma_start3A_778 = arith.constant 50 : i32
    %dma_start3A_779 = arith.constant 0 : i32
    %dma_start3A_780 = tpu.memref_slice %arg6[%dma_start3A_777, %dma_start3A_778, %dma_start3A_779] : memref<1x64x512xf32, #tpu.memory_space<vmem>> -> memref<1x1x512xf32, #tpu.memory_space<vmem>>
    %dma_start3A_781 = tpu.memref_squeeze %dma_start3A_780 : memref<1x1x512xf32, #tpu.memory_space<vmem>> -> memref<1x512xf32, #tpu.memory_space<vmem>>
    %dma_start3A_782 = arith.constant 0 : i32
    %dma_start3A_783 = tpu.memref_slice %arg2[%squeeze3A_776, %dma_start3A_782] : memref<12544x512xf32, #tpu.memory_space<hbm>> -> memref<1x512xf32, #tpu.memory_space<hbm>>
    %dma_start3A_784 = arith.constant 50 : i32
    %dma_start3A_785 = arith.constant 0 : i32
    %dma_start3A_786 = tpu.memref_slice %arg6[%dma_start3A_777, %dma_start3A_784, %dma_start3A_785] : memref<1x64x512xf32, #tpu.memory_space<vmem>> -> memref<1x1x512xf32, #tpu.memory_space<vmem>>
    %dma_start3A_787 = tpu.memref_squeeze %dma_start3A_786 : memref<1x1x512xf32, #tpu.memory_space<vmem>> -> memref<1x512xf32, #tpu.memory_space<vmem>>
    %dma_start3A_788 = arith.constant 0 : i32
    %dma_start3A_789 = tpu.memref_slice %arg2[%squeeze3A_776, %dma_start3A_788] : memref<12544x512xf32, #tpu.memory_space<hbm>> -> memref<1x512xf32, #tpu.memory_space<hbm>>
    tpu.enqueue_dma source(%dma_start3A_789 : memref<1x512xf32, #tpu.memory_space<hbm>>) target(%dma_start3A_787 : memref<1x512xf32, #tpu.memory_space<vmem>>) target_semaphore(%arg8 : memref<!tpu.dma_semaphore, #tpu.memory_space<semaphore_mem>>)
    %slice3A_790 = vector.extract_strided_slice %rem3A_744 {offsets = [3], sizes = [1], strides = [1]} : vector<16xi32> to vector<1xi32>
    %squeeze3A_791 = vector.extract %slice3A_790[0] : i32 from vector<1xi32>
    %dma_start3A_792 = arith.constant 0 : i32
    %dma_start3A_793 = arith.constant 51 : i32
    %dma_start3A_794 = arith.constant 0 : i32
    %dma_start3A_795 = tpu.memref_slice %arg6[%dma_start3A_792, %dma_start3A_793, %dma_start3A_794] : memref<1x64x512xf32, #tpu.memory_space<vmem>> -> memref<1x1x512xf32, #tpu.memory_space<vmem>>
    %dma_start3A_796 = tpu.memref_squeeze %dma_start3A_795 : memref<1x1x512xf32, #tpu.memory_space<vmem>> -> memref<1x512xf32, #tpu.memory_space<vmem>>
    %dma_start3A_797 = arith.constant 0 : i32
    %dma_start3A_798 = tpu.memref_slice %arg2[%squeeze3A_791, %dma_start3A_797] : memref<12544x512xf32, #tpu.memory_space<hbm>> -> memref<1x512xf32, #tpu.memory_space<hbm>>
    %dma_start3A_799 = arith.constant 51 : i32
    %dma_start3A_800 = arith.constant 0 : i32
    %dma_start3A_801 = tpu.memref_slice %arg6[%dma_start3A_792, %dma_start3A_799, %dma_start3A_800] : memref<1x64x512xf32, #tpu.memory_space<vmem>> -> memref<1x1x512xf32, #tpu.memory_space<vmem>>
    %dma_start3A_802 = tpu.memref_squeeze %dma_start3A_801 : memref<1x1x512xf32, #tpu.memory_space<vmem>> -> memref<1x512xf32, #tpu.memory_space<vmem>>
    %dma_start3A_803 = arith.constant 0 : i32
    %dma_start3A_804 = tpu.memref_slice %arg2[%squeeze3A_791, %dma_start3A_803] : memref<12544x512xf32, #tpu.memory_space<hbm>> -> memref<1x512xf32, #tpu.memory_space<hbm>>
    tpu.enqueue_dma source(%dma_start3A_804 : memref<1x512xf32, #tpu.memory_space<hbm>>) target(%dma_start3A_802 : memref<1x512xf32, #tpu.memory_space<vmem>>) target_semaphore(%arg8 : memref<!tpu.dma_semaphore, #tpu.memory_space<semaphore_mem>>)
    %slice3A_805 = vector.extract_strided_slice %rem3A_744 {offsets = [4], sizes = [1], strides = [1]} : vector<16xi32> to vector<1xi32>
    %squeeze3A_806 = vector.extract %slice3A_805[0] : i32 from vector<1xi32>
    %dma_start3A_807 = arith.constant 0 : i32
    %dma_start3A_808 = arith.constant 52 : i32
    %dma_start3A_809 = arith.constant 0 : i32
    %dma_start3A_810 = tpu.memref_slice %arg6[%dma_start3A_807, %dma_start3A_808, %dma_start3A_809] : memref<1x64x512xf32, #tpu.memory_space<vmem>> -> memref<1x1x512xf32, #tpu.memory_space<vmem>>
    %dma_start3A_811 = tpu.memref_squeeze %dma_start3A_810 : memref<1x1x512xf32, #tpu.memory_space<vmem>> -> memref<1x512xf32, #tpu.memory_space<vmem>>
    %dma_start3A_812 = arith.constant 0 : i32
    %dma_start3A_813 = tpu.memref_slice %arg2[%squeeze3A_806, %dma_start3A_812] : memref<12544x512xf32, #tpu.memory_space<hbm>> -> memref<1x512xf32, #tpu.memory_space<hbm>>
    %dma_start3A_814 = arith.constant 52 : i32
    %dma_start3A_815 = arith.constant 0 : i32
    %dma_start3A_816 = tpu.memref_slice %arg6[%dma_start3A_807, %dma_start3A_814, %dma_start3A_815] : memref<1x64x512xf32, #tpu.memory_space<vmem>> -> memref<1x1x512xf32, #tpu.memory_space<vmem>>
    %dma_start3A_817 = tpu.memref_squeeze %dma_start3A_816 : memref<1x1x512xf32, #tpu.memory_space<vmem>> -> memref<1x512xf32, #tpu.memory_space<vmem>>
    %dma_start3A_818 = arith.constant 0 : i32
    %dma_start3A_819 = tpu.memref_slice %arg2[%squeeze3A_806, %dma_start3A_818] : memref<12544x512xf32, #tpu.memory_space<hbm>> -> memref<1x512xf32, #tpu.memory_space<hbm>>
    tpu.enqueue_dma source(%dma_start3A_819 : memref<1x512xf32, #tpu.memory_space<hbm>>) target(%dma_start3A_817 : memref<1x512xf32, #tpu.memory_space<vmem>>) target_semaphore(%arg8 : memref<!tpu.dma_semaphore, #tpu.memory_space<semaphore_mem>>)
    %slice3A_820 = vector.extract_strided_slice %rem3A_744 {offsets = [5], sizes = [1], strides = [1]} : vector<16xi32> to vector<1xi32>
    %squeeze3A_821 = vector.extract %slice3A_820[0] : i32 from vector<1xi32>
    %dma_start3A_822 = arith.constant 0 : i32
    %dma_start3A_823 = arith.constant 53 : i32
    %dma_start3A_824 = arith.constant 0 : i32
    %dma_start3A_825 = tpu.memref_slice %arg6[%dma_start3A_822, %dma_start3A_823, %dma_start3A_824] : memref<1x64x512xf32, #tpu.memory_space<vmem>> -> memref<1x1x512xf32, #tpu.memory_space<vmem>>
    %dma_start3A_826 = tpu.memref_squeeze %dma_start3A_825 : memref<1x1x512xf32, #tpu.memory_space<vmem>> -> memref<1x512xf32, #tpu.memory_space<vmem>>
    %dma_start3A_827 = arith.constant 0 : i32
    %dma_start3A_828 = tpu.memref_slice %arg2[%squeeze3A_821, %dma_start3A_827] : memref<12544x512xf32, #tpu.memory_space<hbm>> -> memref<1x512xf32, #tpu.memory_space<hbm>>
    %dma_start3A_829 = arith.constant 53 : i32
    %dma_start3A_830 = arith.constant 0 : i32
    %dma_start3A_831 = tpu.memref_slice %arg6[%dma_start3A_822, %dma_start3A_829, %dma_start3A_830] : memref<1x64x512xf32, #tpu.memory_space<vmem>> -> memref<1x1x512xf32, #tpu.memory_space<vmem>>
    %dma_start3A_832 = tpu.memref_squeeze %dma_start3A_831 : memref<1x1x512xf32, #tpu.memory_space<vmem>> -> memref<1x512xf32, #tpu.memory_space<vmem>>
    %dma_start3A_833 = arith.constant 0 : i32
    %dma_start3A_834 = tpu.memref_slice %arg2[%squeeze3A_821, %dma_start3A_833] : memref<12544x512xf32, #tpu.memory_space<hbm>> -> memref<1x512xf32, #tpu.memory_space<hbm>>
    tpu.enqueue_dma source(%dma_start3A_834 : memref<1x512xf32, #tpu.memory_space<hbm>>) target(%dma_start3A_832 : memref<1x512xf32, #tpu.memory_space<vmem>>) target_semaphore(%arg8 : memref<!tpu.dma_semaphore, #tpu.memory_space<semaphore_mem>>)
    %slice3A_835 = vector.extract_strided_slice %rem3A_744 {offsets = [6], sizes = [1], strides = [1]} : vector<16xi32> to vector<1xi32>
    %squeeze3A_836 = vector.extract %slice3A_835[0] : i32 from vector<1xi32>
    %dma_start3A_837 = arith.constant 0 : i32
    %dma_start3A_838 = arith.constant 54 : i32
    %dma_start3A_839 = arith.constant 0 : i32
    %dma_start3A_840 = tpu.memref_slice %arg6[%dma_start3A_837, %dma_start3A_838, %dma_start3A_839] : memref<1x64x512xf32, #tpu.memory_space<vmem>> -> memref<1x1x512xf32, #tpu.memory_space<vmem>>
    %dma_start3A_841 = tpu.memref_squeeze %dma_start3A_840 : memref<1x1x512xf32, #tpu.memory_space<vmem>> -> memref<1x512xf32, #tpu.memory_space<vmem>>
    %dma_start3A_842 = arith.constant 0 : i32
    %dma_start3A_843 = tpu.memref_slice %arg2[%squeeze3A_836, %dma_start3A_842] : memref<12544x512xf32, #tpu.memory_space<hbm>> -> memref<1x512xf32, #tpu.memory_space<hbm>>
    %dma_start3A_844 = arith.constant 54 : i32
    %dma_start3A_845 = arith.constant 0 : i32
    %dma_start3A_846 = tpu.memref_slice %arg6[%dma_start3A_837, %dma_start3A_844, %dma_start3A_845] : memref<1x64x512xf32, #tpu.memory_space<vmem>> -> memref<1x1x512xf32, #tpu.memory_space<vmem>>
    %dma_start3A_847 = tpu.memref_squeeze %dma_start3A_846 : memref<1x1x512xf32, #tpu.memory_space<vmem>> -> memref<1x512xf32, #tpu.memory_space<vmem>>
    %dma_start3A_848 = arith.constant 0 : i32
    %dma_start3A_849 = tpu.memref_slice %arg2[%squeeze3A_836, %dma_start3A_848] : memref<12544x512xf32, #tpu.memory_space<hbm>> -> memref<1x512xf32, #tpu.memory_space<hbm>>
    tpu.enqueue_dma source(%dma_start3A_849 : memref<1x512xf32, #tpu.memory_space<hbm>>) target(%dma_start3A_847 : memref<1x512xf32, #tpu.memory_space<vmem>>) target_semaphore(%arg8 : memref<!tpu.dma_semaphore, #tpu.memory_space<semaphore_mem>>)
    %slice3A_850 = vector.extract_strided_slice %rem3A_744 {offsets = [7], sizes = [1], strides = [1]} : vector<16xi32> to vector<1xi32>
    %squeeze3A_851 = vector.extract %slice3A_850[0] : i32 from vector<1xi32>
    %dma_start3A_852 = arith.constant 0 : i32
    %dma_start3A_853 = arith.constant 55 : i32
    %dma_start3A_854 = arith.constant 0 : i32
    %dma_start3A_855 = tpu.memref_slice %arg6[%dma_start3A_852, %dma_start3A_853, %dma_start3A_854] : memref<1x64x512xf32, #tpu.memory_space<vmem>> -> memref<1x1x512xf32, #tpu.memory_space<vmem>>
    %dma_start3A_856 = tpu.memref_squeeze %dma_start3A_855 : memref<1x1x512xf32, #tpu.memory_space<vmem>> -> memref<1x512xf32, #tpu.memory_space<vmem>>
    %dma_start3A_857 = arith.constant 0 : i32
    %dma_start3A_858 = tpu.memref_slice %arg2[%squeeze3A_851, %dma_start3A_857] : memref<12544x512xf32, #tpu.memory_space<hbm>> -> memref<1x512xf32, #tpu.memory_space<hbm>>
    %dma_start3A_859 = arith.constant 55 : i32
    %dma_start3A_860 = arith.constant 0 : i32
    %dma_start3A_861 = tpu.memref_slice %arg6[%dma_start3A_852, %dma_start3A_859, %dma_start3A_860] : memref<1x64x512xf32, #tpu.memory_space<vmem>> -> memref<1x1x512xf32, #tpu.memory_space<vmem>>
    %dma_start3A_862 = tpu.memref_squeeze %dma_start3A_861 : memref<1x1x512xf32, #tpu.memory_space<vmem>> -> memref<1x512xf32, #tpu.memory_space<vmem>>
    %dma_start3A_863 = arith.constant 0 : i32
    %dma_start3A_864 = tpu.memref_slice %arg2[%squeeze3A_851, %dma_start3A_863] : memref<12544x512xf32, #tpu.memory_space<hbm>> -> memref<1x512xf32, #tpu.memory_space<hbm>>
    tpu.enqueue_dma source(%dma_start3A_864 : memref<1x512xf32, #tpu.memory_space<hbm>>) target(%dma_start3A_862 : memref<1x512xf32, #tpu.memory_space<vmem>>) target_semaphore(%arg8 : memref<!tpu.dma_semaphore, #tpu.memory_space<semaphore_mem>>)
    %slice3A_865 = vector.extract_strided_slice %rem3A_744 {offsets = [8], sizes = [1], strides = [1]} : vector<16xi32> to vector<1xi32>
    %squeeze3A_866 = vector.extract %slice3A_865[0] : i32 from vector<1xi32>
    %dma_start3A_867 = arith.constant 0 : i32
    %dma_start3A_868 = arith.constant 56 : i32
    %dma_start3A_869 = arith.constant 0 : i32
    %dma_start3A_870 = tpu.memref_slice %arg6[%dma_start3A_867, %dma_start3A_868, %dma_start3A_869] : memref<1x64x512xf32, #tpu.memory_space<vmem>> -> memref<1x1x512xf32, #tpu.memory_space<vmem>>
    %dma_start3A_871 = tpu.memref_squeeze %dma_start3A_870 : memref<1x1x512xf32, #tpu.memory_space<vmem>> -> memref<1x512xf32, #tpu.memory_space<vmem>>
    %dma_start3A_872 = arith.constant 0 : i32
    %dma_start3A_873 = tpu.memref_slice %arg2[%squeeze3A_866, %dma_start3A_872] : memref<12544x512xf32, #tpu.memory_space<hbm>> -> memref<1x512xf32, #tpu.memory_space<hbm>>
    %dma_start3A_874 = arith.constant 56 : i32
    %dma_start3A_875 = arith.constant 0 : i32
    %dma_start3A_876 = tpu.memref_slice %arg6[%dma_start3A_867, %dma_start3A_874, %dma_start3A_875] : memref<1x64x512xf32, #tpu.memory_space<vmem>> -> memref<1x1x512xf32, #tpu.memory_space<vmem>>
    %dma_start3A_877 = tpu.memref_squeeze %dma_start3A_876 : memref<1x1x512xf32, #tpu.memory_space<vmem>> -> memref<1x512xf32, #tpu.memory_space<vmem>>
    %dma_start3A_878 = arith.constant 0 : i32
    %dma_start3A_879 = tpu.memref_slice %arg2[%squeeze3A_866, %dma_start3A_878] : memref<12544x512xf32, #tpu.memory_space<hbm>> -> memref<1x512xf32, #tpu.memory_space<hbm>>
    tpu.enqueue_dma source(%dma_start3A_879 : memref<1x512xf32, #tpu.memory_space<hbm>>) target(%dma_start3A_877 : memref<1x512xf32, #tpu.memory_space<vmem>>) target_semaphore(%arg8 : memref<!tpu.dma_semaphore, #tpu.memory_space<semaphore_mem>>)
    %slice3A_880 = vector.extract_strided_slice %rem3A_744 {offsets = [9], sizes = [1], strides = [1]} : vector<16xi32> to vector<1xi32>
    %squeeze3A_881 = vector.extract %slice3A_880[0] : i32 from vector<1xi32>
    %dma_start3A_882 = arith.constant 0 : i32
    %dma_start3A_883 = arith.constant 57 : i32
    %dma_start3A_884 = arith.constant 0 : i32
    %dma_start3A_885 = tpu.memref_slice %arg6[%dma_start3A_882, %dma_start3A_883, %dma_start3A_884] : memref<1x64x512xf32, #tpu.memory_space<vmem>> -> memref<1x1x512xf32, #tpu.memory_space<vmem>>
    %dma_start3A_886 = tpu.memref_squeeze %dma_start3A_885 : memref<1x1x512xf32, #tpu.memory_space<vmem>> -> memref<1x512xf32, #tpu.memory_space<vmem>>
    %dma_start3A_887 = arith.constant 0 : i32
    %dma_start3A_888 = tpu.memref_slice %arg2[%squeeze3A_881, %dma_start3A_887] : memref<12544x512xf32, #tpu.memory_space<hbm>> -> memref<1x512xf32, #tpu.memory_space<hbm>>
    %dma_start3A_889 = arith.constant 57 : i32
    %dma_start3A_890 = arith.constant 0 : i32
    %dma_start3A_891 = tpu.memref_slice %arg6[%dma_start3A_882, %dma_start3A_889, %dma_start3A_890] : memref<1x64x512xf32, #tpu.memory_space<vmem>> -> memref<1x1x512xf32, #tpu.memory_space<vmem>>
    %dma_start3A_892 = tpu.memref_squeeze %dma_start3A_891 : memref<1x1x512xf32, #tpu.memory_space<vmem>> -> memref<1x512xf32, #tpu.memory_space<vmem>>
    %dma_start3A_893 = arith.constant 0 : i32
    %dma_start3A_894 = tpu.memref_slice %arg2[%squeeze3A_881, %dma_start3A_893] : memref<12544x512xf32, #tpu.memory_space<hbm>> -> memref<1x512xf32, #tpu.memory_space<hbm>>
    tpu.enqueue_dma source(%dma_start3A_894 : memref<1x512xf32, #tpu.memory_space<hbm>>) target(%dma_start3A_892 : memref<1x512xf32, #tpu.memory_space<vmem>>) target_semaphore(%arg8 : memref<!tpu.dma_semaphore, #tpu.memory_space<semaphore_mem>>)
    %slice3A_895 = vector.extract_strided_slice %rem3A_744 {offsets = [10], sizes = [1], strides = [1]} : vector<16xi32> to vector<1xi32>
    %squeeze3A_896 = vector.extract %slice3A_895[0] : i32 from vector<1xi32>
    %dma_start3A_897 = arith.constant 0 : i32
    %dma_start3A_898 = arith.constant 58 : i32
    %dma_start3A_899 = arith.constant 0 : i32
    %dma_start3A_900 = tpu.memref_slice %arg6[%dma_start3A_897, %dma_start3A_898, %dma_start3A_899] : memref<1x64x512xf32, #tpu.memory_space<vmem>> -> memref<1x1x512xf32, #tpu.memory_space<vmem>>
    %dma_start3A_901 = tpu.memref_squeeze %dma_start3A_900 : memref<1x1x512xf32, #tpu.memory_space<vmem>> -> memref<1x512xf32, #tpu.memory_space<vmem>>
    %dma_start3A_902 = arith.constant 0 : i32
    %dma_start3A_903 = tpu.memref_slice %arg2[%squeeze3A_896, %dma_start3A_902] : memref<12544x512xf32, #tpu.memory_space<hbm>> -> memref<1x512xf32, #tpu.memory_space<hbm>>
    %dma_start3A_904 = arith.constant 58 : i32
    %dma_start3A_905 = arith.constant 0 : i32
    %dma_start3A_906 = tpu.memref_slice %arg6[%dma_start3A_897, %dma_start3A_904, %dma_start3A_905] : memref<1x64x512xf32, #tpu.memory_space<vmem>> -> memref<1x1x512xf32, #tpu.memory_space<vmem>>
    %dma_start3A_907 = tpu.memref_squeeze %dma_start3A_906 : memref<1x1x512xf32, #tpu.memory_space<vmem>> -> memref<1x512xf32, #tpu.memory_space<vmem>>
    %dma_start3A_908 = arith.constant 0 : i32
    %dma_start3A_909 = tpu.memref_slice %arg2[%squeeze3A_896, %dma_start3A_908] : memref<12544x512xf32, #tpu.memory_space<hbm>> -> memref<1x512xf32, #tpu.memory_space<hbm>>
    tpu.enqueue_dma source(%dma_start3A_909 : memref<1x512xf32, #tpu.memory_space<hbm>>) target(%dma_start3A_907 : memref<1x512xf32, #tpu.memory_space<vmem>>) target_semaphore(%arg8 : memref<!tpu.dma_semaphore, #tpu.memory_space<semaphore_mem>>)
    %slice3A_910 = vector.extract_strided_slice %rem3A_744 {offsets = [11], sizes = [1], strides = [1]} : vector<16xi32> to vector<1xi32>
    %squeeze3A_911 = vector.extract %slice3A_910[0] : i32 from vector<1xi32>
    %dma_start3A_912 = arith.constant 0 : i32
    %dma_start3A_913 = arith.constant 59 : i32
    %dma_start3A_914 = arith.constant 0 : i32
    %dma_start3A_915 = tpu.memref_slice %arg6[%dma_start3A_912, %dma_start3A_913, %dma_start3A_914] : memref<1x64x512xf32, #tpu.memory_space<vmem>> -> memref<1x1x512xf32, #tpu.memory_space<vmem>>
    %dma_start3A_916 = tpu.memref_squeeze %dma_start3A_915 : memref<1x1x512xf32, #tpu.memory_space<vmem>> -> memref<1x512xf32, #tpu.memory_space<vmem>>
    %dma_start3A_917 = arith.constant 0 : i32
    %dma_start3A_918 = tpu.memref_slice %arg2[%squeeze3A_911, %dma_start3A_917] : memref<12544x512xf32, #tpu.memory_space<hbm>> -> memref<1x512xf32, #tpu.memory_space<hbm>>
    %dma_start3A_919 = arith.constant 59 : i32
    %dma_start3A_920 = arith.constant 0 : i32
    %dma_start3A_921 = tpu.memref_slice %arg6[%dma_start3A_912, %dma_start3A_919, %dma_start3A_920] : memref<1x64x512xf32, #tpu.memory_space<vmem>> -> memref<1x1x512xf32, #tpu.memory_space<vmem>>
    %dma_start3A_922 = tpu.memref_squeeze %dma_start3A_921 : memref<1x1x512xf32, #tpu.memory_space<vmem>> -> memref<1x512xf32, #tpu.memory_space<vmem>>
    %dma_start3A_923 = arith.constant 0 : i32
    %dma_start3A_924 = tpu.memref_slice %arg2[%squeeze3A_911, %dma_start3A_923] : memref<12544x512xf32, #tpu.memory_space<hbm>> -> memref<1x512xf32, #tpu.memory_space<hbm>>
    tpu.enqueue_dma source(%dma_start3A_924 : memref<1x512xf32, #tpu.memory_space<hbm>>) target(%dma_start3A_922 : memref<1x512xf32, #tpu.memory_space<vmem>>) target_semaphore(%arg8 : memref<!tpu.dma_semaphore, #tpu.memory_space<semaphore_mem>>)
    %slice3A_925 = vector.extract_strided_slice %rem3A_744 {offsets = [12], sizes = [1], strides = [1]} : vector<16xi32> to vector<1xi32>
    %squeeze3A_926 = vector.extract %slice3A_925[0] : i32 from vector<1xi32>
    %dma_start3A_927 = arith.constant 0 : i32
    %dma_start3A_928 = arith.constant 60 : i32
    %dma_start3A_929 = arith.constant 0 : i32
    %dma_start3A_930 = tpu.memref_slice %arg6[%dma_start3A_927, %dma_start3A_928, %dma_start3A_929] : memref<1x64x512xf32, #tpu.memory_space<vmem>> -> memref<1x1x512xf32, #tpu.memory_space<vmem>>
    %dma_start3A_931 = tpu.memref_squeeze %dma_start3A_930 : memref<1x1x512xf32, #tpu.memory_space<vmem>> -> memref<1x512xf32, #tpu.memory_space<vmem>>
    %dma_start3A_932 = arith.constant 0 : i32
    %dma_start3A_933 = tpu.memref_slice %arg2[%squeeze3A_926, %dma_start3A_932] : memref<12544x512xf32, #tpu.memory_space<hbm>> -> memref<1x512xf32, #tpu.memory_space<hbm>>
    %dma_start3A_934 = arith.constant 60 : i32
    %dma_start3A_935 = arith.constant 0 : i32
    %dma_start3A_936 = tpu.memref_slice %arg6[%dma_start3A_927, %dma_start3A_934, %dma_start3A_935] : memref<1x64x512xf32, #tpu.memory_space<vmem>> -> memref<1x1x512xf32, #tpu.memory_space<vmem>>
    %dma_start3A_937 = tpu.memref_squeeze %dma_start3A_936 : memref<1x1x512xf32, #tpu.memory_space<vmem>> -> memref<1x512xf32, #tpu.memory_space<vmem>>
    %dma_start3A_938 = arith.constant 0 : i32
    %dma_start3A_939 = tpu.memref_slice %arg2[%squeeze3A_926, %dma_start3A_938] : memref<12544x512xf32, #tpu.memory_space<hbm>> -> memref<1x512xf32, #tpu.memory_space<hbm>>
    tpu.enqueue_dma source(%dma_start3A_939 : memref<1x512xf32, #tpu.memory_space<hbm>>) target(%dma_start3A_937 : memref<1x512xf32, #tpu.memory_space<vmem>>) target_semaphore(%arg8 : memref<!tpu.dma_semaphore, #tpu.memory_space<semaphore_mem>>)
    %slice3A_940 = vector.extract_strided_slice %rem3A_744 {offsets = [13], sizes = [1], strides = [1]} : vector<16xi32> to vector<1xi32>
    %squeeze3A_941 = vector.extract %slice3A_940[0] : i32 from vector<1xi32>
    %dma_start3A_942 = arith.constant 0 : i32
    %dma_start3A_943 = arith.constant 61 : i32
    %dma_start3A_944 = arith.constant 0 : i32
    %dma_start3A_945 = tpu.memref_slice %arg6[%dma_start3A_942, %dma_start3A_943, %dma_start3A_944] : memref<1x64x512xf32, #tpu.memory_space<vmem>> -> memref<1x1x512xf32, #tpu.memory_space<vmem>>
    %dma_start3A_946 = tpu.memref_squeeze %dma_start3A_945 : memref<1x1x512xf32, #tpu.memory_space<vmem>> -> memref<1x512xf32, #tpu.memory_space<vmem>>
    %dma_start3A_947 = arith.constant 0 : i32
    %dma_start3A_948 = tpu.memref_slice %arg2[%squeeze3A_941, %dma_start3A_947] : memref<12544x512xf32, #tpu.memory_space<hbm>> -> memref<1x512xf32, #tpu.memory_space<hbm>>
    %dma_start3A_949 = arith.constant 61 : i32
    %dma_start3A_950 = arith.constant 0 : i32
    %dma_start3A_951 = tpu.memref_slice %arg6[%dma_start3A_942, %dma_start3A_949, %dma_start3A_950] : memref<1x64x512xf32, #tpu.memory_space<vmem>> -> memref<1x1x512xf32, #tpu.memory_space<vmem>>
    %dma_start3A_952 = tpu.memref_squeeze %dma_start3A_951 : memref<1x1x512xf32, #tpu.memory_space<vmem>> -> memref<1x512xf32, #tpu.memory_space<vmem>>
    %dma_start3A_953 = arith.constant 0 : i32
    %dma_start3A_954 = tpu.memref_slice %arg2[%squeeze3A_941, %dma_start3A_953] : memref<12544x512xf32, #tpu.memory_space<hbm>> -> memref<1x512xf32, #tpu.memory_space<hbm>>
    tpu.enqueue_dma source(%dma_start3A_954 : memref<1x512xf32, #tpu.memory_space<hbm>>) target(%dma_start3A_952 : memref<1x512xf32, #tpu.memory_space<vmem>>) target_semaphore(%arg8 : memref<!tpu.dma_semaphore, #tpu.memory_space<semaphore_mem>>)
    %slice3A_955 = vector.extract_strided_slice %rem3A_744 {offsets = [14], sizes = [1], strides = [1]} : vector<16xi32> to vector<1xi32>
    %squeeze3A_956 = vector.extract %slice3A_955[0] : i32 from vector<1xi32>
    %dma_start3A_957 = arith.constant 0 : i32
    %dma_start3A_958 = arith.constant 62 : i32
    %dma_start3A_959 = arith.constant 0 : i32
    %dma_start3A_960 = tpu.memref_slice %arg6[%dma_start3A_957, %dma_start3A_958, %dma_start3A_959] : memref<1x64x512xf32, #tpu.memory_space<vmem>> -> memref<1x1x512xf32, #tpu.memory_space<vmem>>
    %dma_start3A_961 = tpu.memref_squeeze %dma_start3A_960 : memref<1x1x512xf32, #tpu.memory_space<vmem>> -> memref<1x512xf32, #tpu.memory_space<vmem>>
    %dma_start3A_962 = arith.constant 0 : i32
    %dma_start3A_963 = tpu.memref_slice %arg2[%squeeze3A_956, %dma_start3A_962] : memref<12544x512xf32, #tpu.memory_space<hbm>> -> memref<1x512xf32, #tpu.memory_space<hbm>>
    %dma_start3A_964 = arith.constant 62 : i32
    %dma_start3A_965 = arith.constant 0 : i32
    %dma_start3A_966 = tpu.memref_slice %arg6[%dma_start3A_957, %dma_start3A_964, %dma_start3A_965] : memref<1x64x512xf32, #tpu.memory_space<vmem>> -> memref<1x1x512xf32, #tpu.memory_space<vmem>>
    %dma_start3A_967 = tpu.memref_squeeze %dma_start3A_966 : memref<1x1x512xf32, #tpu.memory_space<vmem>> -> memref<1x512xf32, #tpu.memory_space<vmem>>
    %dma_start3A_968 = arith.constant 0 : i32
    %dma_start3A_969 = tpu.memref_slice %arg2[%squeeze3A_956, %dma_start3A_968] : memref<12544x512xf32, #tpu.memory_space<hbm>> -> memref<1x512xf32, #tpu.memory_space<hbm>>
    tpu.enqueue_dma source(%dma_start3A_969 : memref<1x512xf32, #tpu.memory_space<hbm>>) target(%dma_start3A_967 : memref<1x512xf32, #tpu.memory_space<vmem>>) target_semaphore(%arg8 : memref<!tpu.dma_semaphore, #tpu.memory_space<semaphore_mem>>)
    %slice3A_970 = vector.extract_strided_slice %rem3A_744 {offsets = [15], sizes = [1], strides = [1]} : vector<16xi32> to vector<1xi32>
    %squeeze3A_971 = vector.extract %slice3A_970[0] : i32 from vector<1xi32>
    %dma_start3A_972 = arith.constant 0 : i32
    %dma_start3A_973 = arith.constant 63 : i32
    %dma_start3A_974 = arith.constant 0 : i32
    %dma_start3A_975 = tpu.memref_slice %arg6[%dma_start3A_972, %dma_start3A_973, %dma_start3A_974] : memref<1x64x512xf32, #tpu.memory_space<vmem>> -> memref<1x1x512xf32, #tpu.memory_space<vmem>>
    %dma_start3A_976 = tpu.memref_squeeze %dma_start3A_975 : memref<1x1x512xf32, #tpu.memory_space<vmem>> -> memref<1x512xf32, #tpu.memory_space<vmem>>
    %dma_start3A_977 = arith.constant 0 : i32
    %dma_start3A_978 = tpu.memref_slice %arg2[%squeeze3A_971, %dma_start3A_977] : memref<12544x512xf32, #tpu.memory_space<hbm>> -> memref<1x512xf32, #tpu.memory_space<hbm>>
    %dma_start3A_979 = arith.constant 63 : i32
    %dma_start3A_980 = arith.constant 0 : i32
    %dma_start3A_981 = tpu.memref_slice %arg6[%dma_start3A_972, %dma_start3A_979, %dma_start3A_980] : memref<1x64x512xf32, #tpu.memory_space<vmem>> -> memref<1x1x512xf32, #tpu.memory_space<vmem>>
    %dma_start3A_982 = tpu.memref_squeeze %dma_start3A_981 : memref<1x1x512xf32, #tpu.memory_space<vmem>> -> memref<1x512xf32, #tpu.memory_space<vmem>>
    %dma_start3A_983 = arith.constant 0 : i32
    %dma_start3A_984 = tpu.memref_slice %arg2[%squeeze3A_971, %dma_start3A_983] : memref<12544x512xf32, #tpu.memory_space<hbm>> -> memref<1x512xf32, #tpu.memory_space<hbm>>
    tpu.enqueue_dma source(%dma_start3A_984 : memref<1x512xf32, #tpu.memory_space<hbm>>) target(%dma_start3A_982 : memref<1x512xf32, #tpu.memory_space<vmem>>) target_semaphore(%arg8 : memref<!tpu.dma_semaphore, #tpu.memory_space<semaphore_mem>>)
    %dma_wait3A_985 = arith.constant 0 : i32
    %dma_wait3A_986 = arith.constant 0 : i32
    %dma_wait3A_987 = arith.constant 0 : i32
    %dma_wait3A_988 = tpu.memref_slice %arg6[%dma_wait3A_985, %dma_wait3A_986, %dma_wait3A_987] : memref<1x64x512xf32, #tpu.memory_space<vmem>> -> memref<1x1x512xf32, #tpu.memory_space<vmem>>
    %dma_wait3A_989 = tpu.memref_squeeze %dma_wait3A_988 : memref<1x1x512xf32, #tpu.memory_space<vmem>> -> memref<1x512xf32, #tpu.memory_space<vmem>>
    %dma_wait3A_990 = arith.constant 0 : i32
    %dma_wait3A_991 = tpu.memref_slice %arg2[%squeeze3A, %dma_wait3A_990] : memref<12544x512xf32, #tpu.memory_space<hbm>> -> memref<1x512xf32, #tpu.memory_space<hbm>>
    %dma_wait3A_992 = arith.constant 0 : i32
    %dma_wait3A_993 = arith.constant 0 : i32
    %dma_wait3A_994 = tpu.memref_slice %arg6[%dma_wait3A_985, %dma_wait3A_992, %dma_wait3A_993] : memref<1x64x512xf32, #tpu.memory_space<vmem>> -> memref<1x1x512xf32, #tpu.memory_space<vmem>>
    %dma_wait3A_995 = tpu.memref_squeeze %dma_wait3A_994 : memref<1x1x512xf32, #tpu.memory_space<vmem>> -> memref<1x512xf32, #tpu.memory_space<vmem>>
    %dma_wait3A_996 = arith.constant 0 : i32
    %dma_wait3A_997 = tpu.memref_slice %arg2[%squeeze3A, %dma_wait3A_996] : memref<12544x512xf32, #tpu.memory_space<hbm>> -> memref<1x512xf32, #tpu.memory_space<hbm>>
    tpu.wait_dma2 semaphore(%arg8 : memref<!tpu.dma_semaphore, #tpu.memory_space<semaphore_mem>>) src(%dma_wait3A_997 : memref<1x512xf32, #tpu.memory_space<hbm>>) dst(%dma_wait3A_995 : memref<1x512xf32, #tpu.memory_space<vmem>>)
    %dma_wait3A_998 = arith.constant 0 : i32
    %dma_wait3A_999 = arith.constant 1 : i32
    %dma_wait3A_1000 = arith.constant 0 : i32
    %dma_wait3A_1001 = tpu.memref_slice %arg6[%dma_wait3A_998, %dma_wait3A_999, %dma_wait3A_1000] : memref<1x64x512xf32, #tpu.memory_space<vmem>> -> memref<1x1x512xf32, #tpu.memory_space<vmem>>
    %dma_wait3A_1002 = tpu.memref_squeeze %dma_wait3A_1001 : memref<1x1x512xf32, #tpu.memory_space<vmem>> -> memref<1x512xf32, #tpu.memory_space<vmem>>
    %dma_wait3A_1003 = arith.constant 0 : i32
    %dma_wait3A_1004 = tpu.memref_slice %arg2[%squeeze3A_23, %dma_wait3A_1003] : memref<12544x512xf32, #tpu.memory_space<hbm>> -> memref<1x512xf32, #tpu.memory_space<hbm>>
    %dma_wait3A_1005 = arith.constant 1 : i32
    %dma_wait3A_1006 = arith.constant 0 : i32
    %dma_wait3A_1007 = tpu.memref_slice %arg6[%dma_wait3A_998, %dma_wait3A_1005, %dma_wait3A_1006] : memref<1x64x512xf32, #tpu.memory_space<vmem>> -> memref<1x1x512xf32, #tpu.memory_space<vmem>>
    %dma_wait3A_1008 = tpu.memref_squeeze %dma_wait3A_1007 : memref<1x1x512xf32, #tpu.memory_space<vmem>> -> memref<1x512xf32, #tpu.memory_space<vmem>>
    %dma_wait3A_1009 = arith.constant 0 : i32
    %dma_wait3A_1010 = tpu.memref_slice %arg2[%squeeze3A_23, %dma_wait3A_1009] : memref<12544x512xf32, #tpu.memory_space<hbm>> -> memref<1x512xf32, #tpu.memory_space<hbm>>
    tpu.wait_dma2 semaphore(%arg8 : memref<!tpu.dma_semaphore, #tpu.memory_space<semaphore_mem>>) src(%dma_wait3A_1010 : memref<1x512xf32, #tpu.memory_space<hbm>>) dst(%dma_wait3A_1008 : memref<1x512xf32, #tpu.memory_space<vmem>>)
    %dma_wait3A_1011 = arith.constant 0 : i32
    %dma_wait3A_1012 = arith.constant 2 : i32
    %dma_wait3A_1013 = arith.constant 0 : i32
    %dma_wait3A_1014 = tpu.memref_slice %arg6[%dma_wait3A_1011, %dma_wait3A_1012, %dma_wait3A_1013] : memref<1x64x512xf32, #tpu.memory_space<vmem>> -> memref<1x1x512xf32, #tpu.memory_space<vmem>>
    %dma_wait3A_1015 = tpu.memref_squeeze %dma_wait3A_1014 : memref<1x1x512xf32, #tpu.memory_space<vmem>> -> memref<1x512xf32, #tpu.memory_space<vmem>>
    %dma_wait3A_1016 = arith.constant 0 : i32
    %dma_wait3A_1017 = tpu.memref_slice %arg2[%squeeze3A_38, %dma_wait3A_1016] : memref<12544x512xf32, #tpu.memory_space<hbm>> -> memref<1x512xf32, #tpu.memory_space<hbm>>
    %dma_wait3A_1018 = arith.constant 2 : i32
    %dma_wait3A_1019 = arith.constant 0 : i32
    %dma_wait3A_1020 = tpu.memref_slice %arg6[%dma_wait3A_1011, %dma_wait3A_1018, %dma_wait3A_1019] : memref<1x64x512xf32, #tpu.memory_space<vmem>> -> memref<1x1x512xf32, #tpu.memory_space<vmem>>
    %dma_wait3A_1021 = tpu.memref_squeeze %dma_wait3A_1020 : memref<1x1x512xf32, #tpu.memory_space<vmem>> -> memref<1x512xf32, #tpu.memory_space<vmem>>
    %dma_wait3A_1022 = arith.constant 0 : i32
    %dma_wait3A_1023 = tpu.memref_slice %arg2[%squeeze3A_38, %dma_wait3A_1022] : memref<12544x512xf32, #tpu.memory_space<hbm>> -> memref<1x512xf32, #tpu.memory_space<hbm>>
    tpu.wait_dma2 semaphore(%arg8 : memref<!tpu.dma_semaphore, #tpu.memory_space<semaphore_mem>>) src(%dma_wait3A_1023 : memref<1x512xf32, #tpu.memory_space<hbm>>) dst(%dma_wait3A_1021 : memref<1x512xf32, #tpu.memory_space<vmem>>)
    %dma_wait3A_1024 = arith.constant 0 : i32
    %dma_wait3A_1025 = arith.constant 3 : i32
    %dma_wait3A_1026 = arith.constant 0 : i32
    %dma_wait3A_1027 = tpu.memref_slice %arg6[%dma_wait3A_1024, %dma_wait3A_1025, %dma_wait3A_1026] : memref<1x64x512xf32, #tpu.memory_space<vmem>> -> memref<1x1x512xf32, #tpu.memory_space<vmem>>
    %dma_wait3A_1028 = tpu.memref_squeeze %dma_wait3A_1027 : memref<1x1x512xf32, #tpu.memory_space<vmem>> -> memref<1x512xf32, #tpu.memory_space<vmem>>
    %dma_wait3A_1029 = arith.constant 0 : i32
    %dma_wait3A_1030 = tpu.memref_slice %arg2[%squeeze3A_53, %dma_wait3A_1029] : memref<12544x512xf32, #tpu.memory_space<hbm>> -> memref<1x512xf32, #tpu.memory_space<hbm>>
    %dma_wait3A_1031 = arith.constant 3 : i32
    %dma_wait3A_1032 = arith.constant 0 : i32
    %dma_wait3A_1033 = tpu.memref_slice %arg6[%dma_wait3A_1024, %dma_wait3A_1031, %dma_wait3A_1032] : memref<1x64x512xf32, #tpu.memory_space<vmem>> -> memref<1x1x512xf32, #tpu.memory_space<vmem>>
    %dma_wait3A_1034 = tpu.memref_squeeze %dma_wait3A_1033 : memref<1x1x512xf32, #tpu.memory_space<vmem>> -> memref<1x512xf32, #tpu.memory_space<vmem>>
    %dma_wait3A_1035 = arith.constant 0 : i32
    %dma_wait3A_1036 = tpu.memref_slice %arg2[%squeeze3A_53, %dma_wait3A_1035] : memref<12544x512xf32, #tpu.memory_space<hbm>> -> memref<1x512xf32, #tpu.memory_space<hbm>>
    tpu.wait_dma2 semaphore(%arg8 : memref<!tpu.dma_semaphore, #tpu.memory_space<semaphore_mem>>) src(%dma_wait3A_1036 : memref<1x512xf32, #tpu.memory_space<hbm>>) dst(%dma_wait3A_1034 : memref<1x512xf32, #tpu.memory_space<vmem>>)
    %dma_wait3A_1037 = arith.constant 0 : i32
    %dma_wait3A_1038 = arith.constant 4 : i32
    %dma_wait3A_1039 = arith.constant 0 : i32
    %dma_wait3A_1040 = tpu.memref_slice %arg6[%dma_wait3A_1037, %dma_wait3A_1038, %dma_wait3A_1039] : memref<1x64x512xf32, #tpu.memory_space<vmem>> -> memref<1x1x512xf32, #tpu.memory_space<vmem>>
    %dma_wait3A_1041 = tpu.memref_squeeze %dma_wait3A_1040 : memref<1x1x512xf32, #tpu.memory_space<vmem>> -> memref<1x512xf32, #tpu.memory_space<vmem>>
    %dma_wait3A_1042 = arith.constant 0 : i32
    %dma_wait3A_1043 = tpu.memref_slice %arg2[%squeeze3A_68, %dma_wait3A_1042] : memref<12544x512xf32, #tpu.memory_space<hbm>> -> memref<1x512xf32, #tpu.memory_space<hbm>>
    %dma_wait3A_1044 = arith.constant 4 : i32
    %dma_wait3A_1045 = arith.constant 0 : i32
    %dma_wait3A_1046 = tpu.memref_slice %arg6[%dma_wait3A_1037, %dma_wait3A_1044, %dma_wait3A_1045] : memref<1x64x512xf32, #tpu.memory_space<vmem>> -> memref<1x1x512xf32, #tpu.memory_space<vmem>>
    %dma_wait3A_1047 = tpu.memref_squeeze %dma_wait3A_1046 : memref<1x1x512xf32, #tpu.memory_space<vmem>> -> memref<1x512xf32, #tpu.memory_space<vmem>>
    %dma_wait3A_1048 = arith.constant 0 : i32
    %dma_wait3A_1049 = tpu.memref_slice %arg2[%squeeze3A_68, %dma_wait3A_1048] : memref<12544x512xf32, #tpu.memory_space<hbm>> -> memref<1x512xf32, #tpu.memory_space<hbm>>
    tpu.wait_dma2 semaphore(%arg8 : memref<!tpu.dma_semaphore, #tpu.memory_space<semaphore_mem>>) src(%dma_wait3A_1049 : memref<1x512xf32, #tpu.memory_space<hbm>>) dst(%dma_wait3A_1047 : memref<1x512xf32, #tpu.memory_space<vmem>>)
    %dma_wait3A_1050 = arith.constant 0 : i32
    %dma_wait3A_1051 = arith.constant 5 : i32
    %dma_wait3A_1052 = arith.constant 0 : i32
    %dma_wait3A_1053 = tpu.memref_slice %arg6[%dma_wait3A_1050, %dma_wait3A_1051, %dma_wait3A_1052] : memref<1x64x512xf32, #tpu.memory_space<vmem>> -> memref<1x1x512xf32, #tpu.memory_space<vmem>>
    %dma_wait3A_1054 = tpu.memref_squeeze %dma_wait3A_1053 : memref<1x1x512xf32, #tpu.memory_space<vmem>> -> memref<1x512xf32, #tpu.memory_space<vmem>>
    %dma_wait3A_1055 = arith.constant 0 : i32
    %dma_wait3A_1056 = tpu.memref_slice %arg2[%squeeze3A_83, %dma_wait3A_1055] : memref<12544x512xf32, #tpu.memory_space<hbm>> -> memref<1x512xf32, #tpu.memory_space<hbm>>
    %dma_wait3A_1057 = arith.constant 5 : i32
    %dma_wait3A_1058 = arith.constant 0 : i32
    %dma_wait3A_1059 = tpu.memref_slice %arg6[%dma_wait3A_1050, %dma_wait3A_1057, %dma_wait3A_1058] : memref<1x64x512xf32, #tpu.memory_space<vmem>> -> memref<1x1x512xf32, #tpu.memory_space<vmem>>
    %dma_wait3A_1060 = tpu.memref_squeeze %dma_wait3A_1059 : memref<1x1x512xf32, #tpu.memory_space<vmem>> -> memref<1x512xf32, #tpu.memory_space<vmem>>
    %dma_wait3A_1061 = arith.constant 0 : i32
    %dma_wait3A_1062 = tpu.memref_slice %arg2[%squeeze3A_83, %dma_wait3A_1061] : memref<12544x512xf32, #tpu.memory_space<hbm>> -> memref<1x512xf32, #tpu.memory_space<hbm>>
    tpu.wait_dma2 semaphore(%arg8 : memref<!tpu.dma_semaphore, #tpu.memory_space<semaphore_mem>>) src(%dma_wait3A_1062 : memref<1x512xf32, #tpu.memory_space<hbm>>) dst(%dma_wait3A_1060 : memref<1x512xf32, #tpu.memory_space<vmem>>)
    %dma_wait3A_1063 = arith.constant 0 : i32
    %dma_wait3A_1064 = arith.constant 6 : i32
    %dma_wait3A_1065 = arith.constant 0 : i32
    %dma_wait3A_1066 = tpu.memref_slice %arg6[%dma_wait3A_1063, %dma_wait3A_1064, %dma_wait3A_1065] : memref<1x64x512xf32, #tpu.memory_space<vmem>> -> memref<1x1x512xf32, #tpu.memory_space<vmem>>
    %dma_wait3A_1067 = tpu.memref_squeeze %dma_wait3A_1066 : memref<1x1x512xf32, #tpu.memory_space<vmem>> -> memref<1x512xf32, #tpu.memory_space<vmem>>
    %dma_wait3A_1068 = arith.constant 0 : i32
    %dma_wait3A_1069 = tpu.memref_slice %arg2[%squeeze3A_98, %dma_wait3A_1068] : memref<12544x512xf32, #tpu.memory_space<hbm>> -> memref<1x512xf32, #tpu.memory_space<hbm>>
    %dma_wait3A_1070 = arith.constant 6 : i32
    %dma_wait3A_1071 = arith.constant 0 : i32
    %dma_wait3A_1072 = tpu.memref_slice %arg6[%dma_wait3A_1063, %dma_wait3A_1070, %dma_wait3A_1071] : memref<1x64x512xf32, #tpu.memory_space<vmem>> -> memref<1x1x512xf32, #tpu.memory_space<vmem>>
    %dma_wait3A_1073 = tpu.memref_squeeze %dma_wait3A_1072 : memref<1x1x512xf32, #tpu.memory_space<vmem>> -> memref<1x512xf32, #tpu.memory_space<vmem>>
    %dma_wait3A_1074 = arith.constant 0 : i32
    %dma_wait3A_1075 = tpu.memref_slice %arg2[%squeeze3A_98, %dma_wait3A_1074] : memref<12544x512xf32, #tpu.memory_space<hbm>> -> memref<1x512xf32, #tpu.memory_space<hbm>>
    tpu.wait_dma2 semaphore(%arg8 : memref<!tpu.dma_semaphore, #tpu.memory_space<semaphore_mem>>) src(%dma_wait3A_1075 : memref<1x512xf32, #tpu.memory_space<hbm>>) dst(%dma_wait3A_1073 : memref<1x512xf32, #tpu.memory_space<vmem>>)
    %dma_wait3A_1076 = arith.constant 0 : i32
    %dma_wait3A_1077 = arith.constant 7 : i32
    %dma_wait3A_1078 = arith.constant 0 : i32
    %dma_wait3A_1079 = tpu.memref_slice %arg6[%dma_wait3A_1076, %dma_wait3A_1077, %dma_wait3A_1078] : memref<1x64x512xf32, #tpu.memory_space<vmem>> -> memref<1x1x512xf32, #tpu.memory_space<vmem>>
    %dma_wait3A_1080 = tpu.memref_squeeze %dma_wait3A_1079 : memref<1x1x512xf32, #tpu.memory_space<vmem>> -> memref<1x512xf32, #tpu.memory_space<vmem>>
    %dma_wait3A_1081 = arith.constant 0 : i32
    %dma_wait3A_1082 = tpu.memref_slice %arg2[%squeeze3A_113, %dma_wait3A_1081] : memref<12544x512xf32, #tpu.memory_space<hbm>> -> memref<1x512xf32, #tpu.memory_space<hbm>>
    %dma_wait3A_1083 = arith.constant 7 : i32
    %dma_wait3A_1084 = arith.constant 0 : i32
    %dma_wait3A_1085 = tpu.memref_slice %arg6[%dma_wait3A_1076, %dma_wait3A_1083, %dma_wait3A_1084] : memref<1x64x512xf32, #tpu.memory_space<vmem>> -> memref<1x1x512xf32, #tpu.memory_space<vmem>>
    %dma_wait3A_1086 = tpu.memref_squeeze %dma_wait3A_1085 : memref<1x1x512xf32, #tpu.memory_space<vmem>> -> memref<1x512xf32, #tpu.memory_space<vmem>>
    %dma_wait3A_1087 = arith.constant 0 : i32
    %dma_wait3A_1088 = tpu.memref_slice %arg2[%squeeze3A_113, %dma_wait3A_1087] : memref<12544x512xf32, #tpu.memory_space<hbm>> -> memref<1x512xf32, #tpu.memory_space<hbm>>
    tpu.wait_dma2 semaphore(%arg8 : memref<!tpu.dma_semaphore, #tpu.memory_space<semaphore_mem>>) src(%dma_wait3A_1088 : memref<1x512xf32, #tpu.memory_space<hbm>>) dst(%dma_wait3A_1086 : memref<1x512xf32, #tpu.memory_space<vmem>>)
    %dma_wait3A_1089 = arith.constant 0 : i32
    %dma_wait3A_1090 = arith.constant 8 : i32
    %dma_wait3A_1091 = arith.constant 0 : i32
    %dma_wait3A_1092 = tpu.memref_slice %arg6[%dma_wait3A_1089, %dma_wait3A_1090, %dma_wait3A_1091] : memref<1x64x512xf32, #tpu.memory_space<vmem>> -> memref<1x1x512xf32, #tpu.memory_space<vmem>>
    %dma_wait3A_1093 = tpu.memref_squeeze %dma_wait3A_1092 : memref<1x1x512xf32, #tpu.memory_space<vmem>> -> memref<1x512xf32, #tpu.memory_space<vmem>>
    %dma_wait3A_1094 = arith.constant 0 : i32
    %dma_wait3A_1095 = tpu.memref_slice %arg2[%squeeze3A_128, %dma_wait3A_1094] : memref<12544x512xf32, #tpu.memory_space<hbm>> -> memref<1x512xf32, #tpu.memory_space<hbm>>
    %dma_wait3A_1096 = arith.constant 8 : i32
    %dma_wait3A_1097 = arith.constant 0 : i32
    %dma_wait3A_1098 = tpu.memref_slice %arg6[%dma_wait3A_1089, %dma_wait3A_1096, %dma_wait3A_1097] : memref<1x64x512xf32, #tpu.memory_space<vmem>> -> memref<1x1x512xf32, #tpu.memory_space<vmem>>
    %dma_wait3A_1099 = tpu.memref_squeeze %dma_wait3A_1098 : memref<1x1x512xf32, #tpu.memory_space<vmem>> -> memref<1x512xf32, #tpu.memory_space<vmem>>
    %dma_wait3A_1100 = arith.constant 0 : i32
    %dma_wait3A_1101 = tpu.memref_slice %arg2[%squeeze3A_128, %dma_wait3A_1100] : memref<12544x512xf32, #tpu.memory_space<hbm>> -> memref<1x512xf32, #tpu.memory_space<hbm>>
    tpu.wait_dma2 semaphore(%arg8 : memref<!tpu.dma_semaphore, #tpu.memory_space<semaphore_mem>>) src(%dma_wait3A_1101 : memref<1x512xf32, #tpu.memory_space<hbm>>) dst(%dma_wait3A_1099 : memref<1x512xf32, #tpu.memory_space<vmem>>)
    %dma_wait3A_1102 = arith.constant 0 : i32
    %dma_wait3A_1103 = arith.constant 9 : i32
    %dma_wait3A_1104 = arith.constant 0 : i32
    %dma_wait3A_1105 = tpu.memref_slice %arg6[%dma_wait3A_1102, %dma_wait3A_1103, %dma_wait3A_1104] : memref<1x64x512xf32, #tpu.memory_space<vmem>> -> memref<1x1x512xf32, #tpu.memory_space<vmem>>
    %dma_wait3A_1106 = tpu.memref_squeeze %dma_wait3A_1105 : memref<1x1x512xf32, #tpu.memory_space<vmem>> -> memref<1x512xf32, #tpu.memory_space<vmem>>
    %dma_wait3A_1107 = arith.constant 0 : i32
    %dma_wait3A_1108 = tpu.memref_slice %arg2[%squeeze3A_143, %dma_wait3A_1107] : memref<12544x512xf32, #tpu.memory_space<hbm>> -> memref<1x512xf32, #tpu.memory_space<hbm>>
    %dma_wait3A_1109 = arith.constant 9 : i32
    %dma_wait3A_1110 = arith.constant 0 : i32
    %dma_wait3A_1111 = tpu.memref_slice %arg6[%dma_wait3A_1102, %dma_wait3A_1109, %dma_wait3A_1110] : memref<1x64x512xf32, #tpu.memory_space<vmem>> -> memref<1x1x512xf32, #tpu.memory_space<vmem>>
    %dma_wait3A_1112 = tpu.memref_squeeze %dma_wait3A_1111 : memref<1x1x512xf32, #tpu.memory_space<vmem>> -> memref<1x512xf32, #tpu.memory_space<vmem>>
    %dma_wait3A_1113 = arith.constant 0 : i32
    %dma_wait3A_1114 = tpu.memref_slice %arg2[%squeeze3A_143, %dma_wait3A_1113] : memref<12544x512xf32, #tpu.memory_space<hbm>> -> memref<1x512xf32, #tpu.memory_space<hbm>>
    tpu.wait_dma2 semaphore(%arg8 : memref<!tpu.dma_semaphore, #tpu.memory_space<semaphore_mem>>) src(%dma_wait3A_1114 : memref<1x512xf32, #tpu.memory_space<hbm>>) dst(%dma_wait3A_1112 : memref<1x512xf32, #tpu.memory_space<vmem>>)
    %dma_wait3A_1115 = arith.constant 0 : i32
    %dma_wait3A_1116 = arith.constant 10 : i32
    %dma_wait3A_1117 = arith.constant 0 : i32
    %dma_wait3A_1118 = tpu.memref_slice %arg6[%dma_wait3A_1115, %dma_wait3A_1116, %dma_wait3A_1117] : memref<1x64x512xf32, #tpu.memory_space<vmem>> -> memref<1x1x512xf32, #tpu.memory_space<vmem>>
    %dma_wait3A_1119 = tpu.memref_squeeze %dma_wait3A_1118 : memref<1x1x512xf32, #tpu.memory_space<vmem>> -> memref<1x512xf32, #tpu.memory_space<vmem>>
    %dma_wait3A_1120 = arith.constant 0 : i32
    %dma_wait3A_1121 = tpu.memref_slice %arg2[%squeeze3A_158, %dma_wait3A_1120] : memref<12544x512xf32, #tpu.memory_space<hbm>> -> memref<1x512xf32, #tpu.memory_space<hbm>>
    %dma_wait3A_1122 = arith.constant 10 : i32
    %dma_wait3A_1123 = arith.constant 0 : i32
    %dma_wait3A_1124 = tpu.memref_slice %arg6[%dma_wait3A_1115, %dma_wait3A_1122, %dma_wait3A_1123] : memref<1x64x512xf32, #tpu.memory_space<vmem>> -> memref<1x1x512xf32, #tpu.memory_space<vmem>>
    %dma_wait3A_1125 = tpu.memref_squeeze %dma_wait3A_1124 : memref<1x1x512xf32, #tpu.memory_space<vmem>> -> memref<1x512xf32, #tpu.memory_space<vmem>>
    %dma_wait3A_1126 = arith.constant 0 : i32
    %dma_wait3A_1127 = tpu.memref_slice %arg2[%squeeze3A_158, %dma_wait3A_1126] : memref<12544x512xf32, #tpu.memory_space<hbm>> -> memref<1x512xf32, #tpu.memory_space<hbm>>
    tpu.wait_dma2 semaphore(%arg8 : memref<!tpu.dma_semaphore, #tpu.memory_space<semaphore_mem>>) src(%dma_wait3A_1127 : memref<1x512xf32, #tpu.memory_space<hbm>>) dst(%dma_wait3A_1125 : memref<1x512xf32, #tpu.memory_space<vmem>>)
    %dma_wait3A_1128 = arith.constant 0 : i32
    %dma_wait3A_1129 = arith.constant 11 : i32
    %dma_wait3A_1130 = arith.constant 0 : i32
    %dma_wait3A_1131 = tpu.memref_slice %arg6[%dma_wait3A_1128, %dma_wait3A_1129, %dma_wait3A_1130] : memref<1x64x512xf32, #tpu.memory_space<vmem>> -> memref<1x1x512xf32, #tpu.memory_space<vmem>>
    %dma_wait3A_1132 = tpu.memref_squeeze %dma_wait3A_1131 : memref<1x1x512xf32, #tpu.memory_space<vmem>> -> memref<1x512xf32, #tpu.memory_space<vmem>>
    %dma_wait3A_1133 = arith.constant 0 : i32
    %dma_wait3A_1134 = tpu.memref_slice %arg2[%squeeze3A_173, %dma_wait3A_1133] : memref<12544x512xf32, #tpu.memory_space<hbm>> -> memref<1x512xf32, #tpu.memory_space<hbm>>
    %dma_wait3A_1135 = arith.constant 11 : i32
    %dma_wait3A_1136 = arith.constant 0 : i32
    %dma_wait3A_1137 = tpu.memref_slice %arg6[%dma_wait3A_1128, %dma_wait3A_1135, %dma_wait3A_1136] : memref<1x64x512xf32, #tpu.memory_space<vmem>> -> memref<1x1x512xf32, #tpu.memory_space<vmem>>
    %dma_wait3A_1138 = tpu.memref_squeeze %dma_wait3A_1137 : memref<1x1x512xf32, #tpu.memory_space<vmem>> -> memref<1x512xf32, #tpu.memory_space<vmem>>
    %dma_wait3A_1139 = arith.constant 0 : i32
    %dma_wait3A_1140 = tpu.memref_slice %arg2[%squeeze3A_173, %dma_wait3A_1139] : memref<12544x512xf32, #tpu.memory_space<hbm>> -> memref<1x512xf32, #tpu.memory_space<hbm>>
    tpu.wait_dma2 semaphore(%arg8 : memref<!tpu.dma_semaphore, #tpu.memory_space<semaphore_mem>>) src(%dma_wait3A_1140 : memref<1x512xf32, #tpu.memory_space<hbm>>) dst(%dma_wait3A_1138 : memref<1x512xf32, #tpu.memory_space<vmem>>)
    %dma_wait3A_1141 = arith.constant 0 : i32
    %dma_wait3A_1142 = arith.constant 12 : i32
    %dma_wait3A_1143 = arith.constant 0 : i32
    %dma_wait3A_1144 = tpu.memref_slice %arg6[%dma_wait3A_1141, %dma_wait3A_1142, %dma_wait3A_1143] : memref<1x64x512xf32, #tpu.memory_space<vmem>> -> memref<1x1x512xf32, #tpu.memory_space<vmem>>
    %dma_wait3A_1145 = tpu.memref_squeeze %dma_wait3A_1144 : memref<1x1x512xf32, #tpu.memory_space<vmem>> -> memref<1x512xf32, #tpu.memory_space<vmem>>
    %dma_wait3A_1146 = arith.constant 0 : i32
    %dma_wait3A_1147 = tpu.memref_slice %arg2[%squeeze3A_188, %dma_wait3A_1146] : memref<12544x512xf32, #tpu.memory_space<hbm>> -> memref<1x512xf32, #tpu.memory_space<hbm>>
    %dma_wait3A_1148 = arith.constant 12 : i32
    %dma_wait3A_1149 = arith.constant 0 : i32
    %dma_wait3A_1150 = tpu.memref_slice %arg6[%dma_wait3A_1141, %dma_wait3A_1148, %dma_wait3A_1149] : memref<1x64x512xf32, #tpu.memory_space<vmem>> -> memref<1x1x512xf32, #tpu.memory_space<vmem>>
    %dma_wait3A_1151 = tpu.memref_squeeze %dma_wait3A_1150 : memref<1x1x512xf32, #tpu.memory_space<vmem>> -> memref<1x512xf32, #tpu.memory_space<vmem>>
    %dma_wait3A_1152 = arith.constant 0 : i32
    %dma_wait3A_1153 = tpu.memref_slice %arg2[%squeeze3A_188, %dma_wait3A_1152] : memref<12544x512xf32, #tpu.memory_space<hbm>> -> memref<1x512xf32, #tpu.memory_space<hbm>>
    tpu.wait_dma2 semaphore(%arg8 : memref<!tpu.dma_semaphore, #tpu.memory_space<semaphore_mem>>) src(%dma_wait3A_1153 : memref<1x512xf32, #tpu.memory_space<hbm>>) dst(%dma_wait3A_1151 : memref<1x512xf32, #tpu.memory_space<vmem>>)
    %dma_wait3A_1154 = arith.constant 0 : i32
    %dma_wait3A_1155 = arith.constant 13 : i32
    %dma_wait3A_1156 = arith.constant 0 : i32
    %dma_wait3A_1157 = tpu.memref_slice %arg6[%dma_wait3A_1154, %dma_wait3A_1155, %dma_wait3A_1156] : memref<1x64x512xf32, #tpu.memory_space<vmem>> -> memref<1x1x512xf32, #tpu.memory_space<vmem>>
    %dma_wait3A_1158 = tpu.memref_squeeze %dma_wait3A_1157 : memref<1x1x512xf32, #tpu.memory_space<vmem>> -> memref<1x512xf32, #tpu.memory_space<vmem>>
    %dma_wait3A_1159 = arith.constant 0 : i32
    %dma_wait3A_1160 = tpu.memref_slice %arg2[%squeeze3A_203, %dma_wait3A_1159] : memref<12544x512xf32, #tpu.memory_space<hbm>> -> memref<1x512xf32, #tpu.memory_space<hbm>>
    %dma_wait3A_1161 = arith.constant 13 : i32
    %dma_wait3A_1162 = arith.constant 0 : i32
    %dma_wait3A_1163 = tpu.memref_slice %arg6[%dma_wait3A_1154, %dma_wait3A_1161, %dma_wait3A_1162] : memref<1x64x512xf32, #tpu.memory_space<vmem>> -> memref<1x1x512xf32, #tpu.memory_space<vmem>>
    %dma_wait3A_1164 = tpu.memref_squeeze %dma_wait3A_1163 : memref<1x1x512xf32, #tpu.memory_space<vmem>> -> memref<1x512xf32, #tpu.memory_space<vmem>>
    %dma_wait3A_1165 = arith.constant 0 : i32
    %dma_wait3A_1166 = tpu.memref_slice %arg2[%squeeze3A_203, %dma_wait3A_1165] : memref<12544x512xf32, #tpu.memory_space<hbm>> -> memref<1x512xf32, #tpu.memory_space<hbm>>
    tpu.wait_dma2 semaphore(%arg8 : memref<!tpu.dma_semaphore, #tpu.memory_space<semaphore_mem>>) src(%dma_wait3A_1166 : memref<1x512xf32, #tpu.memory_space<hbm>>) dst(%dma_wait3A_1164 : memref<1x512xf32, #tpu.memory_space<vmem>>)
    %dma_wait3A_1167 = arith.constant 0 : i32
    %dma_wait3A_1168 = arith.constant 14 : i32
    %dma_wait3A_1169 = arith.constant 0 : i32
    %dma_wait3A_1170 = tpu.memref_slice %arg6[%dma_wait3A_1167, %dma_wait3A_1168, %dma_wait3A_1169] : memref<1x64x512xf32, #tpu.memory_space<vmem>> -> memref<1x1x512xf32, #tpu.memory_space<vmem>>
    %dma_wait3A_1171 = tpu.memref_squeeze %dma_wait3A_1170 : memref<1x1x512xf32, #tpu.memory_space<vmem>> -> memref<1x512xf32, #tpu.memory_space<vmem>>
    %dma_wait3A_1172 = arith.constant 0 : i32
    %dma_wait3A_1173 = tpu.memref_slice %arg2[%squeeze3A_218, %dma_wait3A_1172] : memref<12544x512xf32, #tpu.memory_space<hbm>> -> memref<1x512xf32, #tpu.memory_space<hbm>>
    %dma_wait3A_1174 = arith.constant 14 : i32
    %dma_wait3A_1175 = arith.constant 0 : i32
    %dma_wait3A_1176 = tpu.memref_slice %arg6[%dma_wait3A_1167, %dma_wait3A_1174, %dma_wait3A_1175] : memref<1x64x512xf32, #tpu.memory_space<vmem>> -> memref<1x1x512xf32, #tpu.memory_space<vmem>>
    %dma_wait3A_1177 = tpu.memref_squeeze %dma_wait3A_1176 : memref<1x1x512xf32, #tpu.memory_space<vmem>> -> memref<1x512xf32, #tpu.memory_space<vmem>>
    %dma_wait3A_1178 = arith.constant 0 : i32
    %dma_wait3A_1179 = tpu.memref_slice %arg2[%squeeze3A_218, %dma_wait3A_1178] : memref<12544x512xf32, #tpu.memory_space<hbm>> -> memref<1x512xf32, #tpu.memory_space<hbm>>
    tpu.wait_dma2 semaphore(%arg8 : memref<!tpu.dma_semaphore, #tpu.memory_space<semaphore_mem>>) src(%dma_wait3A_1179 : memref<1x512xf32, #tpu.memory_space<hbm>>) dst(%dma_wait3A_1177 : memref<1x512xf32, #tpu.memory_space<vmem>>)
    %dma_wait3A_1180 = arith.constant 0 : i32
    %dma_wait3A_1181 = arith.constant 15 : i32
    %dma_wait3A_1182 = arith.constant 0 : i32
    %dma_wait3A_1183 = tpu.memref_slice %arg6[%dma_wait3A_1180, %dma_wait3A_1181, %dma_wait3A_1182] : memref<1x64x512xf32, #tpu.memory_space<vmem>> -> memref<1x1x512xf32, #tpu.memory_space<vmem>>
    %dma_wait3A_1184 = tpu.memref_squeeze %dma_wait3A_1183 : memref<1x1x512xf32, #tpu.memory_space<vmem>> -> memref<1x512xf32, #tpu.memory_space<vmem>>
    %dma_wait3A_1185 = arith.constant 0 : i32
    %dma_wait3A_1186 = tpu.memref_slice %arg2[%squeeze3A_233, %dma_wait3A_1185] : memref<12544x512xf32, #tpu.memory_space<hbm>> -> memref<1x512xf32, #tpu.memory_space<hbm>>
    %dma_wait3A_1187 = arith.constant 15 : i32
    %dma_wait3A_1188 = arith.constant 0 : i32
    %dma_wait3A_1189 = tpu.memref_slice %arg6[%dma_wait3A_1180, %dma_wait3A_1187, %dma_wait3A_1188] : memref<1x64x512xf32, #tpu.memory_space<vmem>> -> memref<1x1x512xf32, #tpu.memory_space<vmem>>
    %dma_wait3A_1190 = tpu.memref_squeeze %dma_wait3A_1189 : memref<1x1x512xf32, #tpu.memory_space<vmem>> -> memref<1x512xf32, #tpu.memory_space<vmem>>
    %dma_wait3A_1191 = arith.constant 0 : i32
    %dma_wait3A_1192 = tpu.memref_slice %arg2[%squeeze3A_233, %dma_wait3A_1191] : memref<12544x512xf32, #tpu.memory_space<hbm>> -> memref<1x512xf32, #tpu.memory_space<hbm>>
    tpu.wait_dma2 semaphore(%arg8 : memref<!tpu.dma_semaphore, #tpu.memory_space<semaphore_mem>>) src(%dma_wait3A_1192 : memref<1x512xf32, #tpu.memory_space<hbm>>) dst(%dma_wait3A_1190 : memref<1x512xf32, #tpu.memory_space<vmem>>)
    %dma_wait3A_1193 = arith.constant 0 : i32
    %dma_wait3A_1194 = arith.constant 16 : i32
    %dma_wait3A_1195 = arith.constant 0 : i32
    %dma_wait3A_1196 = tpu.memref_slice %arg6[%dma_wait3A_1193, %dma_wait3A_1194, %dma_wait3A_1195] : memref<1x64x512xf32, #tpu.memory_space<vmem>> -> memref<1x1x512xf32, #tpu.memory_space<vmem>>
    %dma_wait3A_1197 = tpu.memref_squeeze %dma_wait3A_1196 : memref<1x1x512xf32, #tpu.memory_space<vmem>> -> memref<1x512xf32, #tpu.memory_space<vmem>>
    %dma_wait3A_1198 = arith.constant 0 : i32
    %dma_wait3A_1199 = tpu.memref_slice %arg2[%squeeze3A_254, %dma_wait3A_1198] : memref<12544x512xf32, #tpu.memory_space<hbm>> -> memref<1x512xf32, #tpu.memory_space<hbm>>
    %dma_wait3A_1200 = arith.constant 16 : i32
    %dma_wait3A_1201 = arith.constant 0 : i32
    %dma_wait3A_1202 = tpu.memref_slice %arg6[%dma_wait3A_1193, %dma_wait3A_1200, %dma_wait3A_1201] : memref<1x64x512xf32, #tpu.memory_space<vmem>> -> memref<1x1x512xf32, #tpu.memory_space<vmem>>
    %dma_wait3A_1203 = tpu.memref_squeeze %dma_wait3A_1202 : memref<1x1x512xf32, #tpu.memory_space<vmem>> -> memref<1x512xf32, #tpu.memory_space<vmem>>
    %dma_wait3A_1204 = arith.constant 0 : i32
    %dma_wait3A_1205 = tpu.memref_slice %arg2[%squeeze3A_254, %dma_wait3A_1204] : memref<12544x512xf32, #tpu.memory_space<hbm>> -> memref<1x512xf32, #tpu.memory_space<hbm>>
    tpu.wait_dma2 semaphore(%arg8 : memref<!tpu.dma_semaphore, #tpu.memory_space<semaphore_mem>>) src(%dma_wait3A_1205 : memref<1x512xf32, #tpu.memory_space<hbm>>) dst(%dma_wait3A_1203 : memref<1x512xf32, #tpu.memory_space<vmem>>)
    %dma_wait3A_1206 = arith.constant 0 : i32
    %dma_wait3A_1207 = arith.constant 17 : i32
    %dma_wait3A_1208 = arith.constant 0 : i32
    %dma_wait3A_1209 = tpu.memref_slice %arg6[%dma_wait3A_1206, %dma_wait3A_1207, %dma_wait3A_1208] : memref<1x64x512xf32, #tpu.memory_space<vmem>> -> memref<1x1x512xf32, #tpu.memory_space<vmem>>
    %dma_wait3A_1210 = tpu.memref_squeeze %dma_wait3A_1209 : memref<1x1x512xf32, #tpu.memory_space<vmem>> -> memref<1x512xf32, #tpu.memory_space<vmem>>
    %dma_wait3A_1211 = arith.constant 0 : i32
    %dma_wait3A_1212 = tpu.memref_slice %arg2[%squeeze3A_269, %dma_wait3A_1211] : memref<12544x512xf32, #tpu.memory_space<hbm>> -> memref<1x512xf32, #tpu.memory_space<hbm>>
    %dma_wait3A_1213 = arith.constant 17 : i32
    %dma_wait3A_1214 = arith.constant 0 : i32
    %dma_wait3A_1215 = tpu.memref_slice %arg6[%dma_wait3A_1206, %dma_wait3A_1213, %dma_wait3A_1214] : memref<1x64x512xf32, #tpu.memory_space<vmem>> -> memref<1x1x512xf32, #tpu.memory_space<vmem>>
    %dma_wait3A_1216 = tpu.memref_squeeze %dma_wait3A_1215 : memref<1x1x512xf32, #tpu.memory_space<vmem>> -> memref<1x512xf32, #tpu.memory_space<vmem>>
    %dma_wait3A_1217 = arith.constant 0 : i32
    %dma_wait3A_1218 = tpu.memref_slice %arg2[%squeeze3A_269, %dma_wait3A_1217] : memref<12544x512xf32, #tpu.memory_space<hbm>> -> memref<1x512xf32, #tpu.memory_space<hbm>>
    tpu.wait_dma2 semaphore(%arg8 : memref<!tpu.dma_semaphore, #tpu.memory_space<semaphore_mem>>) src(%dma_wait3A_1218 : memref<1x512xf32, #tpu.memory_space<hbm>>) dst(%dma_wait3A_1216 : memref<1x512xf32, #tpu.memory_space<vmem>>)
    %dma_wait3A_1219 = arith.constant 0 : i32
    %dma_wait3A_1220 = arith.constant 18 : i32
    %dma_wait3A_1221 = arith.constant 0 : i32
    %dma_wait3A_1222 = tpu.memref_slice %arg6[%dma_wait3A_1219, %dma_wait3A_1220, %dma_wait3A_1221] : memref<1x64x512xf32, #tpu.memory_space<vmem>> -> memref<1x1x512xf32, #tpu.memory_space<vmem>>
    %dma_wait3A_1223 = tpu.memref_squeeze %dma_wait3A_1222 : memref<1x1x512xf32, #tpu.memory_space<vmem>> -> memref<1x512xf32, #tpu.memory_space<vmem>>
    %dma_wait3A_1224 = arith.constant 0 : i32
    %dma_wait3A_1225 = tpu.memref_slice %arg2[%squeeze3A_284, %dma_wait3A_1224] : memref<12544x512xf32, #tpu.memory_space<hbm>> -> memref<1x512xf32, #tpu.memory_space<hbm>>
    %dma_wait3A_1226 = arith.constant 18 : i32
    %dma_wait3A_1227 = arith.constant 0 : i32
    %dma_wait3A_1228 = tpu.memref_slice %arg6[%dma_wait3A_1219, %dma_wait3A_1226, %dma_wait3A_1227] : memref<1x64x512xf32, #tpu.memory_space<vmem>> -> memref<1x1x512xf32, #tpu.memory_space<vmem>>
    %dma_wait3A_1229 = tpu.memref_squeeze %dma_wait3A_1228 : memref<1x1x512xf32, #tpu.memory_space<vmem>> -> memref<1x512xf32, #tpu.memory_space<vmem>>
    %dma_wait3A_1230 = arith.constant 0 : i32
    %dma_wait3A_1231 = tpu.memref_slice %arg2[%squeeze3A_284, %dma_wait3A_1230] : memref<12544x512xf32, #tpu.memory_space<hbm>> -> memref<1x512xf32, #tpu.memory_space<hbm>>
    tpu.wait_dma2 semaphore(%arg8 : memref<!tpu.dma_semaphore, #tpu.memory_space<semaphore_mem>>) src(%dma_wait3A_1231 : memref<1x512xf32, #tpu.memory_space<hbm>>) dst(%dma_wait3A_1229 : memref<1x512xf32, #tpu.memory_space<vmem>>)
    %dma_wait3A_1232 = arith.constant 0 : i32
    %dma_wait3A_1233 = arith.constant 19 : i32
    %dma_wait3A_1234 = arith.constant 0 : i32
    %dma_wait3A_1235 = tpu.memref_slice %arg6[%dma_wait3A_1232, %dma_wait3A_1233, %dma_wait3A_1234] : memref<1x64x512xf32, #tpu.memory_space<vmem>> -> memref<1x1x512xf32, #tpu.memory_space<vmem>>
    %dma_wait3A_1236 = tpu.memref_squeeze %dma_wait3A_1235 : memref<1x1x512xf32, #tpu.memory_space<vmem>> -> memref<1x512xf32, #tpu.memory_space<vmem>>
    %dma_wait3A_1237 = arith.constant 0 : i32
    %dma_wait3A_1238 = tpu.memref_slice %arg2[%squeeze3A_299, %dma_wait3A_1237] : memref<12544x512xf32, #tpu.memory_space<hbm>> -> memref<1x512xf32, #tpu.memory_space<hbm>>
    %dma_wait3A_1239 = arith.constant 19 : i32
    %dma_wait3A_1240 = arith.constant 0 : i32
    %dma_wait3A_1241 = tpu.memref_slice %arg6[%dma_wait3A_1232, %dma_wait3A_1239, %dma_wait3A_1240] : memref<1x64x512xf32, #tpu.memory_space<vmem>> -> memref<1x1x512xf32, #tpu.memory_space<vmem>>
    %dma_wait3A_1242 = tpu.memref_squeeze %dma_wait3A_1241 : memref<1x1x512xf32, #tpu.memory_space<vmem>> -> memref<1x512xf32, #tpu.memory_space<vmem>>
    %dma_wait3A_1243 = arith.constant 0 : i32
    %dma_wait3A_1244 = tpu.memref_slice %arg2[%squeeze3A_299, %dma_wait3A_1243] : memref<12544x512xf32, #tpu.memory_space<hbm>> -> memref<1x512xf32, #tpu.memory_space<hbm>>
    tpu.wait_dma2 semaphore(%arg8 : memref<!tpu.dma_semaphore, #tpu.memory_space<semaphore_mem>>) src(%dma_wait3A_1244 : memref<1x512xf32, #tpu.memory_space<hbm>>) dst(%dma_wait3A_1242 : memref<1x512xf32, #tpu.memory_space<vmem>>)
    %dma_wait3A_1245 = arith.constant 0 : i32
    %dma_wait3A_1246 = arith.constant 20 : i32
    %dma_wait3A_1247 = arith.constant 0 : i32
    %dma_wait3A_1248 = tpu.memref_slice %arg6[%dma_wait3A_1245, %dma_wait3A_1246, %dma_wait3A_1247] : memref<1x64x512xf32, #tpu.memory_space<vmem>> -> memref<1x1x512xf32, #tpu.memory_space<vmem>>
    %dma_wait3A_1249 = tpu.memref_squeeze %dma_wait3A_1248 : memref<1x1x512xf32, #tpu.memory_space<vmem>> -> memref<1x512xf32, #tpu.memory_space<vmem>>
    %dma_wait3A_1250 = arith.constant 0 : i32
    %dma_wait3A_1251 = tpu.memref_slice %arg2[%squeeze3A_314, %dma_wait3A_1250] : memref<12544x512xf32, #tpu.memory_space<hbm>> -> memref<1x512xf32, #tpu.memory_space<hbm>>
    %dma_wait3A_1252 = arith.constant 20 : i32
    %dma_wait3A_1253 = arith.constant 0 : i32
    %dma_wait3A_1254 = tpu.memref_slice %arg6[%dma_wait3A_1245, %dma_wait3A_1252, %dma_wait3A_1253] : memref<1x64x512xf32, #tpu.memory_space<vmem>> -> memref<1x1x512xf32, #tpu.memory_space<vmem>>
    %dma_wait3A_1255 = tpu.memref_squeeze %dma_wait3A_1254 : memref<1x1x512xf32, #tpu.memory_space<vmem>> -> memref<1x512xf32, #tpu.memory_space<vmem>>
    %dma_wait3A_1256 = arith.constant 0 : i32
    %dma_wait3A_1257 = tpu.memref_slice %arg2[%squeeze3A_314, %dma_wait3A_1256] : memref<12544x512xf32, #tpu.memory_space<hbm>> -> memref<1x512xf32, #tpu.memory_space<hbm>>
    tpu.wait_dma2 semaphore(%arg8 : memref<!tpu.dma_semaphore, #tpu.memory_space<semaphore_mem>>) src(%dma_wait3A_1257 : memref<1x512xf32, #tpu.memory_space<hbm>>) dst(%dma_wait3A_1255 : memref<1x512xf32, #tpu.memory_space<vmem>>)
    %dma_wait3A_1258 = arith.constant 0 : i32
    %dma_wait3A_1259 = arith.constant 21 : i32
    %dma_wait3A_1260 = arith.constant 0 : i32
    %dma_wait3A_1261 = tpu.memref_slice %arg6[%dma_wait3A_1258, %dma_wait3A_1259, %dma_wait3A_1260] : memref<1x64x512xf32, #tpu.memory_space<vmem>> -> memref<1x1x512xf32, #tpu.memory_space<vmem>>
    %dma_wait3A_1262 = tpu.memref_squeeze %dma_wait3A_1261 : memref<1x1x512xf32, #tpu.memory_space<vmem>> -> memref<1x512xf32, #tpu.memory_space<vmem>>
    %dma_wait3A_1263 = arith.constant 0 : i32
    %dma_wait3A_1264 = tpu.memref_slice %arg2[%squeeze3A_329, %dma_wait3A_1263] : memref<12544x512xf32, #tpu.memory_space<hbm>> -> memref<1x512xf32, #tpu.memory_space<hbm>>
    %dma_wait3A_1265 = arith.constant 21 : i32
    %dma_wait3A_1266 = arith.constant 0 : i32
    %dma_wait3A_1267 = tpu.memref_slice %arg6[%dma_wait3A_1258, %dma_wait3A_1265, %dma_wait3A_1266] : memref<1x64x512xf32, #tpu.memory_space<vmem>> -> memref<1x1x512xf32, #tpu.memory_space<vmem>>
    %dma_wait3A_1268 = tpu.memref_squeeze %dma_wait3A_1267 : memref<1x1x512xf32, #tpu.memory_space<vmem>> -> memref<1x512xf32, #tpu.memory_space<vmem>>
    %dma_wait3A_1269 = arith.constant 0 : i32
    %dma_wait3A_1270 = tpu.memref_slice %arg2[%squeeze3A_329, %dma_wait3A_1269] : memref<12544x512xf32, #tpu.memory_space<hbm>> -> memref<1x512xf32, #tpu.memory_space<hbm>>
    tpu.wait_dma2 semaphore(%arg8 : memref<!tpu.dma_semaphore, #tpu.memory_space<semaphore_mem>>) src(%dma_wait3A_1270 : memref<1x512xf32, #tpu.memory_space<hbm>>) dst(%dma_wait3A_1268 : memref<1x512xf32, #tpu.memory_space<vmem>>)
    %dma_wait3A_1271 = arith.constant 0 : i32
    %dma_wait3A_1272 = arith.constant 22 : i32
    %dma_wait3A_1273 = arith.constant 0 : i32
    %dma_wait3A_1274 = tpu.memref_slice %arg6[%dma_wait3A_1271, %dma_wait3A_1272, %dma_wait3A_1273] : memref<1x64x512xf32, #tpu.memory_space<vmem>> -> memref<1x1x512xf32, #tpu.memory_space<vmem>>
    %dma_wait3A_1275 = tpu.memref_squeeze %dma_wait3A_1274 : memref<1x1x512xf32, #tpu.memory_space<vmem>> -> memref<1x512xf32, #tpu.memory_space<vmem>>
    %dma_wait3A_1276 = arith.constant 0 : i32
    %dma_wait3A_1277 = tpu.memref_slice %arg2[%squeeze3A_344, %dma_wait3A_1276] : memref<12544x512xf32, #tpu.memory_space<hbm>> -> memref<1x512xf32, #tpu.memory_space<hbm>>
    %dma_wait3A_1278 = arith.constant 22 : i32
    %dma_wait3A_1279 = arith.constant 0 : i32
    %dma_wait3A_1280 = tpu.memref_slice %arg6[%dma_wait3A_1271, %dma_wait3A_1278, %dma_wait3A_1279] : memref<1x64x512xf32, #tpu.memory_space<vmem>> -> memref<1x1x512xf32, #tpu.memory_space<vmem>>
    %dma_wait3A_1281 = tpu.memref_squeeze %dma_wait3A_1280 : memref<1x1x512xf32, #tpu.memory_space<vmem>> -> memref<1x512xf32, #tpu.memory_space<vmem>>
    %dma_wait3A_1282 = arith.constant 0 : i32
    %dma_wait3A_1283 = tpu.memref_slice %arg2[%squeeze3A_344, %dma_wait3A_1282] : memref<12544x512xf32, #tpu.memory_space<hbm>> -> memref<1x512xf32, #tpu.memory_space<hbm>>
    tpu.wait_dma2 semaphore(%arg8 : memref<!tpu.dma_semaphore, #tpu.memory_space<semaphore_mem>>) src(%dma_wait3A_1283 : memref<1x512xf32, #tpu.memory_space<hbm>>) dst(%dma_wait3A_1281 : memref<1x512xf32, #tpu.memory_space<vmem>>)
    %dma_wait3A_1284 = arith.constant 0 : i32
    %dma_wait3A_1285 = arith.constant 23 : i32
    %dma_wait3A_1286 = arith.constant 0 : i32
    %dma_wait3A_1287 = tpu.memref_slice %arg6[%dma_wait3A_1284, %dma_wait3A_1285, %dma_wait3A_1286] : memref<1x64x512xf32, #tpu.memory_space<vmem>> -> memref<1x1x512xf32, #tpu.memory_space<vmem>>
    %dma_wait3A_1288 = tpu.memref_squeeze %dma_wait3A_1287 : memref<1x1x512xf32, #tpu.memory_space<vmem>> -> memref<1x512xf32, #tpu.memory_space<vmem>>
    %dma_wait3A_1289 = arith.constant 0 : i32
    %dma_wait3A_1290 = tpu.memref_slice %arg2[%squeeze3A_359, %dma_wait3A_1289] : memref<12544x512xf32, #tpu.memory_space<hbm>> -> memref<1x512xf32, #tpu.memory_space<hbm>>
    %dma_wait3A_1291 = arith.constant 23 : i32
    %dma_wait3A_1292 = arith.constant 0 : i32
    %dma_wait3A_1293 = tpu.memref_slice %arg6[%dma_wait3A_1284, %dma_wait3A_1291, %dma_wait3A_1292] : memref<1x64x512xf32, #tpu.memory_space<vmem>> -> memref<1x1x512xf32, #tpu.memory_space<vmem>>
    %dma_wait3A_1294 = tpu.memref_squeeze %dma_wait3A_1293 : memref<1x1x512xf32, #tpu.memory_space<vmem>> -> memref<1x512xf32, #tpu.memory_space<vmem>>
    %dma_wait3A_1295 = arith.constant 0 : i32
    %dma_wait3A_1296 = tpu.memref_slice %arg2[%squeeze3A_359, %dma_wait3A_1295] : memref<12544x512xf32, #tpu.memory_space<hbm>> -> memref<1x512xf32, #tpu.memory_space<hbm>>
    tpu.wait_dma2 semaphore(%arg8 : memref<!tpu.dma_semaphore, #tpu.memory_space<semaphore_mem>>) src(%dma_wait3A_1296 : memref<1x512xf32, #tpu.memory_space<hbm>>) dst(%dma_wait3A_1294 : memref<1x512xf32, #tpu.memory_space<vmem>>)
    %dma_wait3A_1297 = arith.constant 0 : i32
    %dma_wait3A_1298 = arith.constant 24 : i32
    %dma_wait3A_1299 = arith.constant 0 : i32
    %dma_wait3A_1300 = tpu.memref_slice %arg6[%dma_wait3A_1297, %dma_wait3A_1298, %dma_wait3A_1299] : memref<1x64x512xf32, #tpu.memory_space<vmem>> -> memref<1x1x512xf32, #tpu.memory_space<vmem>>
    %dma_wait3A_1301 = tpu.memref_squeeze %dma_wait3A_1300 : memref<1x1x512xf32, #tpu.memory_space<vmem>> -> memref<1x512xf32, #tpu.memory_space<vmem>>
    %dma_wait3A_1302 = arith.constant 0 : i32
    %dma_wait3A_1303 = tpu.memref_slice %arg2[%squeeze3A_374, %dma_wait3A_1302] : memref<12544x512xf32, #tpu.memory_space<hbm>> -> memref<1x512xf32, #tpu.memory_space<hbm>>
    %dma_wait3A_1304 = arith.constant 24 : i32
    %dma_wait3A_1305 = arith.constant 0 : i32
    %dma_wait3A_1306 = tpu.memref_slice %arg6[%dma_wait3A_1297, %dma_wait3A_1304, %dma_wait3A_1305] : memref<1x64x512xf32, #tpu.memory_space<vmem>> -> memref<1x1x512xf32, #tpu.memory_space<vmem>>
    %dma_wait3A_1307 = tpu.memref_squeeze %dma_wait3A_1306 : memref<1x1x512xf32, #tpu.memory_space<vmem>> -> memref<1x512xf32, #tpu.memory_space<vmem>>
    %dma_wait3A_1308 = arith.constant 0 : i32
    %dma_wait3A_1309 = tpu.memref_slice %arg2[%squeeze3A_374, %dma_wait3A_1308] : memref<12544x512xf32, #tpu.memory_space<hbm>> -> memref<1x512xf32, #tpu.memory_space<hbm>>
    tpu.wait_dma2 semaphore(%arg8 : memref<!tpu.dma_semaphore, #tpu.memory_space<semaphore_mem>>) src(%dma_wait3A_1309 : memref<1x512xf32, #tpu.memory_space<hbm>>) dst(%dma_wait3A_1307 : memref<1x512xf32, #tpu.memory_space<vmem>>)
    %dma_wait3A_1310 = arith.constant 0 : i32
    %dma_wait3A_1311 = arith.constant 25 : i32
    %dma_wait3A_1312 = arith.constant 0 : i32
    %dma_wait3A_1313 = tpu.memref_slice %arg6[%dma_wait3A_1310, %dma_wait3A_1311, %dma_wait3A_1312] : memref<1x64x512xf32, #tpu.memory_space<vmem>> -> memref<1x1x512xf32, #tpu.memory_space<vmem>>
    %dma_wait3A_1314 = tpu.memref_squeeze %dma_wait3A_1313 : memref<1x1x512xf32, #tpu.memory_space<vmem>> -> memref<1x512xf32, #tpu.memory_space<vmem>>
    %dma_wait3A_1315 = arith.constant 0 : i32
    %dma_wait3A_1316 = tpu.memref_slice %arg2[%squeeze3A_389, %dma_wait3A_1315] : memref<12544x512xf32, #tpu.memory_space<hbm>> -> memref<1x512xf32, #tpu.memory_space<hbm>>
    %dma_wait3A_1317 = arith.constant 25 : i32
    %dma_wait3A_1318 = arith.constant 0 : i32
    %dma_wait3A_1319 = tpu.memref_slice %arg6[%dma_wait3A_1310, %dma_wait3A_1317, %dma_wait3A_1318] : memref<1x64x512xf32, #tpu.memory_space<vmem>> -> memref<1x1x512xf32, #tpu.memory_space<vmem>>
    %dma_wait3A_1320 = tpu.memref_squeeze %dma_wait3A_1319 : memref<1x1x512xf32, #tpu.memory_space<vmem>> -> memref<1x512xf32, #tpu.memory_space<vmem>>
    %dma_wait3A_1321 = arith.constant 0 : i32
    %dma_wait3A_1322 = tpu.memref_slice %arg2[%squeeze3A_389, %dma_wait3A_1321] : memref<12544x512xf32, #tpu.memory_space<hbm>> -> memref<1x512xf32, #tpu.memory_space<hbm>>
    tpu.wait_dma2 semaphore(%arg8 : memref<!tpu.dma_semaphore, #tpu.memory_space<semaphore_mem>>) src(%dma_wait3A_1322 : memref<1x512xf32, #tpu.memory_space<hbm>>) dst(%dma_wait3A_1320 : memref<1x512xf32, #tpu.memory_space<vmem>>)
    %dma_wait3A_1323 = arith.constant 0 : i32
    %dma_wait3A_1324 = arith.constant 26 : i32
    %dma_wait3A_1325 = arith.constant 0 : i32
    %dma_wait3A_1326 = tpu.memref_slice %arg6[%dma_wait3A_1323, %dma_wait3A_1324, %dma_wait3A_1325] : memref<1x64x512xf32, #tpu.memory_space<vmem>> -> memref<1x1x512xf32, #tpu.memory_space<vmem>>
    %dma_wait3A_1327 = tpu.memref_squeeze %dma_wait3A_1326 : memref<1x1x512xf32, #tpu.memory_space<vmem>> -> memref<1x512xf32, #tpu.memory_space<vmem>>
    %dma_wait3A_1328 = arith.constant 0 : i32
    %dma_wait3A_1329 = tpu.memref_slice %arg2[%squeeze3A_404, %dma_wait3A_1328] : memref<12544x512xf32, #tpu.memory_space<hbm>> -> memref<1x512xf32, #tpu.memory_space<hbm>>
    %dma_wait3A_1330 = arith.constant 26 : i32
    %dma_wait3A_1331 = arith.constant 0 : i32
    %dma_wait3A_1332 = tpu.memref_slice %arg6[%dma_wait3A_1323, %dma_wait3A_1330, %dma_wait3A_1331] : memref<1x64x512xf32, #tpu.memory_space<vmem>> -> memref<1x1x512xf32, #tpu.memory_space<vmem>>
    %dma_wait3A_1333 = tpu.memref_squeeze %dma_wait3A_1332 : memref<1x1x512xf32, #tpu.memory_space<vmem>> -> memref<1x512xf32, #tpu.memory_space<vmem>>
    %dma_wait3A_1334 = arith.constant 0 : i32
    %dma_wait3A_1335 = tpu.memref_slice %arg2[%squeeze3A_404, %dma_wait3A_1334] : memref<12544x512xf32, #tpu.memory_space<hbm>> -> memref<1x512xf32, #tpu.memory_space<hbm>>
    tpu.wait_dma2 semaphore(%arg8 : memref<!tpu.dma_semaphore, #tpu.memory_space<semaphore_mem>>) src(%dma_wait3A_1335 : memref<1x512xf32, #tpu.memory_space<hbm>>) dst(%dma_wait3A_1333 : memref<1x512xf32, #tpu.memory_space<vmem>>)
    %dma_wait3A_1336 = arith.constant 0 : i32
    %dma_wait3A_1337 = arith.constant 27 : i32
    %dma_wait3A_1338 = arith.constant 0 : i32
    %dma_wait3A_1339 = tpu.memref_slice %arg6[%dma_wait3A_1336, %dma_wait3A_1337, %dma_wait3A_1338] : memref<1x64x512xf32, #tpu.memory_space<vmem>> -> memref<1x1x512xf32, #tpu.memory_space<vmem>>
    %dma_wait3A_1340 = tpu.memref_squeeze %dma_wait3A_1339 : memref<1x1x512xf32, #tpu.memory_space<vmem>> -> memref<1x512xf32, #tpu.memory_space<vmem>>
    %dma_wait3A_1341 = arith.constant 0 : i32
    %dma_wait3A_1342 = tpu.memref_slice %arg2[%squeeze3A_419, %dma_wait3A_1341] : memref<12544x512xf32, #tpu.memory_space<hbm>> -> memref<1x512xf32, #tpu.memory_space<hbm>>
    %dma_wait3A_1343 = arith.constant 27 : i32
    %dma_wait3A_1344 = arith.constant 0 : i32
    %dma_wait3A_1345 = tpu.memref_slice %arg6[%dma_wait3A_1336, %dma_wait3A_1343, %dma_wait3A_1344] : memref<1x64x512xf32, #tpu.memory_space<vmem>> -> memref<1x1x512xf32, #tpu.memory_space<vmem>>
    %dma_wait3A_1346 = tpu.memref_squeeze %dma_wait3A_1345 : memref<1x1x512xf32, #tpu.memory_space<vmem>> -> memref<1x512xf32, #tpu.memory_space<vmem>>
    %dma_wait3A_1347 = arith.constant 0 : i32
    %dma_wait3A_1348 = tpu.memref_slice %arg2[%squeeze3A_419, %dma_wait3A_1347] : memref<12544x512xf32, #tpu.memory_space<hbm>> -> memref<1x512xf32, #tpu.memory_space<hbm>>
    tpu.wait_dma2 semaphore(%arg8 : memref<!tpu.dma_semaphore, #tpu.memory_space<semaphore_mem>>) src(%dma_wait3A_1348 : memref<1x512xf32, #tpu.memory_space<hbm>>) dst(%dma_wait3A_1346 : memref<1x512xf32, #tpu.memory_space<vmem>>)
    %dma_wait3A_1349 = arith.constant 0 : i32
    %dma_wait3A_1350 = arith.constant 28 : i32
    %dma_wait3A_1351 = arith.constant 0 : i32
    %dma_wait3A_1352 = tpu.memref_slice %arg6[%dma_wait3A_1349, %dma_wait3A_1350, %dma_wait3A_1351] : memref<1x64x512xf32, #tpu.memory_space<vmem>> -> memref<1x1x512xf32, #tpu.memory_space<vmem>>
    %dma_wait3A_1353 = tpu.memref_squeeze %dma_wait3A_1352 : memref<1x1x512xf32, #tpu.memory_space<vmem>> -> memref<1x512xf32, #tpu.memory_space<vmem>>
    %dma_wait3A_1354 = arith.constant 0 : i32
    %dma_wait3A_1355 = tpu.memref_slice %arg2[%squeeze3A_434, %dma_wait3A_1354] : memref<12544x512xf32, #tpu.memory_space<hbm>> -> memref<1x512xf32, #tpu.memory_space<hbm>>
    %dma_wait3A_1356 = arith.constant 28 : i32
    %dma_wait3A_1357 = arith.constant 0 : i32
    %dma_wait3A_1358 = tpu.memref_slice %arg6[%dma_wait3A_1349, %dma_wait3A_1356, %dma_wait3A_1357] : memref<1x64x512xf32, #tpu.memory_space<vmem>> -> memref<1x1x512xf32, #tpu.memory_space<vmem>>
    %dma_wait3A_1359 = tpu.memref_squeeze %dma_wait3A_1358 : memref<1x1x512xf32, #tpu.memory_space<vmem>> -> memref<1x512xf32, #tpu.memory_space<vmem>>
    %dma_wait3A_1360 = arith.constant 0 : i32
    %dma_wait3A_1361 = tpu.memref_slice %arg2[%squeeze3A_434, %dma_wait3A_1360] : memref<12544x512xf32, #tpu.memory_space<hbm>> -> memref<1x512xf32, #tpu.memory_space<hbm>>
    tpu.wait_dma2 semaphore(%arg8 : memref<!tpu.dma_semaphore, #tpu.memory_space<semaphore_mem>>) src(%dma_wait3A_1361 : memref<1x512xf32, #tpu.memory_space<hbm>>) dst(%dma_wait3A_1359 : memref<1x512xf32, #tpu.memory_space<vmem>>)
    %dma_wait3A_1362 = arith.constant 0 : i32
    %dma_wait3A_1363 = arith.constant 29 : i32
    %dma_wait3A_1364 = arith.constant 0 : i32
    %dma_wait3A_1365 = tpu.memref_slice %arg6[%dma_wait3A_1362, %dma_wait3A_1363, %dma_wait3A_1364] : memref<1x64x512xf32, #tpu.memory_space<vmem>> -> memref<1x1x512xf32, #tpu.memory_space<vmem>>
    %dma_wait3A_1366 = tpu.memref_squeeze %dma_wait3A_1365 : memref<1x1x512xf32, #tpu.memory_space<vmem>> -> memref<1x512xf32, #tpu.memory_space<vmem>>
    %dma_wait3A_1367 = arith.constant 0 : i32
    %dma_wait3A_1368 = tpu.memref_slice %arg2[%squeeze3A_449, %dma_wait3A_1367] : memref<12544x512xf32, #tpu.memory_space<hbm>> -> memref<1x512xf32, #tpu.memory_space<hbm>>
    %dma_wait3A_1369 = arith.constant 29 : i32
    %dma_wait3A_1370 = arith.constant 0 : i32
    %dma_wait3A_1371 = tpu.memref_slice %arg6[%dma_wait3A_1362, %dma_wait3A_1369, %dma_wait3A_1370] : memref<1x64x512xf32, #tpu.memory_space<vmem>> -> memref<1x1x512xf32, #tpu.memory_space<vmem>>
    %dma_wait3A_1372 = tpu.memref_squeeze %dma_wait3A_1371 : memref<1x1x512xf32, #tpu.memory_space<vmem>> -> memref<1x512xf32, #tpu.memory_space<vmem>>
    %dma_wait3A_1373 = arith.constant 0 : i32
    %dma_wait3A_1374 = tpu.memref_slice %arg2[%squeeze3A_449, %dma_wait3A_1373] : memref<12544x512xf32, #tpu.memory_space<hbm>> -> memref<1x512xf32, #tpu.memory_space<hbm>>
    tpu.wait_dma2 semaphore(%arg8 : memref<!tpu.dma_semaphore, #tpu.memory_space<semaphore_mem>>) src(%dma_wait3A_1374 : memref<1x512xf32, #tpu.memory_space<hbm>>) dst(%dma_wait3A_1372 : memref<1x512xf32, #tpu.memory_space<vmem>>)
    %dma_wait3A_1375 = arith.constant 0 : i32
    %dma_wait3A_1376 = arith.constant 30 : i32
    %dma_wait3A_1377 = arith.constant 0 : i32
    %dma_wait3A_1378 = tpu.memref_slice %arg6[%dma_wait3A_1375, %dma_wait3A_1376, %dma_wait3A_1377] : memref<1x64x512xf32, #tpu.memory_space<vmem>> -> memref<1x1x512xf32, #tpu.memory_space<vmem>>
    %dma_wait3A_1379 = tpu.memref_squeeze %dma_wait3A_1378 : memref<1x1x512xf32, #tpu.memory_space<vmem>> -> memref<1x512xf32, #tpu.memory_space<vmem>>
    %dma_wait3A_1380 = arith.constant 0 : i32
    %dma_wait3A_1381 = tpu.memref_slice %arg2[%squeeze3A_464, %dma_wait3A_1380] : memref<12544x512xf32, #tpu.memory_space<hbm>> -> memref<1x512xf32, #tpu.memory_space<hbm>>
    %dma_wait3A_1382 = arith.constant 30 : i32
    %dma_wait3A_1383 = arith.constant 0 : i32
    %dma_wait3A_1384 = tpu.memref_slice %arg6[%dma_wait3A_1375, %dma_wait3A_1382, %dma_wait3A_1383] : memref<1x64x512xf32, #tpu.memory_space<vmem>> -> memref<1x1x512xf32, #tpu.memory_space<vmem>>
    %dma_wait3A_1385 = tpu.memref_squeeze %dma_wait3A_1384 : memref<1x1x512xf32, #tpu.memory_space<vmem>> -> memref<1x512xf32, #tpu.memory_space<vmem>>
    %dma_wait3A_1386 = arith.constant 0 : i32
    %dma_wait3A_1387 = tpu.memref_slice %arg2[%squeeze3A_464, %dma_wait3A_1386] : memref<12544x512xf32, #tpu.memory_space<hbm>> -> memref<1x512xf32, #tpu.memory_space<hbm>>
    tpu.wait_dma2 semaphore(%arg8 : memref<!tpu.dma_semaphore, #tpu.memory_space<semaphore_mem>>) src(%dma_wait3A_1387 : memref<1x512xf32, #tpu.memory_space<hbm>>) dst(%dma_wait3A_1385 : memref<1x512xf32, #tpu.memory_space<vmem>>)
    %dma_wait3A_1388 = arith.constant 0 : i32
    %dma_wait3A_1389 = arith.constant 31 : i32
    %dma_wait3A_1390 = arith.constant 0 : i32
    %dma_wait3A_1391 = tpu.memref_slice %arg6[%dma_wait3A_1388, %dma_wait3A_1389, %dma_wait3A_1390] : memref<1x64x512xf32, #tpu.memory_space<vmem>> -> memref<1x1x512xf32, #tpu.memory_space<vmem>>
    %dma_wait3A_1392 = tpu.memref_squeeze %dma_wait3A_1391 : memref<1x1x512xf32, #tpu.memory_space<vmem>> -> memref<1x512xf32, #tpu.memory_space<vmem>>
    %dma_wait3A_1393 = arith.constant 0 : i32
    %dma_wait3A_1394 = tpu.memref_slice %arg2[%squeeze3A_479, %dma_wait3A_1393] : memref<12544x512xf32, #tpu.memory_space<hbm>> -> memref<1x512xf32, #tpu.memory_space<hbm>>
    %dma_wait3A_1395 = arith.constant 31 : i32
    %dma_wait3A_1396 = arith.constant 0 : i32
    %dma_wait3A_1397 = tpu.memref_slice %arg6[%dma_wait3A_1388, %dma_wait3A_1395, %dma_wait3A_1396] : memref<1x64x512xf32, #tpu.memory_space<vmem>> -> memref<1x1x512xf32, #tpu.memory_space<vmem>>
    %dma_wait3A_1398 = tpu.memref_squeeze %dma_wait3A_1397 : memref<1x1x512xf32, #tpu.memory_space<vmem>> -> memref<1x512xf32, #tpu.memory_space<vmem>>
    %dma_wait3A_1399 = arith.constant 0 : i32
    %dma_wait3A_1400 = tpu.memref_slice %arg2[%squeeze3A_479, %dma_wait3A_1399] : memref<12544x512xf32, #tpu.memory_space<hbm>> -> memref<1x512xf32, #tpu.memory_space<hbm>>
    tpu.wait_dma2 semaphore(%arg8 : memref<!tpu.dma_semaphore, #tpu.memory_space<semaphore_mem>>) src(%dma_wait3A_1400 : memref<1x512xf32, #tpu.memory_space<hbm>>) dst(%dma_wait3A_1398 : memref<1x512xf32, #tpu.memory_space<vmem>>)
    %dma_wait3A_1401 = arith.constant 0 : i32
    %dma_wait3A_1402 = arith.constant 32 : i32
    %dma_wait3A_1403 = arith.constant 0 : i32
    %dma_wait3A_1404 = tpu.memref_slice %arg6[%dma_wait3A_1401, %dma_wait3A_1402, %dma_wait3A_1403] : memref<1x64x512xf32, #tpu.memory_space<vmem>> -> memref<1x1x512xf32, #tpu.memory_space<vmem>>
    %dma_wait3A_1405 = tpu.memref_squeeze %dma_wait3A_1404 : memref<1x1x512xf32, #tpu.memory_space<vmem>> -> memref<1x512xf32, #tpu.memory_space<vmem>>
    %dma_wait3A_1406 = arith.constant 0 : i32
    %dma_wait3A_1407 = tpu.memref_slice %arg2[%squeeze3A_500, %dma_wait3A_1406] : memref<12544x512xf32, #tpu.memory_space<hbm>> -> memref<1x512xf32, #tpu.memory_space<hbm>>
    %dma_wait3A_1408 = arith.constant 32 : i32
    %dma_wait3A_1409 = arith.constant 0 : i32
    %dma_wait3A_1410 = tpu.memref_slice %arg6[%dma_wait3A_1401, %dma_wait3A_1408, %dma_wait3A_1409] : memref<1x64x512xf32, #tpu.memory_space<vmem>> -> memref<1x1x512xf32, #tpu.memory_space<vmem>>
    %dma_wait3A_1411 = tpu.memref_squeeze %dma_wait3A_1410 : memref<1x1x512xf32, #tpu.memory_space<vmem>> -> memref<1x512xf32, #tpu.memory_space<vmem>>
    %dma_wait3A_1412 = arith.constant 0 : i32
    %dma_wait3A_1413 = tpu.memref_slice %arg2[%squeeze3A_500, %dma_wait3A_1412] : memref<12544x512xf32, #tpu.memory_space<hbm>> -> memref<1x512xf32, #tpu.memory_space<hbm>>
    tpu.wait_dma2 semaphore(%arg8 : memref<!tpu.dma_semaphore, #tpu.memory_space<semaphore_mem>>) src(%dma_wait3A_1413 : memref<1x512xf32, #tpu.memory_space<hbm>>) dst(%dma_wait3A_1411 : memref<1x512xf32, #tpu.memory_space<vmem>>)
    %dma_wait3A_1414 = arith.constant 0 : i32
    %dma_wait3A_1415 = arith.constant 33 : i32
    %dma_wait3A_1416 = arith.constant 0 : i32
    %dma_wait3A_1417 = tpu.memref_slice %arg6[%dma_wait3A_1414, %dma_wait3A_1415, %dma_wait3A_1416] : memref<1x64x512xf32, #tpu.memory_space<vmem>> -> memref<1x1x512xf32, #tpu.memory_space<vmem>>
    %dma_wait3A_1418 = tpu.memref_squeeze %dma_wait3A_1417 : memref<1x1x512xf32, #tpu.memory_space<vmem>> -> memref<1x512xf32, #tpu.memory_space<vmem>>
    %dma_wait3A_1419 = arith.constant 0 : i32
    %dma_wait3A_1420 = tpu.memref_slice %arg2[%squeeze3A_515, %dma_wait3A_1419] : memref<12544x512xf32, #tpu.memory_space<hbm>> -> memref<1x512xf32, #tpu.memory_space<hbm>>
    %dma_wait3A_1421 = arith.constant 33 : i32
    %dma_wait3A_1422 = arith.constant 0 : i32
    %dma_wait3A_1423 = tpu.memref_slice %arg6[%dma_wait3A_1414, %dma_wait3A_1421, %dma_wait3A_1422] : memref<1x64x512xf32, #tpu.memory_space<vmem>> -> memref<1x1x512xf32, #tpu.memory_space<vmem>>
    %dma_wait3A_1424 = tpu.memref_squeeze %dma_wait3A_1423 : memref<1x1x512xf32, #tpu.memory_space<vmem>> -> memref<1x512xf32, #tpu.memory_space<vmem>>
    %dma_wait3A_1425 = arith.constant 0 : i32
    %dma_wait3A_1426 = tpu.memref_slice %arg2[%squeeze3A_515, %dma_wait3A_1425] : memref<12544x512xf32, #tpu.memory_space<hbm>> -> memref<1x512xf32, #tpu.memory_space<hbm>>
    tpu.wait_dma2 semaphore(%arg8 : memref<!tpu.dma_semaphore, #tpu.memory_space<semaphore_mem>>) src(%dma_wait3A_1426 : memref<1x512xf32, #tpu.memory_space<hbm>>) dst(%dma_wait3A_1424 : memref<1x512xf32, #tpu.memory_space<vmem>>)
    %dma_wait3A_1427 = arith.constant 0 : i32
    %dma_wait3A_1428 = arith.constant 34 : i32
    %dma_wait3A_1429 = arith.constant 0 : i32
    %dma_wait3A_1430 = tpu.memref_slice %arg6[%dma_wait3A_1427, %dma_wait3A_1428, %dma_wait3A_1429] : memref<1x64x512xf32, #tpu.memory_space<vmem>> -> memref<1x1x512xf32, #tpu.memory_space<vmem>>
    %dma_wait3A_1431 = tpu.memref_squeeze %dma_wait3A_1430 : memref<1x1x512xf32, #tpu.memory_space<vmem>> -> memref<1x512xf32, #tpu.memory_space<vmem>>
    %dma_wait3A_1432 = arith.constant 0 : i32
    %dma_wait3A_1433 = tpu.memref_slice %arg2[%squeeze3A_530, %dma_wait3A_1432] : memref<12544x512xf32, #tpu.memory_space<hbm>> -> memref<1x512xf32, #tpu.memory_space<hbm>>
    %dma_wait3A_1434 = arith.constant 34 : i32
    %dma_wait3A_1435 = arith.constant 0 : i32
    %dma_wait3A_1436 = tpu.memref_slice %arg6[%dma_wait3A_1427, %dma_wait3A_1434, %dma_wait3A_1435] : memref<1x64x512xf32, #tpu.memory_space<vmem>> -> memref<1x1x512xf32, #tpu.memory_space<vmem>>
    %dma_wait3A_1437 = tpu.memref_squeeze %dma_wait3A_1436 : memref<1x1x512xf32, #tpu.memory_space<vmem>> -> memref<1x512xf32, #tpu.memory_space<vmem>>
    %dma_wait3A_1438 = arith.constant 0 : i32
    %dma_wait3A_1439 = tpu.memref_slice %arg2[%squeeze3A_530, %dma_wait3A_1438] : memref<12544x512xf32, #tpu.memory_space<hbm>> -> memref<1x512xf32, #tpu.memory_space<hbm>>
    tpu.wait_dma2 semaphore(%arg8 : memref<!tpu.dma_semaphore, #tpu.memory_space<semaphore_mem>>) src(%dma_wait3A_1439 : memref<1x512xf32, #tpu.memory_space<hbm>>) dst(%dma_wait3A_1437 : memref<1x512xf32, #tpu.memory_space<vmem>>)
    %dma_wait3A_1440 = arith.constant 0 : i32
    %dma_wait3A_1441 = arith.constant 35 : i32
    %dma_wait3A_1442 = arith.constant 0 : i32
    %dma_wait3A_1443 = tpu.memref_slice %arg6[%dma_wait3A_1440, %dma_wait3A_1441, %dma_wait3A_1442] : memref<1x64x512xf32, #tpu.memory_space<vmem>> -> memref<1x1x512xf32, #tpu.memory_space<vmem>>
    %dma_wait3A_1444 = tpu.memref_squeeze %dma_wait3A_1443 : memref<1x1x512xf32, #tpu.memory_space<vmem>> -> memref<1x512xf32, #tpu.memory_space<vmem>>
    %dma_wait3A_1445 = arith.constant 0 : i32
    %dma_wait3A_1446 = tpu.memref_slice %arg2[%squeeze3A_545, %dma_wait3A_1445] : memref<12544x512xf32, #tpu.memory_space<hbm>> -> memref<1x512xf32, #tpu.memory_space<hbm>>
    %dma_wait3A_1447 = arith.constant 35 : i32
    %dma_wait3A_1448 = arith.constant 0 : i32
    %dma_wait3A_1449 = tpu.memref_slice %arg6[%dma_wait3A_1440, %dma_wait3A_1447, %dma_wait3A_1448] : memref<1x64x512xf32, #tpu.memory_space<vmem>> -> memref<1x1x512xf32, #tpu.memory_space<vmem>>
    %dma_wait3A_1450 = tpu.memref_squeeze %dma_wait3A_1449 : memref<1x1x512xf32, #tpu.memory_space<vmem>> -> memref<1x512xf32, #tpu.memory_space<vmem>>
    %dma_wait3A_1451 = arith.constant 0 : i32
    %dma_wait3A_1452 = tpu.memref_slice %arg2[%squeeze3A_545, %dma_wait3A_1451] : memref<12544x512xf32, #tpu.memory_space<hbm>> -> memref<1x512xf32, #tpu.memory_space<hbm>>
    tpu.wait_dma2 semaphore(%arg8 : memref<!tpu.dma_semaphore, #tpu.memory_space<semaphore_mem>>) src(%dma_wait3A_1452 : memref<1x512xf32, #tpu.memory_space<hbm>>) dst(%dma_wait3A_1450 : memref<1x512xf32, #tpu.memory_space<vmem>>)
    %dma_wait3A_1453 = arith.constant 0 : i32
    %dma_wait3A_1454 = arith.constant 36 : i32
    %dma_wait3A_1455 = arith.constant 0 : i32
    %dma_wait3A_1456 = tpu.memref_slice %arg6[%dma_wait3A_1453, %dma_wait3A_1454, %dma_wait3A_1455] : memref<1x64x512xf32, #tpu.memory_space<vmem>> -> memref<1x1x512xf32, #tpu.memory_space<vmem>>
    %dma_wait3A_1457 = tpu.memref_squeeze %dma_wait3A_1456 : memref<1x1x512xf32, #tpu.memory_space<vmem>> -> memref<1x512xf32, #tpu.memory_space<vmem>>
    %dma_wait3A_1458 = arith.constant 0 : i32
    %dma_wait3A_1459 = tpu.memref_slice %arg2[%squeeze3A_560, %dma_wait3A_1458] : memref<12544x512xf32, #tpu.memory_space<hbm>> -> memref<1x512xf32, #tpu.memory_space<hbm>>
    %dma_wait3A_1460 = arith.constant 36 : i32
    %dma_wait3A_1461 = arith.constant 0 : i32
    %dma_wait3A_1462 = tpu.memref_slice %arg6[%dma_wait3A_1453, %dma_wait3A_1460, %dma_wait3A_1461] : memref<1x64x512xf32, #tpu.memory_space<vmem>> -> memref<1x1x512xf32, #tpu.memory_space<vmem>>
    %dma_wait3A_1463 = tpu.memref_squeeze %dma_wait3A_1462 : memref<1x1x512xf32, #tpu.memory_space<vmem>> -> memref<1x512xf32, #tpu.memory_space<vmem>>
    %dma_wait3A_1464 = arith.constant 0 : i32
    %dma_wait3A_1465 = tpu.memref_slice %arg2[%squeeze3A_560, %dma_wait3A_1464] : memref<12544x512xf32, #tpu.memory_space<hbm>> -> memref<1x512xf32, #tpu.memory_space<hbm>>
    tpu.wait_dma2 semaphore(%arg8 : memref<!tpu.dma_semaphore, #tpu.memory_space<semaphore_mem>>) src(%dma_wait3A_1465 : memref<1x512xf32, #tpu.memory_space<hbm>>) dst(%dma_wait3A_1463 : memref<1x512xf32, #tpu.memory_space<vmem>>)
    %dma_wait3A_1466 = arith.constant 0 : i32
    %dma_wait3A_1467 = arith.constant 37 : i32
    %dma_wait3A_1468 = arith.constant 0 : i32
    %dma_wait3A_1469 = tpu.memref_slice %arg6[%dma_wait3A_1466, %dma_wait3A_1467, %dma_wait3A_1468] : memref<1x64x512xf32, #tpu.memory_space<vmem>> -> memref<1x1x512xf32, #tpu.memory_space<vmem>>
    %dma_wait3A_1470 = tpu.memref_squeeze %dma_wait3A_1469 : memref<1x1x512xf32, #tpu.memory_space<vmem>> -> memref<1x512xf32, #tpu.memory_space<vmem>>
    %dma_wait3A_1471 = arith.constant 0 : i32
    %dma_wait3A_1472 = tpu.memref_slice %arg2[%squeeze3A_575, %dma_wait3A_1471] : memref<12544x512xf32, #tpu.memory_space<hbm>> -> memref<1x512xf32, #tpu.memory_space<hbm>>
    %dma_wait3A_1473 = arith.constant 37 : i32
    %dma_wait3A_1474 = arith.constant 0 : i32
    %dma_wait3A_1475 = tpu.memref_slice %arg6[%dma_wait3A_1466, %dma_wait3A_1473, %dma_wait3A_1474] : memref<1x64x512xf32, #tpu.memory_space<vmem>> -> memref<1x1x512xf32, #tpu.memory_space<vmem>>
    %dma_wait3A_1476 = tpu.memref_squeeze %dma_wait3A_1475 : memref<1x1x512xf32, #tpu.memory_space<vmem>> -> memref<1x512xf32, #tpu.memory_space<vmem>>
    %dma_wait3A_1477 = arith.constant 0 : i32
    %dma_wait3A_1478 = tpu.memref_slice %arg2[%squeeze3A_575, %dma_wait3A_1477] : memref<12544x512xf32, #tpu.memory_space<hbm>> -> memref<1x512xf32, #tpu.memory_space<hbm>>
    tpu.wait_dma2 semaphore(%arg8 : memref<!tpu.dma_semaphore, #tpu.memory_space<semaphore_mem>>) src(%dma_wait3A_1478 : memref<1x512xf32, #tpu.memory_space<hbm>>) dst(%dma_wait3A_1476 : memref<1x512xf32, #tpu.memory_space<vmem>>)
    %dma_wait3A_1479 = arith.constant 0 : i32
    %dma_wait3A_1480 = arith.constant 38 : i32
    %dma_wait3A_1481 = arith.constant 0 : i32
    %dma_wait3A_1482 = tpu.memref_slice %arg6[%dma_wait3A_1479, %dma_wait3A_1480, %dma_wait3A_1481] : memref<1x64x512xf32, #tpu.memory_space<vmem>> -> memref<1x1x512xf32, #tpu.memory_space<vmem>>
    %dma_wait3A_1483 = tpu.memref_squeeze %dma_wait3A_1482 : memref<1x1x512xf32, #tpu.memory_space<vmem>> -> memref<1x512xf32, #tpu.memory_space<vmem>>
    %dma_wait3A_1484 = arith.constant 0 : i32
    %dma_wait3A_1485 = tpu.memref_slice %arg2[%squeeze3A_590, %dma_wait3A_1484] : memref<12544x512xf32, #tpu.memory_space<hbm>> -> memref<1x512xf32, #tpu.memory_space<hbm>>
    %dma_wait3A_1486 = arith.constant 38 : i32
    %dma_wait3A_1487 = arith.constant 0 : i32
    %dma_wait3A_1488 = tpu.memref_slice %arg6[%dma_wait3A_1479, %dma_wait3A_1486, %dma_wait3A_1487] : memref<1x64x512xf32, #tpu.memory_space<vmem>> -> memref<1x1x512xf32, #tpu.memory_space<vmem>>
    %dma_wait3A_1489 = tpu.memref_squeeze %dma_wait3A_1488 : memref<1x1x512xf32, #tpu.memory_space<vmem>> -> memref<1x512xf32, #tpu.memory_space<vmem>>
    %dma_wait3A_1490 = arith.constant 0 : i32
    %dma_wait3A_1491 = tpu.memref_slice %arg2[%squeeze3A_590, %dma_wait3A_1490] : memref<12544x512xf32, #tpu.memory_space<hbm>> -> memref<1x512xf32, #tpu.memory_space<hbm>>
    tpu.wait_dma2 semaphore(%arg8 : memref<!tpu.dma_semaphore, #tpu.memory_space<semaphore_mem>>) src(%dma_wait3A_1491 : memref<1x512xf32, #tpu.memory_space<hbm>>) dst(%dma_wait3A_1489 : memref<1x512xf32, #tpu.memory_space<vmem>>)
    %dma_wait3A_1492 = arith.constant 0 : i32
    %dma_wait3A_1493 = arith.constant 39 : i32
    %dma_wait3A_1494 = arith.constant 0 : i32
    %dma_wait3A_1495 = tpu.memref_slice %arg6[%dma_wait3A_1492, %dma_wait3A_1493, %dma_wait3A_1494] : memref<1x64x512xf32, #tpu.memory_space<vmem>> -> memref<1x1x512xf32, #tpu.memory_space<vmem>>
    %dma_wait3A_1496 = tpu.memref_squeeze %dma_wait3A_1495 : memref<1x1x512xf32, #tpu.memory_space<vmem>> -> memref<1x512xf32, #tpu.memory_space<vmem>>
    %dma_wait3A_1497 = arith.constant 0 : i32
    %dma_wait3A_1498 = tpu.memref_slice %arg2[%squeeze3A_605, %dma_wait3A_1497] : memref<12544x512xf32, #tpu.memory_space<hbm>> -> memref<1x512xf32, #tpu.memory_space<hbm>>
    %dma_wait3A_1499 = arith.constant 39 : i32
    %dma_wait3A_1500 = arith.constant 0 : i32
    %dma_wait3A_1501 = tpu.memref_slice %arg6[%dma_wait3A_1492, %dma_wait3A_1499, %dma_wait3A_1500] : memref<1x64x512xf32, #tpu.memory_space<vmem>> -> memref<1x1x512xf32, #tpu.memory_space<vmem>>
    %dma_wait3A_1502 = tpu.memref_squeeze %dma_wait3A_1501 : memref<1x1x512xf32, #tpu.memory_space<vmem>> -> memref<1x512xf32, #tpu.memory_space<vmem>>
    %dma_wait3A_1503 = arith.constant 0 : i32
    %dma_wait3A_1504 = tpu.memref_slice %arg2[%squeeze3A_605, %dma_wait3A_1503] : memref<12544x512xf32, #tpu.memory_space<hbm>> -> memref<1x512xf32, #tpu.memory_space<hbm>>
    tpu.wait_dma2 semaphore(%arg8 : memref<!tpu.dma_semaphore, #tpu.memory_space<semaphore_mem>>) src(%dma_wait3A_1504 : memref<1x512xf32, #tpu.memory_space<hbm>>) dst(%dma_wait3A_1502 : memref<1x512xf32, #tpu.memory_space<vmem>>)
    %dma_wait3A_1505 = arith.constant 0 : i32
    %dma_wait3A_1506 = arith.constant 40 : i32
    %dma_wait3A_1507 = arith.constant 0 : i32
    %dma_wait3A_1508 = tpu.memref_slice %arg6[%dma_wait3A_1505, %dma_wait3A_1506, %dma_wait3A_1507] : memref<1x64x512xf32, #tpu.memory_space<vmem>> -> memref<1x1x512xf32, #tpu.memory_space<vmem>>
    %dma_wait3A_1509 = tpu.memref_squeeze %dma_wait3A_1508 : memref<1x1x512xf32, #tpu.memory_space<vmem>> -> memref<1x512xf32, #tpu.memory_space<vmem>>
    %dma_wait3A_1510 = arith.constant 0 : i32
    %dma_wait3A_1511 = tpu.memref_slice %arg2[%squeeze3A_620, %dma_wait3A_1510] : memref<12544x512xf32, #tpu.memory_space<hbm>> -> memref<1x512xf32, #tpu.memory_space<hbm>>
    %dma_wait3A_1512 = arith.constant 40 : i32
    %dma_wait3A_1513 = arith.constant 0 : i32
    %dma_wait3A_1514 = tpu.memref_slice %arg6[%dma_wait3A_1505, %dma_wait3A_1512, %dma_wait3A_1513] : memref<1x64x512xf32, #tpu.memory_space<vmem>> -> memref<1x1x512xf32, #tpu.memory_space<vmem>>
    %dma_wait3A_1515 = tpu.memref_squeeze %dma_wait3A_1514 : memref<1x1x512xf32, #tpu.memory_space<vmem>> -> memref<1x512xf32, #tpu.memory_space<vmem>>
    %dma_wait3A_1516 = arith.constant 0 : i32
    %dma_wait3A_1517 = tpu.memref_slice %arg2[%squeeze3A_620, %dma_wait3A_1516] : memref<12544x512xf32, #tpu.memory_space<hbm>> -> memref<1x512xf32, #tpu.memory_space<hbm>>
    tpu.wait_dma2 semaphore(%arg8 : memref<!tpu.dma_semaphore, #tpu.memory_space<semaphore_mem>>) src(%dma_wait3A_1517 : memref<1x512xf32, #tpu.memory_space<hbm>>) dst(%dma_wait3A_1515 : memref<1x512xf32, #tpu.memory_space<vmem>>)
    %dma_wait3A_1518 = arith.constant 0 : i32
    %dma_wait3A_1519 = arith.constant 41 : i32
    %dma_wait3A_1520 = arith.constant 0 : i32
    %dma_wait3A_1521 = tpu.memref_slice %arg6[%dma_wait3A_1518, %dma_wait3A_1519, %dma_wait3A_1520] : memref<1x64x512xf32, #tpu.memory_space<vmem>> -> memref<1x1x512xf32, #tpu.memory_space<vmem>>
    %dma_wait3A_1522 = tpu.memref_squeeze %dma_wait3A_1521 : memref<1x1x512xf32, #tpu.memory_space<vmem>> -> memref<1x512xf32, #tpu.memory_space<vmem>>
    %dma_wait3A_1523 = arith.constant 0 : i32
    %dma_wait3A_1524 = tpu.memref_slice %arg2[%squeeze3A_635, %dma_wait3A_1523] : memref<12544x512xf32, #tpu.memory_space<hbm>> -> memref<1x512xf32, #tpu.memory_space<hbm>>
    %dma_wait3A_1525 = arith.constant 41 : i32
    %dma_wait3A_1526 = arith.constant 0 : i32
    %dma_wait3A_1527 = tpu.memref_slice %arg6[%dma_wait3A_1518, %dma_wait3A_1525, %dma_wait3A_1526] : memref<1x64x512xf32, #tpu.memory_space<vmem>> -> memref<1x1x512xf32, #tpu.memory_space<vmem>>
    %dma_wait3A_1528 = tpu.memref_squeeze %dma_wait3A_1527 : memref<1x1x512xf32, #tpu.memory_space<vmem>> -> memref<1x512xf32, #tpu.memory_space<vmem>>
    %dma_wait3A_1529 = arith.constant 0 : i32
    %dma_wait3A_1530 = tpu.memref_slice %arg2[%squeeze3A_635, %dma_wait3A_1529] : memref<12544x512xf32, #tpu.memory_space<hbm>> -> memref<1x512xf32, #tpu.memory_space<hbm>>
    tpu.wait_dma2 semaphore(%arg8 : memref<!tpu.dma_semaphore, #tpu.memory_space<semaphore_mem>>) src(%dma_wait3A_1530 : memref<1x512xf32, #tpu.memory_space<hbm>>) dst(%dma_wait3A_1528 : memref<1x512xf32, #tpu.memory_space<vmem>>)
    %dma_wait3A_1531 = arith.constant 0 : i32
    %dma_wait3A_1532 = arith.constant 42 : i32
    %dma_wait3A_1533 = arith.constant 0 : i32
    %dma_wait3A_1534 = tpu.memref_slice %arg6[%dma_wait3A_1531, %dma_wait3A_1532, %dma_wait3A_1533] : memref<1x64x512xf32, #tpu.memory_space<vmem>> -> memref<1x1x512xf32, #tpu.memory_space<vmem>>
    %dma_wait3A_1535 = tpu.memref_squeeze %dma_wait3A_1534 : memref<1x1x512xf32, #tpu.memory_space<vmem>> -> memref<1x512xf32, #tpu.memory_space<vmem>>
    %dma_wait3A_1536 = arith.constant 0 : i32
    %dma_wait3A_1537 = tpu.memref_slice %arg2[%squeeze3A_650, %dma_wait3A_1536] : memref<12544x512xf32, #tpu.memory_space<hbm>> -> memref<1x512xf32, #tpu.memory_space<hbm>>
    %dma_wait3A_1538 = arith.constant 42 : i32
    %dma_wait3A_1539 = arith.constant 0 : i32
    %dma_wait3A_1540 = tpu.memref_slice %arg6[%dma_wait3A_1531, %dma_wait3A_1538, %dma_wait3A_1539] : memref<1x64x512xf32, #tpu.memory_space<vmem>> -> memref<1x1x512xf32, #tpu.memory_space<vmem>>
    %dma_wait3A_1541 = tpu.memref_squeeze %dma_wait3A_1540 : memref<1x1x512xf32, #tpu.memory_space<vmem>> -> memref<1x512xf32, #tpu.memory_space<vmem>>
    %dma_wait3A_1542 = arith.constant 0 : i32
    %dma_wait3A_1543 = tpu.memref_slice %arg2[%squeeze3A_650, %dma_wait3A_1542] : memref<12544x512xf32, #tpu.memory_space<hbm>> -> memref<1x512xf32, #tpu.memory_space<hbm>>
    tpu.wait_dma2 semaphore(%arg8 : memref<!tpu.dma_semaphore, #tpu.memory_space<semaphore_mem>>) src(%dma_wait3A_1543 : memref<1x512xf32, #tpu.memory_space<hbm>>) dst(%dma_wait3A_1541 : memref<1x512xf32, #tpu.memory_space<vmem>>)
    %dma_wait3A_1544 = arith.constant 0 : i32
    %dma_wait3A_1545 = arith.constant 43 : i32
    %dma_wait3A_1546 = arith.constant 0 : i32
    %dma_wait3A_1547 = tpu.memref_slice %arg6[%dma_wait3A_1544, %dma_wait3A_1545, %dma_wait3A_1546] : memref<1x64x512xf32, #tpu.memory_space<vmem>> -> memref<1x1x512xf32, #tpu.memory_space<vmem>>
    %dma_wait3A_1548 = tpu.memref_squeeze %dma_wait3A_1547 : memref<1x1x512xf32, #tpu.memory_space<vmem>> -> memref<1x512xf32, #tpu.memory_space<vmem>>
    %dma_wait3A_1549 = arith.constant 0 : i32
    %dma_wait3A_1550 = tpu.memref_slice %arg2[%squeeze3A_665, %dma_wait3A_1549] : memref<12544x512xf32, #tpu.memory_space<hbm>> -> memref<1x512xf32, #tpu.memory_space<hbm>>
    %dma_wait3A_1551 = arith.constant 43 : i32
    %dma_wait3A_1552 = arith.constant 0 : i32
    %dma_wait3A_1553 = tpu.memref_slice %arg6[%dma_wait3A_1544, %dma_wait3A_1551, %dma_wait3A_1552] : memref<1x64x512xf32, #tpu.memory_space<vmem>> -> memref<1x1x512xf32, #tpu.memory_space<vmem>>
    %dma_wait3A_1554 = tpu.memref_squeeze %dma_wait3A_1553 : memref<1x1x512xf32, #tpu.memory_space<vmem>> -> memref<1x512xf32, #tpu.memory_space<vmem>>
    %dma_wait3A_1555 = arith.constant 0 : i32
    %dma_wait3A_1556 = tpu.memref_slice %arg2[%squeeze3A_665, %dma_wait3A_1555] : memref<12544x512xf32, #tpu.memory_space<hbm>> -> memref<1x512xf32, #tpu.memory_space<hbm>>
    tpu.wait_dma2 semaphore(%arg8 : memref<!tpu.dma_semaphore, #tpu.memory_space<semaphore_mem>>) src(%dma_wait3A_1556 : memref<1x512xf32, #tpu.memory_space<hbm>>) dst(%dma_wait3A_1554 : memref<1x512xf32, #tpu.memory_space<vmem>>)
    %dma_wait3A_1557 = arith.constant 0 : i32
    %dma_wait3A_1558 = arith.constant 44 : i32
    %dma_wait3A_1559 = arith.constant 0 : i32
    %dma_wait3A_1560 = tpu.memref_slice %arg6[%dma_wait3A_1557, %dma_wait3A_1558, %dma_wait3A_1559] : memref<1x64x512xf32, #tpu.memory_space<vmem>> -> memref<1x1x512xf32, #tpu.memory_space<vmem>>
    %dma_wait3A_1561 = tpu.memref_squeeze %dma_wait3A_1560 : memref<1x1x512xf32, #tpu.memory_space<vmem>> -> memref<1x512xf32, #tpu.memory_space<vmem>>
    %dma_wait3A_1562 = arith.constant 0 : i32
    %dma_wait3A_1563 = tpu.memref_slice %arg2[%squeeze3A_680, %dma_wait3A_1562] : memref<12544x512xf32, #tpu.memory_space<hbm>> -> memref<1x512xf32, #tpu.memory_space<hbm>>
    %dma_wait3A_1564 = arith.constant 44 : i32
    %dma_wait3A_1565 = arith.constant 0 : i32
    %dma_wait3A_1566 = tpu.memref_slice %arg6[%dma_wait3A_1557, %dma_wait3A_1564, %dma_wait3A_1565] : memref<1x64x512xf32, #tpu.memory_space<vmem>> -> memref<1x1x512xf32, #tpu.memory_space<vmem>>
    %dma_wait3A_1567 = tpu.memref_squeeze %dma_wait3A_1566 : memref<1x1x512xf32, #tpu.memory_space<vmem>> -> memref<1x512xf32, #tpu.memory_space<vmem>>
    %dma_wait3A_1568 = arith.constant 0 : i32
    %dma_wait3A_1569 = tpu.memref_slice %arg2[%squeeze3A_680, %dma_wait3A_1568] : memref<12544x512xf32, #tpu.memory_space<hbm>> -> memref<1x512xf32, #tpu.memory_space<hbm>>
    tpu.wait_dma2 semaphore(%arg8 : memref<!tpu.dma_semaphore, #tpu.memory_space<semaphore_mem>>) src(%dma_wait3A_1569 : memref<1x512xf32, #tpu.memory_space<hbm>>) dst(%dma_wait3A_1567 : memref<1x512xf32, #tpu.memory_space<vmem>>)
    %dma_wait3A_1570 = arith.constant 0 : i32
    %dma_wait3A_1571 = arith.constant 45 : i32
    %dma_wait3A_1572 = arith.constant 0 : i32
    %dma_wait3A_1573 = tpu.memref_slice %arg6[%dma_wait3A_1570, %dma_wait3A_1571, %dma_wait3A_1572] : memref<1x64x512xf32, #tpu.memory_space<vmem>> -> memref<1x1x512xf32, #tpu.memory_space<vmem>>
    %dma_wait3A_1574 = tpu.memref_squeeze %dma_wait3A_1573 : memref<1x1x512xf32, #tpu.memory_space<vmem>> -> memref<1x512xf32, #tpu.memory_space<vmem>>
    %dma_wait3A_1575 = arith.constant 0 : i32
    %dma_wait3A_1576 = tpu.memref_slice %arg2[%squeeze3A_695, %dma_wait3A_1575] : memref<12544x512xf32, #tpu.memory_space<hbm>> -> memref<1x512xf32, #tpu.memory_space<hbm>>
    %dma_wait3A_1577 = arith.constant 45 : i32
    %dma_wait3A_1578 = arith.constant 0 : i32
    %dma_wait3A_1579 = tpu.memref_slice %arg6[%dma_wait3A_1570, %dma_wait3A_1577, %dma_wait3A_1578] : memref<1x64x512xf32, #tpu.memory_space<vmem>> -> memref<1x1x512xf32, #tpu.memory_space<vmem>>
    %dma_wait3A_1580 = tpu.memref_squeeze %dma_wait3A_1579 : memref<1x1x512xf32, #tpu.memory_space<vmem>> -> memref<1x512xf32, #tpu.memory_space<vmem>>
    %dma_wait3A_1581 = arith.constant 0 : i32
    %dma_wait3A_1582 = tpu.memref_slice %arg2[%squeeze3A_695, %dma_wait3A_1581] : memref<12544x512xf32, #tpu.memory_space<hbm>> -> memref<1x512xf32, #tpu.memory_space<hbm>>
    tpu.wait_dma2 semaphore(%arg8 : memref<!tpu.dma_semaphore, #tpu.memory_space<semaphore_mem>>) src(%dma_wait3A_1582 : memref<1x512xf32, #tpu.memory_space<hbm>>) dst(%dma_wait3A_1580 : memref<1x512xf32, #tpu.memory_space<vmem>>)
    %dma_wait3A_1583 = arith.constant 0 : i32
    %dma_wait3A_1584 = arith.constant 46 : i32
    %dma_wait3A_1585 = arith.constant 0 : i32
    %dma_wait3A_1586 = tpu.memref_slice %arg6[%dma_wait3A_1583, %dma_wait3A_1584, %dma_wait3A_1585] : memref<1x64x512xf32, #tpu.memory_space<vmem>> -> memref<1x1x512xf32, #tpu.memory_space<vmem>>
    %dma_wait3A_1587 = tpu.memref_squeeze %dma_wait3A_1586 : memref<1x1x512xf32, #tpu.memory_space<vmem>> -> memref<1x512xf32, #tpu.memory_space<vmem>>
    %dma_wait3A_1588 = arith.constant 0 : i32
    %dma_wait3A_1589 = tpu.memref_slice %arg2[%squeeze3A_710, %dma_wait3A_1588] : memref<12544x512xf32, #tpu.memory_space<hbm>> -> memref<1x512xf32, #tpu.memory_space<hbm>>
    %dma_wait3A_1590 = arith.constant 46 : i32
    %dma_wait3A_1591 = arith.constant 0 : i32
    %dma_wait3A_1592 = tpu.memref_slice %arg6[%dma_wait3A_1583, %dma_wait3A_1590, %dma_wait3A_1591] : memref<1x64x512xf32, #tpu.memory_space<vmem>> -> memref<1x1x512xf32, #tpu.memory_space<vmem>>
    %dma_wait3A_1593 = tpu.memref_squeeze %dma_wait3A_1592 : memref<1x1x512xf32, #tpu.memory_space<vmem>> -> memref<1x512xf32, #tpu.memory_space<vmem>>
    %dma_wait3A_1594 = arith.constant 0 : i32
    %dma_wait3A_1595 = tpu.memref_slice %arg2[%squeeze3A_710, %dma_wait3A_1594] : memref<12544x512xf32, #tpu.memory_space<hbm>> -> memref<1x512xf32, #tpu.memory_space<hbm>>
    tpu.wait_dma2 semaphore(%arg8 : memref<!tpu.dma_semaphore, #tpu.memory_space<semaphore_mem>>) src(%dma_wait3A_1595 : memref<1x512xf32, #tpu.memory_space<hbm>>) dst(%dma_wait3A_1593 : memref<1x512xf32, #tpu.memory_space<vmem>>)
    %dma_wait3A_1596 = arith.constant 0 : i32
    %dma_wait3A_1597 = arith.constant 47 : i32
    %dma_wait3A_1598 = arith.constant 0 : i32
    %dma_wait3A_1599 = tpu.memref_slice %arg6[%dma_wait3A_1596, %dma_wait3A_1597, %dma_wait3A_1598] : memref<1x64x512xf32, #tpu.memory_space<vmem>> -> memref<1x1x512xf32, #tpu.memory_space<vmem>>
    %dma_wait3A_1600 = tpu.memref_squeeze %dma_wait3A_1599 : memref<1x1x512xf32, #tpu.memory_space<vmem>> -> memref<1x512xf32, #tpu.memory_space<vmem>>
    %dma_wait3A_1601 = arith.constant 0 : i32
    %dma_wait3A_1602 = tpu.memref_slice %arg2[%squeeze3A_725, %dma_wait3A_1601] : memref<12544x512xf32, #tpu.memory_space<hbm>> -> memref<1x512xf32, #tpu.memory_space<hbm>>
    %dma_wait3A_1603 = arith.constant 47 : i32
    %dma_wait3A_1604 = arith.constant 0 : i32
    %dma_wait3A_1605 = tpu.memref_slice %arg6[%dma_wait3A_1596, %dma_wait3A_1603, %dma_wait3A_1604] : memref<1x64x512xf32, #tpu.memory_space<vmem>> -> memref<1x1x512xf32, #tpu.memory_space<vmem>>
    %dma_wait3A_1606 = tpu.memref_squeeze %dma_wait3A_1605 : memref<1x1x512xf32, #tpu.memory_space<vmem>> -> memref<1x512xf32, #tpu.memory_space<vmem>>
    %dma_wait3A_1607 = arith.constant 0 : i32
    %dma_wait3A_1608 = tpu.memref_slice %arg2[%squeeze3A_725, %dma_wait3A_1607] : memref<12544x512xf32, #tpu.memory_space<hbm>> -> memref<1x512xf32, #tpu.memory_space<hbm>>
    tpu.wait_dma2 semaphore(%arg8 : memref<!tpu.dma_semaphore, #tpu.memory_space<semaphore_mem>>) src(%dma_wait3A_1608 : memref<1x512xf32, #tpu.memory_space<hbm>>) dst(%dma_wait3A_1606 : memref<1x512xf32, #tpu.memory_space<vmem>>)
    %dma_wait3A_1609 = arith.constant 0 : i32
    %dma_wait3A_1610 = arith.constant 48 : i32
    %dma_wait3A_1611 = arith.constant 0 : i32
    %dma_wait3A_1612 = tpu.memref_slice %arg6[%dma_wait3A_1609, %dma_wait3A_1610, %dma_wait3A_1611] : memref<1x64x512xf32, #tpu.memory_space<vmem>> -> memref<1x1x512xf32, #tpu.memory_space<vmem>>
    %dma_wait3A_1613 = tpu.memref_squeeze %dma_wait3A_1612 : memref<1x1x512xf32, #tpu.memory_space<vmem>> -> memref<1x512xf32, #tpu.memory_space<vmem>>
    %dma_wait3A_1614 = arith.constant 0 : i32
    %dma_wait3A_1615 = tpu.memref_slice %arg2[%squeeze3A_746, %dma_wait3A_1614] : memref<12544x512xf32, #tpu.memory_space<hbm>> -> memref<1x512xf32, #tpu.memory_space<hbm>>
    %dma_wait3A_1616 = arith.constant 48 : i32
    %dma_wait3A_1617 = arith.constant 0 : i32
    %dma_wait3A_1618 = tpu.memref_slice %arg6[%dma_wait3A_1609, %dma_wait3A_1616, %dma_wait3A_1617] : memref<1x64x512xf32, #tpu.memory_space<vmem>> -> memref<1x1x512xf32, #tpu.memory_space<vmem>>
    %dma_wait3A_1619 = tpu.memref_squeeze %dma_wait3A_1618 : memref<1x1x512xf32, #tpu.memory_space<vmem>> -> memref<1x512xf32, #tpu.memory_space<vmem>>
    %dma_wait3A_1620 = arith.constant 0 : i32
    %dma_wait3A_1621 = tpu.memref_slice %arg2[%squeeze3A_746, %dma_wait3A_1620] : memref<12544x512xf32, #tpu.memory_space<hbm>> -> memref<1x512xf32, #tpu.memory_space<hbm>>
    tpu.wait_dma2 semaphore(%arg8 : memref<!tpu.dma_semaphore, #tpu.memory_space<semaphore_mem>>) src(%dma_wait3A_1621 : memref<1x512xf32, #tpu.memory_space<hbm>>) dst(%dma_wait3A_1619 : memref<1x512xf32, #tpu.memory_space<vmem>>)
    %dma_wait3A_1622 = arith.constant 0 : i32
    %dma_wait3A_1623 = arith.constant 49 : i32
    %dma_wait3A_1624 = arith.constant 0 : i32
    %dma_wait3A_1625 = tpu.memref_slice %arg6[%dma_wait3A_1622, %dma_wait3A_1623, %dma_wait3A_1624] : memref<1x64x512xf32, #tpu.memory_space<vmem>> -> memref<1x1x512xf32, #tpu.memory_space<vmem>>
    %dma_wait3A_1626 = tpu.memref_squeeze %dma_wait3A_1625 : memref<1x1x512xf32, #tpu.memory_space<vmem>> -> memref<1x512xf32, #tpu.memory_space<vmem>>
    %dma_wait3A_1627 = arith.constant 0 : i32
    %dma_wait3A_1628 = tpu.memref_slice %arg2[%squeeze3A_761, %dma_wait3A_1627] : memref<12544x512xf32, #tpu.memory_space<hbm>> -> memref<1x512xf32, #tpu.memory_space<hbm>>
    %dma_wait3A_1629 = arith.constant 49 : i32
    %dma_wait3A_1630 = arith.constant 0 : i32
    %dma_wait3A_1631 = tpu.memref_slice %arg6[%dma_wait3A_1622, %dma_wait3A_1629, %dma_wait3A_1630] : memref<1x64x512xf32, #tpu.memory_space<vmem>> -> memref<1x1x512xf32, #tpu.memory_space<vmem>>
    %dma_wait3A_1632 = tpu.memref_squeeze %dma_wait3A_1631 : memref<1x1x512xf32, #tpu.memory_space<vmem>> -> memref<1x512xf32, #tpu.memory_space<vmem>>
    %dma_wait3A_1633 = arith.constant 0 : i32
    %dma_wait3A_1634 = tpu.memref_slice %arg2[%squeeze3A_761, %dma_wait3A_1633] : memref<12544x512xf32, #tpu.memory_space<hbm>> -> memref<1x512xf32, #tpu.memory_space<hbm>>
    tpu.wait_dma2 semaphore(%arg8 : memref<!tpu.dma_semaphore, #tpu.memory_space<semaphore_mem>>) src(%dma_wait3A_1634 : memref<1x512xf32, #tpu.memory_space<hbm>>) dst(%dma_wait3A_1632 : memref<1x512xf32, #tpu.memory_space<vmem>>)
    %dma_wait3A_1635 = arith.constant 0 : i32
    %dma_wait3A_1636 = arith.constant 50 : i32
    %dma_wait3A_1637 = arith.constant 0 : i32
    %dma_wait3A_1638 = tpu.memref_slice %arg6[%dma_wait3A_1635, %dma_wait3A_1636, %dma_wait3A_1637] : memref<1x64x512xf32, #tpu.memory_space<vmem>> -> memref<1x1x512xf32, #tpu.memory_space<vmem>>
    %dma_wait3A_1639 = tpu.memref_squeeze %dma_wait3A_1638 : memref<1x1x512xf32, #tpu.memory_space<vmem>> -> memref<1x512xf32, #tpu.memory_space<vmem>>
    %dma_wait3A_1640 = arith.constant 0 : i32
    %dma_wait3A_1641 = tpu.memref_slice %arg2[%squeeze3A_776, %dma_wait3A_1640] : memref<12544x512xf32, #tpu.memory_space<hbm>> -> memref<1x512xf32, #tpu.memory_space<hbm>>
    %dma_wait3A_1642 = arith.constant 50 : i32
    %dma_wait3A_1643 = arith.constant 0 : i32
    %dma_wait3A_1644 = tpu.memref_slice %arg6[%dma_wait3A_1635, %dma_wait3A_1642, %dma_wait3A_1643] : memref<1x64x512xf32, #tpu.memory_space<vmem>> -> memref<1x1x512xf32, #tpu.memory_space<vmem>>
    %dma_wait3A_1645 = tpu.memref_squeeze %dma_wait3A_1644 : memref<1x1x512xf32, #tpu.memory_space<vmem>> -> memref<1x512xf32, #tpu.memory_space<vmem>>
    %dma_wait3A_1646 = arith.constant 0 : i32
    %dma_wait3A_1647 = tpu.memref_slice %arg2[%squeeze3A_776, %dma_wait3A_1646] : memref<12544x512xf32, #tpu.memory_space<hbm>> -> memref<1x512xf32, #tpu.memory_space<hbm>>
    tpu.wait_dma2 semaphore(%arg8 : memref<!tpu.dma_semaphore, #tpu.memory_space<semaphore_mem>>) src(%dma_wait3A_1647 : memref<1x512xf32, #tpu.memory_space<hbm>>) dst(%dma_wait3A_1645 : memref<1x512xf32, #tpu.memory_space<vmem>>)
    %dma_wait3A_1648 = arith.constant 0 : i32
    %dma_wait3A_1649 = arith.constant 51 : i32
    %dma_wait3A_1650 = arith.constant 0 : i32
    %dma_wait3A_1651 = tpu.memref_slice %arg6[%dma_wait3A_1648, %dma_wait3A_1649, %dma_wait3A_1650] : memref<1x64x512xf32, #tpu.memory_space<vmem>> -> memref<1x1x512xf32, #tpu.memory_space<vmem>>
    %dma_wait3A_1652 = tpu.memref_squeeze %dma_wait3A_1651 : memref<1x1x512xf32, #tpu.memory_space<vmem>> -> memref<1x512xf32, #tpu.memory_space<vmem>>
    %dma_wait3A_1653 = arith.constant 0 : i32
    %dma_wait3A_1654 = tpu.memref_slice %arg2[%squeeze3A_791, %dma_wait3A_1653] : memref<12544x512xf32, #tpu.memory_space<hbm>> -> memref<1x512xf32, #tpu.memory_space<hbm>>
    %dma_wait3A_1655 = arith.constant 51 : i32
    %dma_wait3A_1656 = arith.constant 0 : i32
    %dma_wait3A_1657 = tpu.memref_slice %arg6[%dma_wait3A_1648, %dma_wait3A_1655, %dma_wait3A_1656] : memref<1x64x512xf32, #tpu.memory_space<vmem>> -> memref<1x1x512xf32, #tpu.memory_space<vmem>>
    %dma_wait3A_1658 = tpu.memref_squeeze %dma_wait3A_1657 : memref<1x1x512xf32, #tpu.memory_space<vmem>> -> memref<1x512xf32, #tpu.memory_space<vmem>>
    %dma_wait3A_1659 = arith.constant 0 : i32
    %dma_wait3A_1660 = tpu.memref_slice %arg2[%squeeze3A_791, %dma_wait3A_1659] : memref<12544x512xf32, #tpu.memory_space<hbm>> -> memref<1x512xf32, #tpu.memory_space<hbm>>
    tpu.wait_dma2 semaphore(%arg8 : memref<!tpu.dma_semaphore, #tpu.memory_space<semaphore_mem>>) src(%dma_wait3A_1660 : memref<1x512xf32, #tpu.memory_space<hbm>>) dst(%dma_wait3A_1658 : memref<1x512xf32, #tpu.memory_space<vmem>>)
    %dma_wait3A_1661 = arith.constant 0 : i32
    %dma_wait3A_1662 = arith.constant 52 : i32
    %dma_wait3A_1663 = arith.constant 0 : i32
    %dma_wait3A_1664 = tpu.memref_slice %arg6[%dma_wait3A_1661, %dma_wait3A_1662, %dma_wait3A_1663] : memref<1x64x512xf32, #tpu.memory_space<vmem>> -> memref<1x1x512xf32, #tpu.memory_space<vmem>>
    %dma_wait3A_1665 = tpu.memref_squeeze %dma_wait3A_1664 : memref<1x1x512xf32, #tpu.memory_space<vmem>> -> memref<1x512xf32, #tpu.memory_space<vmem>>
    %dma_wait3A_1666 = arith.constant 0 : i32
    %dma_wait3A_1667 = tpu.memref_slice %arg2[%squeeze3A_806, %dma_wait3A_1666] : memref<12544x512xf32, #tpu.memory_space<hbm>> -> memref<1x512xf32, #tpu.memory_space<hbm>>
    %dma_wait3A_1668 = arith.constant 52 : i32
    %dma_wait3A_1669 = arith.constant 0 : i32
    %dma_wait3A_1670 = tpu.memref_slice %arg6[%dma_wait3A_1661, %dma_wait3A_1668, %dma_wait3A_1669] : memref<1x64x512xf32, #tpu.memory_space<vmem>> -> memref<1x1x512xf32, #tpu.memory_space<vmem>>
    %dma_wait3A_1671 = tpu.memref_squeeze %dma_wait3A_1670 : memref<1x1x512xf32, #tpu.memory_space<vmem>> -> memref<1x512xf32, #tpu.memory_space<vmem>>
    %dma_wait3A_1672 = arith.constant 0 : i32
    %dma_wait3A_1673 = tpu.memref_slice %arg2[%squeeze3A_806, %dma_wait3A_1672] : memref<12544x512xf32, #tpu.memory_space<hbm>> -> memref<1x512xf32, #tpu.memory_space<hbm>>
    tpu.wait_dma2 semaphore(%arg8 : memref<!tpu.dma_semaphore, #tpu.memory_space<semaphore_mem>>) src(%dma_wait3A_1673 : memref<1x512xf32, #tpu.memory_space<hbm>>) dst(%dma_wait3A_1671 : memref<1x512xf32, #tpu.memory_space<vmem>>)
    %dma_wait3A_1674 = arith.constant 0 : i32
    %dma_wait3A_1675 = arith.constant 53 : i32
    %dma_wait3A_1676 = arith.constant 0 : i32
    %dma_wait3A_1677 = tpu.memref_slice %arg6[%dma_wait3A_1674, %dma_wait3A_1675, %dma_wait3A_1676] : memref<1x64x512xf32, #tpu.memory_space<vmem>> -> memref<1x1x512xf32, #tpu.memory_space<vmem>>
    %dma_wait3A_1678 = tpu.memref_squeeze %dma_wait3A_1677 : memref<1x1x512xf32, #tpu.memory_space<vmem>> -> memref<1x512xf32, #tpu.memory_space<vmem>>
    %dma_wait3A_1679 = arith.constant 0 : i32
    %dma_wait3A_1680 = tpu.memref_slice %arg2[%squeeze3A_821, %dma_wait3A_1679] : memref<12544x512xf32, #tpu.memory_space<hbm>> -> memref<1x512xf32, #tpu.memory_space<hbm>>
    %dma_wait3A_1681 = arith.constant 53 : i32
    %dma_wait3A_1682 = arith.constant 0 : i32
    %dma_wait3A_1683 = tpu.memref_slice %arg6[%dma_wait3A_1674, %dma_wait3A_1681, %dma_wait3A_1682] : memref<1x64x512xf32, #tpu.memory_space<vmem>> -> memref<1x1x512xf32, #tpu.memory_space<vmem>>
    %dma_wait3A_1684 = tpu.memref_squeeze %dma_wait3A_1683 : memref<1x1x512xf32, #tpu.memory_space<vmem>> -> memref<1x512xf32, #tpu.memory_space<vmem>>
    %dma_wait3A_1685 = arith.constant 0 : i32
    %dma_wait3A_1686 = tpu.memref_slice %arg2[%squeeze3A_821, %dma_wait3A_1685] : memref<12544x512xf32, #tpu.memory_space<hbm>> -> memref<1x512xf32, #tpu.memory_space<hbm>>
    tpu.wait_dma2 semaphore(%arg8 : memref<!tpu.dma_semaphore, #tpu.memory_space<semaphore_mem>>) src(%dma_wait3A_1686 : memref<1x512xf32, #tpu.memory_space<hbm>>) dst(%dma_wait3A_1684 : memref<1x512xf32, #tpu.memory_space<vmem>>)
    %dma_wait3A_1687 = arith.constant 0 : i32
    %dma_wait3A_1688 = arith.constant 54 : i32
    %dma_wait3A_1689 = arith.constant 0 : i32
    %dma_wait3A_1690 = tpu.memref_slice %arg6[%dma_wait3A_1687, %dma_wait3A_1688, %dma_wait3A_1689] : memref<1x64x512xf32, #tpu.memory_space<vmem>> -> memref<1x1x512xf32, #tpu.memory_space<vmem>>
    %dma_wait3A_1691 = tpu.memref_squeeze %dma_wait3A_1690 : memref<1x1x512xf32, #tpu.memory_space<vmem>> -> memref<1x512xf32, #tpu.memory_space<vmem>>
    %dma_wait3A_1692 = arith.constant 0 : i32
    %dma_wait3A_1693 = tpu.memref_slice %arg2[%squeeze3A_836, %dma_wait3A_1692] : memref<12544x512xf32, #tpu.memory_space<hbm>> -> memref<1x512xf32, #tpu.memory_space<hbm>>
    %dma_wait3A_1694 = arith.constant 54 : i32
    %dma_wait3A_1695 = arith.constant 0 : i32
    %dma_wait3A_1696 = tpu.memref_slice %arg6[%dma_wait3A_1687, %dma_wait3A_1694, %dma_wait3A_1695] : memref<1x64x512xf32, #tpu.memory_space<vmem>> -> memref<1x1x512xf32, #tpu.memory_space<vmem>>
    %dma_wait3A_1697 = tpu.memref_squeeze %dma_wait3A_1696 : memref<1x1x512xf32, #tpu.memory_space<vmem>> -> memref<1x512xf32, #tpu.memory_space<vmem>>
    %dma_wait3A_1698 = arith.constant 0 : i32
    %dma_wait3A_1699 = tpu.memref_slice %arg2[%squeeze3A_836, %dma_wait3A_1698] : memref<12544x512xf32, #tpu.memory_space<hbm>> -> memref<1x512xf32, #tpu.memory_space<hbm>>
    tpu.wait_dma2 semaphore(%arg8 : memref<!tpu.dma_semaphore, #tpu.memory_space<semaphore_mem>>) src(%dma_wait3A_1699 : memref<1x512xf32, #tpu.memory_space<hbm>>) dst(%dma_wait3A_1697 : memref<1x512xf32, #tpu.memory_space<vmem>>)
    %dma_wait3A_1700 = arith.constant 0 : i32
    %dma_wait3A_1701 = arith.constant 55 : i32
    %dma_wait3A_1702 = arith.constant 0 : i32
    %dma_wait3A_1703 = tpu.memref_slice %arg6[%dma_wait3A_1700, %dma_wait3A_1701, %dma_wait3A_1702] : memref<1x64x512xf32, #tpu.memory_space<vmem>> -> memref<1x1x512xf32, #tpu.memory_space<vmem>>
    %dma_wait3A_1704 = tpu.memref_squeeze %dma_wait3A_1703 : memref<1x1x512xf32, #tpu.memory_space<vmem>> -> memref<1x512xf32, #tpu.memory_space<vmem>>
    %dma_wait3A_1705 = arith.constant 0 : i32
    %dma_wait3A_1706 = tpu.memref_slice %arg2[%squeeze3A_851, %dma_wait3A_1705] : memref<12544x512xf32, #tpu.memory_space<hbm>> -> memref<1x512xf32, #tpu.memory_space<hbm>>
    %dma_wait3A_1707 = arith.constant 55 : i32
    %dma_wait3A_1708 = arith.constant 0 : i32
    %dma_wait3A_1709 = tpu.memref_slice %arg6[%dma_wait3A_1700, %dma_wait3A_1707, %dma_wait3A_1708] : memref<1x64x512xf32, #tpu.memory_space<vmem>> -> memref<1x1x512xf32, #tpu.memory_space<vmem>>
    %dma_wait3A_1710 = tpu.memref_squeeze %dma_wait3A_1709 : memref<1x1x512xf32, #tpu.memory_space<vmem>> -> memref<1x512xf32, #tpu.memory_space<vmem>>
    %dma_wait3A_1711 = arith.constant 0 : i32
    %dma_wait3A_1712 = tpu.memref_slice %arg2[%squeeze3A_851, %dma_wait3A_1711] : memref<12544x512xf32, #tpu.memory_space<hbm>> -> memref<1x512xf32, #tpu.memory_space<hbm>>
    tpu.wait_dma2 semaphore(%arg8 : memref<!tpu.dma_semaphore, #tpu.memory_space<semaphore_mem>>) src(%dma_wait3A_1712 : memref<1x512xf32, #tpu.memory_space<hbm>>) dst(%dma_wait3A_1710 : memref<1x512xf32, #tpu.memory_space<vmem>>)
    %dma_wait3A_1713 = arith.constant 0 : i32
    %dma_wait3A_1714 = arith.constant 56 : i32
    %dma_wait3A_1715 = arith.constant 0 : i32
    %dma_wait3A_1716 = tpu.memref_slice %arg6[%dma_wait3A_1713, %dma_wait3A_1714, %dma_wait3A_1715] : memref<1x64x512xf32, #tpu.memory_space<vmem>> -> memref<1x1x512xf32, #tpu.memory_space<vmem>>
    %dma_wait3A_1717 = tpu.memref_squeeze %dma_wait3A_1716 : memref<1x1x512xf32, #tpu.memory_space<vmem>> -> memref<1x512xf32, #tpu.memory_space<vmem>>
    %dma_wait3A_1718 = arith.constant 0 : i32
    %dma_wait3A_1719 = tpu.memref_slice %arg2[%squeeze3A_866, %dma_wait3A_1718] : memref<12544x512xf32, #tpu.memory_space<hbm>> -> memref<1x512xf32, #tpu.memory_space<hbm>>
    %dma_wait3A_1720 = arith.constant 56 : i32
    %dma_wait3A_1721 = arith.constant 0 : i32
    %dma_wait3A_1722 = tpu.memref_slice %arg6[%dma_wait3A_1713, %dma_wait3A_1720, %dma_wait3A_1721] : memref<1x64x512xf32, #tpu.memory_space<vmem>> -> memref<1x1x512xf32, #tpu.memory_space<vmem>>
    %dma_wait3A_1723 = tpu.memref_squeeze %dma_wait3A_1722 : memref<1x1x512xf32, #tpu.memory_space<vmem>> -> memref<1x512xf32, #tpu.memory_space<vmem>>
    %dma_wait3A_1724 = arith.constant 0 : i32
    %dma_wait3A_1725 = tpu.memref_slice %arg2[%squeeze3A_866, %dma_wait3A_1724] : memref<12544x512xf32, #tpu.memory_space<hbm>> -> memref<1x512xf32, #tpu.memory_space<hbm>>
    tpu.wait_dma2 semaphore(%arg8 : memref<!tpu.dma_semaphore, #tpu.memory_space<semaphore_mem>>) src(%dma_wait3A_1725 : memref<1x512xf32, #tpu.memory_space<hbm>>) dst(%dma_wait3A_1723 : memref<1x512xf32, #tpu.memory_space<vmem>>)
    %dma_wait3A_1726 = arith.constant 0 : i32
    %dma_wait3A_1727 = arith.constant 57 : i32
    %dma_wait3A_1728 = arith.constant 0 : i32
    %dma_wait3A_1729 = tpu.memref_slice %arg6[%dma_wait3A_1726, %dma_wait3A_1727, %dma_wait3A_1728] : memref<1x64x512xf32, #tpu.memory_space<vmem>> -> memref<1x1x512xf32, #tpu.memory_space<vmem>>
    %dma_wait3A_1730 = tpu.memref_squeeze %dma_wait3A_1729 : memref<1x1x512xf32, #tpu.memory_space<vmem>> -> memref<1x512xf32, #tpu.memory_space<vmem>>
    %dma_wait3A_1731 = arith.constant 0 : i32
    %dma_wait3A_1732 = tpu.memref_slice %arg2[%squeeze3A_881, %dma_wait3A_1731] : memref<12544x512xf32, #tpu.memory_space<hbm>> -> memref<1x512xf32, #tpu.memory_space<hbm>>
    %dma_wait3A_1733 = arith.constant 57 : i32
    %dma_wait3A_1734 = arith.constant 0 : i32
    %dma_wait3A_1735 = tpu.memref_slice %arg6[%dma_wait3A_1726, %dma_wait3A_1733, %dma_wait3A_1734] : memref<1x64x512xf32, #tpu.memory_space<vmem>> -> memref<1x1x512xf32, #tpu.memory_space<vmem>>
    %dma_wait3A_1736 = tpu.memref_squeeze %dma_wait3A_1735 : memref<1x1x512xf32, #tpu.memory_space<vmem>> -> memref<1x512xf32, #tpu.memory_space<vmem>>
    %dma_wait3A_1737 = arith.constant 0 : i32
    %dma_wait3A_1738 = tpu.memref_slice %arg2[%squeeze3A_881, %dma_wait3A_1737] : memref<12544x512xf32, #tpu.memory_space<hbm>> -> memref<1x512xf32, #tpu.memory_space<hbm>>
    tpu.wait_dma2 semaphore(%arg8 : memref<!tpu.dma_semaphore, #tpu.memory_space<semaphore_mem>>) src(%dma_wait3A_1738 : memref<1x512xf32, #tpu.memory_space<hbm>>) dst(%dma_wait3A_1736 : memref<1x512xf32, #tpu.memory_space<vmem>>)
    %dma_wait3A_1739 = arith.constant 0 : i32
    %dma_wait3A_1740 = arith.constant 58 : i32
    %dma_wait3A_1741 = arith.constant 0 : i32
    %dma_wait3A_1742 = tpu.memref_slice %arg6[%dma_wait3A_1739, %dma_wait3A_1740, %dma_wait3A_1741] : memref<1x64x512xf32, #tpu.memory_space<vmem>> -> memref<1x1x512xf32, #tpu.memory_space<vmem>>
    %dma_wait3A_1743 = tpu.memref_squeeze %dma_wait3A_1742 : memref<1x1x512xf32, #tpu.memory_space<vmem>> -> memref<1x512xf32, #tpu.memory_space<vmem>>
    %dma_wait3A_1744 = arith.constant 0 : i32
    %dma_wait3A_1745 = tpu.memref_slice %arg2[%squeeze3A_896, %dma_wait3A_1744] : memref<12544x512xf32, #tpu.memory_space<hbm>> -> memref<1x512xf32, #tpu.memory_space<hbm>>
    %dma_wait3A_1746 = arith.constant 58 : i32
    %dma_wait3A_1747 = arith.constant 0 : i32
    %dma_wait3A_1748 = tpu.memref_slice %arg6[%dma_wait3A_1739, %dma_wait3A_1746, %dma_wait3A_1747] : memref<1x64x512xf32, #tpu.memory_space<vmem>> -> memref<1x1x512xf32, #tpu.memory_space<vmem>>
    %dma_wait3A_1749 = tpu.memref_squeeze %dma_wait3A_1748 : memref<1x1x512xf32, #tpu.memory_space<vmem>> -> memref<1x512xf32, #tpu.memory_space<vmem>>
    %dma_wait3A_1750 = arith.constant 0 : i32
    %dma_wait3A_1751 = tpu.memref_slice %arg2[%squeeze3A_896, %dma_wait3A_1750] : memref<12544x512xf32, #tpu.memory_space<hbm>> -> memref<1x512xf32, #tpu.memory_space<hbm>>
    tpu.wait_dma2 semaphore(%arg8 : memref<!tpu.dma_semaphore, #tpu.memory_space<semaphore_mem>>) src(%dma_wait3A_1751 : memref<1x512xf32, #tpu.memory_space<hbm>>) dst(%dma_wait3A_1749 : memref<1x512xf32, #tpu.memory_space<vmem>>)
    %dma_wait3A_1752 = arith.constant 0 : i32
    %dma_wait3A_1753 = arith.constant 59 : i32
    %dma_wait3A_1754 = arith.constant 0 : i32
    %dma_wait3A_1755 = tpu.memref_slice %arg6[%dma_wait3A_1752, %dma_wait3A_1753, %dma_wait3A_1754] : memref<1x64x512xf32, #tpu.memory_space<vmem>> -> memref<1x1x512xf32, #tpu.memory_space<vmem>>
    %dma_wait3A_1756 = tpu.memref_squeeze %dma_wait3A_1755 : memref<1x1x512xf32, #tpu.memory_space<vmem>> -> memref<1x512xf32, #tpu.memory_space<vmem>>
    %dma_wait3A_1757 = arith.constant 0 : i32
    %dma_wait3A_1758 = tpu.memref_slice %arg2[%squeeze3A_911, %dma_wait3A_1757] : memref<12544x512xf32, #tpu.memory_space<hbm>> -> memref<1x512xf32, #tpu.memory_space<hbm>>
    %dma_wait3A_1759 = arith.constant 59 : i32
    %dma_wait3A_1760 = arith.constant 0 : i32
    %dma_wait3A_1761 = tpu.memref_slice %arg6[%dma_wait3A_1752, %dma_wait3A_1759, %dma_wait3A_1760] : memref<1x64x512xf32, #tpu.memory_space<vmem>> -> memref<1x1x512xf32, #tpu.memory_space<vmem>>
    %dma_wait3A_1762 = tpu.memref_squeeze %dma_wait3A_1761 : memref<1x1x512xf32, #tpu.memory_space<vmem>> -> memref<1x512xf32, #tpu.memory_space<vmem>>
    %dma_wait3A_1763 = arith.constant 0 : i32
    %dma_wait3A_1764 = tpu.memref_slice %arg2[%squeeze3A_911, %dma_wait3A_1763] : memref<12544x512xf32, #tpu.memory_space<hbm>> -> memref<1x512xf32, #tpu.memory_space<hbm>>
    tpu.wait_dma2 semaphore(%arg8 : memref<!tpu.dma_semaphore, #tpu.memory_space<semaphore_mem>>) src(%dma_wait3A_1764 : memref<1x512xf32, #tpu.memory_space<hbm>>) dst(%dma_wait3A_1762 : memref<1x512xf32, #tpu.memory_space<vmem>>)
    %dma_wait3A_1765 = arith.constant 0 : i32
    %dma_wait3A_1766 = arith.constant 60 : i32
    %dma_wait3A_1767 = arith.constant 0 : i32
    %dma_wait3A_1768 = tpu.memref_slice %arg6[%dma_wait3A_1765, %dma_wait3A_1766, %dma_wait3A_1767] : memref<1x64x512xf32, #tpu.memory_space<vmem>> -> memref<1x1x512xf32, #tpu.memory_space<vmem>>
    %dma_wait3A_1769 = tpu.memref_squeeze %dma_wait3A_1768 : memref<1x1x512xf32, #tpu.memory_space<vmem>> -> memref<1x512xf32, #tpu.memory_space<vmem>>
    %dma_wait3A_1770 = arith.constant 0 : i32
    %dma_wait3A_1771 = tpu.memref_slice %arg2[%squeeze3A_926, %dma_wait3A_1770] : memref<12544x512xf32, #tpu.memory_space<hbm>> -> memref<1x512xf32, #tpu.memory_space<hbm>>
    %dma_wait3A_1772 = arith.constant 60 : i32
    %dma_wait3A_1773 = arith.constant 0 : i32
    %dma_wait3A_1774 = tpu.memref_slice %arg6[%dma_wait3A_1765, %dma_wait3A_1772, %dma_wait3A_1773] : memref<1x64x512xf32, #tpu.memory_space<vmem>> -> memref<1x1x512xf32, #tpu.memory_space<vmem>>
    %dma_wait3A_1775 = tpu.memref_squeeze %dma_wait3A_1774 : memref<1x1x512xf32, #tpu.memory_space<vmem>> -> memref<1x512xf32, #tpu.memory_space<vmem>>
    %dma_wait3A_1776 = arith.constant 0 : i32
    %dma_wait3A_1777 = tpu.memref_slice %arg2[%squeeze3A_926, %dma_wait3A_1776] : memref<12544x512xf32, #tpu.memory_space<hbm>> -> memref<1x512xf32, #tpu.memory_space<hbm>>
    tpu.wait_dma2 semaphore(%arg8 : memref<!tpu.dma_semaphore, #tpu.memory_space<semaphore_mem>>) src(%dma_wait3A_1777 : memref<1x512xf32, #tpu.memory_space<hbm>>) dst(%dma_wait3A_1775 : memref<1x512xf32, #tpu.memory_space<vmem>>)
    %dma_wait3A_1778 = arith.constant 0 : i32
    %dma_wait3A_1779 = arith.constant 61 : i32
    %dma_wait3A_1780 = arith.constant 0 : i32
    %dma_wait3A_1781 = tpu.memref_slice %arg6[%dma_wait3A_1778, %dma_wait3A_1779, %dma_wait3A_1780] : memref<1x64x512xf32, #tpu.memory_space<vmem>> -> memref<1x1x512xf32, #tpu.memory_space<vmem>>
    %dma_wait3A_1782 = tpu.memref_squeeze %dma_wait3A_1781 : memref<1x1x512xf32, #tpu.memory_space<vmem>> -> memref<1x512xf32, #tpu.memory_space<vmem>>
    %dma_wait3A_1783 = arith.constant 0 : i32
    %dma_wait3A_1784 = tpu.memref_slice %arg2[%squeeze3A_941, %dma_wait3A_1783] : memref<12544x512xf32, #tpu.memory_space<hbm>> -> memref<1x512xf32, #tpu.memory_space<hbm>>
    %dma_wait3A_1785 = arith.constant 61 : i32
    %dma_wait3A_1786 = arith.constant 0 : i32
    %dma_wait3A_1787 = tpu.memref_slice %arg6[%dma_wait3A_1778, %dma_wait3A_1785, %dma_wait3A_1786] : memref<1x64x512xf32, #tpu.memory_space<vmem>> -> memref<1x1x512xf32, #tpu.memory_space<vmem>>
    %dma_wait3A_1788 = tpu.memref_squeeze %dma_wait3A_1787 : memref<1x1x512xf32, #tpu.memory_space<vmem>> -> memref<1x512xf32, #tpu.memory_space<vmem>>
    %dma_wait3A_1789 = arith.constant 0 : i32
    %dma_wait3A_1790 = tpu.memref_slice %arg2[%squeeze3A_941, %dma_wait3A_1789] : memref<12544x512xf32, #tpu.memory_space<hbm>> -> memref<1x512xf32, #tpu.memory_space<hbm>>
    tpu.wait_dma2 semaphore(%arg8 : memref<!tpu.dma_semaphore, #tpu.memory_space<semaphore_mem>>) src(%dma_wait3A_1790 : memref<1x512xf32, #tpu.memory_space<hbm>>) dst(%dma_wait3A_1788 : memref<1x512xf32, #tpu.memory_space<vmem>>)
    %dma_wait3A_1791 = arith.constant 0 : i32
    %dma_wait3A_1792 = arith.constant 62 : i32
    %dma_wait3A_1793 = arith.constant 0 : i32
    %dma_wait3A_1794 = tpu.memref_slice %arg6[%dma_wait3A_1791, %dma_wait3A_1792, %dma_wait3A_1793] : memref<1x64x512xf32, #tpu.memory_space<vmem>> -> memref<1x1x512xf32, #tpu.memory_space<vmem>>
    %dma_wait3A_1795 = tpu.memref_squeeze %dma_wait3A_1794 : memref<1x1x512xf32, #tpu.memory_space<vmem>> -> memref<1x512xf32, #tpu.memory_space<vmem>>
    %dma_wait3A_1796 = arith.constant 0 : i32
    %dma_wait3A_1797 = tpu.memref_slice %arg2[%squeeze3A_956, %dma_wait3A_1796] : memref<12544x512xf32, #tpu.memory_space<hbm>> -> memref<1x512xf32, #tpu.memory_space<hbm>>
    %dma_wait3A_1798 = arith.constant 62 : i32
    %dma_wait3A_1799 = arith.constant 0 : i32
    %dma_wait3A_1800 = tpu.memref_slice %arg6[%dma_wait3A_1791, %dma_wait3A_1798, %dma_wait3A_1799] : memref<1x64x512xf32, #tpu.memory_space<vmem>> -> memref<1x1x512xf32, #tpu.memory_space<vmem>>
    %dma_wait3A_1801 = tpu.memref_squeeze %dma_wait3A_1800 : memref<1x1x512xf32, #tpu.memory_space<vmem>> -> memref<1x512xf32, #tpu.memory_space<vmem>>
    %dma_wait3A_1802 = arith.constant 0 : i32
    %dma_wait3A_1803 = tpu.memref_slice %arg2[%squeeze3A_956, %dma_wait3A_1802] : memref<12544x512xf32, #tpu.memory_space<hbm>> -> memref<1x512xf32, #tpu.memory_space<hbm>>
    tpu.wait_dma2 semaphore(%arg8 : memref<!tpu.dma_semaphore, #tpu.memory_space<semaphore_mem>>) src(%dma_wait3A_1803 : memref<1x512xf32, #tpu.memory_space<hbm>>) dst(%dma_wait3A_1801 : memref<1x512xf32, #tpu.memory_space<vmem>>)
    %dma_wait3A_1804 = arith.constant 0 : i32
    %dma_wait3A_1805 = arith.constant 63 : i32
    %dma_wait3A_1806 = arith.constant 0 : i32
    %dma_wait3A_1807 = tpu.memref_slice %arg6[%dma_wait3A_1804, %dma_wait3A_1805, %dma_wait3A_1806] : memref<1x64x512xf32, #tpu.memory_space<vmem>> -> memref<1x1x512xf32, #tpu.memory_space<vmem>>
    %dma_wait3A_1808 = tpu.memref_squeeze %dma_wait3A_1807 : memref<1x1x512xf32, #tpu.memory_space<vmem>> -> memref<1x512xf32, #tpu.memory_space<vmem>>
    %dma_wait3A_1809 = arith.constant 0 : i32
    %dma_wait3A_1810 = tpu.memref_slice %arg2[%squeeze3A_971, %dma_wait3A_1809] : memref<12544x512xf32, #tpu.memory_space<hbm>> -> memref<1x512xf32, #tpu.memory_space<hbm>>
    %dma_wait3A_1811 = arith.constant 63 : i32
    %dma_wait3A_1812 = arith.constant 0 : i32
    %dma_wait3A_1813 = tpu.memref_slice %arg6[%dma_wait3A_1804, %dma_wait3A_1811, %dma_wait3A_1812] : memref<1x64x512xf32, #tpu.memory_space<vmem>> -> memref<1x1x512xf32, #tpu.memory_space<vmem>>
    %dma_wait3A_1814 = tpu.memref_squeeze %dma_wait3A_1813 : memref<1x1x512xf32, #tpu.memory_space<vmem>> -> memref<1x512xf32, #tpu.memory_space<vmem>>
    %dma_wait3A_1815 = arith.constant 0 : i32
    %dma_wait3A_1816 = tpu.memref_slice %arg2[%squeeze3A_971, %dma_wait3A_1815] : memref<12544x512xf32, #tpu.memory_space<hbm>> -> memref<1x512xf32, #tpu.memory_space<hbm>>
    tpu.wait_dma2 semaphore(%arg8 : memref<!tpu.dma_semaphore, #tpu.memory_space<semaphore_mem>>) src(%dma_wait3A_1816 : memref<1x512xf32, #tpu.memory_space<hbm>>) dst(%dma_wait3A_1814 : memref<1x512xf32, #tpu.memory_space<vmem>>)
    %jit3A = arith.constant 128 : i32
    %div3A = arith.divsi %mul3A_2, %jit3A : i32
    %sign3A = arith.constant 0 : i32
    %sign3A_1817 = arith.cmpi sgt, %mul3A_2, %sign3A : i32
    %sign3A_1818 = arith.extui %sign3A_1817 : i1 to i32
    %sign3A_1819 = arith.constant 0 : i32
    %sign3A_1820 = arith.cmpi slt, %mul3A_2, %sign3A_1819 : i32
    %sign3A_1821 = arith.extui %sign3A_1820 : i1 to i32
    %sign3A_1822 = arith.subi %sign3A_1818, %sign3A_1821 : i32
    %sign3A_1823 = arith.constant 0 : i32
    %sign3A_1824 = arith.cmpi sgt, %jit3A, %sign3A_1823 : i32
    %sign3A_1825 = arith.extui %sign3A_1824 : i1 to i32
    %sign3A_1826 = arith.constant 0 : i32
    %sign3A_1827 = arith.cmpi slt, %jit3A, %sign3A_1826 : i32
    %sign3A_1828 = arith.extui %sign3A_1827 : i1 to i32
    %sign3A_1829 = arith.subi %sign3A_1825, %sign3A_1828 : i32
    %ne3A = arith.cmpi ne, %sign3A_1822, %sign3A_1829 : i32
    %rem3A_1830 = arith.remsi %mul3A_2, %jit3A : i32
    %ne3A_1831 = arith.constant 0 : i32
    %ne3A_1832 = arith.cmpi ne, %rem3A_1830, %ne3A_1831 : i32
    %and3A = arith.andi %ne3A, %ne3A_1832 : i1
    %sub3A = arith.constant 1 : i32
    %sub3A_1833 = arith.subi %div3A, %sub3A : i32
    %select_n3A = arith.select %and3A, %sub3A_1833, %div3A : i32
    %mul3A_1834 = arith.constant 128 : i32
    %mul3A_1835 = arith.muli %select_n3A, %mul3A_1834 : i32
    %sub3A_1836 = arith.subi %mul3A_2, %mul3A_1835 : i32
    "tpu.region"() ({
      %run_scoped3A = tpu.sem_alloc : memref<!tpu.dma_semaphore, #tpu.memory_space<semaphore_mem>>
      %dma_start3A_1837 = arith.constant 0 : i32
      %dma_start3A_1838 = tpu.memref_slice %arg4[%select_n3A, %sub3A_1836, %dma_start3A_1837] : memref<16x128x512xf32, #tpu.memory_space<hbm>> -> memref<1x64x512xf32, #tpu.memory_space<hbm>>
      %dma_start3A_1839 = arith.constant 0 : i32
      %dma_start3A_1840 = tpu.memref_slice %arg4[%select_n3A, %sub3A_1836, %dma_start3A_1839] : memref<16x128x512xf32, #tpu.memory_space<hbm>> -> memref<1x64x512xf32, #tpu.memory_space<hbm>>
      tpu.enqueue_dma source(%arg6 : memref<1x64x512xf32, #tpu.memory_space<vmem>>) target(%dma_start3A_1840 : memref<1x64x512xf32, #tpu.memory_space<hbm>>) target_semaphore(%run_scoped3A : memref<!tpu.dma_semaphore, #tpu.memory_space<semaphore_mem>>)
      %dma_wait3A_1841 = arith.constant 0 : i32
      %dma_wait3A_1842 = tpu.memref_slice %arg4[%select_n3A, %sub3A_1836, %dma_wait3A_1841] : memref<16x128x512xf32, #tpu.memory_space<hbm>> -> memref<1x64x512xf32, #tpu.memory_space<hbm>>
      %dma_wait3A_1843 = arith.constant 0 : i32
      %dma_wait3A_1844 = tpu.memref_slice %arg4[%select_n3A, %sub3A_1836, %dma_wait3A_1843] : memref<16x128x512xf32, #tpu.memory_space<hbm>> -> memref<1x64x512xf32, #tpu.memory_space<hbm>>
      tpu.wait_dma2 semaphore(%run_scoped3A : memref<!tpu.dma_semaphore, #tpu.memory_space<semaphore_mem>>) src(%arg6 : memref<1x64x512xf32, #tpu.memory_space<vmem>>) dst(%dma_wait3A_1844 : memref<1x64x512xf32, #tpu.memory_space<hbm>>)
      tpu.yield
    }) : () -> ()
    return
  }
}

module attributes {stable_mosaic.version = 14 : i64} {
  func.func @_tc_group_body(%arg0: i32, %arg1: memref<64x1792xf32, #tpu.memory_space<vmem>>, %arg2: memref<64x1792xf32, #tpu.memory_space<vmem>>, %arg3: memref<64x1792xf32, #tpu.memory_space<vmem>>, %arg4: memref<64x1792xf32, #tpu.memory_space<vmem>>, %arg5: memref<64x1792xf32, #tpu.memory_space<vmem>>, %arg6: memref<64x1792xf32, #tpu.memory_space<vmem>>, %arg7: memref<64x1792xf32, #tpu.memory_space<vmem>>, %arg8: memref<64x1792xf32, #tpu.memory_space<vmem>>, %arg9: memref<1792x512xf32, #tpu.memory_space<vmem>>) attributes {dimension_semantics = [#tpu.dimension_semantics<arbitrary>], iteration_bounds = array<i64: 7>, scalar_prefetch = 0 : i64, scratch_operands = 0 : i64, tpu.core_type = #tpu.core_type<tc>, window_params = [{transform_indices = @transform_0, window_bounds = array<i64: 64, 1792>}, {transform_indices = @transform_1, window_bounds = array<i64: 64, 1792>}, {transform_indices = @transform_2, window_bounds = array<i64: 64, 1792>}, {transform_indices = @transform_3, window_bounds = array<i64: 64, 1792>}, {transform_indices = @transform_4, window_bounds = array<i64: 64, 1792>}, {transform_indices = @transform_5, window_bounds = array<i64: 64, 1792>}, {transform_indices = @transform_6, window_bounds = array<i64: 64, 1792>}, {transform_indices = @transform_7, window_bounds = array<i64: 64, 1792>}, {transform_indices = @transform_8, window_bounds = array<i64: 1792, 512>}]} {
    %get3A = arith.constant 0 : index
    %get3A_0 = arith.constant 0 : index
    %get3A_1 = vector.load %arg1[%get3A, %get3A_0] : memref<64x1792xf32, #tpu.memory_space<vmem>>, vector<64x1792xf32>
    %transpose3A = tpu.transpose %get3A_1, [1, 0] : vector<64x1792xf32> -> vector<1792x64xf32>
    %get3A_2 = arith.constant 0 : index
    %get3A_3 = arith.constant 0 : index
    %get3A_4 = vector.load %arg2[%get3A_2, %get3A_3] : memref<64x1792xf32, #tpu.memory_space<vmem>>, vector<64x1792xf32>
    %transpose3A_5 = tpu.transpose %get3A_4, [1, 0] : vector<64x1792xf32> -> vector<1792x64xf32>
    %get3A_6 = arith.constant 0 : index
    %get3A_7 = arith.constant 0 : index
    %get3A_8 = vector.load %arg3[%get3A_6, %get3A_7] : memref<64x1792xf32, #tpu.memory_space<vmem>>, vector<64x1792xf32>
    %transpose3A_9 = tpu.transpose %get3A_8, [1, 0] : vector<64x1792xf32> -> vector<1792x64xf32>
    %get3A_10 = arith.constant 0 : index
    %get3A_11 = arith.constant 0 : index
    %get3A_12 = vector.load %arg4[%get3A_10, %get3A_11] : memref<64x1792xf32, #tpu.memory_space<vmem>>, vector<64x1792xf32>
    %transpose3A_13 = tpu.transpose %get3A_12, [1, 0] : vector<64x1792xf32> -> vector<1792x64xf32>
    %get3A_14 = arith.constant 0 : index
    %get3A_15 = arith.constant 0 : index
    %get3A_16 = vector.load %arg5[%get3A_14, %get3A_15] : memref<64x1792xf32, #tpu.memory_space<vmem>>, vector<64x1792xf32>
    %transpose3A_17 = tpu.transpose %get3A_16, [1, 0] : vector<64x1792xf32> -> vector<1792x64xf32>
    %get3A_18 = arith.constant 0 : index
    %get3A_19 = arith.constant 0 : index
    %get3A_20 = vector.load %arg6[%get3A_18, %get3A_19] : memref<64x1792xf32, #tpu.memory_space<vmem>>, vector<64x1792xf32>
    %transpose3A_21 = tpu.transpose %get3A_20, [1, 0] : vector<64x1792xf32> -> vector<1792x64xf32>
    %get3A_22 = arith.constant 0 : index
    %get3A_23 = arith.constant 0 : index
    %get3A_24 = vector.load %arg7[%get3A_22, %get3A_23] : memref<64x1792xf32, #tpu.memory_space<vmem>>, vector<64x1792xf32>
    %transpose3A_25 = tpu.transpose %get3A_24, [1, 0] : vector<64x1792xf32> -> vector<1792x64xf32>
    %get3A_26 = arith.constant 0 : index
    %get3A_27 = arith.constant 0 : index
    %get3A_28 = vector.load %arg8[%get3A_26, %get3A_27] : memref<64x1792xf32, #tpu.memory_space<vmem>>, vector<64x1792xf32>
    %transpose3A_29 = tpu.transpose %get3A_28, [1, 0] : vector<64x1792xf32> -> vector<1792x64xf32>
    %concatenate3A = tpu.concatenate %transpose3A, %transpose3A_5, %transpose3A_9, %transpose3A_13, %transpose3A_17, %transpose3A_21, %transpose3A_25, %transpose3A_29 in 1 : vector<1792x64xf32>, vector<1792x64xf32>, vector<1792x64xf32>, vector<1792x64xf32>, vector<1792x64xf32>, vector<1792x64xf32>, vector<1792x64xf32>, vector<1792x64xf32> -> vector<1792x512xf32>
    %swap3A = arith.constant 0 : index
    %swap3A_30 = arith.constant 0 : index
    %swap3A_31 = vector.load %arg9[%swap3A, %swap3A_30] : memref<1792x512xf32, #tpu.memory_space<vmem>>, vector<1792x512xf32>
    tpu.vector_store %arg9[%swap3A, %swap3A_30], %concatenate3A {strides = array<i32>} : memref<1792x512xf32, #tpu.memory_space<vmem>>, vector<1792x512xf32>,
    return
  }
  func.func @transform_0(%arg0: i32) -> (i32, i32) {
    %add3A = arith.constant 0 : i32
    %add3A_0 = arith.addi %arg0, %add3A : i32
    %c0_i32 = arith.constant 0 : i32
    %c0_i32_1 = arith.constant 0 : i32
    return %c0_i32, %add3A_0 : i32, i32
  }
  func.func @transform_1(%arg0: i32) -> (i32, i32) {
    %add3A = arith.constant 7 : i32
    %add3A_0 = arith.addi %arg0, %add3A : i32
    %c0_i32 = arith.constant 0 : i32
    %c0_i32_1 = arith.constant 0 : i32
    return %c0_i32, %add3A_0 : i32, i32
  }
  func.func @transform_2(%arg0: i32) -> (i32, i32) {
    %add3A = arith.constant 14 : i32
    %add3A_0 = arith.addi %arg0, %add3A : i32
    %c0_i32 = arith.constant 0 : i32
    %c0_i32_1 = arith.constant 0 : i32
    return %c0_i32, %add3A_0 : i32, i32
  }
  func.func @transform_3(%arg0: i32) -> (i32, i32) {
    %add3A = arith.constant 21 : i32
    %add3A_0 = arith.addi %arg0, %add3A : i32
    %c0_i32 = arith.constant 0 : i32
    %c0_i32_1 = arith.constant 0 : i32
    return %c0_i32, %add3A_0 : i32, i32
  }
  func.func @transform_4(%arg0: i32) -> (i32, i32) {
    %add3A = arith.constant 28 : i32
    %add3A_0 = arith.addi %arg0, %add3A : i32
    %c0_i32 = arith.constant 0 : i32
    %c0_i32_1 = arith.constant 0 : i32
    return %c0_i32, %add3A_0 : i32, i32
  }
  func.func @transform_5(%arg0: i32) -> (i32, i32) {
    %add3A = arith.constant 35 : i32
    %add3A_0 = arith.addi %arg0, %add3A : i32
    %c0_i32 = arith.constant 0 : i32
    %c0_i32_1 = arith.constant 0 : i32
    return %c0_i32, %add3A_0 : i32, i32
  }
  func.func @transform_6(%arg0: i32) -> (i32, i32) {
    %add3A = arith.constant 42 : i32
    %add3A_0 = arith.addi %arg0, %add3A : i32
    %c0_i32 = arith.constant 0 : i32
    %c0_i32_1 = arith.constant 0 : i32
    return %c0_i32, %add3A_0 : i32, i32
  }
  func.func @transform_7(%arg0: i32) -> (i32, i32) {
    %add3A = arith.constant 49 : i32
    %add3A_0 = arith.addi %arg0, %add3A : i32
    %c0_i32 = arith.constant 0 : i32
    %c0_i32_1 = arith.constant 0 : i32
    return %c0_i32, %add3A_0 : i32, i32
  }
  func.func @transform_8(%arg0: i32) -> (i32, i32) {
    %c0_i32 = arith.constant 0 : i32
    %c0_i32_0 = arith.constant 0 : i32
    return %arg0, %c0_i32 : i32, i32
  }
}

module attributes {stable_mosaic.version = 14 : i64} {
  func.func @_tc_diag_body(%arg0: i32, %arg1: i32, %arg2: memref<1x128x512xf32, #tpu.memory_space<vmem>>, %arg3: memref<1x128x1xi32, #tpu.memory_space<vmem>>, %arg4: memref<1x64x128x128xf32, #tpu.memory_space<vmem>>) attributes {dimension_semantics = [#tpu.dimension_semantics<arbitrary>, #tpu.dimension_semantics<arbitrary>], iteration_bounds = array<i64: 16, 1>, scalar_prefetch = 0 : i64, scratch_operands = 0 : i64, tpu.core_type = #tpu.core_type<tc>, window_params = [{transform_indices = @transform_0, window_bounds = array<i64: 1, 128, 512>}, {transform_indices = @transform_1, window_bounds = array<i64: 1, 128, 1>}, {transform_indices = @transform_2, window_bounds = array<i64: 1, 64, 128, 128>}]} {
    %get3A = arith.constant 0 : index
    %get3A_0 = arith.constant 0 : index
    %get3A_1 = arith.constant 0 : index
    %get3A_2 = vector.load %arg2[%get3A, %get3A_0, %get3A_1] : memref<1x128x512xf32, #tpu.memory_space<vmem>>, vector<1x128x512xf32>
    %get3A_3 = vector.shape_cast %get3A_2 : vector<1x128x512xf32> to vector<128x512xf32>
    %get3A_4 = arith.constant 0 : index
    %get3A_5 = arith.constant 0 : index
    %get3A_6 = arith.constant 0 : index
    %get3A_7 = vector.load %arg3[%get3A_4, %get3A_5, %get3A_6] : memref<1x128x1xi32, #tpu.memory_space<vmem>>, vector<1x128x1xi32>
    %get3A_8 = vector.shape_cast %get3A_7 : vector<1x128x1xi32> to vector<128x1xi32>
    %jit3A = arith.constant 12544 : i32
    %div3A = vector.broadcast %jit3A : i32 to vector<128x1xi32>
    %div3A_9 = arith.divsi %get3A_8, %div3A : vector<128x1xi32>
    %sign3A = arith.constant 0 : i32
    %sign3A_10 = vector.broadcast %sign3A : i32 to vector<128x1xi32>
    %sign3A_11 = arith.cmpi sgt, %get3A_8, %sign3A_10 : vector<128x1xi32>
    %sign3A_12 = arith.extui %sign3A_11 : vector<128x1xi1> to vector<128x1xi32>
    %sign3A_13 = arith.constant 0 : i32
    %sign3A_14 = vector.broadcast %sign3A_13 : i32 to vector<128x1xi32>
    %sign3A_15 = arith.cmpi slt, %get3A_8, %sign3A_14 : vector<128x1xi32>
    %sign3A_16 = arith.extui %sign3A_15 : vector<128x1xi1> to vector<128x1xi32>
    %sign3A_17 = arith.subi %sign3A_12, %sign3A_16 : vector<128x1xi32>
    %sign3A_18 = arith.constant 0 : i32
    %sign3A_19 = arith.cmpi sgt, %jit3A, %sign3A_18 : i32
    %sign3A_20 = arith.extui %sign3A_19 : i1 to i32
    %sign3A_21 = arith.constant 0 : i32
    %sign3A_22 = arith.cmpi slt, %jit3A, %sign3A_21 : i32
    %sign3A_23 = arith.extui %sign3A_22 : i1 to i32
    %sign3A_24 = arith.subi %sign3A_20, %sign3A_23 : i32
    %ne3A = vector.broadcast %sign3A_24 : i32 to vector<128x1xi32>
    %ne3A_25 = arith.cmpi ne, %sign3A_17, %ne3A : vector<128x1xi32>
    %rem3A = vector.broadcast %jit3A : i32 to vector<128x1xi32>
    %rem3A_26 = arith.remsi %get3A_8, %rem3A : vector<128x1xi32>
    %ne3A_27 = arith.constant 0 : i32
    %ne3A_28 = vector.broadcast %ne3A_27 : i32 to vector<128x1xi32>
    %ne3A_29 = arith.cmpi ne, %rem3A_26, %ne3A_28 : vector<128x1xi32>
    %and3A = arith.andi %ne3A_25, %ne3A_29 : vector<128x1xi1>
    %sub3A = arith.constant 1 : i32
    %sub3A_30 = vector.broadcast %sub3A : i32 to vector<128x1xi32>
    %sub3A_31 = arith.subi %div3A_9, %sub3A_30 : vector<128x1xi32>
    %select_n3A = arith.select %and3A, %sub3A_31, %div3A_9 : vector<128x1xi1>, vector<128x1xi32>
    %slice3A = vector.extract_strided_slice %get3A_3 {offsets = [0, 0], sizes = [128, 64], strides = [1, 1]} : vector<128x512xf32> to vector<128x64xf32>
    %eq3A = arith.constant 1 : i32
    %eq3A_32 = vector.broadcast %eq3A : i32 to vector<128x1xi32>
    %eq3A_33 = arith.cmpi eq, %select_n3A, %eq3A_32 : vector<128x1xi32>
    %slice3A_34 = vector.extract_strided_slice %get3A_3 {offsets = [0, 64], sizes = [128, 64], strides = [1, 1]} : vector<128x512xf32> to vector<128x64xf32>
    %broadcast_in_dim3A = vector.shape_cast %eq3A_33 : vector<128x1xi1> to vector<128x1xi1>
    %broadcast_in_dim3A_35 = vector.broadcast %broadcast_in_dim3A : vector<128x1xi1> to vector<128x64xi1>
    %select_n3A_36 = arith.select %broadcast_in_dim3A_35, %slice3A_34, %slice3A : vector<128x64xi1>, vector<128x64xf32>
    %eq3A_37 = arith.constant 2 : i32
    %eq3A_38 = vector.broadcast %eq3A_37 : i32 to vector<128x1xi32>
    %eq3A_39 = arith.cmpi eq, %select_n3A, %eq3A_38 : vector<128x1xi32>
    %slice3A_40 = vector.extract_strided_slice %get3A_3 {offsets = [0, 128], sizes = [128, 64], strides = [1, 1]} : vector<128x512xf32> to vector<128x64xf32>
    %broadcast_in_dim3A_41 = vector.shape_cast %eq3A_39 : vector<128x1xi1> to vector<128x1xi1>
    %broadcast_in_dim3A_42 = vector.broadcast %broadcast_in_dim3A_41 : vector<128x1xi1> to vector<128x64xi1>
    %select_n3A_43 = arith.select %broadcast_in_dim3A_42, %slice3A_40, %select_n3A_36 : vector<128x64xi1>, vector<128x64xf32>
    %eq3A_44 = arith.constant 3 : i32
    %eq3A_45 = vector.broadcast %eq3A_44 : i32 to vector<128x1xi32>
    %eq3A_46 = arith.cmpi eq, %select_n3A, %eq3A_45 : vector<128x1xi32>
    %slice3A_47 = vector.extract_strided_slice %get3A_3 {offsets = [0, 192], sizes = [128, 64], strides = [1, 1]} : vector<128x512xf32> to vector<128x64xf32>
    %broadcast_in_dim3A_48 = vector.shape_cast %eq3A_46 : vector<128x1xi1> to vector<128x1xi1>
    %broadcast_in_dim3A_49 = vector.broadcast %broadcast_in_dim3A_48 : vector<128x1xi1> to vector<128x64xi1>
    %select_n3A_50 = arith.select %broadcast_in_dim3A_49, %slice3A_47, %select_n3A_43 : vector<128x64xi1>, vector<128x64xf32>
    %eq3A_51 = arith.constant 4 : i32
    %eq3A_52 = vector.broadcast %eq3A_51 : i32 to vector<128x1xi32>
    %eq3A_53 = arith.cmpi eq, %select_n3A, %eq3A_52 : vector<128x1xi32>
    %slice3A_54 = vector.extract_strided_slice %get3A_3 {offsets = [0, 256], sizes = [128, 64], strides = [1, 1]} : vector<128x512xf32> to vector<128x64xf32>
    %broadcast_in_dim3A_55 = vector.shape_cast %eq3A_53 : vector<128x1xi1> to vector<128x1xi1>
    %broadcast_in_dim3A_56 = vector.broadcast %broadcast_in_dim3A_55 : vector<128x1xi1> to vector<128x64xi1>
    %select_n3A_57 = arith.select %broadcast_in_dim3A_56, %slice3A_54, %select_n3A_50 : vector<128x64xi1>, vector<128x64xf32>
    %eq3A_58 = arith.constant 5 : i32
    %eq3A_59 = vector.broadcast %eq3A_58 : i32 to vector<128x1xi32>
    %eq3A_60 = arith.cmpi eq, %select_n3A, %eq3A_59 : vector<128x1xi32>
    %slice3A_61 = vector.extract_strided_slice %get3A_3 {offsets = [0, 320], sizes = [128, 64], strides = [1, 1]} : vector<128x512xf32> to vector<128x64xf32>
    %broadcast_in_dim3A_62 = vector.shape_cast %eq3A_60 : vector<128x1xi1> to vector<128x1xi1>
    %broadcast_in_dim3A_63 = vector.broadcast %broadcast_in_dim3A_62 : vector<128x1xi1> to vector<128x64xi1>
    %select_n3A_64 = arith.select %broadcast_in_dim3A_63, %slice3A_61, %select_n3A_57 : vector<128x64xi1>, vector<128x64xf32>
    %eq3A_65 = arith.constant 6 : i32
    %eq3A_66 = vector.broadcast %eq3A_65 : i32 to vector<128x1xi32>
    %eq3A_67 = arith.cmpi eq, %select_n3A, %eq3A_66 : vector<128x1xi32>
    %slice3A_68 = vector.extract_strided_slice %get3A_3 {offsets = [0, 384], sizes = [128, 64], strides = [1, 1]} : vector<128x512xf32> to vector<128x64xf32>
    %broadcast_in_dim3A_69 = vector.shape_cast %eq3A_67 : vector<128x1xi1> to vector<128x1xi1>
    %broadcast_in_dim3A_70 = vector.broadcast %broadcast_in_dim3A_69 : vector<128x1xi1> to vector<128x64xi1>
    %select_n3A_71 = arith.select %broadcast_in_dim3A_70, %slice3A_68, %select_n3A_64 : vector<128x64xi1>, vector<128x64xf32>
    %eq3A_72 = arith.constant 7 : i32
    %eq3A_73 = vector.broadcast %eq3A_72 : i32 to vector<128x1xi32>
    %eq3A_74 = arith.cmpi eq, %select_n3A, %eq3A_73 : vector<128x1xi32>
    %slice3A_75 = vector.extract_strided_slice %get3A_3 {offsets = [0, 448], sizes = [128, 64], strides = [1, 1]} : vector<128x512xf32> to vector<128x64xf32>
    %broadcast_in_dim3A_76 = vector.shape_cast %eq3A_74 : vector<128x1xi1> to vector<128x1xi1>
    %broadcast_in_dim3A_77 = vector.broadcast %broadcast_in_dim3A_76 : vector<128x1xi1> to vector<128x64xi1>
    %select_n3A_78 = arith.select %broadcast_in_dim3A_77, %slice3A_75, %select_n3A_71 : vector<128x64xi1>, vector<128x64xf32>
    %ne3A_79 = arith.constant 0 : i32
    %ne3A_80 = vector.broadcast %ne3A_79 : i32 to vector<128x1xi32>
    %ne3A_81 = arith.cmpi ne, %get3A_8, %ne3A_80 : vector<128x1xi32>
    %jit3A_82 = arith.constant 0.000000e+00 : f32
    %broadcast_in_dim3A_83 = vector.shape_cast %ne3A_81 : vector<128x1xi1> to vector<128x1xi1>
    %broadcast_in_dim3A_84 = vector.broadcast %broadcast_in_dim3A_83 : vector<128x1xi1> to vector<128x64xi1>
    %broadcast_in_dim3A_85 = vector.broadcast %jit3A_82 : f32 to vector<128x64xf32>
    %select_n3A_86 = arith.select %broadcast_in_dim3A_84, %select_n3A_78, %broadcast_in_dim3A_85 : vector<128x64xi1>, vector<128x64xf32>
    %transpose3A = tpu.transpose %select_n3A_86, [1, 0] : vector<128x64xf32> -> vector<64x128xf32>
    %iota3A = tpu.iota {dimensions = array<i32: 1>} : vector<64x128x128xi32>
    %iota3A_87 = tpu.iota {dimensions = array<i32: 2>} : vector<64x128x128xi32>
    %eq3A_88 = arith.cmpi eq, %iota3A, %iota3A_87 : vector<64x128x128xi32>
    %broadcast_in_dim3A_89 = vector.shape_cast %transpose3A : vector<64x128xf32> to vector<64x1x128xf32>
    %jit3A_90 = arith.constant 0.000000e+00 : f32
    %broadcast_in_dim3A_91 = vector.shape_cast %broadcast_in_dim3A_89 : vector<64x1x128xf32> to vector<64x1x128xf32>
    %broadcast_in_dim3A_92 = vector.broadcast %broadcast_in_dim3A_91 : vector<64x1x128xf32> to vector<64x128x128xf32>
    %broadcast_in_dim3A_93 = vector.broadcast %jit3A_90 : f32 to vector<64x128x128xf32>
    %select_n3A_94 = arith.select %eq3A_88, %broadcast_in_dim3A_92, %broadcast_in_dim3A_93 : vector<64x128x128xi1>, vector<64x128x128xf32>
    %swap3A = arith.constant 0 : index
    %swap3A_95 = arith.constant 0 : index
    %swap3A_96 = arith.constant 0 : index
    %swap3A_97 = arith.constant 0 : index
    %swap3A_98 = vector.load %arg4[%swap3A, %swap3A_95, %swap3A_96, %swap3A_97] : memref<1x64x128x128xf32, #tpu.memory_space<vmem>>, vector<1x64x128x128xf32>
    %swap3A_99 = vector.shape_cast %swap3A_98 : vector<1x64x128x128xf32> to vector<64x128x128xf32>
    %swap3A_100 = vector.shape_cast %select_n3A_94 : vector<64x128x128xf32> to vector<1x64x128x128xf32>
    tpu.vector_store %arg4[%swap3A, %swap3A_95, %swap3A_96, %swap3A_97], %swap3A_100 {strides = array<i32>} : memref<1x64x128x128xf32, #tpu.memory_space<vmem>>, vector<1x64x128x128xf32>,
    return
  }
  func.func @transform_0(%arg0: i32, %arg1: i32) -> (i32, i32, i32) {
    %c0_i32 = arith.constant 0 : i32
    %c0_i32_0 = arith.constant 0 : i32
    %c0_i32_1 = arith.constant 0 : i32
    return %arg0, %c0_i32, %c0_i32_0 : i32, i32, i32
  }
  func.func @transform_1(%arg0: i32, %arg1: i32) -> (i32, i32, i32) {
    %c0_i32 = arith.constant 0 : i32
    %c0_i32_0 = arith.constant 0 : i32
    %c0_i32_1 = arith.constant 0 : i32
    return %arg0, %c0_i32, %c0_i32_0 : i32, i32, i32
  }
  func.func @transform_2(%arg0: i32, %arg1: i32) -> (i32, i32, i32, i32) {
    %c0_i32 = arith.constant 0 : i32
    %c0_i32_0 = arith.constant 0 : i32
    %c0_i32_1 = arith.constant 0 : i32
    return %arg0, %arg1, %c0_i32, %c0_i32_0 : i32, i32, i32, i32
  }
}

</mosaic_0001>

<sc_bundles>
// kernel: kernel.5.cloned.1.call-start
scs
__scs_entry_jumppad:
0x0: {  	(pc) =	sbr.rel $0x88, $3  }
0x1: {  	(tag) =	ssettag $0x0;
	lr =	simm.s32 $0x1  }
0x2: {  	[smem:$0x3F9F] =	sst lr;
	_ =	strace $0xD0000000  }
0x3: {  	_ = 	snop  }
0x4: {  	_ = 	snop  }
0x5: {  	_ = 	snop  }
0x6: {  	_ = 	snop  }
0x7: {  	_ = 	snop  }
__scs_overlays_trampoline_lowered:
0x8: {  	[smem:$0x3FAE] =	sst s0  }
0x9: {  	[smem:$0x3FAF] =	sst s1  }
0xa: {  	[smem:$0x3FB0] =	sst s2  }
0xb: {  	[smem:$0x3FB1] =	sst s3  }
0xc: {  	[smem:$0x3FB2] =	sst s4  }
0xd: {  	[smem:$0x3FB3] =	sst s5  }
0xe: {  	[smem:$0x3FB4] =	sst s6  }
0xf: {  	[smem:$0x3FB5] =	sst s7  }
0x10: {  	[smem:$0x3FB6] =	sst s8  }
0x11: {  	[smem:$0x3FB7] =	sst s9;
	s0 =	simm.s32 @!p0 $0x0  }
0x12: {  	s1 =	sld [smem:$0x3F9D];
	s0 =	simm.s32 @p0 $0x1  }
0x13: {  	[smem:$0x3FB8] =	sst s0;
	s0 =	simm.s32 @!p1 $0x0  }
0x14: {  	s2 =	sld [smem:$0x3F9C];
	s0 =	simm.s32 @p1 $0x1  }
0x15: {  	[smem:$0x3FB9] =	sst s0;
	s0 =	simm.s32 @!p2 $0x0  }
0x16: {  	s3 =	sld [smem:$0x3FDB];
	s0 =	simm.s32 @p2 $0x1  }
0x17: {  	s4 =	simm.s32 $0x1BF5;
	[smem:$0x3FBB] =	sst s0  }
0x18: {  	s0 =	sld [smem:$0x3F9E];
	_ =	swait.ge [sflag:s4], $0x0  }
0x19: {  	s7 =	sld [smem:$0x3F9F]  }
0x1a: {  	s8 =	sadd.s32 $0xFFFFE003, lr  }
0x1b: {  	s9 =	sadd.s32 $0xFFFFFEF7, lr;
	s5 =	simm.s32 $0xFFFFFFFF;
	p2 =	slt.u32 s8, $0xFFFFF086  }
0x1c: {  	p1 =	slt.u32 s9, $0xF7A;
	s5 =	simm.s32 @!p2 $0x0  }
0x1d: {  	s5 =	simm.s32 @p1 $0x1;
	p0 =	seq.s32 s7, s2  }
0x1e: {  	s7 =	smul.u32 @!p0 $0xF7A, s2;
	p2 =	seq.s32 @!p0 s5, $0x0  }
0x1f: {  	s9 =	smul.u32 $0xF7A, s1;
	s8 =	simm.s32 @!p0 $0x1BF5;
	p2 =	por !p2, p0  }
0x20: {  	[sflag:s8] =	ssyncset.s32 @!p0 $0xFFFFF086;
	s6 =	sadd.s32 @!p0 s3, s7;
	s7 =	simm.s32 @!p0 $0x108  }
0x21: {  	s3 =	sadd.s32 s3, s9;
	s6 =	sadd.s32 @!p0 $0x88, s6;
	s7 =	simm.s32 @p2 $0x1082  }
0x22: {  	[simem:s7], [sflag:s8] =	dma.local @!p0 [hbm:s6], $0xF7A  }
0x23: {  	s9 =	sor.u32 $0xD0000000, s2;
	s6 =	simm.s32 $0x108;
	_ =	swait.ge @!p0 [sflag:s8], $0x0  }
0x24: {  	s3 =	sadd.s32 $0x88, s3;
	s6 =	simm.s32 @!p1 $0x1082;
	[sflag:s4] =	ssyncset.s32 $0xFFFFF086  }
0x25: {  	[simem:s6], [sflag:s4] =	dma.local [hbm:s3], $0xF7A  }
0x26: {  	[smem:$0x3F9F] =	sst s1;
	(tag) =	ssettag s2;
	_ =	strace s9  }
0x27: {  	s1 =	sld [smem:$0x3FAF]  }
0x28: {  	s2 =	sld [smem:$0x3FB0]  }
0x29: {  	s4 =	sld [smem:$0x3FB2]  }
0x2a: {  	p0 =	seq.s32 s5, $0x0;
	s5 =	sld [smem:$0x3FB3]  }
0x2b: {  	s6 =	sld [smem:$0x3FB4]  }
0x2c: {  	s7 =	sld [smem:$0x3FB5]  }
0x2d: {  	s3 =	simm.s32 $0x108;
	s8 =	sld [smem:$0x3FB6]  }
0x2e: {  	s3 =	simm.s32 @!p0 $0x1082;
	s9 =	sld [smem:$0x3FB7]  }
0x2f: {  	lr =	sadd.s32 s0, s3;
	s0 =	sld [smem:$0x3FAE]  }
0x30: {  	s3 =	sld [smem:$0x3FB1]  }
0x31: {  	[smem:$0x3FBA] =	sst s10  }
0x32: {  	s10 =	sld [smem:$0x3FB8];
	_ =	sdelay $0x3  }
0x33: {  	p0 =	seq.s32 s10, $0x1;
	s10 =	sld [smem:$0x3FBA];
	_ =	sdelay $0x3  }
0x34: {  	[smem:$0x3FBA] =	sst s10  }
0x35: {  	s10 =	sld [smem:$0x3FB9];
	_ =	sdelay $0x3  }
0x36: {  	p1 =	seq.s32 s10, $0x1;
	s10 =	sld [smem:$0x3FBA];
	_ =	sdelay $0x3  }
0x37: {  	[smem:$0x3FBA] =	sst s10  }
0x38: {  	s10 =	sld [smem:$0x3FBB]  }
0x39: {  	_ = 	snop;
	(pc) =	sbr.ind lr, $3  }
0x3a: {  	_ = 	snop  }
0x3b: {  	_ = 	snop  }
0x3c: {  	p2 =	seq.s32 s10, $0x1;
	s10 =	sld [smem:$0x3FBA]  }
0x3d: {  	_ =	shalt  }
0x3e: {  	_ =	shalt  }
0x3f: {  	_ =	shalt  }
0x40: {  	_ =	shalt  }
0x41: {  	_ =	shalt  }
0x42: {  	_ =	shalt  }
0x43: {  	_ =	shalt  }
0x44: {  	_ =	shalt  }
0x45: {  	_ =	shalt  }
0x46: {  	_ =	shalt  }
0x47: {  	_ =	shalt  }
0x48: {  	_ =	shalt  }
0x49: {  	_ =	shalt  }
0x4a: {  	_ =	shalt  }
0x4b: {  	_ =	shalt  }
0x4c: {  	_ =	shalt  }
0x4d: {  	_ =	shalt  }
0x4e: {  	_ =	shalt  }
0x4f: {  	_ =	shalt  }
0x50: {  	_ =	shalt  }
0x51: {  	_ =	shalt  }
0x52: {  	_ =	shalt  }
0x53: {  	_ =	shalt  }
0x54: {  	_ =	shalt  }
0x55: {  	_ =	shalt  }
0x56: {  	_ =	shalt  }
0x57: {  	_ =	shalt  }
0x58: {  	_ =	shalt  }
0x59: {  	_ =	shalt  }
0x5a: {  	_ =	shalt  }
0x5b: {  	_ =	shalt  }
0x5c: {  	_ =	shalt  }
0x5d: {  	_ =	shalt  }
0x5e: {  	_ =	shalt  }
0x5f: {  	_ =	shalt  }
0x60: {  	_ =	shalt  }
0x61: {  	_ =	shalt  }
0x62: {  	_ =	shalt  }
0x63: {  	_ =	shalt  }
0x64: {  	_ =	shalt  }
0x65: {  	_ =	shalt  }
0x66: {  	_ =	shalt  }
0x67: {  	_ =	shalt  }
0x68: {  	_ =	shalt  }
0x69: {  	_ =	shalt  }
0x6a: {  	_ =	shalt  }
0x6b: {  	_ =	shalt  }
0x6c: {  	_ =	shalt  }
0x6d: {  	_ =	shalt  }
0x6e: {  	_ =	shalt  }
0x6f: {  	_ =	shalt  }
0x70: {  	_ =	shalt  }
0x71: {  	_ =	shalt  }
0x72: {  	_ =	shalt  }
0x73: {  	_ =	shalt  }
0x74: {  	_ =	shalt  }
0x75: {  	_ =	shalt  }
0x76: {  	_ =	shalt  }
0x77: {  	_ =	shalt  }
0x78: {  	_ =	shalt  }
0x79: {  	_ =	shalt  }
0x7a: {  	_ =	shalt  }
0x7b: {  	_ =	shalt  }
0x7c: {  	_ =	shalt  }
0x7d: {  	_ =	shalt  }
0x7e: {  	_ =	shalt  }
0x7f: {  	_ =	shalt  }
0x80: {  	_ =	shalt  }
0x81: {  	_ =	shalt  }
0x82: {  	_ =	shalt  }
0x83: {  	_ =	shalt  }
0x84: {  	_ =	shalt  }
0x85: {  	_ =	shalt  }
0x86: {  	_ =	shalt  }
0x87: {  	_ =	shalt  }
.Lfunc_end0:
.L_simem_size_0:
called_computation_lowered:
.L_overlay_start_0:
0x88: {  	s2 =	sld [smem:$0x3FD9]  }
0x89: {  	s3 =	sld [smem:$0x3FFE];
	_ =	sdelay $0x1  }
0x8a: {  	s1 =	srdreg.scid  }
0x8b: {  	s0 =	sand.u32 $0x1, s1  }
0x8c: {  	s17 =	sshll.u32 s0, $0xA;
	s2 =	sadd.s32 s3, s2  }
0x8d: {  	s2 =	sadd.s32 s2, s17  }
0x8e: {  	[smem:$0x3FC6] =	sst s2  }
0x8f: {  	_ = 	snop  }
0x90: {  	s2 =	sld [smem:$0x3FD0];
	(tm) =	ssettm $0x1  }
0x91: {  	s18 =	sld [smem:$0x3FFB];
	_ =	sdelay $0x3  }
0x92: {  	_ =	strace s18  }
0x93: {  	s3 =	sld [smem:$0x3FFC];
	_ =	sdelay $0x3  }
0x94: {  	_ =	strace s3  }
0x95: {  	s3 =	sld [smem:$0x3FFD];
	_ =	sdelay $0x3  }
0x96: {  	_ =	strace s3  }
0x97: {  	_ =	strace $0x8FFFFFFF  }
0x98: {  	s19 =	sld [smem:$0x3FDB];
	_ =	sdelay $0x1  }
0x99: {  	s4 =	simm.s32 $_scs_section_size  }
0x9a: {  	s5 =	simm.s32 $_size__tile_overlayer_lowered;
	s6 =	simm.s32 $_tile_overlayer_lowered  }
0x9b: {  	s22 =	simm.s32 $0x1BFF;
	s21 =	sshll.u32 s6, $0x1;
	s3 =	sadd.s32 s4, s19  }
0x9c: {  	s7 =	simm.s32 $0x0;
	s20 =	sshll.u32 s5, $0x1;
	s5 =	sadd.s32 s21, s3  }
0x9d: {  	[timem:s7], [sflag:s22] =	dma.local [hbm:s5], s20  }
0x9e: {  	_ =	swait.ge [sflag:s22], s20  }
0x9f: {  	s4 =	ssub.s32 $0x0, s20;
	[sflag:s22] =	ssyncset.done $0x0  }
0xa0: {  	[sflag:s22] =	ssyncadd.s32 s4;
	_ =	sdelay $0x1  }
0xa1: {  	s23 =	simm.s32 $0x1B8B  }
0xa2: {  	_ =	swait.ge [sflag:s23], $0x1  }
0xa3: {  	[sflag:s23] =	ssyncset.done $0x0  }
0xa4: {  	s25 =	simm.s32 $0x1B8E;
	s24 =	sld [smem:$0x3FFE];
	[sflag:s23] =	ssyncadd.s32 $0xFFFFFFFF  }
0xa5: {  	s26 =	simm.s32 $execute0_lowered;
	[smem:$0x3FD2] =	sst s25  }
0xa6: {  	s5 =	sshll.u32 s26, $0x1;
	_ =	strace $0x80000046;
	[dreg:$0x1] =	wrdreg $0xFFFFFFFF  }
0xa7: {  	s28 =	simm.s32 $_size_execute0_lowered;
	s3 =	sadd.s32 s3, s5;
	[dreg:$0x0] =	wrdreg $0x0  }
0xa8: {  	s5 =	sshll.u32 s28, $0x1;
	[dreg:$0x2] =	wrdreg s3  }
0xa9: {  	[dreg:$0x3] =	wrdreg s5  }
0xaa: {  	[dreg:$0x4] =	wrdreg $0xC0  }
0xab: {  	_ =	task [dreg:s7], $0x5FFFF  }
0xac: {  	[dreg:$0x1] =	wrdreg $0xFFFFFFFF  }
0xad: {  	[dreg:$0x0] =	wrdreg $0x60  }
0xae: {  	[dreg:$0x2] =	wrdreg s2  }
0xaf: {  	[dreg:$0x3] =	wrdreg s24  }
0xb0: {  	[dreg:$0x4] =	wrdreg $0x9  }
0xb1: {  	_ =	task.clear_ibuf [dreg:s7], $0x5FFFF;
	_ =	strace $0x90000046  }
0xb2: {  	s29 =	simm.s32 $0x9;
	_ =	strace $0x80000048  }
0xb3: {  	_ =	swait.ge [sflag:s29], $0x1  }
0xb4: {  	[sflag:s29] =	ssyncadd.s32 $0xFFFFFFFF  }
0xb5: {  	_ =	strace $0x90000048  }
0xb6: {  	_ =	sfence  }
0xb7: {  	s30 =	sld [smem:$0x0];
	_ =	sdelay $0x2  }
0xb8: {  	s31 =	sshll.u32 s1, $0xD;
	s1 =	sshrl.u32 s1, $0x2  }
0xb9: {  	s3 =	sand.u32 $0x4000, s31;
	s1 =	sadd.s32 s1, s30  }
0xba: {  	s0 =	sor.u32 s3, s0;
	s1 =	sshll.u32 s1, $0x11  }
0xbb: {  	s0 =	sor.u32 s1, s0  }
0xbc: {  	s0 =	sadd.s32 $0x8F2B, s0  }
0xbd: {  	[sflag:s0] =	ssyncadd.remote.s32 $0x1  }
0xbe: {  	_ =	sfence.sel $0xFFFF  }
0xbf: {  	[dreg:$0x0] =	wrdreg $0xFFFFFFFF;
	(pc) =	sbr.abs _section_cstart, $3  }
0xc0: {  	[dreg:$0x1] =	wrdreg $0xFFFFFFFF  }
0xc1: {  	_ =	task.clear_ibuf [dreg:s7], $0x2FFFF;
	_ =	strace $0x9FFFFFFF  }
0xc2: {  	(tm) =	ssettm $0x7FFFFFFF  }
0xc3: {  	_ =	shalt  }
tec
execute0_lowered:
.L_overlay_start_1:
0x0: {  	(tag) =	ssettag $0x1  }
0x1: {  	s1 =	srdreg.scid  }
0x2: {  	s0 =	stileid.u32;
	s4 =	sand.u32 $0x1, s1  }
0x3: {  	s2 =	rddreg [dreg:$0x0];
	s17 =	sshll.u32 s0, $0x7;
	s3 =	sshll.u32 s4, $0x6  }
0x4: {  	s5 =	rddreg [dreg:$0x1];
	s6 =	sor.u32 s3, s17;
	s3 =	simm.s32 $0x0  }
0x5: {  	s19 =	simm.s32 $0x480;
	[smem:$0x7FF] =	sst s3  }
0x6: {  	s20 =	simm.s32 $0x880;
	_ =	strace $0x80000047;
	[dreg:$0x5] =	wrdreg s19  }
0x7: {  	s21 =	simm.s32 $0xC80;
	[dreg:$0x6] =	wrdreg s20  }
0x8: {  	s22 =	simm.s32 $0x100;
	[dreg:$0x7] =	wrdreg s21  }
0x9: {  	s23 =	simm.s32 $0x500;
	[dreg:$0x8] =	wrdreg s22  }
0xa: {  	s24 =	simm.s32 $0x900;
	[dreg:$0x9] =	wrdreg s23  }
0xb: {  	s25 =	simm.s32 $0xD00;
	[dreg:$0xa] =	wrdreg s24  }
0xc: {  	s26 =	simm.s32 $0x180;
	[dreg:$0xb] =	wrdreg s25  }
0xd: {  	s28 =	simm.s32 $0x580;
	[dreg:$0xc] =	wrdreg s26  }
0xe: {  	s29 =	simm.s32 $0x980;
	[dreg:$0xd] =	wrdreg s28  }
0xf: {  	s30 =	simm.s32 $0xD80;
	[dreg:$0xe] =	wrdreg s29  }
0x10: {  	s31 =	simm.s32 $0x200;
	[dreg:$0xf] =	wrdreg s30  }
0x11: {  	s0 =	simm.s32 $0x600;
	[dreg:$0x10] =	wrdreg s31  }
0x12: {  	s1 =	simm.s32 $0xA00;
	[dreg:$0x11] =	wrdreg s0  }
0x13: {  	s8 =	simm.s32 $0x680;
	[dreg:$0x12] =	wrdreg s1  }
0x14: {  	s9 =	simm.s32 $0xA80;
	[dreg:$0x15] =	wrdreg s8  }
0x15: {  	s10 =	simm.s32 $0xE80;
	[dreg:$0x16] =	wrdreg s9  }
0x16: {  	s11 =	simm.s32 $0x300;
	[dreg:$0x17] =	wrdreg s10  }
0x17: {  	s12 =	simm.s32 $0x700;
	[dreg:$0x18] =	wrdreg s11  }
0x18: {  	s13 =	simm.s32 $0xB00;
	[dreg:$0x19] =	wrdreg s12  }
0x19: {  	s14 =	simm.s32 $0xF00;
	[dreg:$0x1a] =	wrdreg s13  }
0x1a: {  	s15 =	simm.s32 $0x380;
	s16 =	simm.s32 $0x780;
	[dreg:$0x1b] =	wrdreg s14  }
0x1b: {  	s17 =	simm.s32 $0xB80;
	s7 =	sshrl.u32 s6, $0x3;
	[dreg:$0x1c] =	wrdreg s15  }
0x1c: {  	s6 =	sshll.u32 s6, $0x6;
	s7 =	sadd.s32 s7, s5;
	[dreg:$0x1d] =	wrdreg s16  }
0x1d: {  	s5 =	sadd.s32 s6, s5;
	s6 =	simm.s32 $0xE00;
	[dreg:$0x1e] =	wrdreg s17  }
0x1e: {  	s19 =	simm.s32 $0x400;
	[dreg:$0x13] =	wrdreg s6  }
0x1f: {  	s20 =	simm.s32 $0x800;
	[smem:$0x71A] =	sst s19  }
0x20: {  	s21 =	simm.s32 $0xC00;
	[smem:$0x71B] =	sst s20  }
0x21: {  	s22 =	simm.s32 $0x1000;
	[smem:$0x71C] =	sst s21  }
0x22: {  	s23 =	simm.s32 $0x1080;
	[smem:$0x71D] =	sst s22  }
0x23: {  	s24 =	simm.s32 $0x1480;
	[smem:$0x71E] =	sst s23  }
0x24: {  	s25 =	simm.s32 $0x1880;
	[smem:$0x71F] =	sst s24  }
0x25: {  	s26 =	simm.s32 $0x1C80;
	[smem:$0x720] =	sst s25  }
0x26: {  	s28 =	simm.s32 $0x1100;
	[smem:$0x721] =	sst s26  }
0x27: {  	s29 =	simm.s32 $0x1500;
	[smem:$0x722] =	sst s28  }
0x28: {  	s30 =	simm.s32 $0x1900;
	[smem:$0x723] =	sst s29  }
0x29: {  	s31 =	simm.s32 $0x1D00;
	[smem:$0x724] =	sst s30  }
0x2a: {  	s0 =	simm.s32 $0x1180;
	[smem:$0x725] =	sst s31  }
0x2b: {  	s1 =	simm.s32 $0x1580;
	[smem:$0x726] =	sst s0  }
0x2c: {  	s8 =	simm.s32 $0x1200;
	[smem:$0x727] =	sst s1  }
0x2d: {  	s9 =	simm.s32 $0x1600;
	[smem:$0x72A] =	sst s8  }
0x2e: {  	s10 =	simm.s32 $0x1A00;
	[smem:$0x72B] =	sst s9  }
0x2f: {  	s11 =	simm.s32 $0x1E00;
	[smem:$0x72C] =	sst s10  }
0x30: {  	s12 =	simm.s32 $0x1280;
	[smem:$0x72D] =	sst s11  }
0x31: {  	s13 =	simm.s32 $0x1680;
	[smem:$0x72E] =	sst s12  }
0x32: {  	s14 =	simm.s32 $0x1A80;
	[smem:$0x72F] =	sst s13  }
0x33: {  	s15 =	simm.s32 $0x1E80;
	[smem:$0x730] =	sst s14  }
0x34: {  	s16 =	simm.s32 $0x1300;
	[smem:$0x731] =	sst s15  }
0x35: {  	s17 =	simm.s32 $0x1700;
	[smem:$0x732] =	sst s16  }
0x36: {  	s18 =	sadd.s32 $0x800, s7;
	[smem:$0x733] =	sst s17  }
0x37: {  	s5 =	sadd.s32 $0xA00, s5;
	[dreg:$0x3] =	wrdreg s18  }
0x38: {  	s7 =	simm.s32 $0x280;
	[dreg:$0x4] =	wrdreg s5  }
0x39: {  	s6 =	simm.s32 $0x1980;
	[dreg:$0x14] =	wrdreg s7  }
0x3a: {  	s19 =	simm.s32 $0x1F00;
	[smem:$0x728] =	sst s6  }
0x3b: {  	s20 =	simm.s32 $0x1380;
	[smem:$0x735] =	sst s19  }
0x3c: {  	s21 =	simm.s32 $0x1780;
	[smem:$0x736] =	sst s20  }
0x3d: {  	s22 =	simm.s32 $0x1B80;
	[smem:$0x737] =	sst s21  }
0x3e: {  	s23 =	simm.s32 $0x1F80;
	[smem:$0x738] =	sst s22  }
0x3f: {  	s24 =	simm.s32 $0x1400;
	[smem:$0x739] =	sst s23  }
0x40: {  	s25 =	simm.s32 $0x1800;
	[smem:$0x73A] =	sst s24  }
0x41: {  	s26 =	simm.s32 $0x1C00;
	[smem:$0x73B] =	sst s25  }
0x42: {  	s28 =	simm.s32 $0x2000;
	[smem:$0x73C] =	sst s26  }
0x43: {  	s29 =	simm.s32 $0x2080;
	[smem:$0x73D] =	sst s28  }
0x44: {  	s30 =	simm.s32 $0x2480;
	[smem:$0x73E] =	sst s29  }
0x45: {  	s31 =	simm.s32 $0x2880;
	[smem:$0x73F] =	sst s30  }
0x46: {  	s0 =	simm.s32 $0x2C80;
	[smem:$0x740] =	sst s31  }
0x47: {  	s1 =	simm.s32 $0x2100;
	[smem:$0x741] =	sst s0  }
0x48: {  	s8 =	simm.s32 $0x2D00;
	[smem:$0x742] =	sst s1  }
0x49: {  	s9 =	simm.s32 $0x2180;
	[smem:$0x745] =	sst s8  }
0x4a: {  	s10 =	simm.s32 $0x2580;
	[smem:$0x746] =	sst s9  }
0x4b: {  	s11 =	simm.s32 $0x2980;
	[smem:$0x747] =	sst s10  }
0x4c: {  	s12 =	simm.s32 $0x2D80;
	[smem:$0x748] =	sst s11  }
0x4d: {  	s13 =	simm.s32 $0x2200;
	[smem:$0x749] =	sst s12  }
0x4e: {  	s14 =	simm.s32 $0x2600;
	[smem:$0x74A] =	sst s13  }
0x4f: {  	s15 =	simm.s32 $0x2A00;
	[smem:$0x74B] =	sst s14  }
0x50: {  	s16 =	simm.s32 $0x2E00;
	[smem:$0x74C] =	sst s15  }
0x51: {  	s17 =	simm.s32 $0x2280;
	[smem:$0x74D] =	sst s16  }
0x52: {  	s18 =	simm.s32 $0xF80;
	[smem:$0x74E] =	sst s17  }
0x53: {  	s7 =	simm.s32 $0x1D80;
	[dreg:$0x1f] =	wrdreg s18  }
0x54: {  	s6 =	simm.s32 $0x2500;
	[smem:$0x729] =	sst s7  }
0x55: {  	s19 =	simm.s32 $0x2A80;
	[smem:$0x743] =	sst s6  }
0x56: {  	s20 =	simm.s32 $0x2E80;
	[smem:$0x750] =	sst s19  }
0x57: {  	s21 =	simm.s32 $0x2300;
	[smem:$0x751] =	sst s20  }
0x58: {  	s22 =	simm.s32 $0x2700;
	[smem:$0x752] =	sst s21  }
0x59: {  	s23 =	simm.s32 $0x2B00;
	[smem:$0x753] =	sst s22  }
0x5a: {  	s24 =	simm.s32 $0x2F00;
	[smem:$0x754] =	sst s23  }
0x5b: {  	s25 =	simm.s32 $0x2380;
	[smem:$0x755] =	sst s24  }
0x5c: {  	s26 =	simm.s32 $0x2780;
	[smem:$0x756] =	sst s25  }
0x5d: {  	s28 =	simm.s32 $0x2B80;
	[smem:$0x757] =	sst s26  }
0x5e: {  	s29 =	simm.s32 $0x2F80;
	[smem:$0x758] =	sst s28  }
0x5f: {  	s30 =	simm.s32 $0x2400;
	[smem:$0x759] =	sst s29  }
0x60: {  	s31 =	simm.s32 $0x2800;
	[smem:$0x75A] =	sst s30  }
0x61: {  	s0 =	simm.s32 $0x2C00;
	[smem:$0x75B] =	sst s31  }
0x62: {  	s1 =	simm.s32 $0x3000;
	[smem:$0x75C] =	sst s0  }
0x63: {  	s8 =	simm.s32 $0x3880;
	[smem:$0x75D] =	sst s1  }
0x64: {  	s9 =	simm.s32 $0x3C80;
	[smem:$0x760] =	sst s8  }
0x65: {  	s10 =	simm.s32 $0x3100;
	[smem:$0x761] =	sst s9  }
0x66: {  	s11 =	simm.s32 $0x3500;
	[smem:$0x762] =	sst s10  }
0x67: {  	s12 =	simm.s32 $0x3900;
	[smem:$0x763] =	sst s11  }
0x68: {  	s13 =	simm.s32 $0x3D00;
	[smem:$0x764] =	sst s12  }
0x69: {  	s14 =	simm.s32 $0x3180;
	[smem:$0x765] =	sst s13  }
0x6a: {  	s15 =	simm.s32 $0x3580;
	[smem:$0x766] =	sst s14  }
0x6b: {  	s16 =	simm.s32 $0x3980;
	[smem:$0x767] =	sst s15  }
0x6c: {  	s17 =	simm.s32 $0x3D80;
	[smem:$0x768] =	sst s16  }
0x6d: {  	s18 =	simm.s32 $0x1B00;
	[smem:$0x769] =	sst s17  }
0x6e: {  	s7 =	simm.s32 $0x2900;
	[smem:$0x734] =	sst s18  }
0x6f: {  	s6 =	simm.s32 $0x3080;
	[smem:$0x744] =	sst s7  }
0x70: {  	s19 =	simm.s32 $0x3600;
	[smem:$0x75E] =	sst s6  }
0x71: {  	s20 =	simm.s32 $0x3A00;
	[smem:$0x76B] =	sst s19  }
0x72: {  	s21 =	simm.s32 $0x3E00;
	[smem:$0x76C] =	sst s20  }
0x73: {  	s22 =	simm.s32 $0x3280;
	[smem:$0x76D] =	sst s21  }
0x74: {  	s23 =	simm.s32 $0x3680;
	[smem:$0x76E] =	sst s22  }
0x75: {  	s24 =	simm.s32 $0x3A80;
	[smem:$0x76F] =	sst s23  }
0x76: {  	s25 =	simm.s32 $0x3E80;
	[smem:$0x770] =	sst s24  }
0x77: {  	s26 =	simm.s32 $0x3300;
	[smem:$0x771] =	sst s25  }
0x78: {  	s28 =	simm.s32 $0x3700;
	[smem:$0x772] =	sst s26  }
0x79: {  	s29 =	simm.s32 $0x3B00;
	[smem:$0x773] =	sst s28  }
0x7a: {  	s30 =	simm.s32 $0x3F00;
	[smem:$0x774] =	sst s29  }
0x7b: {  	s31 =	simm.s32 $0x3380;
	[smem:$0x775] =	sst s30  }
0x7c: {  	s0 =	simm.s32 $0x3780;
	[smem:$0x776] =	sst s31  }
0x7d: {  	s1 =	simm.s32 $0x3B80;
	[smem:$0x777] =	sst s0  }
0x7e: {  	s8 =	simm.s32 $0x3800;
	[smem:$0x778] =	sst s1  }
0x7f: {  	s9 =	simm.s32 $0x3C00;
	[smem:$0x77B] =	sst s8  }
0x80: {  	s10 =	simm.s32 $0x4000;
	[smem:$0x77C] =	sst s9  }
0x81: {  	s11 =	simm.s32 $0x4080;
	[smem:$0x77D] =	sst s10  }
0x82: {  	s12 =	simm.s32 $0x4480;
	[smem:$0x77E] =	sst s11  }
0x83: {  	s13 =	simm.s32 $0x4880;
	[smem:$0x77F] =	sst s12  }
0x84: {  	s14 =	simm.s32 $0x4C80;
	[smem:$0x780] =	sst s13  }
0x85: {  	s15 =	simm.s32 $0x4100;
	[smem:$0x781] =	sst s14  }
0x86: {  	s16 =	simm.s32 $0x4500;
	[smem:$0x782] =	sst s15  }
0x87: {  	s17 =	simm.s32 $0x4900;
	[smem:$0x783] =	sst s16  }
0x88: {  	s18 =	simm.s32 $0x2680;
	[smem:$0x784] =	sst s17  }
0x89: {  	s7 =	simm.s32 $0x3480;
	[smem:$0x74F] =	sst s18  }
0x8a: {  	s6 =	simm.s32 $0x3F80;
	[smem:$0x75F] =	sst s7  }
0x8b: {  	s19 =	simm.s32 $0x4180;
	[smem:$0x779] =	sst s6  }
0x8c: {  	s20 =	simm.s32 $0x4580;
	[smem:$0x786] =	sst s19  }
0x8d: {  	s21 =	simm.s32 $0x4980;
	[smem:$0x787] =	sst s20  }
0x8e: {  	s22 =	simm.s32 $0x4D80;
	[smem:$0x788] =	sst s21  }
0x8f: {  	s23 =	simm.s32 $0x4200;
	[smem:$0x789] =	sst s22  }
0x90: {  	s24 =	simm.s32 $0x4600;
	[smem:$0x78A] =	sst s23  }
0x91: {  	s25 =	simm.s32 $0x4A00;
	[smem:$0x78B] =	sst s24  }
0x92: {  	s26 =	simm.s32 $0x4E00;
	[smem:$0x78C] =	sst s25  }
0x93: {  	s28 =	simm.s32 $0x4280;
	[smem:$0x78D] =	sst s26  }
0x94: {  	s29 =	simm.s32 $0x4680;
	[smem:$0x78E] =	sst s28  }
0x95: {  	s30 =	simm.s32 $0x4A80;
	[smem:$0x78F] =	sst s29  }
0x96: {  	s31 =	simm.s32 $0x4E80;
	[smem:$0x790] =	sst s30  }
0x97: {  	s0 =	simm.s32 $0x4300;
	[smem:$0x791] =	sst s31  }
0x98: {  	s1 =	simm.s32 $0x4700;
	[smem:$0x792] =	sst s0  }
0x99: {  	s8 =	simm.s32 $0x4380;
	[smem:$0x793] =	sst s1  }
0x9a: {  	s9 =	simm.s32 $0x4780;
	[smem:$0x796] =	sst s8  }
0x9b: {  	s10 =	simm.s32 $0x4B80;
	[smem:$0x797] =	sst s9  }
0x9c: {  	s11 =	simm.s32 $0x4F80;
	[smem:$0x798] =	sst s10  }
0x9d: {  	s12 =	simm.s32 $0x4400;
	[smem:$0x799] =	sst s11  }
0x9e: {  	s13 =	simm.s32 $0x4800;
	[smem:$0x79A] =	sst s12  }
0x9f: {  	s14 =	simm.s32 $0x4C00;
	[smem:$0x79B] =	sst s13  }
0xa0: {  	s15 =	simm.s32 $0x5000;
	[smem:$0x79C] =	sst s14  }
0xa1: {  	s16 =	simm.s32 $0x5080;
	[smem:$0x79D] =	sst s15  }
0xa2: {  	s17 =	simm.s32 $0x5480;
	[smem:$0x79E] =	sst s16  }
0xa3: {  	s18 =	simm.s32 $0x3200;
	[smem:$0x79F] =	sst s17  }
0xa4: {  	s7 =	simm.s32 $0x3400;
	[smem:$0x76A] =	sst s18  }
0xa5: {  	s6 =	simm.s32 $0x4B00;
	[smem:$0x77A] =	sst s7  }
0xa6: {  	s19 =	simm.s32 $0x5C80;
	[smem:$0x794] =	sst s6  }
0xa7: {  	s20 =	simm.s32 $0x5100;
	[smem:$0x7A1] =	sst s19  }
0xa8: {  	s21 =	simm.s32 $0x5500;
	[smem:$0x7A2] =	sst s20  }
0xa9: {  	s22 =	simm.s32 $0x5900;
	[smem:$0x7A3] =	sst s21  }
0xaa: {  	s23 =	simm.s32 $0x5D00;
	[smem:$0x7A4] =	sst s22  }
0xab: {  	s24 =	simm.s32 $0x5180;
	[smem:$0x7A5] =	sst s23  }
0xac: {  	s25 =	simm.s32 $0x5580;
	[smem:$0x7A6] =	sst s24  }
0xad: {  	s26 =	simm.s32 $0x5980;
	[smem:$0x7A7] =	sst s25  }
0xae: {  	s28 =	simm.s32 $0x5D80;
	[smem:$0x7A8] =	sst s26  }
0xaf: {  	s29 =	simm.s32 $0x5200;
	[smem:$0x7A9] =	sst s28  }
0xb0: {  	s30 =	simm.s32 $0x5600;
	[smem:$0x7AA] =	sst s29  }
0xb1: {  	s31 =	simm.s32 $0x5A00;
	[smem:$0x7AB] =	sst s30  }
0xb2: {  	s0 =	simm.s32 $0x5E00;
	[smem:$0x7AC] =	sst s31  }
0xb3: {  	s1 =	simm.s32 $0x5280;
	[smem:$0x7AD] =	sst s0  }
0xb4: {  	s8 =	simm.s32 $0x5E80;
	[smem:$0x7AE] =	sst s1  }
0xb5: {  	s9 =	simm.s32 $0x5300;
	[smem:$0x7B1] =	sst s8  }
0xb6: {  	s10 =	simm.s32 $0x5700;
	[smem:$0x7B2] =	sst s9  }
0xb7: {  	s11 =	simm.s32 $0x5B00;
	[smem:$0x7B3] =	sst s10  }
0xb8: {  	s12 =	simm.s32 $0x5F00;
	[smem:$0x7B4] =	sst s11  }
0xb9: {  	s13 =	simm.s32 $0x5380;
	[smem:$0x7B5] =	sst s12  }
0xba: {  	s14 =	simm.s32 $0x5780;
	[smem:$0x7B6] =	sst s13  }
0xbb: {  	s15 =	simm.s32 $0x5B80;
	[smem:$0x7B7] =	sst s14  }
0xbc: {  	s16 =	simm.s32 $0x5F80;
	[smem:$0x7B8] =	sst s15  }
0xbd: {  	s17 =	simm.s32 $0x5400;
	[smem:$0x7B9] =	sst s16  }
0xbe: {  	s18 =	simm.s32 $0x4D00;
	[smem:$0x7BA] =	sst s17  }
0xbf: {  	s7 =	simm.s32 $0x4F00;
	[smem:$0x785] =	sst s18  }
0xc0: {  	s6 =	simm.s32 $0x5680;
	[smem:$0x795] =	sst s7  }
0xc1: {  	s19 =	simm.s32 $0x5C00;
	[smem:$0x7AF] =	sst s6  }
0xc2: {  	s20 =	simm.s32 $0x6000;
	[smem:$0x7BC] =	sst s19  }
0xc3: {  	s21 =	simm.s32 $0x6080;
	[smem:$0x7BD] =	sst s20  }
0xc4: {  	s22 =	simm.s32 $0x6480;
	[smem:$0x7BE] =	sst s21  }
0xc5: {  	s23 =	simm.s32 $0x6880;
	[smem:$0x7BF] =	sst s22  }
0xc6: {  	s24 =	simm.s32 $0x6C80;
	[smem:$0x7C0] =	sst s23  }
0xc7: {  	s25 =	simm.s32 $0x6100;
	[smem:$0x7C1] =	sst s24  }
0xc8: {  	s26 =	simm.s32 $0x6500;
	[smem:$0x7C2] =	sst s25  }
0xc9: {  	s28 =	simm.s32 $0x6900;
	[smem:$0x7C3] =	sst s26  }
0xca: {  	s29 =	simm.s32 $0x6D00;
	[smem:$0x7C4] =	sst s28  }
0xcb: {  	s30 =	simm.s32 $0x6180;
	[smem:$0x7C5] =	sst s29  }
0xcc: {  	s31 =	simm.s32 $0x6580;
	[smem:$0x7C6] =	sst s30  }
0xcd: {  	s0 =	simm.s32 $0x6980;
	[smem:$0x7C7] =	sst s31  }
0xce: {  	s1 =	simm.s32 $0x6D80;
	[smem:$0x7C8] =	sst s0  }
0xcf: {  	s8 =	simm.s32 $0x6A00;
	[smem:$0x7C9] =	sst s1  }
0xd0: {  	s9 =	simm.s32 $0x6E00;
	[smem:$0x7CC] =	sst s8  }
0xd1: {  	s10 =	simm.s32 $0x6280;
	[smem:$0x7CD] =	sst s9  }
0xd2: {  	s11 =	simm.s32 $0x6680;
	[smem:$0x7CE] =	sst s10  }
0xd3: {  	s12 =	simm.s32 $0x6A80;
	[smem:$0x7CF] =	sst s11  }
0xd4: {  	s13 =	simm.s32 $0x6E80;
	[smem:$0x7D0] =	sst s12  }
0xd5: {  	s14 =	simm.s32 $0x6300;
	[smem:$0x7D1] =	sst s13  }
0xd6: {  	s15 =	simm.s32 $0x6700;
	[smem:$0x7D2] =	sst s14  }
0xd7: {  	s16 =	simm.s32 $0x6B00;
	[smem:$0x7D3] =	sst s15  }
0xd8: {  	s17 =	simm.s32 $0x6F00;
	[smem:$0x7D4] =	sst s16  }
0xd9: {  	s18 =	simm.s32 $0x5880;
	[smem:$0x7D5] =	sst s17  }
0xda: {  	s7 =	simm.s32 $0x5A80;
	[smem:$0x7A0] =	sst s18  }
0xdb: {  	s6 =	simm.s32 $0x6200;
	[smem:$0x7B0] =	sst s7  }
0xdc: {  	s19 =	simm.s32 $0x6780;
	[smem:$0x7CA] =	sst s6  }
0xdd: {  	s20 =	simm.s32 $0x6B80;
	[smem:$0x7D7] =	sst s19  }
0xde: {  	s21 =	simm.s32 $0x6F80;
	[smem:$0x7D8] =	sst s20  }
0xdf: {  	s22 =	simm.s32 $0x6400;
	[smem:$0x7D9] =	sst s21  }
0xe0: {  	s23 =	simm.s32 $0x6800;
	[smem:$0x7DA] =	sst s22  }
0xe1: {  	s24 =	simm.s32 $0x6C00;
	[smem:$0x7DB] =	sst s23  }
0xe2: {  	s25 =	simm.s32 $0x7000;
	[smem:$0x7DC] =	sst s24  }
0xe3: {  	s26 =	simm.s32 $0x7080;
	[smem:$0x7DD] =	sst s25  }
0xe4: {  	s28 =	simm.s32 $0x7480;
	[smem:$0x7DE] =	sst s26  }
0xe5: {  	s29 =	simm.s32 $0x7880;
	[smem:$0x7DF] =	sst s28  }
0xe6: {  	s30 =	simm.s32 $0x7C80;
	[smem:$0x7E0] =	sst s29  }
0xe7: {  	s31 =	simm.s32 $0x7100;
	[smem:$0x7E1] =	sst s30  }
0xe8: {  	s0 =	simm.s32 $0x7500;
	[smem:$0x7E2] =	sst s31  }
0xe9: {  	s1 =	simm.s32 $0x7900;
	[smem:$0x7E3] =	sst s0  }
0xea: {  	s8 =	simm.s32 $0x7580;
	[smem:$0x7E4] =	sst s1  }
0xeb: {  	s9 =	simm.s32 $0x7980;
	[smem:$0x7E7] =	sst s8  }
0xec: {  	s10 =	simm.s32 $0x7D80;
	[smem:$0x7E8] =	sst s9  }
0xed: {  	s11 =	simm.s32 $0x7200;
	[smem:$0x7E9] =	sst s10  }
0xee: {  	s12 =	simm.s32 $0x7600;
	[smem:$0x7EA] =	sst s11  }
0xef: {  	s13 =	simm.s32 $0x7E00;
	[smem:$0x7EB] =	sst s12  }
0xf0: {  	s14 =	simm.s32 $0x7280;
	[smem:$0x7EC] =	sst s13  }
0xf1: {  	s15 =	simm.s32 $0x7680;
	[smem:$0x7ED] =	sst s14  }
0xf2: {  	s16 =	simm.s32 $0x7A80;
	[smem:$0x7EE] =	sst s15  }
0xf3: {  	s17 =	simm.s32 $0x7300;
	[smem:$0x7EF] =	sst s16  }
0xf4: {  	s18 =	simm.s32 $0x5800;
	[smem:$0x7F0] =	sst s17  }
0xf5: {  	s7 =	simm.s32 $0x6600;
	[smem:$0x7BB] =	sst s18  }
0xf6: {  	s6 =	simm.s32 $0x7D00;
	[smem:$0x7CB] =	sst s7  }
0xf7: {  	s19 =	simm.s32 $0x7B00;
	[smem:$0x7E5] =	sst s6  }
0xf8: {  	s20 =	simm.s32 $0x7380;
	[smem:$0x7F2] =	sst s19  }
0xf9: {  	s21 =	simm.s32 $0x7780;
	[smem:$0x7F3] =	sst s20  }
0xfa: {  	s22 =	simm.s32 $0x7B80;
	[smem:$0x7F4] =	sst s21  }
0xfb: {  	s23 =	simm.s32 $0x7400;
	[smem:$0x7F5] =	sst s22  }
0xfc: {  	s24 =	simm.s32 $0x7800;
	[smem:$0x7F6] =	sst s23  }
0xfd: {  	s25 =	simm.s32 $0x7C00;
	[smem:$0x7F7] =	sst s24  }
0xfe: {  	s28 =	simm.s32 $0x7F80;
	[smem:$0x7F8] =	sst s25  }
0xff: {  	s29 =	simm.s32 $0x7F00;
	[smem:$0x7F9] =	sst s28  }
0x100: {  	v0 =	vimm.s32 $0xECA86420;
	vm0 =	vcmask $0xB08;
	vm1 =	vcmask $0x1310;
	s30 =	simm.s32 $0x7E80;
	[smem:$0x7FA] =	sst s29  }
0x101: {  	vm2 =	vcmask $0x1B18;
	vm3 =	vcmask $0x300;
	vm4 =	vcmask $0x2320;
	s31 =	simm.s32 $0x7A00;
	[smem:$0x7FB] =	sst s30  }
0x102: {  	vm5 =	vcmask $0x2B28;
	vm6 =	vcmask $0x3330;
	vm7 =	vcmask $0x3B38;
	s8 =	simm.s32 $0x8000;
	[smem:$0x7FC] =	sst s31  }
0x103: {  	v1 =	vlaneseq.u32;
	vm8 =	vmmov $0xff;
	vm9 =	vcmask $0x704;
	s4 =	ssub.s32 $0x2, s4;
	s18 =	simm.s32 $0x6380;
	[smem:$0x7FD] =	sst s8  }
0x104: {  	vm10 =	vcmask $0xF0C;
	vm11 =	vcmask $0x1714;
	v0 =	vunpack.c.l.s4.s8 v0;
	s26 =	sshrl.u32 s4, $0x1;
	s7 =	simm.s32 $0x7180;
	[smem:$0x7D6] =	sst s18  }
0x105: {  	vm12 =	vcmask $0x1F1C;
	vm13 =	vcmask $0x2724;
	vm14 =	vcmask $0x2F2C;
	s4 =	ssub.s32 s4, s26;
	[smem:$0x7E6] =	sst s7;
	s18 =	simm.s32 $0x7700  }
0x106: {  	vm15 =	vcmask $0x3734;
	v1 =	vmul.u32 $0x2, v1;
	v0 =	vunpack.c.0.s8.s32 v0;
	s0 =	smax.u32 s4, $0x1;
	s7 =	simm.s32 $0x2;
	[smem:$0x7F1] =	sst s18  }
.LBB2_1:
0x107: {  	[smem:$0x719] =	sst s0  }
0x108: {  	s9 =	rddreg [dreg:$0x3];
	s30 =	simm.s32 $0x1  }
0x109: {  	[tilespmem:s3], [sflag:$0x1] =	stream.linear.gather [hbm4b:s9+s3], $0x40, $0x38;
	[tilespmem:$0x8080] =	vst v63  }
0x10a: {  	_ =	swait.ge [sflag:s30], $0x40  }
0x10b: {  	[sflag:s30] =	ssyncset.done $0x0  }
0x10c: {  	[sflag:s30] =	ssyncadd.s32 $0xFFFFFFC0  }
0x10d: {  	v2 =	vld [tilespmem:$0x0];
	_ =	sdelay $0x4  }
0x10e: {  	(v2sf) =	vpush v2, $0xD;
	_ =	sdelay $0x1  }
0x10f: {  	(v2sf) =	vpush v2, $0xC;
	_ =	sdelay $0x1  }
0x110: {  	(v2sf) =	vpush v2, $0xE;
	_ =	sdelay $0x1  }
0x111: {  	(v2sf) =	vpush v2, $0xF;
	_ =	sdelay $0x1  }
0x112: {  	(v2sf) =	vpush v2, $0x9;
	_ =	sdelay $0x1  }
0x113: {  	(v2sf) =	vpush v2, $0x8;
	_ =	sdelay $0x1  }
0x114: {  	(v2sf) =	vpush v2, $0xA;
	_ =	sdelay $0x1  }
0x115: {  	(v2sf) =	vpush v2, $0xB  }
0x116: {  	s31 =	spop (v2sf)  }
0x117: {  	(v2sf) =	vpush v2, $0x0;
	s10 =	smulhi.u32 $0x5397829D, s31;
	s9 =	sshra.s32 s31, $0x1F  }
0x118: {  	s11 =	spop (v2sf);
	s9 =	smul.u32 $0x5397829D, s9  }
0x119: {  	(v2sf) =	vpush v2, $0x1;
	s12 =	smulhi.u32 $0x5397829D, s11;
	s11 =	sshra.s32 s11, $0x1F  }
0x11a: {  	(v2sf) =	vpush v2, $0x2;
	s13 =	spop (v2sf);
	s11 =	smul.u32 $0x5397829D, s11  }
0x11b: {  	(v2sf) =	vpush v2, $0x3;
	s14 =	smulhi.u32 $0x5397829D, s13;
	s13 =	sshra.s32 s13, $0x1F  }
0x11c: {  	s15 =	spop (v2sf);
	(v2sf) =	vpush v2, $0x4;
	s13 =	smul.u32 $0x5397829D, s13  }
0x11d: {  	s16 =	smulhi.u32 $0x5397829D, s15;
	s0 =	sshra.s32 s15, $0x1F;
	(v2sf) =	vpush v2, $0x5  }
0x11e: {  	s1 =	spop (v2sf);
	s15 =	smul.u32 $0x5397829D, s0;
	(v2sf) =	vpush v2, $0x6  }
0x11f: {  	s9 =	sadd.s32 s9, s10;
	s17 =	smulhi.u32 $0x5397829D, s1;
	s10 =	sshra.s32 s1, $0x1F;
	(v2sf) =	vpush v2, $0x7  }
0x120: {  	s4 =	spop (v2sf);
	s19 =	smul.u32 $0x5397829D, s10  }
0x121: {  	s12 =	sadd.s32 s11, s12;
	s5 =	smulhi.u32 $0x5397829D, s4;
	s11 =	sshra.s32 s4, $0x1F  }
0x122: {  	s6 =	spop (v2sf);
	s23 =	smul.u32 $0x5397829D, s11  }
0x123: {  	s10 =	sadd.s32 s13, s14;
	s8 =	smulhi.u32 $0x5397829D, s6;
	s13 =	sshra.s32 s6, $0x1F  }
0x124: {  	s18 =	sshrl.u32 s9, $0x1F;
	s31 =	spop (v2sf);
	s24 =	smul.u32 $0x5397829D, s13  }
0x125: {  	s11 =	sadd.s32 s15, s16;
	s25 =	smulhi.u32 $0x5397829D, s31;
	s16 =	sshra.s32 s31, $0x1F  }
0x126: {  	s22 =	sshrl.u32 s12, $0x1F;
	s26 =	smul.u32 $0x5397829D, s16;
	s0 =	spop (v2sf)  }
0x127: {  	s13 =	sadd.s32 s19, s17;
	s28 =	smulhi.u32 $0x5397829D, s0;
	s1 =	sshra.s32 s0, $0x1F  }
0x128: {  	s16 =	sadd.s32 s23, s5;
	s29 =	spop (v2sf);
	s4 =	smul.u32 $0x5397829D, s1  }
0x129: {  	s5 =	spop (v2sf);
	s30 =	smulhi.u32 $0x5397829D, s29;
	s6 =	sshra.s32 s29, $0x1F  }
0x12a: {  	s17 =	sadd.s32 s24, s8;
	s29 =	spop (v2sf);
	s1 =	smul.u32 $0x5397829D, s6  }
0x12b: {  	s6 =	smulhi.u32 $0x5397829D, s5;
	s14 =	sshra.s32 s5, $0x1F;
	s0 =	spop (v2sf)  }
0x12c: {  	s15 =	smul.u32 $0x5397829D, s14;
	s14 =	sadd.s32 s26, s25;
	s5 =	spop (v2sf)  }
0x12d: {  	s25 =	smulhi.u32 $0x5397829D, s29;
	s29 =	sshra.s32 s29, $0x1F;
	s24 =	spop (v2sf)  }
0x12e: {  	s20 =	sshrl.u32 s10, $0x1F;
	s29 =	smul.u32 $0x5397829D, s29;
	s8 =	spop (v2sf)  }
0x12f: {  	s23 =	sadd.s32 s4, s28;
	s4 =	smulhi.u32 $0x5397829D, s8;
	s26 =	sshra.s32 s8, $0x1F  }
0x130: {  	s21 =	sshrl.u32 s11, $0x1F;
	s19 =	sshrl.u32 s13, $0x1F;
	s26 =	smul.u32 $0x5397829D, s26  }
0x131: {  	s31 =	sshrl.u32 s16, $0x1F;
	s1 =	sadd.s32 s1, s30;
	s28 =	smulhi.u32 $0x5397829D, s0  }
0x132: {  	s0 =	sshra.s32 s0, $0x1F;
	s6 =	sadd.s32 s15, s6;
	s15 =	sadd.s32 s26, s4  }
0x133: {  	v4 =	vmov s22;
	s30 =	sshrl.u32 s17, $0x1F;
	s0 =	smul.u32 $0x5397829D, s0;
	s4 =	sshra.s32 s15, $0x1F  }
0x134: {  	v4 =	vsel vm0, s18, v4;
	s18 =	smulhi.u32 $0x5397829D, s5;
	s5 =	sshra.s32 s5, $0x1F;
	v3 =	vmov s4;
	s4 =	sshra.s32 s23, $0xC  }
0x135: {  	s25 =	sadd.s32 s29, s25;
	s26 =	sshrl.u32 s23, $0x1F;
	s23 =	sshra.s32 s23, $0x1F;
	v3 =	vsel vm3, s4, v3  }
0x136: {  	v4 =	vsel vm1, s20, v4;
	s29 =	sshrl.u32 s1, $0x1F;
	s22 =	sshrl.u32 s6, $0x1F;
	v5 =	vmov s26;
	s26 =	sshra.s32 s1, $0xC;
	v3 =	vsel vm9, s23, v3  }
0x137: {  	v4 =	vsel vm2, s21, v4;
	s5 =	smul.u32 $0x5397829D, s5;
	s8 =	sshrl.u32 s14, $0x1F;
	s1 =	sshra.s32 s1, $0x1F;
	v3 =	vsel vm0, s26, v3  }
0x138: {  	v6 =	vmov s31;
	v5 =	vnsel vm3, $0x0, v5;
	s23 =	smulhi.u32 $0x5397829D, s24;
	s24 =	sshra.s32 s24, $0x1F;
	s26 =	sshra.s32 s6, $0xC;
	v3 =	vsel vm10, s1, v3  }
0x139: {  	v6 =	vsel vm0, s19, v6;
	s0 =	sadd.s32 s0, s28;
	v5 =	vsel vm0, s29, v5;
	s29 =	sshra.s32 s6, $0x1F;
	s21 =	smul.u32 $0x5397829D, s24;
	v3 =	vsel vm1, s26, v3  }
0x13a: {  	v6 =	vsel vm1, s30, v6;
	s20 =	sshrl.u32 s25, $0x1F;
	s19 =	sshra.s32 s25, $0xC;
	s31 =	sshrl.u32 s0, $0x1F;
	v5 =	vsel vm1, s22, v5;
	v3 =	vsel vm11, s29, v3  }
0x13b: {  	s5 =	sadd.s32 s5, s18;
	v6 =	vsel vm2, s8, v6;
	v5 =	vsel vm2, s20, v5;
	s4 =	sadd.s32 s21, s23;
	s21 =	sshra.s32 s25, $0x1F;
	v3 =	vsel vm2, s19, v3  }
0x13c: {  	v4 =	vcombine.low v6, v4;
	s20 =	sshrl.u32 s5, $0x1F;
	s24 =	sshra.s32 s12, $0xC;
	v5 =	vsel vm4, s31, v5;
	s23 =	sshra.s32 s0, $0xC;
	v3 =	vsel vm12, s21, v3  }
0x13d: {  	v48 =	vmov s24;
	v5 =	vsel vm5, s20, v5;
	s25 =	sshra.s32 s16, $0xC;
	s0 =	sshra.s32 s0, $0x1F;
	s26 =	sshra.s32 s9, $0xC;
	v3 =	vsel vm4, s23, v3  }
0x13e: {  	s28 =	sshra.s32 s13, $0xC;
	s22 =	sshrl.u32 s4, $0x1F;
	v7 =	vmov s25;
	s29 =	sshra.s32 s5, $0xC;
	v6 =	vsel vm0, s26, v48;
	v3 =	vsel vm13, s0, v3  }
0x13f: {  	s30 =	sshra.s32 s10, $0xC;
	s8 =	sshra.s32 s5, $0x1F;
	s31 =	sshra.s32 s17, $0xC;
	v5 =	vsel vm6, s22, v5;
	v7 =	vsel vm0, s28, v7;
	v3 =	vsel vm5, s29, v3  }
0x140: {  	s10 =	sshra.s32 s14, $0xC;
	s9 =	sshra.s32 s11, $0xC;
	s11 =	sshra.s32 s4, $0xC;
	v6 =	vsel vm1, s30, v6;
	v7 =	vsel vm1, s31, v7;
	v3 =	vsel vm14, s8, v3  }
0x141: {  	s12 =	sshrl.u32 s15, $0x1F;
	s13 =	sshra.s32 s4, $0x1F;
	v6 =	vsel vm2, s9, v6;
	v7 =	vsel vm2, s10, v7;
	v3 =	vsel vm6, s11, v3  }
0x142: {  	s14 =	sshra.s32 s15, $0xC;
	v5 =	vsel vm7, s12, v5;
	v6 =	vcombine.low v7, v6;
	v3 =	vsel vm15, s13, v3  }
0x143: {  	v4 =	vperm.xlane v4, v0;
	v5 =	vperm.xlane v5, v1;
	v3 =	vsel vm7, s14, v3  }
0x144: {  	v6 =	vperm.xlane v6, v0;
	v3 =	vperm.xlane v3, v1;
	_ =	sdelay $0x1  }
0x145: {  	v4 =	vsel vm8, v5, v4;
	v3 =	vsel vm8, v3, v6  }
0x146: {  	v3 =	vadd.s32 v4, v3  }
0x147: {  	v3 =	vmul.u32 $0x3100, v3;
	_ =	sdelay $0x1  }
0x148: {  	v2 =	vsub.s32 v2, v3  }
0x149: {  	(v2sf) =	vpush v2, $0x0;
	_ =	sdelay $0xa  }
0x14a: {  	(v2sf) =	vpush v2, $0x1;
	_ =	sdelay $0x3  }
0x14b: {  	s15 =	spop (v2sf)  }
0x14c: {  	s16 =	sshll.u32 s15, $0x9;
	s0 =	sshll.u32 s15, $0x7  }
0x14d: {  	s1 =	sand.u32 $0xFFFFF000, s16;
	s0 =	sand.u32 $0x380, s0  }
0x14e: {  	s0 =	sor.u32 s0, s1  }
0x14f: {  	s0 =	sshrl.u32 s0, $0x3  }
0x150: {  	s18 =	simm.s32 $0x80;
	s0 =	sadd.s32 s2, s0  }
0x151: {  	[tilespmem:s18], [sflag:$0x2] =	stream.linear.gather [hbm4b:s0+s3], $0x80, $0x38;
	[tilespmem:$0x8080] =	vst v63  }
0x152: {  	s17 =	rddreg [dreg:$0x5];
	s19 =	sadd.s32 $0x80, s0  }
0x153: {  	(v2sf) =	vpush v2, $0x2;
	[tilespmem:s17], [sflag:$0x2] =	stream.linear.gather [hbm4b:s19+s3], $0x80, $0x38;
	[tilespmem:$0x8080] =	vst v63  }
0x154: {  	s20 =	rddreg [dreg:$0x6];
	s21 =	sadd.s32 $0x100, s0  }
0x155: {  	[tilespmem:s20], [sflag:$0x2] =	stream.linear.gather [hbm4b:s21+s3], $0x80, $0x38;
	[tilespmem:$0x8080] =	vst v63  }
0x156: {  	s22 =	rddreg [dreg:$0x7];
	s23 =	spop (v2sf);
	s0 =	sadd.s32 $0x180, s0  }
0x157: {  	[tilespmem:s22], [sflag:$0x2] =	stream.linear.gather [hbm4b:s0+s3], $0x80, $0x38;
	[tilespmem:$0x8080] =	vst v63  }
0x158: {  	s24 =	sshll.u32 s23, $0x9;
	s0 =	sshll.u32 s23, $0x7  }
0x159: {  	s1 =	sand.u32 $0xFFFFF000, s24;
	s0 =	sand.u32 $0x380, s0  }
0x15a: {  	s0 =	sor.u32 s0, s1  }
0x15b: {  	s0 =	sshrl.u32 s0, $0x3  }
0x15c: {  	s25 =	rddreg [dreg:$0x8];
	s0 =	sadd.s32 s2, s0  }
0x15d: {  	[tilespmem:s25], [sflag:$0x2] =	stream.linear.gather [hbm4b:s0+s3], $0x80, $0x38;
	[tilespmem:$0x8080] =	vst v63  }
0x15e: {  	s26 =	rddreg [dreg:$0x9];
	s28 =	sadd.s32 $0x80, s0  }
0x15f: {  	(v2sf) =	vpush v2, $0x3;
	[tilespmem:s26], [sflag:$0x2] =	stream.linear.gather [hbm4b:s28+s3], $0x80, $0x38;
	[tilespmem:$0x8080] =	vst v63  }
0x160: {  	s29 =	rddreg [dreg:$0xa];
	s30 =	sadd.s32 $0x100, s0  }
0x161: {  	[tilespmem:s29], [sflag:$0x2] =	stream.linear.gather [hbm4b:s30+s3], $0x80, $0x38;
	[tilespmem:$0x8080] =	vst v63  }
0x162: {  	s31 =	rddreg [dreg:$0xb];
	s6 =	spop (v2sf);
	s0 =	sadd.s32 $0x180, s0  }
0x163: {  	[tilespmem:s31], [sflag:$0x2] =	stream.linear.gather [hbm4b:s0+s3], $0x80, $0x38;
	[tilespmem:$0x8080] =	vst v63  }
0x164: {  	s8 =	sshll.u32 s6, $0x9;
	s0 =	sshll.u32 s6, $0x7  }
0x165: {  	s1 =	sand.u32 $0xFFFFF000, s8;
	s0 =	sand.u32 $0x380, s0  }
0x166: {  	s0 =	sor.u32 s0, s1  }
0x167: {  	s0 =	sshrl.u32 s0, $0x3  }
0x168: {  	s9 =	rddreg [dreg:$0xc];
	s0 =	sadd.s32 s2, s0  }
0x169: {  	[tilespmem:s9], [sflag:$0x2] =	stream.linear.gather [hbm4b:s0+s3], $0x80, $0x38;
	[tilespmem:$0x8080] =	vst v63  }
0x16a: {  	s10 =	rddreg [dreg:$0xd];
	s11 =	sadd.s32 $0x80, s0  }
0x16b: {  	(v2sf) =	vpush v2, $0x4;
	[tilespmem:s10], [sflag:$0x2] =	stream.linear.gather [hbm4b:s11+s3], $0x80, $0x38;
	[tilespmem:$0x8080] =	vst v63  }
0x16c: {  	s12 =	rddreg [dreg:$0xe];
	s13 =	sadd.s32 $0x100, s0  }
0x16d: {  	[tilespmem:s12], [sflag:$0x2] =	stream.linear.gather [hbm4b:s13+s3], $0x80, $0x38;
	[tilespmem:$0x8080] =	vst v63  }
0x16e: {  	s14 =	rddreg [dreg:$0xf];
	s15 =	spop (v2sf);
	s0 =	sadd.s32 $0x180, s0  }
0x16f: {  	[tilespmem:s14], [sflag:$0x2] =	stream.linear.gather [hbm4b:s0+s3], $0x80, $0x38;
	[tilespmem:$0x8080] =	vst v63  }
0x170: {  	s16 =	sshll.u32 s15, $0x9;
	s0 =	sshll.u32 s15, $0x7  }
0x171: {  	s1 =	sand.u32 $0xFFFFF000, s16;
	s0 =	sand.u32 $0x380, s0  }
0x172: {  	s0 =	sor.u32 s0, s1  }
0x173: {  	s0 =	sshrl.u32 s0, $0x3  }
0x174: {  	s17 =	rddreg [dreg:$0x10];
	s0 =	sadd.s32 s2, s0  }
0x175: {  	[tilespmem:s17], [sflag:$0x2] =	stream.linear.gather [hbm4b:s0+s3], $0x80, $0x38;
	[tilespmem:$0x8080] =	vst v63  }
0x176: {  	s18 =	rddreg [dreg:$0x11];
	s19 =	sadd.s32 $0x80, s0  }
0x177: {  	(v2sf) =	vpush v2, $0x5;
	[tilespmem:s18], [sflag:$0x2] =	stream.linear.gather [hbm4b:s19+s3], $0x80, $0x38;
	[tilespmem:$0x8080] =	vst v63  }
0x178: {  	s20 =	rddreg [dreg:$0x12];
	s21 =	sadd.s32 $0x100, s0  }
0x179: {  	[tilespmem:s20], [sflag:$0x2] =	stream.linear.gather [hbm4b:s21+s3], $0x80, $0x38;
	[tilespmem:$0x8080] =	vst v63  }
0x17a: {  	s22 =	rddreg [dreg:$0x13];
	s23 =	spop (v2sf);
	s0 =	sadd.s32 $0x180, s0  }
0x17b: {  	[tilespmem:s22], [sflag:$0x2] =	stream.linear.gather [hbm4b:s0+s3], $0x80, $0x38;
	[tilespmem:$0x8080] =	vst v63  }
0x17c: {  	s24 =	sshll.u32 s23, $0x9;
	s0 =	sshll.u32 s23, $0x7  }
0x17d: {  	s1 =	sand.u32 $0xFFFFF000, s24;
	s0 =	sand.u32 $0x380, s0  }
0x17e: {  	s0 =	sor.u32 s0, s1  }
0x17f: {  	s0 =	sshrl.u32 s0, $0x3  }
0x180: {  	s25 =	rddreg [dreg:$0x14];
	s0 =	sadd.s32 s2, s0  }
0x181: {  	[tilespmem:s25], [sflag:$0x2] =	stream.linear.gather [hbm4b:s0+s3], $0x80, $0x38;
	[tilespmem:$0x8080] =	vst v63  }
0x182: {  	s26 =	rddreg [dreg:$0x15];
	s28 =	sadd.s32 $0x80, s0  }
0x183: {  	(v2sf) =	vpush v2, $0x6;
	[tilespmem:s26], [sflag:$0x2] =	stream.linear.gather [hbm4b:s28+s3], $0x80, $0x38;
	[tilespmem:$0x8080] =	vst v63  }
0x184: {  	s29 =	rddreg [dreg:$0x16];
	s30 =	sadd.s32 $0x100, s0  }
0x185: {  	[tilespmem:s29], [sflag:$0x2] =	stream.linear.gather [hbm4b:s30+s3], $0x80, $0x38;
	[tilespmem:$0x8080] =	vst v63  }
0x186: {  	s31 =	rddreg [dreg:$0x17];
	s6 =	spop (v2sf);
	s0 =	sadd.s32 $0x180, s0  }
0x187: {  	[tilespmem:s31], [sflag:$0x2] =	stream.linear.gather [hbm4b:s0+s3], $0x80, $0x38;
	[tilespmem:$0x8080] =	vst v63  }
0x188: {  	s8 =	sshll.u32 s6, $0x9;
	s0 =	sshll.u32 s6, $0x7  }
0x189: {  	s1 =	sand.u32 $0xFFFFF000, s8;
	s0 =	sand.u32 $0x380, s0  }
0x18a: {  	s0 =	sor.u32 s0, s1  }
0x18b: {  	s0 =	sshrl.u32 s0, $0x3  }
0x18c: {  	s9 =	rddreg [dreg:$0x18];
	s0 =	sadd.s32 s2, s0  }
0x18d: {  	[tilespmem:s9], [sflag:$0x2] =	stream.linear.gather [hbm4b:s0+s3], $0x80, $0x38;
	[tilespmem:$0x8080] =	vst v63  }
0x18e: {  	s10 =	rddreg [dreg:$0x19];
	s11 =	sadd.s32 $0x80, s0  }
0x18f: {  	(v2sf) =	vpush v2, $0x7;
	[tilespmem:s10], [sflag:$0x2] =	stream.linear.gather [hbm4b:s11+s3], $0x80, $0x38;
	[tilespmem:$0x8080] =	vst v63  }
0x190: {  	s12 =	rddreg [dreg:$0x1a];
	s13 =	sadd.s32 $0x100, s0  }
0x191: {  	[tilespmem:s12], [sflag:$0x2] =	stream.linear.gather [hbm4b:s13+s3], $0x80, $0x38;
	[tilespmem:$0x8080] =	vst v63  }
0x192: {  	s14 =	rddreg [dreg:$0x1b];
	s15 =	spop (v2sf);
	s0 =	sadd.s32 $0x180, s0  }
0x193: {  	[tilespmem:s14], [sflag:$0x2] =	stream.linear.gather [hbm4b:s0+s3], $0x80, $0x38;
	[tilespmem:$0x8080] =	vst v63  }
0x194: {  	s16 =	sshll.u32 s15, $0x9;
	s0 =	sshll.u32 s15, $0x7  }
0x195: {  	s1 =	sand.u32 $0xFFFFF000, s16;
	s0 =	sand.u32 $0x380, s0  }
0x196: {  	s0 =	sor.u32 s0, s1  }
0x197: {  	s0 =	sshrl.u32 s0, $0x3  }
0x198: {  	s17 =	rddreg [dreg:$0x1c];
	s0 =	sadd.s32 s2, s0  }
0x199: {  	[tilespmem:s17], [sflag:$0x2] =	stream.linear.gather [hbm4b:s0+s3], $0x80, $0x38;
	[tilespmem:$0x8080] =	vst v63  }
0x19a: {  	s18 =	rddreg [dreg:$0x1d];
	s19 =	sadd.s32 $0x80, s0  }
0x19b: {  	(v2sf) =	vpush v2, $0x8;
	[tilespmem:s18], [sflag:$0x2] =	stream.linear.gather [hbm4b:s19+s3], $0x80, $0x38;
	[tilespmem:$0x8080] =	vst v63  }
0x19c: {  	s20 =	rddreg [dreg:$0x1e];
	s21 =	sadd.s32 $0x100, s0  }
0x19d: {  	[tilespmem:s20], [sflag:$0x2] =	stream.linear.gather [hbm4b:s21+s3], $0x80, $0x38;
	[tilespmem:$0x8080] =	vst v63  }
0x19e: {  	s22 =	rddreg [dreg:$0x1f];
	s23 =	spop (v2sf);
	s0 =	sadd.s32 $0x180, s0  }
0x19f: {  	[tilespmem:s22], [sflag:$0x2] =	stream.linear.gather [hbm4b:s0+s3], $0x80, $0x38;
	[tilespmem:$0x8080] =	vst v63  }
0x1a0: {  	s24 =	sshll.u32 s23, $0x9;
	s0 =	sshll.u32 s23, $0x7  }
0x1a1: {  	s1 =	sand.u32 $0xFFFFF000, s24;
	s0 =	sand.u32 $0x380, s0  }
0x1a2: {  	s25 =	sld [smem:$0x71A];
	s0 =	sor.u32 s0, s1  }
0x1a3: {  	s0 =	sshrl.u32 s0, $0x3  }
0x1a4: {  	s26 =	sld [smem:$0x71B];
	s0 =	sadd.s32 s2, s0  }
0x1a5: {  	[tilespmem:s25], [sflag:$0x2] =	stream.linear.gather [hbm4b:s0+s3], $0x80, $0x38;
	[tilespmem:$0x8080] =	vst v63  }
0x1a6: {  	s29 =	sld [smem:$0x71C];
	s28 =	sadd.s32 $0x80, s0  }
0x1a7: {  	(v2sf) =	vpush v2, $0x9;
	[tilespmem:s26], [sflag:$0x2] =	stream.linear.gather [hbm4b:s28+s3], $0x80, $0x38;
	[tilespmem:$0x8080] =	vst v63  }
0x1a8: {  	s31 =	sld [smem:$0x71D];
	s30 =	sadd.s32 $0x100, s0  }
0x1a9: {  	[tilespmem:s29], [sflag:$0x2] =	stream.linear.gather [hbm4b:s30+s3], $0x80, $0x38;
	[tilespmem:$0x8080] =	vst v63  }
0x1aa: {  	s6 =	spop (v2sf);
	s0 =	sadd.s32 $0x180, s0  }
0x1ab: {  	[tilespmem:s31], [sflag:$0x2] =	stream.linear.gather [hbm4b:s0+s3], $0x80, $0x38;
	[tilespmem:$0x8080] =	vst v63  }
0x1ac: {  	s8 =	sshll.u32 s6, $0x9;
	s0 =	sshll.u32 s6, $0x7  }
0x1ad: {  	s1 =	sand.u32 $0xFFFFF000, s8;
	s0 =	sand.u32 $0x380, s0  }
0x1ae: {  	s9 =	sld [smem:$0x71E];
	s0 =	sor.u32 s0, s1  }
0x1af: {  	s0 =	sshrl.u32 s0, $0x3  }
0x1b0: {  	s10 =	sld [smem:$0x71F];
	s0 =	sadd.s32 s2, s0  }
0x1b1: {  	[tilespmem:s9], [sflag:$0x2] =	stream.linear.gather [hbm4b:s0+s3], $0x80, $0x38;
	[tilespmem:$0x8080] =	vst v63  }
0x1b2: {  	s12 =	sld [smem:$0x720];
	s11 =	sadd.s32 $0x80, s0  }
0x1b3: {  	(v2sf) =	vpush v2, $0xA;
	[tilespmem:s10], [sflag:$0x2] =	stream.linear.gather [hbm4b:s11+s3], $0x80, $0x38;
	[tilespmem:$0x8080] =	vst v63  }
0x1b4: {  	s14 =	sld [smem:$0x721];
	s13 =	sadd.s32 $0x100, s0  }
0x1b5: {  	[tilespmem:s12], [sflag:$0x2] =	stream.linear.gather [hbm4b:s13+s3], $0x80, $0x38;
	[tilespmem:$0x8080] =	vst v63  }
0x1b6: {  	s15 =	spop (v2sf);
	s0 =	sadd.s32 $0x180, s0  }
0x1b7: {  	[tilespmem:s14], [sflag:$0x2] =	stream.linear.gather [hbm4b:s0+s3], $0x80, $0x38;
	[tilespmem:$0x8080] =	vst v63  }
0x1b8: {  	s16 =	sshll.u32 s15, $0x9;
	s0 =	sshll.u32 s15, $0x7  }
0x1b9: {  	s1 =	sand.u32 $0xFFFFF000, s16;
	s0 =	sand.u32 $0x380, s0  }
0x1ba: {  	s17 =	sld [smem:$0x722];
	s0 =	sor.u32 s0, s1  }
0x1bb: {  	s0 =	sshrl.u32 s0, $0x3  }
0x1bc: {  	s18 =	sld [smem:$0x723];
	s0 =	sadd.s32 s2, s0  }
0x1bd: {  	[tilespmem:s17], [sflag:$0x2] =	stream.linear.gather [hbm4b:s0+s3], $0x80, $0x38;
	[tilespmem:$0x8080] =	vst v63  }
0x1be: {  	s20 =	sld [smem:$0x724];
	s19 =	sadd.s32 $0x80, s0  }
0x1bf: {  	(v2sf) =	vpush v2, $0xB;
	[tilespmem:s18], [sflag:$0x2] =	stream.linear.gather [hbm4b:s19+s3], $0x80, $0x38;
	[tilespmem:$0x8080] =	vst v63  }
0x1c0: {  	s22 =	sld [smem:$0x725];
	s21 =	sadd.s32 $0x100, s0  }
0x1c1: {  	[tilespmem:s20], [sflag:$0x2] =	stream.linear.gather [hbm4b:s21+s3], $0x80, $0x38;
	[tilespmem:$0x8080] =	vst v63  }
0x1c2: {  	s23 =	spop (v2sf);
	s0 =	sadd.s32 $0x180, s0  }
0x1c3: {  	[tilespmem:s22], [sflag:$0x2] =	stream.linear.gather [hbm4b:s0+s3], $0x80, $0x38;
	[tilespmem:$0x8080] =	vst v63  }
0x1c4: {  	s24 =	sshll.u32 s23, $0x9;
	s0 =	sshll.u32 s23, $0x7  }
0x1c5: {  	s1 =	sand.u32 $0xFFFFF000, s24;
	s0 =	sand.u32 $0x380, s0  }
0x1c6: {  	s25 =	sld [smem:$0x726];
	s0 =	sor.u32 s0, s1  }
0x1c7: {  	s0 =	sshrl.u32 s0, $0x3  }
0x1c8: {  	s26 =	sld [smem:$0x727];
	s0 =	sadd.s32 s2, s0  }
0x1c9: {  	[tilespmem:s25], [sflag:$0x2] =	stream.linear.gather [hbm4b:s0+s3], $0x80, $0x38;
	[tilespmem:$0x8080] =	vst v63  }
0x1ca: {  	s29 =	sld [smem:$0x728];
	s28 =	sadd.s32 $0x80, s0  }
0x1cb: {  	(v2sf) =	vpush v2, $0xC;
	[tilespmem:s26], [sflag:$0x2] =	stream.linear.gather [hbm4b:s28+s3], $0x80, $0x38;
	[tilespmem:$0x8080] =	vst v63  }
0x1cc: {  	s31 =	sld [smem:$0x729];
	s30 =	sadd.s32 $0x100, s0  }
0x1cd: {  	[tilespmem:s29], [sflag:$0x2] =	stream.linear.gather [hbm4b:s30+s3], $0x80, $0x38;
	[tilespmem:$0x8080] =	vst v63  }
0x1ce: {  	s6 =	spop (v2sf);
	s0 =	sadd.s32 $0x180, s0  }
0x1cf: {  	[tilespmem:s31], [sflag:$0x2] =	stream.linear.gather [hbm4b:s0+s3], $0x80, $0x38;
	[tilespmem:$0x8080] =	vst v63  }
0x1d0: {  	s8 =	sshll.u32 s6, $0x9;
	s0 =	sshll.u32 s6, $0x7  }
0x1d1: {  	s1 =	sand.u32 $0xFFFFF000, s8;
	s0 =	sand.u32 $0x380, s0  }
0x1d2: {  	s9 =	sld [smem:$0x72A];
	s0 =	sor.u32 s0, s1  }
0x1d3: {  	s0 =	sshrl.u32 s0, $0x3  }
0x1d4: {  	s10 =	sld [smem:$0x72B];
	s0 =	sadd.s32 s2, s0  }
0x1d5: {  	[tilespmem:s9], [sflag:$0x2] =	stream.linear.gather [hbm4b:s0+s3], $0x80, $0x38;
	[tilespmem:$0x8080] =	vst v63  }
0x1d6: {  	s12 =	sld [smem:$0x72C];
	s11 =	sadd.s32 $0x80, s0  }
0x1d7: {  	(v2sf) =	vpush v2, $0xD;
	[tilespmem:s10], [sflag:$0x2] =	stream.linear.gather [hbm4b:s11+s3], $0x80, $0x38;
	[tilespmem:$0x8080] =	vst v63  }
0x1d8: {  	s14 =	sld [smem:$0x72D];
	s13 =	sadd.s32 $0x100, s0  }
0x1d9: {  	[tilespmem:s12], [sflag:$0x2] =	stream.linear.gather [hbm4b:s13+s3], $0x80, $0x38;
	[tilespmem:$0x8080] =	vst v63  }
0x1da: {  	s15 =	spop (v2sf);
	s0 =	sadd.s32 $0x180, s0  }
0x1db: {  	[tilespmem:s14], [sflag:$0x2] =	stream.linear.gather [hbm4b:s0+s3], $0x80, $0x38;
	[tilespmem:$0x8080] =	vst v63  }
0x1dc: {  	s16 =	sshll.u32 s15, $0x9;
	s0 =	sshll.u32 s15, $0x7  }
0x1dd: {  	s1 =	sand.u32 $0xFFFFF000, s16;
	s0 =	sand.u32 $0x380, s0  }
0x1de: {  	s17 =	sld [smem:$0x72E];
	s0 =	sor.u32 s0, s1  }
0x1df: {  	s0 =	sshrl.u32 s0, $0x3  }
0x1e0: {  	s18 =	sld [smem:$0x72F];
	s0 =	sadd.s32 s2, s0  }
0x1e1: {  	[tilespmem:s17], [sflag:$0x2] =	stream.linear.gather [hbm4b:s0+s3], $0x80, $0x38;
	[tilespmem:$0x8080] =	vst v63  }
0x1e2: {  	s20 =	sld [smem:$0x730];
	s19 =	sadd.s32 $0x80, s0  }
0x1e3: {  	(v2sf) =	vpush v2, $0xE;
	[tilespmem:s18], [sflag:$0x2] =	stream.linear.gather [hbm4b:s19+s3], $0x80, $0x38;
	[tilespmem:$0x8080] =	vst v63  }
0x1e4: {  	s22 =	sld [smem:$0x731];
	s21 =	sadd.s32 $0x100, s0  }
0x1e5: {  	[tilespmem:s20], [sflag:$0x2] =	stream.linear.gather [hbm4b:s21+s3], $0x80, $0x38;
	[tilespmem:$0x8080] =	vst v63  }
0x1e6: {  	s23 =	spop (v2sf);
	s0 =	sadd.s32 $0x180, s0  }
0x1e7: {  	[tilespmem:s22], [sflag:$0x2] =	stream.linear.gather [hbm4b:s0+s3], $0x80, $0x38;
	[tilespmem:$0x8080] =	vst v63  }
0x1e8: {  	s24 =	sshll.u32 s23, $0x9;
	s0 =	sshll.u32 s23, $0x7  }
0x1e9: {  	s1 =	sand.u32 $0xFFFFF000, s24;
	s0 =	sand.u32 $0x380, s0  }
0x1ea: {  	s25 =	sld [smem:$0x732];
	s0 =	sor.u32 s0, s1  }
0x1eb: {  	s0 =	sshrl.u32 s0, $0x3  }
0x1ec: {  	s26 =	sld [smem:$0x733];
	s0 =	sadd.s32 s2, s0  }
0x1ed: {  	[tilespmem:s25], [sflag:$0x2] =	stream.linear.gather [hbm4b:s0+s3], $0x80, $0x38;
	[tilespmem:$0x8080] =	vst v63  }
0x1ee: {  	s29 =	sld [smem:$0x734];
	s28 =	sadd.s32 $0x80, s0  }
0x1ef: {  	(v2sf) =	vpush v2, $0xF;
	[tilespmem:s26], [sflag:$0x2] =	stream.linear.gather [hbm4b:s28+s3], $0x80, $0x38;
	[tilespmem:$0x8080] =	vst v63  }
0x1f0: {  	s31 =	sld [smem:$0x735];
	s30 =	sadd.s32 $0x100, s0  }
0x1f1: {  	[tilespmem:s29], [sflag:$0x2] =	stream.linear.gather [hbm4b:s30+s3], $0x80, $0x38;
	[tilespmem:$0x8080] =	vst v63  }
0x1f2: {  	s6 =	spop (v2sf);
	s0 =	sadd.s32 $0x180, s0  }
0x1f3: {  	[tilespmem:s31], [sflag:$0x2] =	stream.linear.gather [hbm4b:s0+s3], $0x80, $0x38;
	[tilespmem:$0x8080] =	vst v63  }
0x1f4: {  	s8 =	sshll.u32 s6, $0x9;
	s0 =	sshll.u32 s6, $0x7  }
0x1f5: {  	s1 =	sand.u32 $0xFFFFF000, s8;
	s0 =	sand.u32 $0x380, s0  }
0x1f6: {  	s9 =	sld [smem:$0x736];
	s0 =	sor.u32 s0, s1  }
0x1f7: {  	s0 =	sshrl.u32 s0, $0x3  }
0x1f8: {  	s10 =	sld [smem:$0x737];
	s0 =	sadd.s32 s2, s0  }
0x1f9: {  	[tilespmem:s9], [sflag:$0x2] =	stream.linear.gather [hbm4b:s0+s3], $0x80, $0x38;
	[tilespmem:$0x8080] =	vst v63  }
0x1fa: {  	s12 =	sld [smem:$0x738];
	s11 =	sadd.s32 $0x80, s0  }
0x1fb: {  	[tilespmem:s10], [sflag:$0x2] =	stream.linear.gather [hbm4b:s11+s3], $0x80, $0x38;
	[tilespmem:$0x8080] =	vst v63  }
0x1fc: {  	s14 =	sld [smem:$0x739];
	s13 =	sadd.s32 $0x100, s0  }
0x1fd: {  	[tilespmem:s12], [sflag:$0x2] =	stream.linear.gather [hbm4b:s13+s3], $0x80, $0x38;
	[tilespmem:$0x8080] =	vst v63  }
0x1fe: {  	s15 =	spop (v2sf);
	s0 =	sadd.s32 $0x180, s0  }
0x1ff: {  	[tilespmem:s14], [sflag:$0x2] =	stream.linear.gather [hbm4b:s0+s3], $0x80, $0x38;
	[tilespmem:$0x8080] =	vst v63  }
0x200: {  	s16 =	sshll.u32 s15, $0x9;
	s0 =	sshll.u32 s15, $0x7  }
0x201: {  	s1 =	sand.u32 $0xFFFFF000, s16;
	s0 =	sand.u32 $0x380, s0  }
0x202: {  	s17 =	sld [smem:$0x73A];
	s0 =	sor.u32 s0, s1  }
0x203: {  	s0 =	sshrl.u32 s0, $0x3  }
0x204: {  	s18 =	sld [smem:$0x73B];
	s0 =	sadd.s32 s2, s0  }
0x205: {  	[tilespmem:s17], [sflag:$0x2] =	stream.linear.gather [hbm4b:s0+s3], $0x80, $0x38;
	[tilespmem:$0x8080] =	vst v63  }
0x206: {  	s20 =	sld [smem:$0x73C];
	s19 =	sadd.s32 $0x80, s0  }
0x207: {  	[tilespmem:s18], [sflag:$0x2] =	stream.linear.gather [hbm4b:s19+s3], $0x80, $0x38;
	[tilespmem:$0x8080] =	vst v63  }
0x208: {  	s22 =	sld [smem:$0x73D];
	s21 =	sadd.s32 $0x100, s0  }
0x209: {  	[tilespmem:s20], [sflag:$0x2] =	stream.linear.gather [hbm4b:s21+s3], $0x80, $0x38;
	[tilespmem:$0x8080] =	vst v63  }
0x20a: {  	s0 =	sadd.s32 $0x180, s0  }
0x20b: {  	[tilespmem:s22], [sflag:$0x2] =	stream.linear.gather [hbm4b:s0+s3], $0x80, $0x38;
	[tilespmem:$0x8080] =	vst v63  }
0x20c: {  	v2 =	vld [tilespmem:$0x10];
	_ =	sdelay $0x4  }
0x20d: {  	(v2sf) =	vpush v2, $0xD;
	_ =	sdelay $0x1  }
0x20e: {  	(v2sf) =	vpush v2, $0xC;
	_ =	sdelay $0x1  }
0x20f: {  	(v2sf) =	vpush v2, $0xE;
	_ =	sdelay $0x1  }
0x210: {  	(v2sf) =	vpush v2, $0xF;
	_ =	sdelay $0x1  }
0x211: {  	(v2sf) =	vpush v2, $0x9;
	_ =	sdelay $0x1  }
0x212: {  	(v2sf) =	vpush v2, $0x8;
	_ =	sdelay $0x1  }
0x213: {  	(v2sf) =	vpush v2, $0xA;
	_ =	sdelay $0x1  }
0x214: {  	(v2sf) =	vpush v2, $0xB  }
0x215: {  	s23 =	spop (v2sf)  }
0x216: {  	(v2sf) =	vpush v2, $0x0;
	s24 =	smulhi.u32 $0x5397829D, s23;
	s0 =	sshra.s32 s23, $0x1F  }
0x217: {  	(v2sf) =	vpush v2, $0x1;
	s25 =	spop (v2sf);
	s0 =	smul.u32 $0x5397829D, s0  }
0x218: {  	(v2sf) =	vpush v2, $0x2;
	s26 =	smulhi.u32 $0x5397829D, s25;
	s4 =	sshra.s32 s25, $0x1F  }
0x219: {  	(v2sf) =	vpush v2, $0x3;
	s28 =	spop (v2sf);
	s4 =	smul.u32 $0x5397829D, s4  }
0x21a: {  	(v2sf) =	vpush v2, $0x4;
	s29 =	smulhi.u32 $0x5397829D, s28;
	s6 =	sshra.s32 s28, $0x1F  }
0x21b: {  	s30 =	spop (v2sf);
	(v2sf) =	vpush v2, $0x5;
	s6 =	smul.u32 $0x5397829D, s6  }
0x21c: {  	s9 =	sadd.s32 s0, s24;
	s31 =	smulhi.u32 $0x5397829D, s30;
	s12 =	sshra.s32 s30, $0x1F;
	(v2sf) =	vpush v2, $0x6  }
0x21d: {  	s13 =	spop (v2sf);
	s18 =	sshrl.u32 s9, $0x1F;
	s1 =	smul.u32 $0x5397829D, s12;
	(v2sf) =	vpush v2, $0x7  }
0x21e: {  	s12 =	sadd.s32 s4, s26;
	s14 =	smulhi.u32 $0x5397829D, s13;
	s15 =	sshra.s32 s13, $0x1F  }
0x21f: {  	s16 =	spop (v2sf);
	s22 =	sshrl.u32 s12, $0x1F;
	s5 =	smul.u32 $0x5397829D, s15  }
0x220: {  	s10 =	sadd.s32 s6, s29;
	s17 =	smulhi.u32 $0x5397829D, s16;
	s23 =	sshra.s32 s16, $0x1F  }
0x221: {  	s24 =	spop (v2sf);
	s20 =	sshrl.u32 s10, $0x1F;
	s8 =	smul.u32 $0x5397829D, s23  }
0x222: {  	s11 =	sadd.s32 s1, s31;
	s0 =	smulhi.u32 $0x5397829D, s24;
	s25 =	sshra.s32 s24, $0x1F  }
0x223: {  	s26 =	spop (v2sf);
	s21 =	sshrl.u32 s11, $0x1F;
	s1 =	smul.u32 $0x5397829D, s25  }
0x224: {  	s13 =	sadd.s32 s5, s14;
	s4 =	smulhi.u32 $0x5397829D, s26;
	s28 =	sshra.s32 s26, $0x1F  }
0x225: {  	s29 =	spop (v2sf);
	s19 =	sshrl.u32 s13, $0x1F;
	s5 =	smul.u32 $0x5397829D, s28  }
0x226: {  	s15 =	smulhi.u32 $0x5397829D, s29;
	s14 =	sshra.s32 s29, $0x1F;
	s30 =	spop (v2sf)  }
0x227: {  	s16 =	sadd.s32 s8, s17;
	s6 =	smul.u32 $0x5397829D, s14;
	s31 =	spop (v2sf)  }
0x228: {  	s23 =	smulhi.u32 $0x5397829D, s30;
	s30 =	sshra.s32 s30, $0x1F;
	s24 =	spop (v2sf)  }
0x229: {  	s25 =	sshrl.u32 s16, $0x1F;
	s26 =	smul.u32 $0x5397829D, s30;
	s28 =	spop (v2sf)  }
0x22a: {  	v49 =	vmov s22;
	s29 =	smulhi.u32 $0x5397829D, s31;
	s8 =	sshra.s32 s31, $0x1F;
	s30 =	spop (v2sf)  }
0x22b: {  	v4 =	vsel vm0, s18, v49;
	s17 =	sadd.s32 s1, s0;
	s0 =	smul.u32 $0x5397829D, s8;
	s1 =	spop (v2sf)  }
0x22c: {  	v4 =	vsel vm1, s20, v4;
	s14 =	sadd.s32 s5, s4;
	s4 =	smulhi.u32 $0x5397829D, s24;
	s31 =	spop (v2sf)  }
0x22d: {  	v4 =	vsel vm2, s21, v4;
	s21 =	sshra.s32 s9, $0xC;
	s8 =	smulhi.u32 $0x5397829D, s31;
	s5 =	sshra.s32 s31, $0x1F  }
0x22e: {  	v51 =	vmov s25;
	s23 =	sadd.s32 s26, s23;
	s26 =	sshra.s32 s24, $0x1F;
	s5 =	smul.u32 $0x5397829D, s5  }
0x22f: {  	s6 =	sadd.s32 s6, s15;
	v6 =	vsel vm0, s19, v51;
	s24 =	sshrl.u32 s17, $0x1F;
	s31 =	smul.u32 $0x5397829D, s26  }
0x230: {  	s19 =	sshra.s32 s16, $0xC;
	v6 =	vsel vm1, s24, v6;
	s24 =	sshra.s32 s10, $0xC;
	s15 =	sadd.s32 s5, s8  }
0x231: {  	s26 =	sshra.s32 s28, $0x1F;
	s4 =	sadd.s32 s31, s4;
	s31 =	sshra.s32 s15, $0x1F  }
0x232: {  	s0 =	sadd.s32 s0, s29;
	s22 =	smul.u32 $0x5397829D, s26;
	v3 =	vmov s31;
	s31 =	sshra.s32 s6, $0xC  }
0x233: {  	s5 =	sshrl.u32 s6, $0x1F;
	s8 =	smulhi.u32 $0x5397829D, s28;
	s6 =	sshra.s32 s6, $0x1F;
	v3 =	vsel vm3, s31, v3  }
0x234: {  	v50 =	vmov s5;
	s5 =	smulhi.u32 $0x5397829D, s30;
	s30 =	sshra.s32 s30, $0x1F;
	s31 =	sshra.s32 s23, $0xC;
	v3 =	vsel vm9, s6, v3  }
0x235: {  	s29 =	sshrl.u32 s14, $0x1F;
	s18 =	smul.u32 $0x5397829D, s30;
	s30 =	sshra.s32 s23, $0x1F;
	v3 =	vsel vm0, s31, v3  }
0x236: {  	s26 =	sshrl.u32 s0, $0x1F;
	s28 =	sshrl.u32 s23, $0x1F;
	v5 =	vnsel vm3, $0x0, v50;
	s23 =	sshra.s32 s0, $0xC;
	v3 =	vsel vm10, s30, v3  }
0x237: {  	s20 =	sshrl.u32 s4, $0x1F;
	s8 =	sadd.s32 s22, s8;
	v5 =	vsel vm0, s28, v5;
	s0 =	sshra.s32 s0, $0x1F;
	v3 =	vsel vm1, s23, v3  }
0x238: {  	v6 =	vsel vm2, s29, v6;
	s22 =	sshra.s32 s13, $0xC;
	s25 =	sshrl.u32 s8, $0x1F;
	v5 =	vsel vm1, s26, v5;
	s26 =	sshra.s32 s4, $0xC;
	v3 =	vsel vm11, s0, v3  }
0x239: {  	v53 =	vmov s19;
	v4 =	vcombine.low v6, v4;
	s5 =	sadd.s32 s18, s5;
	s6 =	sshra.s32 s8, $0xC;
	s30 =	sshra.s32 s4, $0x1F;
	v3 =	vsel vm2, s26, v3  }
0x23a: {  	v7 =	vsel vm0, s22, v53;
	s18 =	sshra.s32 s12, $0xC;
	s31 =	smulhi.u32 $0x5397829D, s1;
	s1 =	sshra.s32 s1, $0x1F;
	v5 =	vsel vm2, s20, v5;
	v3 =	vsel vm12, s30, v3  }
0x23b: {  	s28 =	sshrl.u32 s5, $0x1F;
	s20 =	sshra.s32 s8, $0x1F;
	v52 =	vmov s18;
	s1 =	smul.u32 $0x5397829D, s1;
	v5 =	vsel vm4, s25, v5;
	v3 =	vsel vm4, s6, v3  }
0x23c: {  	s29 =	sshra.s32 s14, $0xC;
	v6 =	vsel vm0, s21, v52;
	s25 =	sshra.s32 s17, $0xC;
	v5 =	vsel vm5, s28, v5;
	s23 =	sshra.s32 s5, $0xC;
	v3 =	vsel vm13, s20, v3  }
0x23d: {  	v6 =	vsel vm1, s24, v6;
	s28 =	sshra.s32 s11, $0xC;
	v7 =	vsel vm1, s25, v7;
	s1 =	sadd.s32 s1, s31;
	s26 =	sshra.s32 s5, $0x1F;
	v3 =	vsel vm5, s23, v3  }
0x23e: {  	v6 =	vsel vm2, s28, v6;
	v7 =	vsel vm2, s29, v7;
	s30 =	sshra.s32 s1, $0xC;
	v3 =	vsel vm14, s26, v3  }
0x23f: {  	s31 =	sshrl.u32 s1, $0x1F;
	s4 =	sshra.s32 s1, $0x1F;
	v6 =	vcombine.low v7, v6;
	v3 =	vsel vm6, s30, v3  }
0x240: {  	v4 =	vperm.xlane v4, v0;
	s5 =	sshra.s32 s15, $0xC;
	v5 =	vsel vm6, s31, v5;
	s31 =	sshrl.u32 s15, $0x1F;
	v3 =	vsel vm15, s4, v3  }
0x241: {  	v5 =	vsel vm7, s31, v5;
	v6 =	vperm.xlane v6, v0;
	v3 =	vsel vm7, s5, v3  }
0x242: {  	v5 =	vperm.xlane v5, v1;
	v3 =	vperm.xlane v3, v1;
	_ =	sdelay $0x1  }
0x243: {  	v4 =	vsel vm8, v5, v4;
	v3 =	vsel vm8, v3, v6  }
0x244: {  	v3 =	vadd.s32 v4, v3  }
0x245: {  	v3 =	vmul.u32 $0x3100, v3;
	_ =	sdelay $0x1  }
0x246: {  	v2 =	vsub.s32 v2, v3  }
0x247: {  	(v2sf) =	vpush v2, $0x0;
	_ =	sdelay $0xa  }
0x248: {  	(v2sf) =	vpush v2, $0x1;
	_ =	sdelay $0x3  }
0x249: {  	s6 =	spop (v2sf)  }
0x24a: {  	s8 =	sshll.u32 s6, $0x9;
	s0 =	sshll.u32 s6, $0x7  }
0x24b: {  	s1 =	sand.u32 $0xFFFFF000, s8;
	s0 =	sand.u32 $0x380, s0  }
0x24c: {  	s9 =	sld [smem:$0x73E];
	s0 =	sor.u32 s0, s1  }
0x24d: {  	s0 =	sshrl.u32 s0, $0x3  }
0x24e: {  	s10 =	sld [smem:$0x73F];
	s0 =	sadd.s32 s2, s0  }
0x24f: {  	[tilespmem:s9], [sflag:$0x2] =	stream.linear.gather [hbm4b:s0+s3], $0x80, $0x38;
	[tilespmem:$0x8080] =	vst v63  }
0x250: {  	s12 =	sld [smem:$0x740];
	s11 =	sadd.s32 $0x80, s0  }
0x251: {  	(v2sf) =	vpush v2, $0x2;
	[tilespmem:s10], [sflag:$0x2] =	stream.linear.gather [hbm4b:s11+s3], $0x80, $0x38;
	[tilespmem:$0x8080] =	vst v63  }
0x252: {  	s14 =	sld [smem:$0x741];
	s13 =	sadd.s32 $0x100, s0  }
0x253: {  	[tilespmem:s12], [sflag:$0x2] =	stream.linear.gather [hbm4b:s13+s3], $0x80, $0x38;
	[tilespmem:$0x8080] =	vst v63  }
0x254: {  	s15 =	spop (v2sf);
	s0 =	sadd.s32 $0x180, s0  }
0x255: {  	[tilespmem:s14], [sflag:$0x2] =	stream.linear.gather [hbm4b:s0+s3], $0x80, $0x38;
	[tilespmem:$0x8080] =	vst v63  }
0x256: {  	s16 =	sshll.u32 s15, $0x9;
	s0 =	sshll.u32 s15, $0x7  }
0x257: {  	s1 =	sand.u32 $0xFFFFF000, s16;
	s0 =	sand.u32 $0x380, s0  }
0x258: {  	s17 =	sld [smem:$0x742];
	s0 =	sor.u32 s0, s1  }
0x259: {  	s0 =	sshrl.u32 s0, $0x3  }
0x25a: {  	s18 =	sld [smem:$0x743];
	s0 =	sadd.s32 s2, s0  }
0x25b: {  	[tilespmem:s17], [sflag:$0x2] =	stream.linear.gather [hbm4b:s0+s3], $0x80, $0x38;
	[tilespmem:$0x8080] =	vst v63  }
0x25c: {  	s20 =	sld [smem:$0x744];
	s19 =	sadd.s32 $0x80, s0  }
0x25d: {  	(v2sf) =	vpush v2, $0x3;
	[tilespmem:s18], [sflag:$0x2] =	stream.linear.gather [hbm4b:s19+s3], $0x80, $0x38;
	[tilespmem:$0x8080] =	vst v63  }
0x25e: {  	s22 =	sld [smem:$0x745];
	s21 =	sadd.s32 $0x100, s0  }
0x25f: {  	[tilespmem:s20], [sflag:$0x2] =	stream.linear.gather [hbm4b:s21+s3], $0x80, $0x38;
	[tilespmem:$0x8080] =	vst v63  }
0x260: {  	s23 =	spop (v2sf);
	s0 =	sadd.s32 $0x180, s0  }
0x261: {  	[tilespmem:s22], [sflag:$0x2] =	stream.linear.gather [hbm4b:s0+s3], $0x80, $0x38;
	[tilespmem:$0x8080] =	vst v63  }
0x262: {  	s24 =	sshll.u32 s23, $0x9;
	s0 =	sshll.u32 s23, $0x7  }
0x263: {  	s1 =	sand.u32 $0xFFFFF000, s24;
	s0 =	sand.u32 $0x380, s0  }
0x264: {  	s25 =	sld [smem:$0x746];
	s0 =	sor.u32 s0, s1  }
0x265: {  	s0 =	sshrl.u32 s0, $0x3  }
0x266: {  	s26 =	sld [smem:$0x747];
	s0 =	sadd.s32 s2, s0  }
0x267: {  	[tilespmem:s25], [sflag:$0x2] =	stream.linear.gather [hbm4b:s0+s3], $0x80, $0x38;
	[tilespmem:$0x8080] =	vst v63  }
0x268: {  	s29 =	sld [smem:$0x748];
	s28 =	sadd.s32 $0x80, s0  }
0x269: {  	(v2sf) =	vpush v2, $0x4;
	[tilespmem:s26], [sflag:$0x2] =	stream.linear.gather [hbm4b:s28+s3], $0x80, $0x38;
	[tilespmem:$0x8080] =	vst v63  }
0x26a: {  	s31 =	sld [smem:$0x749];
	s30 =	sadd.s32 $0x100, s0  }
0x26b: {  	[tilespmem:s29], [sflag:$0x2] =	stream.linear.gather [hbm4b:s30+s3], $0x80, $0x38;
	[tilespmem:$0x8080] =	vst v63  }
0x26c: {  	s6 =	spop (v2sf);
	s0 =	sadd.s32 $0x180, s0  }
0x26d: {  	[tilespmem:s31], [sflag:$0x2] =	stream.linear.gather [hbm4b:s0+s3], $0x80, $0x38;
	[tilespmem:$0x8080] =	vst v63  }
0x26e: {  	s8 =	sshll.u32 s6, $0x9;
	s0 =	sshll.u32 s6, $0x7  }
0x26f: {  	s1 =	sand.u32 $0xFFFFF000, s8;
	s0 =	sand.u32 $0x380, s0  }
0x270: {  	s9 =	sld [smem:$0x74A];
	s0 =	sor.u32 s0, s1  }
0x271: {  	s0 =	sshrl.u32 s0, $0x3  }
0x272: {  	s10 =	sld [smem:$0x74B];
	s0 =	sadd.s32 s2, s0  }
0x273: {  	[tilespmem:s9], [sflag:$0x2] =	stream.linear.gather [hbm4b:s0+s3], $0x80, $0x38;
	[tilespmem:$0x8080] =	vst v63  }
0x274: {  	s12 =	sld [smem:$0x74C];
	s11 =	sadd.s32 $0x80, s0  }
0x275: {  	(v2sf) =	vpush v2, $0x5;
	[tilespmem:s10], [sflag:$0x2] =	stream.linear.gather [hbm4b:s11+s3], $0x80, $0x38;
	[tilespmem:$0x8080] =	vst v63  }
0x276: {  	s14 =	sld [smem:$0x74D];
	s13 =	sadd.s32 $0x100, s0  }
0x277: {  	[tilespmem:s12], [sflag:$0x2] =	stream.linear.gather [hbm4b:s13+s3], $0x80, $0x38;
	[tilespmem:$0x8080] =	vst v63  }
0x278: {  	s15 =	spop (v2sf);
	s0 =	sadd.s32 $0x180, s0  }
0x279: {  	[tilespmem:s14], [sflag:$0x2] =	stream.linear.gather [hbm4b:s0+s3], $0x80, $0x38;
	[tilespmem:$0x8080] =	vst v63  }
0x27a: {  	s16 =	sshll.u32 s15, $0x9;
	s0 =	sshll.u32 s15, $0x7  }
0x27b: {  	s1 =	sand.u32 $0xFFFFF000, s16;
	s0 =	sand.u32 $0x380, s0  }
0x27c: {  	s17 =	sld [smem:$0x74E];
	s0 =	sor.u32 s0, s1  }
0x27d: {  	s0 =	sshrl.u32 s0, $0x3  }
0x27e: {  	s18 =	sld [smem:$0x74F];
	s0 =	sadd.s32 s2, s0  }
0x27f: {  	[tilespmem:s17], [sflag:$0x2] =	stream.linear.gather [hbm4b:s0+s3], $0x80, $0x38;
	[tilespmem:$0x8080] =	vst v63  }
0x280: {  	s20 =	sld [smem:$0x750];
	s19 =	sadd.s32 $0x80, s0  }
0x281: {  	(v2sf) =	vpush v2, $0x6;
	[tilespmem:s18], [sflag:$0x2] =	stream.linear.gather [hbm4b:s19+s3], $0x80, $0x38;
	[tilespmem:$0x8080] =	vst v63  }
0x282: {  	s22 =	sld [smem:$0x751];
	s21 =	sadd.s32 $0x100, s0  }
0x283: {  	[tilespmem:s20], [sflag:$0x2] =	stream.linear.gather [hbm4b:s21+s3], $0x80, $0x38;
	[tilespmem:$0x8080] =	vst v63  }
0x284: {  	s23 =	spop (v2sf);
	s0 =	sadd.s32 $0x180, s0  }
0x285: {  	[tilespmem:s22], [sflag:$0x2] =	stream.linear.gather [hbm4b:s0+s3], $0x80, $0x38;
	[tilespmem:$0x8080] =	vst v63  }
0x286: {  	s24 =	sshll.u32 s23, $0x9;
	s0 =	sshll.u32 s23, $0x7  }
0x287: {  	s1 =	sand.u32 $0xFFFFF000, s24;
	s0 =	sand.u32 $0x380, s0  }
0x288: {  	s25 =	sld [smem:$0x752];
	s0 =	sor.u32 s0, s1  }
0x289: {  	s0 =	sshrl.u32 s0, $0x3  }
0x28a: {  	s26 =	sld [smem:$0x753];
	s0 =	sadd.s32 s2, s0  }
0x28b: {  	[tilespmem:s25], [sflag:$0x2] =	stream.linear.gather [hbm4b:s0+s3], $0x80, $0x38;
	[tilespmem:$0x8080] =	vst v63  }
0x28c: {  	s29 =	sld [smem:$0x754];
	s28 =	sadd.s32 $0x80, s0  }
0x28d: {  	(v2sf) =	vpush v2, $0x7;
	[tilespmem:s26], [sflag:$0x2] =	stream.linear.gather [hbm4b:s28+s3], $0x80, $0x38;
	[tilespmem:$0x8080] =	vst v63  }
0x28e: {  	s31 =	sld [smem:$0x755];
	s30 =	sadd.s32 $0x100, s0  }
0x28f: {  	[tilespmem:s29], [sflag:$0x2] =	stream.linear.gather [hbm4b:s30+s3], $0x80, $0x38;
	[tilespmem:$0x8080] =	vst v63  }
0x290: {  	s6 =	spop (v2sf);
	s0 =	sadd.s32 $0x180, s0  }
0x291: {  	[tilespmem:s31], [sflag:$0x2] =	stream.linear.gather [hbm4b:s0+s3], $0x80, $0x38;
	[tilespmem:$0x8080] =	vst v63  }
0x292: {  	s8 =	sshll.u32 s6, $0x9;
	s0 =	sshll.u32 s6, $0x7  }
0x293: {  	s1 =	sand.u32 $0xFFFFF000, s8;
	s0 =	sand.u32 $0x380, s0  }
0x294: {  	s9 =	sld [smem:$0x756];
	s0 =	sor.u32 s0, s1  }
0x295: {  	s0 =	sshrl.u32 s0, $0x3  }
0x296: {  	s10 =	sld [smem:$0x757];
	s0 =	sadd.s32 s2, s0  }
0x297: {  	[tilespmem:s9], [sflag:$0x2] =	stream.linear.gather [hbm4b:s0+s3], $0x80, $0x38;
	[tilespmem:$0x8080] =	vst v63  }
0x298: {  	s12 =	sld [smem:$0x758];
	s11 =	sadd.s32 $0x80, s0  }
0x299: {  	(v2sf) =	vpush v2, $0x8;
	[tilespmem:s10], [sflag:$0x2] =	stream.linear.gather [hbm4b:s11+s3], $0x80, $0x38;
	[tilespmem:$0x8080] =	vst v63  }
0x29a: {  	s14 =	sld [smem:$0x759];
	s13 =	sadd.s32 $0x100, s0  }
0x29b: {  	[tilespmem:s12], [sflag:$0x2] =	stream.linear.gather [hbm4b:s13+s3], $0x80, $0x38;
	[tilespmem:$0x8080] =	vst v63  }
0x29c: {  	s15 =	spop (v2sf);
	s0 =	sadd.s32 $0x180, s0  }
0x29d: {  	[tilespmem:s14], [sflag:$0x2] =	stream.linear.gather [hbm4b:s0+s3], $0x80, $0x38;
	[tilespmem:$0x8080] =	vst v63  }
0x29e: {  	s16 =	sshll.u32 s15, $0x9;
	s0 =	sshll.u32 s15, $0x7  }
0x29f: {  	s1 =	sand.u32 $0xFFFFF000, s16;
	s0 =	sand.u32 $0x380, s0  }
0x2a0: {  	s17 =	sld [smem:$0x75A];
	s0 =	sor.u32 s0, s1  }
0x2a1: {  	s0 =	sshrl.u32 s0, $0x3  }
0x2a2: {  	s18 =	sld [smem:$0x75B];
	s0 =	sadd.s32 s2, s0  }
0x2a3: {  	[tilespmem:s17], [sflag:$0x2] =	stream.linear.gather [hbm4b:s0+s3], $0x80, $0x38;
	[tilespmem:$0x8080] =	vst v63  }
0x2a4: {  	s20 =	sld [smem:$0x75C];
	s19 =	sadd.s32 $0x80, s0  }
0x2a5: {  	(v2sf) =	vpush v2, $0x9;
	[tilespmem:s18], [sflag:$0x2] =	stream.linear.gather [hbm4b:s19+s3], $0x80, $0x38;
	[tilespmem:$0x8080] =	vst v63  }
0x2a6: {  	s22 =	sld [smem:$0x75D];
	s21 =	sadd.s32 $0x100, s0  }
0x2a7: {  	[tilespmem:s20], [sflag:$0x2] =	stream.linear.gather [hbm4b:s21+s3], $0x80, $0x38;
	[tilespmem:$0x8080] =	vst v63  }
0x2a8: {  	s23 =	spop (v2sf);
	s0 =	sadd.s32 $0x180, s0  }
0x2a9: {  	[tilespmem:s22], [sflag:$0x2] =	stream.linear.gather [hbm4b:s0+s3], $0x80, $0x38;
	[tilespmem:$0x8080] =	vst v63  }
0x2aa: {  	s24 =	sshll.u32 s23, $0x9;
	s0 =	sshll.u32 s23, $0x7  }
0x2ab: {  	s1 =	sand.u32 $0xFFFFF000, s24;
	s0 =	sand.u32 $0x380, s0  }
0x2ac: {  	s25 =	sld [smem:$0x75E];
	s0 =	sor.u32 s0, s1  }
0x2ad: {  	s0 =	sshrl.u32 s0, $0x3  }
0x2ae: {  	s26 =	sld [smem:$0x75F];
	s0 =	sadd.s32 s2, s0  }
0x2af: {  	[tilespmem:s25], [sflag:$0x2] =	stream.linear.gather [hbm4b:s0+s3], $0x80, $0x38;
	[tilespmem:$0x8080] =	vst v63  }
0x2b0: {  	s29 =	sld [smem:$0x760];
	s28 =	sadd.s32 $0x80, s0  }
0x2b1: {  	(v2sf) =	vpush v2, $0xA;
	[tilespmem:s26], [sflag:$0x2] =	stream.linear.gather [hbm4b:s28+s3], $0x80, $0x38;
	[tilespmem:$0x8080] =	vst v63  }
0x2b2: {  	s31 =	sld [smem:$0x761];
	s30 =	sadd.s32 $0x100, s0  }
0x2b3: {  	[tilespmem:s29], [sflag:$0x2] =	stream.linear.gather [hbm4b:s30+s3], $0x80, $0x38;
	[tilespmem:$0x8080] =	vst v63  }
0x2b4: {  	s6 =	spop (v2sf);
	s0 =	sadd.s32 $0x180, s0  }
0x2b5: {  	[tilespmem:s31], [sflag:$0x2] =	stream.linear.gather [hbm4b:s0+s3], $0x80, $0x38;
	[tilespmem:$0x8080] =	vst v63  }
0x2b6: {  	s8 =	sshll.u32 s6, $0x9;
	s0 =	sshll.u32 s6, $0x7  }
0x2b7: {  	s1 =	sand.u32 $0xFFFFF000, s8;
	s0 =	sand.u32 $0x380, s0  }
0x2b8: {  	s9 =	sld [smem:$0x762];
	s0 =	sor.u32 s0, s1  }
0x2b9: {  	s0 =	sshrl.u32 s0, $0x3  }
0x2ba: {  	s10 =	sld [smem:$0x763];
	s0 =	sadd.s32 s2, s0  }
0x2bb: {  	[tilespmem:s9], [sflag:$0x2] =	stream.linear.gather [hbm4b:s0+s3], $0x80, $0x38;
	[tilespmem:$0x8080] =	vst v63  }
0x2bc: {  	s12 =	sld [smem:$0x764];
	s11 =	sadd.s32 $0x80, s0  }
0x2bd: {  	(v2sf) =	vpush v2, $0xB;
	[tilespmem:s10], [sflag:$0x2] =	stream.linear.gather [hbm4b:s11+s3], $0x80, $0x38;
	[tilespmem:$0x8080] =	vst v63  }
0x2be: {  	s14 =	sld [smem:$0x765];
	s13 =	sadd.s32 $0x100, s0  }
0x2bf: {  	[tilespmem:s12], [sflag:$0x2] =	stream.linear.gather [hbm4b:s13+s3], $0x80, $0x38;
	[tilespmem:$0x8080] =	vst v63  }
0x2c0: {  	s15 =	spop (v2sf);
	s0 =	sadd.s32 $0x180, s0  }
0x2c1: {  	[tilespmem:s14], [sflag:$0x2] =	stream.linear.gather [hbm4b:s0+s3], $0x80, $0x38;
	[tilespmem:$0x8080] =	vst v63  }
0x2c2: {  	s16 =	sshll.u32 s15, $0x9;
	s0 =	sshll.u32 s15, $0x7  }
0x2c3: {  	s1 =	sand.u32 $0xFFFFF000, s16;
	s0 =	sand.u32 $0x380, s0  }
0x2c4: {  	s17 =	sld [smem:$0x766];
	s0 =	sor.u32 s0, s1  }
0x2c5: {  	s0 =	sshrl.u32 s0, $0x3  }
0x2c6: {  	s18 =	sld [smem:$0x767];
	s0 =	sadd.s32 s2, s0  }
0x2c7: {  	[tilespmem:s17], [sflag:$0x2] =	stream.linear.gather [hbm4b:s0+s3], $0x80, $0x38;
	[tilespmem:$0x8080] =	vst v63  }
0x2c8: {  	s20 =	sld [smem:$0x768];
	s19 =	sadd.s32 $0x80, s0  }
0x2c9: {  	(v2sf) =	vpush v2, $0xC;
	[tilespmem:s18], [sflag:$0x2] =	stream.linear.gather [hbm4b:s19+s3], $0x80, $0x38;
	[tilespmem:$0x8080] =	vst v63  }
0x2ca: {  	s22 =	sld [smem:$0x769];
	s21 =	sadd.s32 $0x100, s0  }
0x2cb: {  	[tilespmem:s20], [sflag:$0x2] =	stream.linear.gather [hbm4b:s21+s3], $0x80, $0x38;
	[tilespmem:$0x8080] =	vst v63  }
0x2cc: {  	s23 =	spop (v2sf);
	s0 =	sadd.s32 $0x180, s0  }
0x2cd: {  	[tilespmem:s22], [sflag:$0x2] =	stream.linear.gather [hbm4b:s0+s3], $0x80, $0x38;
	[tilespmem:$0x8080] =	vst v63  }
0x2ce: {  	s24 =	sshll.u32 s23, $0x9;
	s0 =	sshll.u32 s23, $0x7  }
0x2cf: {  	s1 =	sand.u32 $0xFFFFF000, s24;
	s0 =	sand.u32 $0x380, s0  }
0x2d0: {  	s25 =	sld [smem:$0x76A];
	s0 =	sor.u32 s0, s1  }
0x2d1: {  	s0 =	sshrl.u32 s0, $0x3  }
0x2d2: {  	s26 =	sld [smem:$0x76B];
	s0 =	sadd.s32 s2, s0  }
0x2d3: {  	[tilespmem:s25], [sflag:$0x2] =	stream.linear.gather [hbm4b:s0+s3], $0x80, $0x38;
	[tilespmem:$0x8080] =	vst v63  }
0x2d4: {  	s29 =	sld [smem:$0x76C];
	s28 =	sadd.s32 $0x80, s0  }
0x2d5: {  	(v2sf) =	vpush v2, $0xD;
	[tilespmem:s26], [sflag:$0x2] =	stream.linear.gather [hbm4b:s28+s3], $0x80, $0x38;
	[tilespmem:$0x8080] =	vst v63  }
0x2d6: {  	s31 =	sld [smem:$0x76D];
	s30 =	sadd.s32 $0x100, s0  }
0x2d7: {  	[tilespmem:s29], [sflag:$0x2] =	stream.linear.gather [hbm4b:s30+s3], $0x80, $0x38;
	[tilespmem:$0x8080] =	vst v63  }
0x2d8: {  	s6 =	spop (v2sf);
	s0 =	sadd.s32 $0x180, s0  }
0x2d9: {  	[tilespmem:s31], [sflag:$0x2] =	stream.linear.gather [hbm4b:s0+s3], $0x80, $0x38;
	[tilespmem:$0x8080] =	vst v63  }
0x2da: {  	s8 =	sshll.u32 s6, $0x9;
	s0 =	sshll.u32 s6, $0x7  }
0x2db: {  	s1 =	sand.u32 $0xFFFFF000, s8;
	s0 =	sand.u32 $0x380, s0  }
0x2dc: {  	s9 =	sld [smem:$0x76E];
	s0 =	sor.u32 s0, s1  }
0x2dd: {  	s0 =	sshrl.u32 s0, $0x3  }
0x2de: {  	s10 =	sld [smem:$0x76F];
	s0 =	sadd.s32 s2, s0  }
0x2df: {  	[tilespmem:s9], [sflag:$0x2] =	stream.linear.gather [hbm4b:s0+s3], $0x80, $0x38;
	[tilespmem:$0x8080] =	vst v63  }
0x2e0: {  	s12 =	sld [smem:$0x770];
	s11 =	sadd.s32 $0x80, s0  }
0x2e1: {  	(v2sf) =	vpush v2, $0xE;
	[tilespmem:s10], [sflag:$0x2] =	stream.linear.gather [hbm4b:s11+s3], $0x80, $0x38;
	[tilespmem:$0x8080] =	vst v63  }
0x2e2: {  	s14 =	sld [smem:$0x771];
	s13 =	sadd.s32 $0x100, s0  }
0x2e3: {  	[tilespmem:s12], [sflag:$0x2] =	stream.linear.gather [hbm4b:s13+s3], $0x80, $0x38;
	[tilespmem:$0x8080] =	vst v63  }
0x2e4: {  	s15 =	spop (v2sf);
	s0 =	sadd.s32 $0x180, s0  }
0x2e5: {  	[tilespmem:s14], [sflag:$0x2] =	stream.linear.gather [hbm4b:s0+s3], $0x80, $0x38;
	[tilespmem:$0x8080] =	vst v63  }
0x2e6: {  	s16 =	sshll.u32 s15, $0x9;
	s0 =	sshll.u32 s15, $0x7  }
0x2e7: {  	s1 =	sand.u32 $0xFFFFF000, s16;
	s0 =	sand.u32 $0x380, s0  }
0x2e8: {  	s17 =	sld [smem:$0x772];
	s0 =	sor.u32 s0, s1  }
0x2e9: {  	s0 =	sshrl.u32 s0, $0x3  }
0x2ea: {  	s18 =	sld [smem:$0x773];
	s0 =	sadd.s32 s2, s0  }
0x2eb: {  	[tilespmem:s17], [sflag:$0x2] =	stream.linear.gather [hbm4b:s0+s3], $0x80, $0x38;
	[tilespmem:$0x8080] =	vst v63  }
0x2ec: {  	s20 =	sld [smem:$0x774];
	s19 =	sadd.s32 $0x80, s0  }
0x2ed: {  	(v2sf) =	vpush v2, $0xF;
	[tilespmem:s18], [sflag:$0x2] =	stream.linear.gather [hbm4b:s19+s3], $0x80, $0x38;
	[tilespmem:$0x8080] =	vst v63  }
0x2ee: {  	s22 =	sld [smem:$0x775];
	s21 =	sadd.s32 $0x100, s0  }
0x2ef: {  	[tilespmem:s20], [sflag:$0x2] =	stream.linear.gather [hbm4b:s21+s3], $0x80, $0x38;
	[tilespmem:$0x8080] =	vst v63  }
0x2f0: {  	s23 =	spop (v2sf);
	s0 =	sadd.s32 $0x180, s0  }
0x2f1: {  	[tilespmem:s22], [sflag:$0x2] =	stream.linear.gather [hbm4b:s0+s3], $0x80, $0x38;
	[tilespmem:$0x8080] =	vst v63  }
0x2f2: {  	s24 =	sshll.u32 s23, $0x9;
	s0 =	sshll.u32 s23, $0x7  }
0x2f3: {  	s1 =	sand.u32 $0xFFFFF000, s24;
	s0 =	sand.u32 $0x380, s0  }
0x2f4: {  	s25 =	sld [smem:$0x776];
	s0 =	sor.u32 s0, s1  }
0x2f5: {  	s0 =	sshrl.u32 s0, $0x3  }
0x2f6: {  	s26 =	sld [smem:$0x777];
	s0 =	sadd.s32 s2, s0  }
0x2f7: {  	[tilespmem:s25], [sflag:$0x2] =	stream.linear.gather [hbm4b:s0+s3], $0x80, $0x38;
	[tilespmem:$0x8080] =	vst v63  }
0x2f8: {  	s29 =	sld [smem:$0x778];
	s28 =	sadd.s32 $0x80, s0  }
0x2f9: {  	[tilespmem:s26], [sflag:$0x2] =	stream.linear.gather [hbm4b:s28+s3], $0x80, $0x38;
	[tilespmem:$0x8080] =	vst v63  }
0x2fa: {  	s31 =	sld [smem:$0x779];
	s30 =	sadd.s32 $0x100, s0  }
0x2fb: {  	[tilespmem:s29], [sflag:$0x2] =	stream.linear.gather [hbm4b:s30+s3], $0x80, $0x38;
	[tilespmem:$0x8080] =	vst v63  }
0x2fc: {  	s5 =	spop (v2sf);
	s0 =	sadd.s32 $0x180, s0  }
0x2fd: {  	[tilespmem:s31], [sflag:$0x2] =	stream.linear.gather [hbm4b:s0+s3], $0x80, $0x38;
	[tilespmem:$0x8080] =	vst v63  }
0x2fe: {  	s6 =	sshll.u32 s5, $0x9;
	s0 =	sshll.u32 s5, $0x7  }
0x2ff: {  	s1 =	sand.u32 $0xFFFFF000, s6;
	s0 =	sand.u32 $0x380, s0  }
0x300: {  	s8 =	sld [smem:$0x77A];
	s0 =	sor.u32 s0, s1  }
0x301: {  	s0 =	sshrl.u32 s0, $0x3  }
0x302: {  	s9 =	sld [smem:$0x77B];
	s0 =	sadd.s32 s2, s0  }
0x303: {  	[tilespmem:s8], [sflag:$0x2] =	stream.linear.gather [hbm4b:s0+s3], $0x80, $0x38;
	[tilespmem:$0x8080] =	vst v63  }
0x304: {  	s11 =	sld [smem:$0x77C];
	s10 =	sadd.s32 $0x80, s0  }
0x305: {  	[tilespmem:s9], [sflag:$0x2] =	stream.linear.gather [hbm4b:s10+s3], $0x80, $0x38;
	[tilespmem:$0x8080] =	vst v63  }
0x306: {  	s13 =	sld [smem:$0x77D];
	s12 =	sadd.s32 $0x100, s0  }
0x307: {  	[tilespmem:s11], [sflag:$0x2] =	stream.linear.gather [hbm4b:s12+s3], $0x80, $0x38;
	[tilespmem:$0x8080] =	vst v63  }
0x308: {  	s0 =	sadd.s32 $0x180, s0  }
0x309: {  	[tilespmem:s13], [sflag:$0x2] =	stream.linear.gather [hbm4b:s0+s3], $0x80, $0x38;
	[tilespmem:$0x8080] =	vst v63  }
0x30a: {  	v2 =	vld [tilespmem:$0x20];
	_ =	sdelay $0x4  }
0x30b: {  	(v2sf) =	vpush v2, $0xD  }
0x30c: {  	(v2sf) =	vpush v2, $0xC  }
0x30d: {  	(v2sf) =	vpush v2, $0xE  }
0x30e: {  	(v2sf) =	vpush v2, $0xF  }
0x30f: {  	(v2sf) =	vpush v2, $0x9  }
0x310: {  	(v2sf) =	vpush v2, $0x8  }
0x311: {  	(v2sf) =	vpush v2, $0xA  }
0x312: {  	(v2sf) =	vpush v2, $0xB  }
0x313: {  	(v2sf) =	vpush v2, $0x0;
	_ =	sdelay $0x6  }
0x314: {  	s14 =	spop (v2sf)  }
0x315: {  	s15 =	spop (v2sf)  }
0x316: {  	s16 =	spop (v2sf)  }
0x317: {  	s17 =	spop (v2sf)  }
0x318: {  	s18 =	spop (v2sf)  }
0x319: {  	s19 =	spop (v2sf)  }
0x31a: {  	s20 =	spop (v2sf)  }
0x31b: {  	s21 =	spop (v2sf)  }
0x31c: {  	s30 =	smulhi.u32 $0x5397829D, s14;
	s0 =	sshra.s32 s14, $0x1F;
	s31 =	spop (v2sf)  }
0x31d: {  	s0 =	smul.u32 $0x5397829D, s0;
	(v2sf) =	vpush v2, $0x1  }
0x31e: {  	s22 =	smulhi.u32 $0x5397829D, s15;
	s1 =	sshra.s32 s15, $0x1F;
	(v2sf) =	vpush v2, $0x2  }
0x31f: {  	s1 =	smul.u32 $0x5397829D, s1;
	(v2sf) =	vpush v2, $0x3  }
0x320: {  	s23 =	smulhi.u32 $0x5397829D, s16;
	s4 =	sshra.s32 s16, $0x1F;
	(v2sf) =	vpush v2, $0x4  }
0x321: {  	s4 =	smul.u32 $0x5397829D, s4;
	(v2sf) =	vpush v2, $0x5  }
0x322: {  	s24 =	smulhi.u32 $0x5397829D, s17;
	s5 =	sshra.s32 s17, $0x1F;
	(v2sf) =	vpush v2, $0x6  }
0x323: {  	s5 =	smul.u32 $0x5397829D, s5;
	(v2sf) =	vpush v2, $0x7  }
0x324: {  	s25 =	smulhi.u32 $0x5397829D, s18;
	s6 =	sshra.s32 s18, $0x1F  }
0x325: {  	s26 =	smul.u32 $0x5397829D, s6  }
0x326: {  	s10 =	sadd.s32 s0, s30;
	s28 =	smulhi.u32 $0x5397829D, s19;
	s29 =	sshra.s32 s19, $0x1F  }
0x327: {  	s12 =	sadd.s32 s1, s22;
	s8 =	sshrl.u32 s10, $0x1F;
	s6 =	smul.u32 $0x5397829D, s29  }
0x328: {  	s11 =	sadd.s32 s4, s23;
	s4 =	smulhi.u32 $0x5397829D, s20;
	s30 =	sshra.s32 s20, $0x1F  }
0x329: {  	s19 =	sshrl.u32 s12, $0x1F;
	s9 =	sadd.s32 s5, s24;
	s5 =	smul.u32 $0x5397829D, s30  }
0x32a: {  	s20 =	sshrl.u32 s11, $0x1F;
	s0 =	smulhi.u32 $0x5397829D, s21;
	s14 =	sshra.s32 s21, $0x1F  }
0x32b: {  	s13 =	sadd.s32 s26, s25;
	s21 =	sshrl.u32 s9, $0x1F;
	s14 =	smul.u32 $0x5397829D, s14  }
0x32c: {  	s22 =	smulhi.u32 $0x5397829D, s31;
	s15 =	sshra.s32 s31, $0x1F;
	s31 =	spop (v2sf)  }
0x32d: {  	s18 =	sshrl.u32 s13, $0x1F;
	s1 =	smul.u32 $0x5397829D, s15;
	s15 =	spop (v2sf)  }
0x32e: {  	s25 =	smulhi.u32 $0x5397829D, s31;
	s17 =	sshra.s32 s31, $0x1F;
	s23 =	spop (v2sf)  }
0x32f: {  	s16 =	sadd.s32 s6, s28;
	s30 =	smul.u32 $0x5397829D, s17;
	s26 =	spop (v2sf)  }
0x330: {  	s28 =	smulhi.u32 $0x5397829D, s15;
	s6 =	sshra.s32 s15, $0x1F;
	s29 =	spop (v2sf)  }
0x331: {  	s17 =	sadd.s32 s5, s4;
	s4 =	smul.u32 $0x5397829D, s6;
	s5 =	spop (v2sf)  }
0x332: {  	s14 =	sadd.s32 s14, s0;
	s0 =	smulhi.u32 $0x5397829D, s23;
	s31 =	spop (v2sf)  }
0x333: {  	s1 =	sadd.s32 s1, s22;
	s22 =	smulhi.u32 $0x5397829D, s31;
	s6 =	sshra.s32 s31, $0x1F  }
0x334: {  	s25 =	sadd.s32 s30, s25;
	s30 =	sshra.s32 s23, $0x1F;
	s6 =	smul.u32 $0x5397829D, s6  }
0x335: {  	s24 =	sshrl.u32 s16, $0x1F;
	s23 =	sshrl.u32 s17, $0x1F;
	s31 =	smul.u32 $0x5397829D, s30  }
0x336: {  	s4 =	sadd.s32 s4, s28;
	s28 =	sshrl.u32 s25, $0x1F;
	s15 =	sadd.s32 s6, s22  }
0x337: {  	s30 =	sshrl.u32 s14, $0x1F;
	s0 =	sadd.s32 s31, s0;
	s31 =	sshra.s32 s15, $0x1F  }
0x338: {  	v56 =	vmov s24;
	s22 =	smulhi.u32 $0x5397829D, s26;
	s26 =	sshra.s32 s26, $0x1F;
	v3 =	vmov s31;
	s31 =	sshra.s32 s1, $0xC  }
0x339: {  	v54 =	vmov s19;
	v6 =	vsel vm0, s18, v56;
	s6 =	sshrl.u32 s1, $0x1F;
	s19 =	smul.u32 $0x5397829D, s26;
	s1 =	sshra.s32 s1, $0x1F;
	v3 =	vsel vm3, s31, v3  }
0x33a: {  	v6 =	vsel vm1, s23, v6;
	v55 =	vmov s6;
	s6 =	smulhi.u32 $0x5397829D, s29;
	s29 =	sshra.s32 s29, $0x1F;
	s31 =	sshra.s32 s25, $0xC;
	v3 =	vsel vm9, s1, v3  }
0x33b: {  	v4 =	vsel vm0, s8, v54;
	v6 =	vsel vm2, s30, v6;
	s30 =	sshra.s32 s10, $0xC;
	s8 =	smul.u32 $0x5397829D, s29;
	s25 =	sshra.s32 s25, $0x1F;
	v3 =	vsel vm0, s31, v3  }
0x33c: {  	s26 =	sshrl.u32 s4, $0x1F;
	s29 =	smulhi.u32 $0x5397829D, s5;
	s31 =	sshra.s32 s4, $0xC;
	v3 =	vsel vm10, s25, v3  }
0x33d: {  	v4 =	vsel vm1, s20, v4;
	v5 =	vnsel vm3, $0x0, v55;
	s5 =	sshra.s32 s5, $0x1F;
	s19 =	sadd.s32 s19, s22;
	s4 =	sshra.s32 s4, $0x1F;
	v3 =	vsel vm1, s31, v3  }
0x33e: {  	v4 =	vsel vm2, s21, v4;
	v5 =	vsel vm0, s28, v5;
	s5 =	smul.u32 $0x5397829D, s5;
	s22 =	sshra.s32 s0, $0xC;
	s28 =	sshra.s32 s16, $0xC;
	v3 =	vsel vm11, s4, v3  }
0x33f: {  	v4 =	vcombine.low v6, v4;
	s1 =	sshrl.u32 s0, $0x1F;
	v5 =	vsel vm1, s26, v5;
	s20 =	sshrl.u32 s19, $0x1F;
	s0 =	sshra.s32 s0, $0x1F;
	v3 =	vsel vm2, s22, v3  }
0x340: {  	s6 =	sadd.s32 s8, s6;
	s26 =	sshra.s32 s12, $0xC;
	v58 =	vmov s28;
	v5 =	vsel vm2, s1, v5;
	s25 =	sshra.s32 s19, $0xC;
	v3 =	vsel vm12, s0, v3  }
0x341: {  	s23 =	sshrl.u32 s6, $0x1F;
	s5 =	sadd.s32 s5, s29;
	s29 =	sshra.s32 s19, $0x1F;
	v57 =	vmov s26;
	v5 =	vsel vm4, s20, v5;
	v3 =	vsel vm4, s25, v3  }
0x342: {  	s12 =	sshra.s32 s11, $0xC;
	s10 =	sshra.s32 s6, $0xC;
	v6 =	vsel vm0, s30, v57;
	v5 =	vsel vm5, s23, v5;
	s31 =	sshra.s32 s13, $0xC;
	v3 =	vsel vm13, s29, v3  }
0x343: {  	s16 =	sshra.s32 s6, $0x1F;
	s24 =	sshrl.u32 s5, $0x1F;
	s13 =	sshra.s32 s17, $0xC;
	v6 =	vsel vm1, s12, v6;
	v7 =	vsel vm0, s31, v58;
	v3 =	vsel vm5, s10, v3  }
0x344: {  	s18 =	sshra.s32 s14, $0xC;
	s19 =	sshra.s32 s5, $0xC;
	s17 =	sshra.s32 s9, $0xC;
	v5 =	vsel vm6, s24, v5;
	v7 =	vsel vm1, s13, v7;
	v3 =	vsel vm14, s16, v3  }
0x345: {  	s20 =	sshrl.u32 s15, $0x1F;
	s21 =	sshra.s32 s5, $0x1F;
	v6 =	vsel vm2, s17, v6;
	v7 =	vsel vm2, s18, v7;
	v3 =	vsel vm6, s19, v3  }
0x346: {  	v5 =	vsel vm7, s20, v5;
	s22 =	sshra.s32 s15, $0xC;
	v6 =	vcombine.low v7, v6;
	v3 =	vsel vm15, s21, v3  }
0x347: {  	v4 =	vperm.xlane v4, v0;
	v5 =	vperm.xlane v5, v1;
	v3 =	vsel vm7, s22, v3  }
0x348: {  	v6 =	vperm.xlane v6, v0;
	v3 =	vperm.xlane v3, v1;
	_ =	sdelay $0x1  }
0x349: {  	v4 =	vsel vm8, v5, v4;
	v3 =	vsel vm8, v3, v6  }
0x34a: {  	v3 =	vadd.s32 v4, v3  }
0x34b: {  	v3 =	vmul.u32 $0x3100, v3;
	_ =	sdelay $0x1  }
0x34c: {  	v2 =	vsub.s32 v2, v3  }
0x34d: {  	(v2sf) =	vpush v2, $0x0;
	_ =	sdelay $0xa  }
0x34e: {  	(v2sf) =	vpush v2, $0x1;
	_ =	sdelay $0x3  }
0x34f: {  	s23 =	spop (v2sf)  }
0x350: {  	s24 =	sshll.u32 s23, $0x9;
	s0 =	sshll.u32 s23, $0x7  }
0x351: {  	s1 =	sand.u32 $0xFFFFF000, s24;
	s0 =	sand.u32 $0x380, s0  }
0x352: {  	s25 =	sld [smem:$0x77E];
	s0 =	sor.u32 s0, s1  }
0x353: {  	s0 =	sshrl.u32 s0, $0x3  }
0x354: {  	s26 =	sld [smem:$0x77F];
	s0 =	sadd.s32 s2, s0  }
0x355: {  	[tilespmem:s25], [sflag:$0x2] =	stream.linear.gather [hbm4b:s0+s3], $0x80, $0x38;
	[tilespmem:$0x8080] =	vst v63  }
0x356: {  	s29 =	sld [smem:$0x780];
	s28 =	sadd.s32 $0x80, s0  }
0x357: {  	(v2sf) =	vpush v2, $0x2;
	[tilespmem:s26], [sflag:$0x2] =	stream.linear.gather [hbm4b:s28+s3], $0x80, $0x38;
	[tilespmem:$0x8080] =	vst v63  }
0x358: {  	s31 =	sld [smem:$0x781];
	s30 =	sadd.s32 $0x100, s0  }
0x359: {  	[tilespmem:s29], [sflag:$0x2] =	stream.linear.gather [hbm4b:s30+s3], $0x80, $0x38;
	[tilespmem:$0x8080] =	vst v63  }
0x35a: {  	s6 =	spop (v2sf);
	s0 =	sadd.s32 $0x180, s0  }
0x35b: {  	[tilespmem:s31], [sflag:$0x2] =	stream.linear.gather [hbm4b:s0+s3], $0x80, $0x38;
	[tilespmem:$0x8080] =	vst v63  }
0x35c: {  	s8 =	sshll.u32 s6, $0x9;
	s0 =	sshll.u32 s6, $0x7  }
0x35d: {  	s1 =	sand.u32 $0xFFFFF000, s8;
	s0 =	sand.u32 $0x380, s0  }
0x35e: {  	s9 =	sld [smem:$0x782];
	s0 =	sor.u32 s0, s1  }
0x35f: {  	s0 =	sshrl.u32 s0, $0x3  }
0x360: {  	s10 =	sld [smem:$0x783];
	s0 =	sadd.s32 s2, s0  }
0x361: {  	[tilespmem:s9], [sflag:$0x2] =	stream.linear.gather [hbm4b:s0+s3], $0x80, $0x38;
	[tilespmem:$0x8080] =	vst v63  }
0x362: {  	s12 =	sld [smem:$0x784];
	s11 =	sadd.s32 $0x80, s0  }
0x363: {  	(v2sf) =	vpush v2, $0x3;
	[tilespmem:s10], [sflag:$0x2] =	stream.linear.gather [hbm4b:s11+s3], $0x80, $0x38;
	[tilespmem:$0x8080] =	vst v63  }
0x364: {  	s14 =	sld [smem:$0x785];
	s13 =	sadd.s32 $0x100, s0  }
0x365: {  	[tilespmem:s12], [sflag:$0x2] =	stream.linear.gather [hbm4b:s13+s3], $0x80, $0x38;
	[tilespmem:$0x8080] =	vst v63  }
0x366: {  	s15 =	spop (v2sf);
	s0 =	sadd.s32 $0x180, s0  }
0x367: {  	[tilespmem:s14], [sflag:$0x2] =	stream.linear.gather [hbm4b:s0+s3], $0x80, $0x38;
	[tilespmem:$0x8080] =	vst v63  }
0x368: {  	s16 =	sshll.u32 s15, $0x9;
	s0 =	sshll.u32 s15, $0x7  }
0x369: {  	s1 =	sand.u32 $0xFFFFF000, s16;
	s0 =	sand.u32 $0x380, s0  }
0x36a: {  	s17 =	sld [smem:$0x786];
	s0 =	sor.u32 s0, s1  }
0x36b: {  	s0 =	sshrl.u32 s0, $0x3  }
0x36c: {  	s18 =	sld [smem:$0x787];
	s0 =	sadd.s32 s2, s0  }
0x36d: {  	[tilespmem:s17], [sflag:$0x2] =	stream.linear.gather [hbm4b:s0+s3], $0x80, $0x38;
	[tilespmem:$0x8080] =	vst v63  }
0x36e: {  	s20 =	sld [smem:$0x788];
	s19 =	sadd.s32 $0x80, s0  }
0x36f: {  	(v2sf) =	vpush v2, $0x4;
	[tilespmem:s18], [sflag:$0x2] =	stream.linear.gather [hbm4b:s19+s3], $0x80, $0x38;
	[tilespmem:$0x8080] =	vst v63  }
0x370: {  	s22 =	sld [smem:$0x789];
	s21 =	sadd.s32 $0x100, s0  }
0x371: {  	[tilespmem:s20], [sflag:$0x2] =	stream.linear.gather [hbm4b:s21+s3], $0x80, $0x38;
	[tilespmem:$0x8080] =	vst v63  }
0x372: {  	s23 =	spop (v2sf);
	s0 =	sadd.s32 $0x180, s0  }
0x373: {  	[tilespmem:s22], [sflag:$0x2] =	stream.linear.gather [hbm4b:s0+s3], $0x80, $0x38;
	[tilespmem:$0x8080] =	vst v63  }
0x374: {  	s24 =	sshll.u32 s23, $0x9;
	s0 =	sshll.u32 s23, $0x7  }
0x375: {  	s1 =	sand.u32 $0xFFFFF000, s24;
	s0 =	sand.u32 $0x380, s0  }
0x376: {  	s25 =	sld [smem:$0x78A];
	s0 =	sor.u32 s0, s1  }
0x377: {  	s0 =	sshrl.u32 s0, $0x3  }
0x378: {  	s26 =	sld [smem:$0x78B];
	s0 =	sadd.s32 s2, s0  }
0x379: {  	[tilespmem:s25], [sflag:$0x2] =	stream.linear.gather [hbm4b:s0+s3], $0x80, $0x38;
	[tilespmem:$0x8080] =	vst v63  }
0x37a: {  	s29 =	sld [smem:$0x78C];
	s28 =	sadd.s32 $0x80, s0  }
0x37b: {  	(v2sf) =	vpush v2, $0x5;
	[tilespmem:s26], [sflag:$0x2] =	stream.linear.gather [hbm4b:s28+s3], $0x80, $0x38;
	[tilespmem:$0x8080] =	vst v63  }
0x37c: {  	s31 =	sld [smem:$0x78D];
	s30 =	sadd.s32 $0x100, s0  }
0x37d: {  	[tilespmem:s29], [sflag:$0x2] =	stream.linear.gather [hbm4b:s30+s3], $0x80, $0x38;
	[tilespmem:$0x8080] =	vst v63  }
0x37e: {  	s6 =	spop (v2sf);
	s0 =	sadd.s32 $0x180, s0  }
0x37f: {  	[tilespmem:s31], [sflag:$0x2] =	stream.linear.gather [hbm4b:s0+s3], $0x80, $0x38;
	[tilespmem:$0x8080] =	vst v63  }
0x380: {  	s8 =	sshll.u32 s6, $0x9;
	s0 =	sshll.u32 s6, $0x7  }
0x381: {  	s1 =	sand.u32 $0xFFFFF000, s8;
	s0 =	sand.u32 $0x380, s0  }
0x382: {  	s9 =	sld [smem:$0x78E];
	s0 =	sor.u32 s0, s1  }
0x383: {  	s0 =	sshrl.u32 s0, $0x3  }
0x384: {  	s10 =	sld [smem:$0x78F];
	s0 =	sadd.s32 s2, s0  }
0x385: {  	[tilespmem:s9], [sflag:$0x2] =	stream.linear.gather [hbm4b:s0+s3], $0x80, $0x38;
	[tilespmem:$0x8080] =	vst v63  }
0x386: {  	s12 =	sld [smem:$0x790];
	s11 =	sadd.s32 $0x80, s0  }
0x387: {  	(v2sf) =	vpush v2, $0x6;
	[tilespmem:s10], [sflag:$0x2] =	stream.linear.gather [hbm4b:s11+s3], $0x80, $0x38;
	[tilespmem:$0x8080] =	vst v63  }
0x388: {  	s14 =	sld [smem:$0x791];
	s13 =	sadd.s32 $0x100, s0  }
0x389: {  	[tilespmem:s12], [sflag:$0x2] =	stream.linear.gather [hbm4b:s13+s3], $0x80, $0x38;
	[tilespmem:$0x8080] =	vst v63  }
0x38a: {  	s15 =	spop (v2sf);
	s0 =	sadd.s32 $0x180, s0  }
0x38b: {  	[tilespmem:s14], [sflag:$0x2] =	stream.linear.gather [hbm4b:s0+s3], $0x80, $0x38;
	[tilespmem:$0x8080] =	vst v63  }
0x38c: {  	s16 =	sshll.u32 s15, $0x9;
	s0 =	sshll.u32 s15, $0x7  }
0x38d: {  	s1 =	sand.u32 $0xFFFFF000, s16;
	s0 =	sand.u32 $0x380, s0  }
0x38e: {  	s17 =	sld [smem:$0x792];
	s0 =	sor.u32 s0, s1  }
0x38f: {  	s0 =	sshrl.u32 s0, $0x3  }
0x390: {  	s18 =	sld [smem:$0x793];
	s0 =	sadd.s32 s2, s0  }
0x391: {  	[tilespmem:s17], [sflag:$0x2] =	stream.linear.gather [hbm4b:s0+s3], $0x80, $0x38;
	[tilespmem:$0x8080] =	vst v63  }
0x392: {  	s20 =	sld [smem:$0x794];
	s19 =	sadd.s32 $0x80, s0  }
0x393: {  	(v2sf) =	vpush v2, $0x7;
	[tilespmem:s18], [sflag:$0x2] =	stream.linear.gather [hbm4b:s19+s3], $0x80, $0x38;
	[tilespmem:$0x8080] =	vst v63  }
0x394: {  	s22 =	sld [smem:$0x795];
	s21 =	sadd.s32 $0x100, s0  }
0x395: {  	[tilespmem:s20], [sflag:$0x2] =	stream.linear.gather [hbm4b:s21+s3], $0x80, $0x38;
	[tilespmem:$0x8080] =	vst v63  }
0x396: {  	s23 =	spop (v2sf);
	s0 =	sadd.s32 $0x180, s0  }
0x397: {  	[tilespmem:s22], [sflag:$0x2] =	stream.linear.gather [hbm4b:s0+s3], $0x80, $0x38;
	[tilespmem:$0x8080] =	vst v63  }
0x398: {  	s24 =	sshll.u32 s23, $0x9;
	s0 =	sshll.u32 s23, $0x7  }
0x399: {  	s1 =	sand.u32 $0xFFFFF000, s24;
	s0 =	sand.u32 $0x380, s0  }
0x39a: {  	s25 =	sld [smem:$0x796];
	s0 =	sor.u32 s0, s1  }
0x39b: {  	s0 =	sshrl.u32 s0, $0x3  }
0x39c: {  	s26 =	sld [smem:$0x797];
	s0 =	sadd.s32 s2, s0  }
0x39d: {  	[tilespmem:s25], [sflag:$0x2] =	stream.linear.gather [hbm4b:s0+s3], $0x80, $0x38;
	[tilespmem:$0x8080] =	vst v63  }
0x39e: {  	s29 =	sld [smem:$0x798];
	s28 =	sadd.s32 $0x80, s0  }
0x39f: {  	(v2sf) =	vpush v2, $0x8;
	[tilespmem:s26], [sflag:$0x2] =	stream.linear.gather [hbm4b:s28+s3], $0x80, $0x38;
	[tilespmem:$0x8080] =	vst v63  }
0x3a0: {  	s31 =	sld [smem:$0x799];
	s30 =	sadd.s32 $0x100, s0  }
0x3a1: {  	[tilespmem:s29], [sflag:$0x2] =	stream.linear.gather [hbm4b:s30+s3], $0x80, $0x38;
	[tilespmem:$0x8080] =	vst v63  }
0x3a2: {  	s6 =	spop (v2sf);
	s0 =	sadd.s32 $0x180, s0  }
0x3a3: {  	[tilespmem:s31], [sflag:$0x2] =	stream.linear.gather [hbm4b:s0+s3], $0x80, $0x38;
	[tilespmem:$0x8080] =	vst v63  }
0x3a4: {  	s8 =	sshll.u32 s6, $0x9;
	s0 =	sshll.u32 s6, $0x7  }
0x3a5: {  	s1 =	sand.u32 $0xFFFFF000, s8;
	s0 =	sand.u32 $0x380, s0  }
0x3a6: {  	s9 =	sld [smem:$0x79A];
	s0 =	sor.u32 s0, s1  }
0x3a7: {  	s0 =	sshrl.u32 s0, $0x3  }
0x3a8: {  	s10 =	sld [smem:$0x79B];
	s0 =	sadd.s32 s2, s0  }
0x3a9: {  	[tilespmem:s9], [sflag:$0x2] =	stream.linear.gather [hbm4b:s0+s3], $0x80, $0x38;
	[tilespmem:$0x8080] =	vst v63  }
0x3aa: {  	s12 =	sld [smem:$0x79C];
	s11 =	sadd.s32 $0x80, s0  }
0x3ab: {  	(v2sf) =	vpush v2, $0x9;
	[tilespmem:s10], [sflag:$0x2] =	stream.linear.gather [hbm4b:s11+s3], $0x80, $0x38;
	[tilespmem:$0x8080] =	vst v63  }
0x3ac: {  	s14 =	sld [smem:$0x79D];
	s13 =	sadd.s32 $0x100, s0  }
0x3ad: {  	[tilespmem:s12], [sflag:$0x2] =	stream.linear.gather [hbm4b:s13+s3], $0x80, $0x38;
	[tilespmem:$0x8080] =	vst v63  }
0x3ae: {  	s15 =	spop (v2sf);
	s0 =	sadd.s32 $0x180, s0  }
0x3af: {  	[tilespmem:s14], [sflag:$0x2] =	stream.linear.gather [hbm4b:s0+s3], $0x80, $0x38;
	[tilespmem:$0x8080] =	vst v63  }
0x3b0: {  	s16 =	sshll.u32 s15, $0x9;
	s0 =	sshll.u32 s15, $0x7  }
0x3b1: {  	s1 =	sand.u32 $0xFFFFF000, s16;
	s0 =	sand.u32 $0x380, s0  }
0x3b2: {  	s17 =	sld [smem:$0x79E];
	s0 =	sor.u32 s0, s1  }
0x3b3: {  	s0 =	sshrl.u32 s0, $0x3  }
0x3b4: {  	s18 =	sld [smem:$0x79F];
	s0 =	sadd.s32 s2, s0  }
0x3b5: {  	[tilespmem:s17], [sflag:$0x2] =	stream.linear.gather [hbm4b:s0+s3], $0x80, $0x38;
	[tilespmem:$0x8080] =	vst v63  }
0x3b6: {  	s20 =	sld [smem:$0x7A0];
	s19 =	sadd.s32 $0x80, s0  }
0x3b7: {  	(v2sf) =	vpush v2, $0xA;
	[tilespmem:s18], [sflag:$0x2] =	stream.linear.gather [hbm4b:s19+s3], $0x80, $0x38;
	[tilespmem:$0x8080] =	vst v63  }
0x3b8: {  	s22 =	sld [smem:$0x7A1];
	s21 =	sadd.s32 $0x100, s0  }
0x3b9: {  	[tilespmem:s20], [sflag:$0x2] =	stream.linear.gather [hbm4b:s21+s3], $0x80, $0x38;
	[tilespmem:$0x8080] =	vst v63  }
0x3ba: {  	s23 =	spop (v2sf);
	s0 =	sadd.s32 $0x180, s0  }
0x3bb: {  	[tilespmem:s22], [sflag:$0x2] =	stream.linear.gather [hbm4b:s0+s3], $0x80, $0x38;
	[tilespmem:$0x8080] =	vst v63  }
0x3bc: {  	s24 =	sshll.u32 s23, $0x9;
	s0 =	sshll.u32 s23, $0x7  }
0x3bd: {  	s1 =	sand.u32 $0xFFFFF000, s24;
	s0 =	sand.u32 $0x380, s0  }
0x3be: {  	s25 =	sld [smem:$0x7A2];
	s0 =	sor.u32 s0, s1  }
0x3bf: {  	s0 =	sshrl.u32 s0, $0x3  }
0x3c0: {  	s26 =	sld [smem:$0x7A3];
	s0 =	sadd.s32 s2, s0  }
0x3c1: {  	[tilespmem:s25], [sflag:$0x2] =	stream.linear.gather [hbm4b:s0+s3], $0x80, $0x38;
	[tilespmem:$0x8080] =	vst v63  }
0x3c2: {  	s29 =	sld [smem:$0x7A4];
	s28 =	sadd.s32 $0x80, s0  }
0x3c3: {  	(v2sf) =	vpush v2, $0xB;
	[tilespmem:s26], [sflag:$0x2] =	stream.linear.gather [hbm4b:s28+s3], $0x80, $0x38;
	[tilespmem:$0x8080] =	vst v63  }
0x3c4: {  	s31 =	sld [smem:$0x7A5];
	s30 =	sadd.s32 $0x100, s0  }
0x3c5: {  	[tilespmem:s29], [sflag:$0x2] =	stream.linear.gather [hbm4b:s30+s3], $0x80, $0x38;
	[tilespmem:$0x8080] =	vst v63  }
0x3c6: {  	s6 =	spop (v2sf);
	s0 =	sadd.s32 $0x180, s0  }
0x3c7: {  	[tilespmem:s31], [sflag:$0x2] =	stream.linear.gather [hbm4b:s0+s3], $0x80, $0x38;
	[tilespmem:$0x8080] =	vst v63  }
0x3c8: {  	s8 =	sshll.u32 s6, $0x9;
	s0 =	sshll.u32 s6, $0x7  }
0x3c9: {  	s1 =	sand.u32 $0xFFFFF000, s8;
	s0 =	sand.u32 $0x380, s0  }
0x3ca: {  	s9 =	sld [smem:$0x7A6];
	s0 =	sor.u32 s0, s1  }
0x3cb: {  	s0 =	sshrl.u32 s0, $0x3  }
0x3cc: {  	s10 =	sld [smem:$0x7A7];
	s0 =	sadd.s32 s2, s0  }
0x3cd: {  	[tilespmem:s9], [sflag:$0x2] =	stream.linear.gather [hbm4b:s0+s3], $0x80, $0x38;
	[tilespmem:$0x8080] =	vst v63  }
0x3ce: {  	s12 =	sld [smem:$0x7A8];
	s11 =	sadd.s32 $0x80, s0  }
0x3cf: {  	(v2sf) =	vpush v2, $0xC;
	[tilespmem:s10], [sflag:$0x2] =	stream.linear.gather [hbm4b:s11+s3], $0x80, $0x38;
	[tilespmem:$0x8080] =	vst v63  }
0x3d0: {  	s14 =	sld [smem:$0x7A9];
	s13 =	sadd.s32 $0x100, s0  }
0x3d1: {  	[tilespmem:s12], [sflag:$0x2] =	stream.linear.gather [hbm4b:s13+s3], $0x80, $0x38;
	[tilespmem:$0x8080] =	vst v63  }
0x3d2: {  	s15 =	spop (v2sf);
	s0 =	sadd.s32 $0x180, s0  }
0x3d3: {  	[tilespmem:s14], [sflag:$0x2] =	stream.linear.gather [hbm4b:s0+s3], $0x80, $0x38;
	[tilespmem:$0x8080] =	vst v63  }
0x3d4: {  	s16 =	sshll.u32 s15, $0x9;
	s0 =	sshll.u32 s15, $0x7  }
0x3d5: {  	s1 =	sand.u32 $0xFFFFF000, s16;
	s0 =	sand.u32 $0x380, s0  }
0x3d6: {  	s17 =	sld [smem:$0x7AA];
	s0 =	sor.u32 s0, s1  }
0x3d7: {  	s0 =	sshrl.u32 s0, $0x3  }
0x3d8: {  	s18 =	sld [smem:$0x7AB];
	s0 =	sadd.s32 s2, s0  }
0x3d9: {  	[tilespmem:s17], [sflag:$0x2] =	stream.linear.gather [hbm4b:s0+s3], $0x80, $0x38;
	[tilespmem:$0x8080] =	vst v63  }
0x3da: {  	s20 =	sld [smem:$0x7AC];
	s19 =	sadd.s32 $0x80, s0  }
0x3db: {  	(v2sf) =	vpush v2, $0xD;
	[tilespmem:s18], [sflag:$0x2] =	stream.linear.gather [hbm4b:s19+s3], $0x80, $0x38;
	[tilespmem:$0x8080] =	vst v63  }
0x3dc: {  	s22 =	sld [smem:$0x7AD];
	s21 =	sadd.s32 $0x100, s0  }
0x3dd: {  	[tilespmem:s20], [sflag:$0x2] =	stream.linear.gather [hbm4b:s21+s3], $0x80, $0x38;
	[tilespmem:$0x8080] =	vst v63  }
0x3de: {  	s23 =	spop (v2sf);
	s0 =	sadd.s32 $0x180, s0  }
0x3df: {  	[tilespmem:s22], [sflag:$0x2] =	stream.linear.gather [hbm4b:s0+s3], $0x80, $0x38;
	[tilespmem:$0x8080] =	vst v63  }
0x3e0: {  	s24 =	sshll.u32 s23, $0x9;
	s0 =	sshll.u32 s23, $0x7  }
0x3e1: {  	s1 =	sand.u32 $0xFFFFF000, s24;
	s0 =	sand.u32 $0x380, s0  }
0x3e2: {  	s25 =	sld [smem:$0x7AE];
	s0 =	sor.u32 s0, s1  }
0x3e3: {  	s0 =	sshrl.u32 s0, $0x3  }
0x3e4: {  	s26 =	sld [smem:$0x7AF];
	s0 =	sadd.s32 s2, s0  }
0x3e5: {  	[tilespmem:s25], [sflag:$0x2] =	stream.linear.gather [hbm4b:s0+s3], $0x80, $0x38;
	[tilespmem:$0x8080] =	vst v63  }
0x3e6: {  	s29 =	sld [smem:$0x7B0];
	s28 =	sadd.s32 $0x80, s0  }
0x3e7: {  	(v2sf) =	vpush v2, $0xE;
	[tilespmem:s26], [sflag:$0x2] =	stream.linear.gather [hbm4b:s28+s3], $0x80, $0x38;
	[tilespmem:$0x8080] =	vst v63  }
0x3e8: {  	s31 =	sld [smem:$0x7B1];
	s30 =	sadd.s32 $0x100, s0  }
0x3e9: {  	[tilespmem:s29], [sflag:$0x2] =	stream.linear.gather [hbm4b:s30+s3], $0x80, $0x38;
	[tilespmem:$0x8080] =	vst v63  }
0x3ea: {  	s6 =	spop (v2sf);
	s0 =	sadd.s32 $0x180, s0  }
0x3eb: {  	[tilespmem:s31], [sflag:$0x2] =	stream.linear.gather [hbm4b:s0+s3], $0x80, $0x38;
	[tilespmem:$0x8080] =	vst v63  }
0x3ec: {  	s8 =	sshll.u32 s6, $0x9;
	s0 =	sshll.u32 s6, $0x7  }
0x3ed: {  	s1 =	sand.u32 $0xFFFFF000, s8;
	s0 =	sand.u32 $0x380, s0  }
0x3ee: {  	s9 =	sld [smem:$0x7B2];
	s0 =	sor.u32 s0, s1  }
0x3ef: {  	s0 =	sshrl.u32 s0, $0x3  }
0x3f0: {  	s10 =	sld [smem:$0x7B3];
	s0 =	sadd.s32 s2, s0  }
0x3f1: {  	[tilespmem:s9], [sflag:$0x2] =	stream.linear.gather [hbm4b:s0+s3], $0x80, $0x38;
	[tilespmem:$0x8080] =	vst v63  }
0x3f2: {  	s12 =	sld [smem:$0x7B4];
	s11 =	sadd.s32 $0x80, s0  }
0x3f3: {  	(v2sf) =	vpush v2, $0xF;
	[tilespmem:s10], [sflag:$0x2] =	stream.linear.gather [hbm4b:s11+s3], $0x80, $0x38;
	[tilespmem:$0x8080] =	vst v63  }
0x3f4: {  	s14 =	sld [smem:$0x7B5];
	s13 =	sadd.s32 $0x100, s0  }
0x3f5: {  	[tilespmem:s12], [sflag:$0x2] =	stream.linear.gather [hbm4b:s13+s3], $0x80, $0x38;
	[tilespmem:$0x8080] =	vst v63  }
0x3f6: {  	s15 =	spop (v2sf);
	s0 =	sadd.s32 $0x180, s0  }
0x3f7: {  	[tilespmem:s14], [sflag:$0x2] =	stream.linear.gather [hbm4b:s0+s3], $0x80, $0x38;
	[tilespmem:$0x8080] =	vst v63  }
0x3f8: {  	s16 =	sshll.u32 s15, $0x9;
	s0 =	sshll.u32 s15, $0x7  }
0x3f9: {  	s1 =	sand.u32 $0xFFFFF000, s16;
	s0 =	sand.u32 $0x380, s0  }
0x3fa: {  	s17 =	sld [smem:$0x7B6];
	s0 =	sor.u32 s0, s1  }
0x3fb: {  	s0 =	sshrl.u32 s0, $0x3  }
0x3fc: {  	s18 =	sld [smem:$0x7B7];
	s0 =	sadd.s32 s2, s0  }
0x3fd: {  	[tilespmem:s17], [sflag:$0x2] =	stream.linear.gather [hbm4b:s0+s3], $0x80, $0x38;
	[tilespmem:$0x8080] =	vst v63  }
0x3fe: {  	s20 =	sld [smem:$0x7B8];
	s19 =	sadd.s32 $0x80, s0  }
0x3ff: {  	[tilespmem:s18], [sflag:$0x2] =	stream.linear.gather [hbm4b:s19+s3], $0x80, $0x38;
	[tilespmem:$0x8080] =	vst v63  }
0x400: {  	s22 =	sld [smem:$0x7B9];
	s21 =	sadd.s32 $0x100, s0  }
0x401: {  	[tilespmem:s20], [sflag:$0x2] =	stream.linear.gather [hbm4b:s21+s3], $0x80, $0x38;
	[tilespmem:$0x8080] =	vst v63  }
0x402: {  	s23 =	spop (v2sf);
	s0 =	sadd.s32 $0x180, s0  }
0x403: {  	[tilespmem:s22], [sflag:$0x2] =	stream.linear.gather [hbm4b:s0+s3], $0x80, $0x38;
	[tilespmem:$0x8080] =	vst v63  }
0x404: {  	s24 =	sshll.u32 s23, $0x9;
	s0 =	sshll.u32 s23, $0x7  }
0x405: {  	s1 =	sand.u32 $0xFFFFF000, s24;
	s0 =	sand.u32 $0x380, s0  }
0x406: {  	s25 =	sld [smem:$0x7BA];
	s0 =	sor.u32 s0, s1  }
0x407: {  	s0 =	sshrl.u32 s0, $0x3  }
0x408: {  	s26 =	sld [smem:$0x7BB];
	s0 =	sadd.s32 s2, s0  }
0x409: {  	[tilespmem:s25], [sflag:$0x2] =	stream.linear.gather [hbm4b:s0+s3], $0x80, $0x38;
	[tilespmem:$0x8080] =	vst v63  }
0x40a: {  	s29 =	sld [smem:$0x7BC];
	s28 =	sadd.s32 $0x80, s0  }
0x40b: {  	[tilespmem:s26], [sflag:$0x2] =	stream.linear.gather [hbm4b:s28+s3], $0x80, $0x38;
	[tilespmem:$0x8080] =	vst v63  }
0x40c: {  	s31 =	sld [smem:$0x7BD];
	s30 =	sadd.s32 $0x100, s0  }
0x40d: {  	[tilespmem:s29], [sflag:$0x2] =	stream.linear.gather [hbm4b:s30+s3], $0x80, $0x38;
	[tilespmem:$0x8080] =	vst v63  }
0x40e: {  	s0 =	sadd.s32 $0x180, s0  }
0x40f: {  	[tilespmem:s31], [sflag:$0x2] =	stream.linear.gather [hbm4b:s0+s3], $0x80, $0x38;
	[tilespmem:$0x8080] =	vst v63  }
0x410: {  	v2 =	vld [tilespmem:$0x30];
	_ =	sdelay $0x4  }
0x411: {  	(v2sf) =	vpush v2, $0xD;
	_ =	sdelay $0x1  }
0x412: {  	(v2sf) =	vpush v2, $0xC;
	_ =	sdelay $0x1  }
0x413: {  	(v2sf) =	vpush v2, $0xE;
	_ =	sdelay $0x1  }
0x414: {  	(v2sf) =	vpush v2, $0xF;
	_ =	sdelay $0x1  }
0x415: {  	(v2sf) =	vpush v2, $0x9;
	_ =	sdelay $0x1  }
0x416: {  	(v2sf) =	vpush v2, $0x8;
	_ =	sdelay $0x1  }
0x417: {  	(v2sf) =	vpush v2, $0xA;
	_ =	sdelay $0x1  }
0x418: {  	(v2sf) =	vpush v2, $0xB  }
0x419: {  	s4 =	spop (v2sf)  }
0x41a: {  	(v2sf) =	vpush v2, $0x0;
	s5 =	smulhi.u32 $0x5397829D, s4;
	s0 =	sshra.s32 s4, $0x1F  }
0x41b: {  	s15 =	spop (v2sf);
	s0 =	smul.u32 $0x5397829D, s0  }
0x41c: {  	(v2sf) =	vpush v2, $0x1;
	s16 =	smulhi.u32 $0x5397829D, s15;
	s4 =	sshra.s32 s15, $0x1F  }
0x41d: {  	s22 =	spop (v2sf);
	s4 =	smul.u32 $0x5397829D, s4  }
0x41e: {  	(v2sf) =	vpush v2, $0x2;
	s9 =	smulhi.u32 $0x5397829D, s22;
	s6 =	sshra.s32 s22, $0x1F  }
0x41f: {  	(v2sf) =	vpush v2, $0x3;
	s23 =	spop (v2sf);
	s6 =	smul.u32 $0x5397829D, s6  }
0x420: {  	(v2sf) =	vpush v2, $0x4;
	s13 =	smulhi.u32 $0x5397829D, s23;
	s8 =	sshra.s32 s23, $0x1F  }
0x421: {  	(v2sf) =	vpush v2, $0x5;
	s24 =	spop (v2sf);
	s8 =	smul.u32 $0x5397829D, s8  }
0x422: {  	(v2sf) =	vpush v2, $0x6;
	s14 =	smulhi.u32 $0x5397829D, s24;
	s10 =	sshra.s32 s24, $0x1F  }
0x423: {  	(v2sf) =	vpush v2, $0x7;
	s25 =	spop (v2sf);
	s17 =	smul.u32 $0x5397829D, s10  }
0x424: {  	s19 =	smulhi.u32 $0x5397829D, s25;
	s20 =	sshra.s32 s25, $0x1F  }
0x425: {  	s26 =	spop (v2sf);
	s23 =	smul.u32 $0x5397829D, s20  }
0x426: {  	s25 =	smulhi.u32 $0x5397829D, s26;
	s30 =	sshra.s32 s26, $0x1F  }
0x427: {  	s10 =	sadd.s32 s0, s5;
	s28 =	spop (v2sf);
	s31 =	smul.u32 $0x5397829D, s30  }
0x428: {  	s11 =	sadd.s32 s6, s9;
	s0 =	smulhi.u32 $0x5397829D, s28;
	s12 =	sshra.s32 s28, $0x1F  }
0x429: {  	s9 =	sadd.s32 s8, s13;
	s29 =	spop (v2sf);
	s1 =	smul.u32 $0x5397829D, s12  }
0x42a: {  	s12 =	sadd.s32 s4, s16;
	s4 =	smulhi.u32 $0x5397829D, s29;
	s15 =	sshra.s32 s29, $0x1F  }
0x42b: {  	s28 =	sshrl.u32 s10, $0x1F;
	s18 =	spop (v2sf);
	s5 =	smul.u32 $0x5397829D, s15  }
0x42c: {  	s30 =	sshrl.u32 s9, $0x1F;
	s6 =	smulhi.u32 $0x5397829D, s18;
	s16 =	sshra.s32 s18, $0x1F  }
0x42d: {  	s21 =	spop (v2sf);
	s29 =	sshrl.u32 s12, $0x1F;
	s8 =	smul.u32 $0x5397829D, s16  }
0x42e: {  	s22 =	spop (v2sf);
	s16 =	sadd.s32 s17, s14;
	s15 =	smulhi.u32 $0x5397829D, s21  }
0x42f: {  	s20 =	sshra.s32 s21, $0x1F;
	s17 =	sadd.s32 s23, s19;
	s24 =	spop (v2sf)  }
0x430: {  	s14 =	sadd.s32 s31, s25;
	s25 =	smul.u32 $0x5397829D, s20;
	s26 =	spop (v2sf)  }
0x431: {  	s20 =	smulhi.u32 $0x5397829D, s22;
	s31 =	sshra.s32 s22, $0x1F;
	s22 =	spop (v2sf)  }
0x432: {  	s13 =	sadd.s32 s1, s0;
	s0 =	smul.u32 $0x5397829D, s31;
	s23 =	spop (v2sf)  }
0x433: {  	s4 =	sadd.s32 s5, s4;
	s5 =	smulhi.u32 $0x5397829D, s23;
	s1 =	sshra.s32 s23, $0x1F  }
0x434: {  	s18 =	sshrl.u32 s11, $0x1F;
	s6 =	sadd.s32 s8, s6;
	s1 =	smul.u32 $0x5397829D, s1  }
0x435: {  	s31 =	sshra.s32 s24, $0x1F;
	s8 =	sadd.s32 s25, s15;
	s25 =	smulhi.u32 $0x5397829D, s24  }
0x436: {  	s21 =	sshrl.u32 s16, $0x1F;
	s24 =	smul.u32 $0x5397829D, s31;
	s15 =	sadd.s32 s1, s5  }
0x437: {  	v59 =	vmov s29;
	s31 =	sshra.s32 s6, $0xC;
	s0 =	sadd.s32 s0, s20;
	s5 =	sshra.s32 s15, $0x1F  }
0x438: {  	v4 =	vsel vm0, s28, v59;
	s20 =	sshrl.u32 s13, $0x1F;
	s19 =	sadd.s32 s24, s25;
	s24 =	sshra.s32 s4, $0xC;
	v3 =	vmov s5  }
0x439: {  	v4 =	vsel vm1, s18, v4;
	s18 =	sshrl.u32 s8, $0x1F;
	s25 =	sshrl.u32 s4, $0x1F;
	s4 =	sshra.s32 s4, $0x1F;
	v3 =	vsel vm3, s24, v3  }
0x43a: {  	s29 =	sshra.s32 s26, $0x1F;
	s28 =	smulhi.u32 $0x5397829D, s22;
	s23 =	sshrl.u32 s17, $0x1F;
	v3 =	vsel vm9, s4, v3  }
0x43b: {  	v4 =	vsel vm2, s30, v4;
	v60 =	vmov s25;
	s5 =	sshrl.u32 s6, $0x1F;
	s6 =	sshra.s32 s6, $0x1F;
	s24 =	smulhi.u32 $0x5397829D, s26;
	v3 =	vsel vm0, s31, v3  }
0x43c: {  	s30 =	sshrl.u32 s0, $0x1F;
	v5 =	vnsel vm3, $0x0, v60;
	v61 =	vmov s23;
	s26 =	smul.u32 $0x5397829D, s29;
	s29 =	sshra.s32 s8, $0xC;
	v3 =	vsel vm10, s6, v3  }
0x43d: {  	s22 =	sshra.s32 s22, $0x1F;
	v6 =	vsel vm0, s21, v61;
	s1 =	sshrl.u32 s14, $0x1F;
	v5 =	vsel vm0, s5, v5;
	s8 =	sshra.s32 s8, $0x1F;
	v3 =	vsel vm1, s29, v3  }
0x43e: {  	s25 =	sshra.s32 s19, $0xC;
	v6 =	vsel vm1, s1, v6;
	v5 =	vsel vm1, s18, v5;
	s31 =	smul.u32 $0x5397829D, s22;
	s22 =	sshra.s32 s0, $0xC;
	v3 =	vsel vm11, s8, v3  }
0x43f: {  	s21 =	sshrl.u32 s19, $0x1F;
	v6 =	vsel vm2, s20, v6;
	v5 =	vsel vm2, s30, v5;
	s4 =	sadd.s32 s26, s24;
	s0 =	sshra.s32 s0, $0x1F;
	v3 =	vsel vm2, s22, v3  }
0x440: {  	v4 =	vcombine.low v6, v4;
	s26 =	sshra.s32 s12, $0xC;
	s30 =	sshra.s32 s10, $0xC;
	v5 =	vsel vm4, s21, v5;
	s23 =	sshrl.u32 s4, $0x1F;
	v3 =	vsel vm12, s0, v3  }
0x441: {  	v62 =	vmov s26;
	s5 =	sadd.s32 s31, s28;
	v5 =	vsel vm5, s23, v5;
	s28 =	sshra.s32 s17, $0xC;
	s29 =	sshra.s32 s19, $0x1F;
	v3 =	vsel vm4, s25, v3  }
0x442: {  	s12 =	sshra.s32 s11, $0xC;
	s10 =	sshra.s32 s4, $0xC;
	s31 =	sshra.s32 s16, $0xC;
	v6 =	vsel vm0, s30, v62;
	v63 =	vmov s28;
	v3 =	vsel vm13, s29, v3  }
0x443: {  	s14 =	sshra.s32 s14, $0xC;
	s16 =	sshra.s32 s4, $0x1F;
	s24 =	sshrl.u32 s5, $0x1F;
	v6 =	vsel vm1, s12, v6;
	v7 =	vsel vm0, s31, v63;
	v3 =	vsel vm5, s10, v3  }
0x444: {  	s18 =	sshra.s32 s13, $0xC;
	s17 =	sshra.s32 s9, $0xC;
	s19 =	sshra.s32 s5, $0xC;
	v5 =	vsel vm6, s24, v5;
	v7 =	vsel vm1, s14, v7;
	v3 =	vsel vm14, s16, v3  }
0x445: {  	s20 =	sshrl.u32 s15, $0x1F;
	s21 =	sshra.s32 s5, $0x1F;
	v6 =	vsel vm2, s17, v6;
	v7 =	vsel vm2, s18, v7;
	v3 =	vsel vm6, s19, v3  }
0x446: {  	s22 =	sshra.s32 s15, $0xC;
	v5 =	vsel vm7, s20, v5;
	v6 =	vcombine.low v7, v6;
	v3 =	vsel vm15, s21, v3  }
0x447: {  	v4 =	vperm.xlane v4, v0;
	v5 =	vperm.xlane v5, v1;
	v3 =	vsel vm7, s22, v3  }
0x448: {  	v6 =	vperm.xlane v6, v0;
	v3 =	vperm.xlane v3, v1;
	_ =	sdelay $0x1  }
0x449: {  	v4 =	vsel vm8, v5, v4;
	v3 =	vsel vm8, v3, v6  }
0x44a: {  	v3 =	vadd.s32 v4, v3  }
0x44b: {  	v3 =	vmul.u32 $0x3100, v3;
	_ =	sdelay $0x1  }
0x44c: {  	v2 =	vsub.s32 v2, v3  }
0x44d: {  	(v2sf) =	vpush v2, $0x0;
	_ =	sdelay $0xa  }
0x44e: {  	(v2sf) =	vpush v2, $0x1;
	_ =	sdelay $0x3  }
0x44f: {  	s23 =	spop (v2sf)  }
0x450: {  	s24 =	sshll.u32 s23, $0x9;
	s0 =	sshll.u32 s23, $0x7  }
0x451: {  	s1 =	sand.u32 $0xFFFFF000, s24;
	s0 =	sand.u32 $0x380, s0  }
0x452: {  	s25 =	sld [smem:$0x7BE];
	s0 =	sor.u32 s0, s1  }
0x453: {  	s0 =	sshrl.u32 s0, $0x3  }
0x454: {  	s26 =	sld [smem:$0x7BF];
	s0 =	sadd.s32 s2, s0  }
0x455: {  	[tilespmem:s25], [sflag:$0x2] =	stream.linear.gather [hbm4b:s0+s3], $0x80, $0x38;
	[tilespmem:$0x8080] =	vst v63  }
0x456: {  	s29 =	sld [smem:$0x7C0];
	s28 =	sadd.s32 $0x80, s0  }
0x457: {  	(v2sf) =	vpush v2, $0x2;
	[tilespmem:s26], [sflag:$0x2] =	stream.linear.gather [hbm4b:s28+s3], $0x80, $0x38;
	[tilespmem:$0x8080] =	vst v63  }
0x458: {  	s31 =	sld [smem:$0x7C1];
	s30 =	sadd.s32 $0x100, s0  }
0x459: {  	[tilespmem:s29], [sflag:$0x2] =	stream.linear.gather [hbm4b:s30+s3], $0x80, $0x38;
	[tilespmem:$0x8080] =	vst v63  }
0x45a: {  	s6 =	spop (v2sf);
	s0 =	sadd.s32 $0x180, s0  }
0x45b: {  	[tilespmem:s31], [sflag:$0x2] =	stream.linear.gather [hbm4b:s0+s3], $0x80, $0x38;
	[tilespmem:$0x8080] =	vst v63  }
0x45c: {  	s8 =	sshll.u32 s6, $0x9;
	s0 =	sshll.u32 s6, $0x7  }
0x45d: {  	s1 =	sand.u32 $0xFFFFF000, s8;
	s0 =	sand.u32 $0x380, s0  }
0x45e: {  	s9 =	sld [smem:$0x7C2];
	s0 =	sor.u32 s0, s1  }
0x45f: {  	s0 =	sshrl.u32 s0, $0x3  }
0x460: {  	s10 =	sld [smem:$0x7C3];
	s0 =	sadd.s32 s2, s0  }
0x461: {  	[tilespmem:s9], [sflag:$0x2] =	stream.linear.gather [hbm4b:s0+s3], $0x80, $0x38;
	[tilespmem:$0x8080] =	vst v63  }
0x462: {  	s12 =	sld [smem:$0x7C4];
	s11 =	sadd.s32 $0x80, s0  }
0x463: {  	(v2sf) =	vpush v2, $0x3;
	[tilespmem:s10], [sflag:$0x2] =	stream.linear.gather [hbm4b:s11+s3], $0x80, $0x38;
	[tilespmem:$0x8080] =	vst v63  }
0x464: {  	s14 =	sld [smem:$0x7C5];
	s13 =	sadd.s32 $0x100, s0  }
0x465: {  	[tilespmem:s12], [sflag:$0x2] =	stream.linear.gather [hbm4b:s13+s3], $0x80, $0x38;
	[tilespmem:$0x8080] =	vst v63  }
0x466: {  	s15 =	spop (v2sf);
	s0 =	sadd.s32 $0x180, s0  }
0x467: {  	[tilespmem:s14], [sflag:$0x2] =	stream.linear.gather [hbm4b:s0+s3], $0x80, $0x38;
	[tilespmem:$0x8080] =	vst v63  }
0x468: {  	s16 =	sshll.u32 s15, $0x9;
	s0 =	sshll.u32 s15, $0x7  }
0x469: {  	s1 =	sand.u32 $0xFFFFF000, s16;
	s0 =	sand.u32 $0x380, s0  }
0x46a: {  	s17 =	sld [smem:$0x7C6];
	s0 =	sor.u32 s0, s1  }
0x46b: {  	s0 =	sshrl.u32 s0, $0x3  }
0x46c: {  	s18 =	sld [smem:$0x7C7];
	s0 =	sadd.s32 s2, s0  }
0x46d: {  	[tilespmem:s17], [sflag:$0x2] =	stream.linear.gather [hbm4b:s0+s3], $0x80, $0x38;
	[tilespmem:$0x8080] =	vst v63  }
0x46e: {  	s20 =	sld [smem:$0x7C8];
	s19 =	sadd.s32 $0x80, s0  }
0x46f: {  	(v2sf) =	vpush v2, $0x4;
	[tilespmem:s18], [sflag:$0x2] =	stream.linear.gather [hbm4b:s19+s3], $0x80, $0x38;
	[tilespmem:$0x8080] =	vst v63  }
0x470: {  	s22 =	sld [smem:$0x7C9];
	s21 =	sadd.s32 $0x100, s0  }
0x471: {  	[tilespmem:s20], [sflag:$0x2] =	stream.linear.gather [hbm4b:s21+s3], $0x80, $0x38;
	[tilespmem:$0x8080] =	vst v63  }
0x472: {  	s23 =	spop (v2sf);
	s0 =	sadd.s32 $0x180, s0  }
0x473: {  	[tilespmem:s22], [sflag:$0x2] =	stream.linear.gather [hbm4b:s0+s3], $0x80, $0x38;
	[tilespmem:$0x8080] =	vst v63  }
0x474: {  	s24 =	sshll.u32 s23, $0x9;
	s0 =	sshll.u32 s23, $0x7  }
0x475: {  	s1 =	sand.u32 $0xFFFFF000, s24;
	s0 =	sand.u32 $0x380, s0  }
0x476: {  	s25 =	sld [smem:$0x7CA];
	s0 =	sor.u32 s0, s1  }
0x477: {  	s0 =	sshrl.u32 s0, $0x3  }
0x478: {  	s26 =	sld [smem:$0x7CB];
	s0 =	sadd.s32 s2, s0  }
0x479: {  	[tilespmem:s25], [sflag:$0x2] =	stream.linear.gather [hbm4b:s0+s3], $0x80, $0x38;
	[tilespmem:$0x8080] =	vst v63  }
0x47a: {  	s29 =	sld [smem:$0x7CC];
	s28 =	sadd.s32 $0x80, s0  }
0x47b: {  	(v2sf) =	vpush v2, $0x5;
	[tilespmem:s26], [sflag:$0x2] =	stream.linear.gather [hbm4b:s28+s3], $0x80, $0x38;
	[tilespmem:$0x8080] =	vst v63  }
0x47c: {  	s31 =	sld [smem:$0x7CD];
	s30 =	sadd.s32 $0x100, s0  }
0x47d: {  	[tilespmem:s29], [sflag:$0x2] =	stream.linear.gather [hbm4b:s30+s3], $0x80, $0x38;
	[tilespmem:$0x8080] =	vst v63  }
0x47e: {  	s6 =	spop (v2sf);
	s0 =	sadd.s32 $0x180, s0  }
0x47f: {  	[tilespmem:s31], [sflag:$0x2] =	stream.linear.gather [hbm4b:s0+s3], $0x80, $0x38;
	[tilespmem:$0x8080] =	vst v63  }
0x480: {  	s8 =	sshll.u32 s6, $0x9;
	s0 =	sshll.u32 s6, $0x7  }
0x481: {  	s1 =	sand.u32 $0xFFFFF000, s8;
	s0 =	sand.u32 $0x380, s0  }
0x482: {  	s9 =	sld [smem:$0x7CE];
	s0 =	sor.u32 s0, s1  }
0x483: {  	s0 =	sshrl.u32 s0, $0x3  }
0x484: {  	s10 =	sld [smem:$0x7CF];
	s0 =	sadd.s32 s2, s0  }
0x485: {  	[tilespmem:s9], [sflag:$0x2] =	stream.linear.gather [hbm4b:s0+s3], $0x80, $0x38;
	[tilespmem:$0x8080] =	vst v63  }
0x486: {  	s12 =	sld [smem:$0x7D0];
	s11 =	sadd.s32 $0x80, s0  }
0x487: {  	(v2sf) =	vpush v2, $0x6;
	[tilespmem:s10], [sflag:$0x2] =	stream.linear.gather [hbm4b:s11+s3], $0x80, $0x38;
	[tilespmem:$0x8080] =	vst v63  }
0x488: {  	s14 =	sld [smem:$0x7D1];
	s13 =	sadd.s32 $0x100, s0  }
0x489: {  	[tilespmem:s12], [sflag:$0x2] =	stream.linear.gather [hbm4b:s13+s3], $0x80, $0x38;
	[tilespmem:$0x8080] =	vst v63  }
0x48a: {  	s15 =	spop (v2sf);
	s0 =	sadd.s32 $0x180, s0  }
0x48b: {  	[tilespmem:s14], [sflag:$0x2] =	stream.linear.gather [hbm4b:s0+s3], $0x80, $0x38;
	[tilespmem:$0x8080] =	vst v63  }
0x48c: {  	s16 =	sshll.u32 s15, $0x9;
	s0 =	sshll.u32 s15, $0x7  }
0x48d: {  	s1 =	sand.u32 $0xFFFFF000, s16;
	s0 =	sand.u32 $0x380, s0  }
0x48e: {  	s17 =	sld [smem:$0x7D2];
	s0 =	sor.u32 s0, s1  }
0x48f: {  	s0 =	sshrl.u32 s0, $0x3  }
0x490: {  	s18 =	sld [smem:$0x7D3];
	s0 =	sadd.s32 s2, s0  }
0x491: {  	[tilespmem:s17], [sflag:$0x2] =	stream.linear.gather [hbm4b:s0+s3], $0x80, $0x38;
	[tilespmem:$0x8080] =	vst v63  }
0x492: {  	s20 =	sld [smem:$0x7D4];
	s19 =	sadd.s32 $0x80, s0  }
0x493: {  	(v2sf) =	vpush v2, $0x7;
	[tilespmem:s18], [sflag:$0x2] =	stream.linear.gather [hbm4b:s19+s3], $0x80, $0x38;
	[tilespmem:$0x8080] =	vst v63  }
0x494: {  	s22 =	sld [smem:$0x7D5];
	s21 =	sadd.s32 $0x100, s0  }
0x495: {  	[tilespmem:s20], [sflag:$0x2] =	stream.linear.gather [hbm4b:s21+s3], $0x80, $0x38;
	[tilespmem:$0x8080] =	vst v63  }
0x496: {  	s23 =	spop (v2sf);
	s0 =	sadd.s32 $0x180, s0  }
0x497: {  	[tilespmem:s22], [sflag:$0x2] =	stream.linear.gather [hbm4b:s0+s3], $0x80, $0x38;
	[tilespmem:$0x8080] =	vst v63  }
0x498: {  	s24 =	sshll.u32 s23, $0x9;
	s0 =	sshll.u32 s23, $0x7  }
0x499: {  	s1 =	sand.u32 $0xFFFFF000, s24;
	s0 =	sand.u32 $0x380, s0  }
0x49a: {  	s25 =	sld [smem:$0x7D6];
	s0 =	sor.u32 s0, s1  }
0x49b: {  	s0 =	sshrl.u32 s0, $0x3  }
0x49c: {  	s26 =	sld [smem:$0x7D7];
	s0 =	sadd.s32 s2, s0  }
0x49d: {  	[tilespmem:s25], [sflag:$0x2] =	stream.linear.gather [hbm4b:s0+s3], $0x80, $0x38;
	[tilespmem:$0x8080] =	vst v63  }
0x49e: {  	s29 =	sld [smem:$0x7D8];
	s28 =	sadd.s32 $0x80, s0  }
0x49f: {  	(v2sf) =	vpush v2, $0x8;
	[tilespmem:s26], [sflag:$0x2] =	stream.linear.gather [hbm4b:s28+s3], $0x80, $0x38;
	[tilespmem:$0x8080] =	vst v63  }
0x4a0: {  	s31 =	sld [smem:$0x7D9];
	s30 =	sadd.s32 $0x100, s0  }
0x4a1: {  	[tilespmem:s29], [sflag:$0x2] =	stream.linear.gather [hbm4b:s30+s3], $0x80, $0x38;
	[tilespmem:$0x8080] =	vst v63  }
0x4a2: {  	s6 =	spop (v2sf);
	s0 =	sadd.s32 $0x180, s0  }
0x4a3: {  	[tilespmem:s31], [sflag:$0x2] =	stream.linear.gather [hbm4b:s0+s3], $0x80, $0x38;
	[tilespmem:$0x8080] =	vst v63  }
0x4a4: {  	s8 =	sshll.u32 s6, $0x9;
	s0 =	sshll.u32 s6, $0x7  }
0x4a5: {  	s1 =	sand.u32 $0xFFFFF000, s8;
	s0 =	sand.u32 $0x380, s0  }
0x4a6: {  	s9 =	sld [smem:$0x7DA];
	s0 =	sor.u32 s0, s1  }
0x4a7: {  	s0 =	sshrl.u32 s0, $0x3  }
0x4a8: {  	s10 =	sld [smem:$0x7DB];
	s0 =	sadd.s32 s2, s0  }
0x4a9: {  	[tilespmem:s9], [sflag:$0x2] =	stream.linear.gather [hbm4b:s0+s3], $0x80, $0x38;
	[tilespmem:$0x8080] =	vst v63  }
0x4aa: {  	s12 =	sld [smem:$0x7DC];
	s11 =	sadd.s32 $0x80, s0  }
0x4ab: {  	(v2sf) =	vpush v2, $0x9;
	[tilespmem:s10], [sflag:$0x2] =	stream.linear.gather [hbm4b:s11+s3], $0x80, $0x38;
	[tilespmem:$0x8080] =	vst v63  }
0x4ac: {  	s14 =	sld [smem:$0x7DD];
	s13 =	sadd.s32 $0x100, s0  }
0x4ad: {  	[tilespmem:s12], [sflag:$0x2] =	stream.linear.gather [hbm4b:s13+s3], $0x80, $0x38;
	[tilespmem:$0x8080] =	vst v63  }
0x4ae: {  	s15 =	spop (v2sf);
	s0 =	sadd.s32 $0x180, s0  }
0x4af: {  	[tilespmem:s14], [sflag:$0x2] =	stream.linear.gather [hbm4b:s0+s3], $0x80, $0x38;
	[tilespmem:$0x8080] =	vst v63  }
0x4b0: {  	s16 =	sshll.u32 s15, $0x9;
	s0 =	sshll.u32 s15, $0x7  }
0x4b1: {  	s1 =	sand.u32 $0xFFFFF000, s16;
	s0 =	sand.u32 $0x380, s0  }
0x4b2: {  	s17 =	sld [smem:$0x7DE];
	s0 =	sor.u32 s0, s1  }
0x4b3: {  	s0 =	sshrl.u32 s0, $0x3  }
0x4b4: {  	s18 =	sld [smem:$0x7DF];
	s0 =	sadd.s32 s2, s0  }
0x4b5: {  	[tilespmem:s17], [sflag:$0x2] =	stream.linear.gather [hbm4b:s0+s3], $0x80, $0x38;
	[tilespmem:$0x8080] =	vst v63  }
0x4b6: {  	s20 =	sld [smem:$0x7E0];
	s19 =	sadd.s32 $0x80, s0  }
0x4b7: {  	(v2sf) =	vpush v2, $0xA;
	[tilespmem:s18], [sflag:$0x2] =	stream.linear.gather [hbm4b:s19+s3], $0x80, $0x38;
	[tilespmem:$0x8080] =	vst v63  }
0x4b8: {  	s22 =	sld [smem:$0x7E1];
	s21 =	sadd.s32 $0x100, s0  }
0x4b9: {  	[tilespmem:s20], [sflag:$0x2] =	stream.linear.gather [hbm4b:s21+s3], $0x80, $0x38;
	[tilespmem:$0x8080] =	vst v63  }
0x4ba: {  	s23 =	spop (v2sf);
	s0 =	sadd.s32 $0x180, s0  }
0x4bb: {  	[tilespmem:s22], [sflag:$0x2] =	stream.linear.gather [hbm4b:s0+s3], $0x80, $0x38;
	[tilespmem:$0x8080] =	vst v63  }
0x4bc: {  	s24 =	sshll.u32 s23, $0x9;
	s0 =	sshll.u32 s23, $0x7  }
0x4bd: {  	s1 =	sand.u32 $0xFFFFF000, s24;
	s0 =	sand.u32 $0x380, s0  }
0x4be: {  	s25 =	sld [smem:$0x7E2];
	s0 =	sor.u32 s0, s1  }
0x4bf: {  	s0 =	sshrl.u32 s0, $0x3  }
0x4c0: {  	s26 =	sld [smem:$0x7E3];
	s0 =	sadd.s32 s2, s0  }
0x4c1: {  	[tilespmem:s25], [sflag:$0x2] =	stream.linear.gather [hbm4b:s0+s3], $0x80, $0x38;
	[tilespmem:$0x8080] =	vst v63  }
0x4c2: {  	s29 =	sld [smem:$0x7E4];
	s28 =	sadd.s32 $0x80, s0  }
0x4c3: {  	(v2sf) =	vpush v2, $0xB;
	[tilespmem:s26], [sflag:$0x2] =	stream.linear.gather [hbm4b:s28+s3], $0x80, $0x38;
	[tilespmem:$0x8080] =	vst v63  }
0x4c4: {  	s31 =	sld [smem:$0x7E5];
	s30 =	sadd.s32 $0x100, s0  }
0x4c5: {  	[tilespmem:s29], [sflag:$0x2] =	stream.linear.gather [hbm4b:s30+s3], $0x80, $0x38;
	[tilespmem:$0x8080] =	vst v63  }
0x4c6: {  	s4 =	spop (v2sf);
	s0 =	sadd.s32 $0x180, s0  }
0x4c7: {  	[tilespmem:s31], [sflag:$0x2] =	stream.linear.gather [hbm4b:s0+s3], $0x80, $0x38;
	[tilespmem:$0x8080] =	vst v63  }
0x4c8: {  	s5 =	sshll.u32 s4, $0x9;
	s0 =	sshll.u32 s4, $0x7  }
0x4c9: {  	s1 =	sand.u32 $0xFFFFF000, s5;
	s0 =	sand.u32 $0x380, s0  }
0x4ca: {  	s6 =	sld [smem:$0x7E6];
	s0 =	sor.u32 s0, s1  }
0x4cb: {  	s0 =	sshrl.u32 s0, $0x3  }
0x4cc: {  	s8 =	sld [smem:$0x7E7];
	s0 =	sadd.s32 s2, s0  }
0x4cd: {  	[tilespmem:s6], [sflag:$0x2] =	stream.linear.gather [hbm4b:s0+s3], $0x80, $0x38;
	[tilespmem:$0x8080] =	vst v63  }
0x4ce: {  	s10 =	sld [smem:$0x7E8];
	s9 =	sadd.s32 $0x80, s0  }
0x4cf: {  	(v2sf) =	vpush v2, $0xC;
	[tilespmem:s8], [sflag:$0x2] =	stream.linear.gather [hbm4b:s9+s3], $0x80, $0x38;
	[tilespmem:$0x8080] =	vst v63  }
0x4d0: {  	s12 =	sld [smem:$0x7E9];
	s11 =	sadd.s32 $0x100, s0  }
0x4d1: {  	[tilespmem:s10], [sflag:$0x2] =	stream.linear.gather [hbm4b:s11+s3], $0x80, $0x38;
	[tilespmem:$0x8080] =	vst v63  }
0x4d2: {  	s13 =	spop (v2sf);
	s0 =	sadd.s32 $0x180, s0  }
0x4d3: {  	[tilespmem:s12], [sflag:$0x2] =	stream.linear.gather [hbm4b:s0+s3], $0x80, $0x38;
	[tilespmem:$0x8080] =	vst v63  }
0x4d4: {  	s14 =	sshll.u32 s13, $0x9;
	s0 =	sshll.u32 s13, $0x7  }
0x4d5: {  	s1 =	sand.u32 $0xFFFFF000, s14;
	s0 =	sand.u32 $0x380, s0  }
0x4d6: {  	s15 =	sld [smem:$0x7EA];
	s0 =	sor.u32 s0, s1  }
0x4d7: {  	s0 =	sshrl.u32 s0, $0x3  }
0x4d8: {  	s16 =	sld [smem:$0x7EB];
	s0 =	sadd.s32 s2, s0  }
0x4d9: {  	[tilespmem:s15], [sflag:$0x2] =	stream.linear.gather [hbm4b:s0+s3], $0x80, $0x38;
	[tilespmem:$0x8080] =	vst v63  }
0x4da: {  	s18 =	sld [smem:$0x7FC];
	s17 =	sadd.s32 $0x80, s0  }
0x4db: {  	(v2sf) =	vpush v2, $0xD;
	[tilespmem:s16], [sflag:$0x2] =	stream.linear.gather [hbm4b:s17+s3], $0x80, $0x38;
	[tilespmem:$0x8080] =	vst v63  }
0x4dc: {  	s20 =	sld [smem:$0x7EC];
	s19 =	sadd.s32 $0x100, s0  }
0x4dd: {  	[tilespmem:s18], [sflag:$0x2] =	stream.linear.gather [hbm4b:s19+s3], $0x80, $0x38;
	[tilespmem:$0x8080] =	vst v63  }
0x4de: {  	s21 =	spop (v2sf);
	s0 =	sadd.s32 $0x180, s0  }
0x4df: {  	[tilespmem:s20], [sflag:$0x2] =	stream.linear.gather [hbm4b:s0+s3], $0x80, $0x38;
	[tilespmem:$0x8080] =	vst v63  }
0x4e0: {  	s22 =	sshll.u32 s21, $0x9;
	s0 =	sshll.u32 s21, $0x7  }
0x4e1: {  	s1 =	sand.u32 $0xFFFFF000, s22;
	s0 =	sand.u32 $0x380, s0  }
0x4e2: {  	s23 =	sld [smem:$0x7ED];
	s0 =	sor.u32 s0, s1  }
0x4e3: {  	s0 =	sshrl.u32 s0, $0x3  }
0x4e4: {  	s24 =	sld [smem:$0x7EE];
	s0 =	sadd.s32 s2, s0  }
0x4e5: {  	(v2sf) =	vpush v2, $0xE;
	[tilespmem:s23], [sflag:$0x2] =	stream.linear.gather [hbm4b:s0+s3], $0x80, $0x38;
	[tilespmem:$0x8080] =	vst v63  }
0x4e6: {  	s26 =	sld [smem:$0x7EF];
	s25 =	sadd.s32 $0x80, s0  }
0x4e7: {  	[tilespmem:s24], [sflag:$0x2] =	stream.linear.gather [hbm4b:s25+s3], $0x80, $0x38;
	[tilespmem:$0x8080] =	vst v63  }
0x4e8: {  	s29 =	sld [smem:$0x7FB];
	s28 =	sadd.s32 $0x100, s0  }
0x4e9: {  	[tilespmem:s26], [sflag:$0x2] =	stream.linear.gather [hbm4b:s28+s3], $0x80, $0x38;
	[tilespmem:$0x8080] =	vst v63  }
0x4ea: {  	s30 =	spop (v2sf);
	s0 =	sadd.s32 $0x180, s0  }
0x4eb: {  	[tilespmem:s29], [sflag:$0x2] =	stream.linear.gather [hbm4b:s0+s3], $0x80, $0x38;
	[tilespmem:$0x8080] =	vst v63  }
0x4ec: {  	s31 =	sshll.u32 s30, $0x9;
	s0 =	sshll.u32 s30, $0x7  }
0x4ed: {  	s1 =	sand.u32 $0xFFFFF000, s31;
	s0 =	sand.u32 $0x380, s0  }
0x4ee: {  	s4 =	sld [smem:$0x7F0];
	s0 =	sor.u32 s0, s1  }
0x4ef: {  	s0 =	sshrl.u32 s0, $0x3  }
0x4f0: {  	s5 =	sld [smem:$0x7F1];
	s0 =	sadd.s32 s2, s0  }
0x4f1: {  	[tilespmem:s4], [sflag:$0x2] =	stream.linear.gather [hbm4b:s0+s3], $0x80, $0x38;
	[tilespmem:$0x8080] =	vst v63  }
0x4f2: {  	(v2sf) =	vpush v2, $0xF;
	s8 =	sld [smem:$0x7F2];
	s6 =	sadd.s32 $0x80, s0  }
0x4f3: {  	[tilespmem:s5], [sflag:$0x2] =	stream.linear.gather [hbm4b:s6+s3], $0x80, $0x38;
	[tilespmem:$0x8080] =	vst v63  }
0x4f4: {  	s10 =	sld [smem:$0x7FA];
	s11 =	spop (v2sf);
	s9 =	sadd.s32 $0x100, s0  }
0x4f5: {  	[tilespmem:s8], [sflag:$0x2] =	stream.linear.gather [hbm4b:s9+s3], $0x80, $0x38;
	[tilespmem:$0x8080] =	vst v63  }
0x4f6: {  	s12 =	sshll.u32 s11, $0x9;
	s1 =	sshll.u32 s11, $0x7;
	s0 =	sadd.s32 $0x180, s0  }
0x4f7: {  	[tilespmem:s10], [sflag:$0x2] =	stream.linear.gather [hbm4b:s0+s3], $0x80, $0x38;
	[tilespmem:$0x8080] =	vst v63  }
0x4f8: {  	s1 =	sand.u32 $0x380, s1;
	s0 =	sand.u32 $0xFFFFF000, s12  }
0x4f9: {  	s13 =	sld [smem:$0x7F3];
	s0 =	sor.u32 s1, s0  }
0x4fa: {  	s0 =	sshrl.u32 s0, $0x3  }
0x4fb: {  	s14 =	sld [smem:$0x7F4];
	s0 =	sadd.s32 s2, s0  }
0x4fc: {  	[tilespmem:s13], [sflag:$0x2] =	stream.linear.gather [hbm4b:s0+s3], $0x80, $0x38;
	[tilespmem:$0x8080] =	vst v63  }
0x4fd: {  	s16 =	sld [smem:$0x7F5];
	s15 =	sadd.s32 $0x80, s0  }
0x4fe: {  	[tilespmem:s14], [sflag:$0x2] =	stream.linear.gather [hbm4b:s15+s3], $0x80, $0x38;
	[tilespmem:$0x8080] =	vst v63  }
0x4ff: {  	s18 =	sld [smem:$0x7F9];
	s17 =	sadd.s32 $0x100, s0  }
0x500: {  	[tilespmem:s16], [sflag:$0x2] =	stream.linear.gather [hbm4b:s17+s3], $0x80, $0x38;
	[tilespmem:$0x8080] =	vst v63  }
0x501: {  	s19 =	spop (v2sf);
	s0 =	sadd.s32 $0x180, s0  }
0x502: {  	[tilespmem:s18], [sflag:$0x2] =	stream.linear.gather [hbm4b:s0+s3], $0x80, $0x38;
	[tilespmem:$0x8080] =	vst v63  }
0x503: {  	s20 =	sshll.u32 s19, $0x9;
	s0 =	sshll.u32 s19, $0x7  }
0x504: {  	s1 =	sand.u32 $0xFFFFF000, s20;
	s0 =	sand.u32 $0x380, s0  }
0x505: {  	s21 =	sld [smem:$0x7F6];
	s0 =	sor.u32 s0, s1  }
0x506: {  	s0 =	sshrl.u32 s0, $0x3  }
0x507: {  	s22 =	sld [smem:$0x7F7];
	s0 =	sadd.s32 s2, s0  }
0x508: {  	[tilespmem:s21], [sflag:$0x2] =	stream.linear.gather [hbm4b:s0+s3], $0x80, $0x38;
	[tilespmem:$0x8080] =	vst v63  }
0x509: {  	s24 =	sld [smem:$0x7F8];
	s23 =	sadd.s32 $0x80, s0  }
0x50a: {  	[tilespmem:s22], [sflag:$0x2] =	stream.linear.gather [hbm4b:s23+s3], $0x80, $0x38;
	[tilespmem:$0x8080] =	vst v63  }
0x50b: {  	s26 =	sld [smem:$0x7FD];
	s25 =	sadd.s32 $0x100, s0  }
0x50c: {  	[tilespmem:s24], [sflag:$0x2] =	stream.linear.gather [hbm4b:s25+s3], $0x80, $0x38;
	[tilespmem:$0x8080] =	vst v63  }
0x50d: {  	s0 =	sadd.s32 $0x180, s0  }
0x50e: {  	[tilespmem:s26], [sflag:$0x2] =	stream.linear.gather [hbm4b:s0+s3], $0x80, $0x38;
	[tilespmem:$0x8080] =	vst v63  }
0x50f: {  	_ =	swait.ge [sflag:s7], $0x200  }
0x510: {  	[sflag:s7] =	ssyncset.done $0x0  }
0x511: {  	[sflag:s7] =	ssyncadd.s32 $0xFFFFFE00  }
0x512: {  	_ =	swait.ge [sflag:s7], $0x200  }
0x513: {  	[sflag:s7] =	ssyncset.done $0x0  }
0x514: {  	[sflag:s7] =	ssyncadd.s32 $0xFFFFFE00  }
0x515: {  	_ =	swait.ge [sflag:s7], $0x200  }
0x516: {  	[sflag:s7] =	ssyncset.done $0x0  }
0x517: {  	[sflag:s7] =	ssyncadd.s32 $0xFFFFFE00  }
0x518: {  	_ =	swait.ge [sflag:s7], $0x200  }
0x519: {  	[sflag:s7] =	ssyncset.done $0x0  }
0x51a: {  	[sflag:s7] =	ssyncadd.s32 $0xFFFFFE00  }
0x51b: {  	_ =	swait.ge [sflag:s7], $0x200  }
0x51c: {  	[sflag:s7] =	ssyncset.done $0x0  }
0x51d: {  	[sflag:s7] =	ssyncadd.s32 $0xFFFFFE00  }
0x51e: {  	_ =	swait.ge [sflag:s7], $0x200  }
0x51f: {  	[sflag:s7] =	ssyncset.done $0x0  }
0x520: {  	[sflag:s7] =	ssyncadd.s32 $0xFFFFFE00  }
0x521: {  	_ =	swait.ge [sflag:s7], $0x200  }
0x522: {  	[sflag:s7] =	ssyncset.done $0x0  }
0x523: {  	[sflag:s7] =	ssyncadd.s32 $0xFFFFFE00  }
0x524: {  	_ =	swait.ge [sflag:s7], $0x200  }
0x525: {  	[sflag:s7] =	ssyncset.done $0x0  }
0x526: {  	[sflag:s7] =	ssyncadd.s32 $0xFFFFFE00  }
0x527: {  	_ =	swait.ge [sflag:s7], $0x200  }
0x528: {  	[sflag:s7] =	ssyncset.done $0x0  }
0x529: {  	[sflag:s7] =	ssyncadd.s32 $0xFFFFFE00  }
0x52a: {  	_ =	swait.ge [sflag:s7], $0x200  }
0x52b: {  	[sflag:s7] =	ssyncset.done $0x0  }
0x52c: {  	[sflag:s7] =	ssyncadd.s32 $0xFFFFFE00  }
0x52d: {  	_ =	swait.ge [sflag:s7], $0x200  }
0x52e: {  	[sflag:s7] =	ssyncset.done $0x0  }
0x52f: {  	[sflag:s7] =	ssyncadd.s32 $0xFFFFFE00  }
0x530: {  	_ =	swait.ge [sflag:s7], $0x200  }
0x531: {  	[sflag:s7] =	ssyncset.done $0x0  }
0x532: {  	[sflag:s7] =	ssyncadd.s32 $0xFFFFFE00  }
0x533: {  	_ =	swait.ge [sflag:s7], $0x200  }
0x534: {  	[sflag:s7] =	ssyncset.done $0x0  }
0x535: {  	[sflag:s7] =	ssyncadd.s32 $0xFFFFFE00  }
0x536: {  	_ =	swait.ge [sflag:s7], $0x200  }
0x537: {  	[sflag:s7] =	ssyncset.done $0x0  }
0x538: {  	[sflag:s7] =	ssyncadd.s32 $0xFFFFFE00  }
0x539: {  	_ =	swait.ge [sflag:s7], $0x200  }
0x53a: {  	[sflag:s7] =	ssyncset.done $0x0  }
0x53b: {  	[sflag:s7] =	ssyncadd.s32 $0xFFFFFE00  }
0x53c: {  	_ =	swait.ge [sflag:s7], $0x200  }
0x53d: {  	[sflag:s7] =	ssyncset.done $0x0  }
0x53e: {  	[sflag:s7] =	ssyncadd.s32 $0xFFFFFE00  }
0x53f: {  	_ =	swait.ge [sflag:s7], $0x200  }
0x540: {  	[sflag:s7] =	ssyncset.done $0x0  }
0x541: {  	[sflag:s7] =	ssyncadd.s32 $0xFFFFFE00  }
0x542: {  	_ =	swait.ge [sflag:s7], $0x200  }
0x543: {  	[sflag:s7] =	ssyncset.done $0x0  }
0x544: {  	[sflag:s7] =	ssyncadd.s32 $0xFFFFFE00  }
0x545: {  	_ =	swait.ge [sflag:s7], $0x200  }
0x546: {  	[sflag:s7] =	ssyncset.done $0x0  }
0x547: {  	[sflag:s7] =	ssyncadd.s32 $0xFFFFFE00  }
0x548: {  	_ =	swait.ge [sflag:s7], $0x200  }
0x549: {  	[sflag:s7] =	ssyncset.done $0x0  }
0x54a: {  	[sflag:s7] =	ssyncadd.s32 $0xFFFFFE00  }
0x54b: {  	_ =	swait.ge [sflag:s7], $0x200  }
0x54c: {  	[sflag:s7] =	ssyncset.done $0x0  }
0x54d: {  	[sflag:s7] =	ssyncadd.s32 $0xFFFFFE00  }
0x54e: {  	_ =	swait.ge [sflag:s7], $0x200  }
0x54f: {  	[sflag:s7] =	ssyncset.done $0x0  }
0x550: {  	[sflag:s7] =	ssyncadd.s32 $0xFFFFFE00  }
0x551: {  	_ =	swait.ge [sflag:s7], $0x200  }
0x552: {  	[sflag:s7] =	ssyncset.done $0x0  }
0x553: {  	[sflag:s7] =	ssyncadd.s32 $0xFFFFFE00  }
0x554: {  	_ =	swait.ge [sflag:s7], $0x200  }
0x555: {  	[sflag:s7] =	ssyncset.done $0x0  }
0x556: {  	[sflag:s7] =	ssyncadd.s32 $0xFFFFFE00  }
0x557: {  	_ =	swait.ge [sflag:s7], $0x200  }
0x558: {  	[sflag:s7] =	ssyncset.done $0x0  }
0x559: {  	[sflag:s7] =	ssyncadd.s32 $0xFFFFFE00  }
0x55a: {  	_ =	swait.ge [sflag:s7], $0x200  }
0x55b: {  	[sflag:s7] =	ssyncset.done $0x0  }
0x55c: {  	[sflag:s7] =	ssyncadd.s32 $0xFFFFFE00  }
0x55d: {  	_ =	swait.ge [sflag:s7], $0x200  }
0x55e: {  	[sflag:s7] =	ssyncset.done $0x0  }
0x55f: {  	[sflag:s7] =	ssyncadd.s32 $0xFFFFFE00  }
0x560: {  	_ =	swait.ge [sflag:s7], $0x200  }
0x561: {  	[sflag:s7] =	ssyncset.done $0x0  }
0x562: {  	[sflag:s7] =	ssyncadd.s32 $0xFFFFFE00  }
0x563: {  	_ =	swait.ge [sflag:s7], $0x200  }
0x564: {  	[sflag:s7] =	ssyncset.done $0x0  }
0x565: {  	[sflag:s7] =	ssyncadd.s32 $0xFFFFFE00  }
0x566: {  	_ =	swait.ge [sflag:s7], $0x200  }
0x567: {  	[sflag:s7] =	ssyncset.done $0x0  }
0x568: {  	[sflag:s7] =	ssyncadd.s32 $0xFFFFFE00  }
0x569: {  	_ =	swait.ge [sflag:s7], $0x200  }
0x56a: {  	[sflag:s7] =	ssyncset.done $0x0  }
0x56b: {  	[sflag:s7] =	ssyncadd.s32 $0xFFFFFE00  }
0x56c: {  	_ =	swait.ge [sflag:s7], $0x200  }
0x56d: {  	[sflag:s7] =	ssyncset.done $0x0  }
0x56e: {  	[sflag:s7] =	ssyncadd.s32 $0xFFFFFE00  }
0x56f: {  	_ =	swait.ge [sflag:s7], $0x200  }
0x570: {  	[sflag:s7] =	ssyncset.done $0x0  }
0x571: {  	[sflag:s7] =	ssyncadd.s32 $0xFFFFFE00  }
0x572: {  	_ =	swait.ge [sflag:s7], $0x200  }
0x573: {  	[sflag:s7] =	ssyncset.done $0x0  }
0x574: {  	[sflag:s7] =	ssyncadd.s32 $0xFFFFFE00  }
0x575: {  	_ =	swait.ge [sflag:s7], $0x200  }
0x576: {  	[sflag:s7] =	ssyncset.done $0x0  }
0x577: {  	[sflag:s7] =	ssyncadd.s32 $0xFFFFFE00  }
0x578: {  	_ =	swait.ge [sflag:s7], $0x200  }
0x579: {  	[sflag:s7] =	ssyncset.done $0x0  }
0x57a: {  	[sflag:s7] =	ssyncadd.s32 $0xFFFFFE00  }
0x57b: {  	_ =	swait.ge [sflag:s7], $0x200  }
0x57c: {  	[sflag:s7] =	ssyncset.done $0x0  }
0x57d: {  	[sflag:s7] =	ssyncadd.s32 $0xFFFFFE00  }
0x57e: {  	_ =	swait.ge [sflag:s7], $0x200  }
0x57f: {  	[sflag:s7] =	ssyncset.done $0x0  }
0x580: {  	[sflag:s7] =	ssyncadd.s32 $0xFFFFFE00  }
0x581: {  	_ =	swait.ge [sflag:s7], $0x200  }
0x582: {  	[sflag:s7] =	ssyncset.done $0x0  }
0x583: {  	[sflag:s7] =	ssyncadd.s32 $0xFFFFFE00  }
0x584: {  	_ =	swait.ge [sflag:s7], $0x200  }
0x585: {  	[sflag:s7] =	ssyncset.done $0x0  }
0x586: {  	[sflag:s7] =	ssyncadd.s32 $0xFFFFFE00  }
0x587: {  	_ =	swait.ge [sflag:s7], $0x200  }
0x588: {  	[sflag:s7] =	ssyncset.done $0x0  }
0x589: {  	[sflag:s7] =	ssyncadd.s32 $0xFFFFFE00  }
0x58a: {  	_ =	swait.ge [sflag:s7], $0x200  }
0x58b: {  	[sflag:s7] =	ssyncset.done $0x0  }
0x58c: {  	[sflag:s7] =	ssyncadd.s32 $0xFFFFFE00  }
0x58d: {  	_ =	swait.ge [sflag:s7], $0x200  }
0x58e: {  	[sflag:s7] =	ssyncset.done $0x0  }
0x58f: {  	[sflag:s7] =	ssyncadd.s32 $0xFFFFFE00  }
0x590: {  	_ =	swait.ge [sflag:s7], $0x200  }
0x591: {  	[sflag:s7] =	ssyncset.done $0x0  }
0x592: {  	[sflag:s7] =	ssyncadd.s32 $0xFFFFFE00  }
0x593: {  	_ =	swait.ge [sflag:s7], $0x200  }
0x594: {  	[sflag:s7] =	ssyncset.done $0x0  }
0x595: {  	[sflag:s7] =	ssyncadd.s32 $0xFFFFFE00  }
0x596: {  	_ =	swait.ge [sflag:s7], $0x200  }
0x597: {  	[sflag:s7] =	ssyncset.done $0x0  }
0x598: {  	[sflag:s7] =	ssyncadd.s32 $0xFFFFFE00  }
0x599: {  	_ =	swait.ge [sflag:s7], $0x200  }
0x59a: {  	[sflag:s7] =	ssyncset.done $0x0  }
0x59b: {  	[sflag:s7] =	ssyncadd.s32 $0xFFFFFE00  }
0x59c: {  	_ =	swait.ge [sflag:s7], $0x200  }
0x59d: {  	[sflag:s7] =	ssyncset.done $0x0  }
0x59e: {  	[sflag:s7] =	ssyncadd.s32 $0xFFFFFE00  }
0x59f: {  	_ =	swait.ge [sflag:s7], $0x200  }
0x5a0: {  	[sflag:s7] =	ssyncset.done $0x0  }
0x5a1: {  	[sflag:s7] =	ssyncadd.s32 $0xFFFFFE00  }
0x5a2: {  	_ =	swait.ge [sflag:s7], $0x200  }
0x5a3: {  	[sflag:s7] =	ssyncset.done $0x0  }
0x5a4: {  	[sflag:s7] =	ssyncadd.s32 $0xFFFFFE00  }
0x5a5: {  	_ =	swait.ge [sflag:s7], $0x200  }
0x5a6: {  	[sflag:s7] =	ssyncset.done $0x0  }
0x5a7: {  	[sflag:s7] =	ssyncadd.s32 $0xFFFFFE00  }
0x5a8: {  	_ =	swait.ge [sflag:s7], $0x200  }
0x5a9: {  	[sflag:s7] =	ssyncset.done $0x0  }
0x5aa: {  	[sflag:s7] =	ssyncadd.s32 $0xFFFFFE00  }
0x5ab: {  	_ =	swait.ge [sflag:s7], $0x200  }
0x5ac: {  	[sflag:s7] =	ssyncset.done $0x0  }
0x5ad: {  	[sflag:s7] =	ssyncadd.s32 $0xFFFFFE00  }
0x5ae: {  	_ =	swait.ge [sflag:s7], $0x200  }
0x5af: {  	[sflag:s7] =	ssyncset.done $0x0  }
0x5b0: {  	[sflag:s7] =	ssyncadd.s32 $0xFFFFFE00  }
0x5b1: {  	_ =	swait.ge [sflag:s7], $0x200  }
0x5b2: {  	[sflag:s7] =	ssyncset.done $0x0  }
0x5b3: {  	[sflag:s7] =	ssyncadd.s32 $0xFFFFFE00  }
0x5b4: {  	_ =	swait.ge [sflag:s7], $0x200  }
0x5b5: {  	[sflag:s7] =	ssyncset.done $0x0  }
0x5b6: {  	[sflag:s7] =	ssyncadd.s32 $0xFFFFFE00  }
0x5b7: {  	_ =	swait.ge [sflag:s7], $0x200  }
0x5b8: {  	[sflag:s7] =	ssyncset.done $0x0  }
0x5b9: {  	[sflag:s7] =	ssyncadd.s32 $0xFFFFFE00  }
0x5ba: {  	_ =	swait.ge [sflag:s7], $0x200  }
0x5bb: {  	[sflag:s7] =	ssyncset.done $0x0  }
0x5bc: {  	[sflag:s7] =	ssyncadd.s32 $0xFFFFFE00  }
0x5bd: {  	_ =	swait.ge [sflag:s7], $0x200  }
0x5be: {  	[sflag:s7] =	ssyncset.done $0x0  }
0x5bf: {  	[sflag:s7] =	ssyncadd.s32 $0xFFFFFE00  }
0x5c0: {  	_ =	swait.ge [sflag:s7], $0x200  }
0x5c1: {  	[sflag:s7] =	ssyncset.done $0x0  }
0x5c2: {  	[sflag:s7] =	ssyncadd.s32 $0xFFFFFE00  }
0x5c3: {  	_ =	swait.ge [sflag:s7], $0x200  }
0x5c4: {  	[sflag:s7] =	ssyncset.done $0x0  }
0x5c5: {  	[sflag:s7] =	ssyncadd.s32 $0xFFFFFE00  }
0x5c6: {  	_ =	swait.ge [sflag:s7], $0x200  }
0x5c7: {  	[sflag:s7] =	ssyncset.done $0x0  }
0x5c8: {  	[sflag:s7] =	ssyncadd.s32 $0xFFFFFE00  }
0x5c9: {  	_ =	swait.ge [sflag:s7], $0x200  }
0x5ca: {  	[sflag:s7] =	ssyncset.done $0x0  }
0x5cb: {  	[sflag:s7] =	ssyncadd.s32 $0xFFFFFE00  }
0x5cc: {  	_ =	swait.ge [sflag:s7], $0x200  }
0x5cd: {  	s30 =	sld [smem:$0x719];
	_ =	sdelay $0x1  }
0x5ce: {  	s31 =	simm.s32 $0x3  }
0x5cf: {  	s29 =	simm.s32 $0x80;
	[sflag:s7] =	ssyncset.done $0x0;
	p0 =	sne.s32 s30, $0x1  }
.Ltmp0:
0x5d0: {  	s28 =	rddreg [dreg:$0x4];
	[sflag:s7] =	ssyncadd.s32 $0xFFFFFE00;
	(pc) =	sbr.rel @p0 .LBB2_1-.Ltmp0, $4  }
0x5d1: {  	[hbm4b:s28+s3] =	stream.linear.scatter [tilespmem:s29], [sflag:$0x3], $0x8000, $0x38;
	[tilespmem:$0x8080] =	vst v63  }
0x5d2: {  	_ =	swait.ge [sflag:s31], $0x8000  }
0x5d3: {  	[sflag:s31] =	ssyncset.done $0x0  }
0x5d4: {  	s0 =	sadd.s32 $0xFFFFFFFF, s30;
	[sflag:s31] =	ssyncadd.s32 $0xFFFF8000  }
0x5d5: {  	_ =	sfence.sel $0x180000  }
0x5d6: {  	[bflag:$0x0] =	sbarrier.arrive $0xFFFF  }
0x5d7: {  	_ =	strace $0x90000047  }
0x5d8: {  	s0 =	stileid.u32;
	[bflag:$0x2] =	sbarrier.arrive $0xFFFF  }
0x5d9: {  	p0 =	sne.s32 s0, $0x0;
	s0 =	rddreg [dreg:$0x2]  }
0x5da: {  	s0 =	sadd.s32 @!p0 $0x100000, s0  }
0x5db: {  	[sflag:s0] =	ssyncadd.tile.s32 @!p0 $0x1;
	_ =	shalt  }
.Lfunc_end2:
_tile_overlayer_lowered:
.L_overlay_start_2:
0x5dc: {  	(tag) =	ssettag $0x2  }
0x5dd: {  	s0 =	rddreg [dreg:$0x0];
	s2 =	stileid.u32  }
0x5de: {  	s1 =	rddreg [dreg:$0x1];
	p0 =	sne.s32 s2, $0x0  }
0x5df: {  	s3 =	rddreg [dreg:$0x2];
	[bflag:$0x3] =	sbarrier.arrive $0xFFFF;
	s2 =	simm.s32 @!p0 $0x1C03  }
0x5e0: {  	[timem:s3], [sflag:s2] =	dma.local @!p0 [hbm:s0], s1  }
0x5e1: {  	s0 =	simm.s32 @!p0 $0x3  }
0x5e2: {  	_ =	swait.ge @!p0 [sflag:s0], s1  }
0x5e3: {  	s1 =	ssub.s32 @!p0 $0x0, s1;
	[sflag:s0] =	ssyncset.done @!p0 $0x0  }
0x5e4: {  	[sflag:s0] =	ssyncadd.s32 @!p0 s1  }
0x5e5: {  	[bflag:$0x3] =	sbarrier.arrive $0xFFFF  }
0x5e6: {  	_ =	shalt  }

</sc_bundles>
